<compile_context>
chip_gen: v7x
topology: tpu7x:2x2x1
jax: 0.10.2.dev20260603
libtpu: 0.0.44.dev20260713+nightly
codegen_flags: <defaults>
</compile_context>

<pallas_src>
import jax
import jax.numpy as jnp
import numpy as np
from jax import lax
from jax.experimental import pallas as pl
from jax.experimental.pallas import tpu as pltpu
from jax.experimental.pallas import tpu_sc as plsc

_N = 10000
_NP = 10240
_E = 320000
_EP = 327680
_HH = 128
_CHUNK = 128
_NC = 2
_NS = 16
_RPS = _NP // _NS
_LCH = _EP // (_NS * _CHUNK)
_NBUF = 2
_NR = _LCH // _NBUF

_sc_mesh = plsc.VectorSubcoreMesh(core_axis_name="c", subcore_axis_name="s")


def _make_layer(mode):
    def body(tab_hbm, s_hbm, d_hbm, out_hbm,
             acc_sh, sidx_a, didx_a, sidx_b, didx_b, rows_v, gsem, ssem):
        c = lax.axis_index("c")
        sid = lax.axis_index("s")
        off = c * _NP
        pltpu.sync_copy(tab_hbm.at[pl.ds(off + sid * _RPS, _RPS)],
                        acc_sh.at[pl.ds(sid * _RPS, _RPS)])
        plsc.subcore_barrier()

        idx = ((sidx_a, didx_a), (sidx_b, didx_b))
        do_g = mode in ("full", "gather")
        do_s = mode in ("full", "scatter")

        def load_idx(r, p):
            row0 = sid * _NR * _NBUF + r * _NBUF
            pltpu.sync_copy(s_hbm.at[pl.ds(row0, _NBUF)], idx[p][0])
            pltpu.sync_copy(d_hbm.at[pl.ds(row0, _NBUF)], idx[p][1])
            for b in range(_NBUF):
                for j in range(_CHUNK // 16):
                    sl = pl.ds(j * 16, 16)
                    idx[p][0][b, sl] = idx[p][0][b, sl] + off

        def start_gather(p, b):
            if do_g:
                pltpu.async_copy(tab_hbm.at[idx[p][0].at[b]], rows_v.at[b],
                                 gsem.at[b])

        def wait_gather(p, b):
            if do_g:
                pltpu.make_async_copy(tab_hbm.at[idx[p][0].at[b]],
                                      rows_v.at[b], gsem.at[b]).wait()

        def start_scatter(p, b):
            if do_s:
                pltpu.async_copy(rows_v.at[b], acc_sh.at[idx[p][1].at[b]],
                                 ssem.at[b], add=True)

        def wait_scatter(p, b):
            if do_s:
                pltpu.make_async_copy(rows_v.at[b], acc_sh.at[idx[p][1].at[b]],
                                      ssem.at[b]).wait()

        load_idx(0, 0)
        for b in range(_NBUF):
            start_gather(0, b)
        load_idx(1, 1)

        def one_round(r, p, prefetch):
            for b in range(_NBUF):
                wait_gather(p, b)
                start_scatter(p, b)
            for b in range(_NBUF):
                wait_scatter(p, b)
                if prefetch >= 1:
                    start_gather(1 - p, b)
            if prefetch >= 2:
                load_idx(r + 2, p)

        def iter_body(k, carry):
            one_round(2 * k, 0, 2)
            one_round(2 * k + 1, 1, 2)
            return carry

        lax.fori_loop(0, _NR // 2 - 1, iter_body, 0)
        one_round(_NR - 2, 0, 1)
        one_round(_NR - 1, 1, 0)

        plsc.subcore_barrier()
        pltpu.sync_copy(acc_sh.at[pl.ds(sid * _RPS, _RPS)],
                        out_hbm.at[c, pl.ds(sid * _RPS, _RPS)])

    return pl.kernel(
        body,
        out_type=jax.ShapeDtypeStruct((_NC, _NP, _HH), jnp.float32),
        mesh=_sc_mesh,
        scratch_types=[
            pltpu.VMEM_SHARED((_NP, _HH), jnp.float32),
            pltpu.VMEM((_NBUF, _CHUNK), jnp.int32),
            pltpu.VMEM((_NBUF, _CHUNK), jnp.int32),
            pltpu.VMEM((_NBUF, _CHUNK), jnp.int32),
            pltpu.VMEM((_NBUF, _CHUNK), jnp.int32),
            pltpu.VMEM((_NBUF, _CHUNK, _HH), jnp.float32),
            pltpu.SemaphoreType.DMA((_NBUF,)),
            pltpu.SemaphoreType.DMA((_NBUF,)),
        ],
        name="layer_" + mode,
    )


_k_gather = _make_layer("gather")
_k_scatter = _make_layer("scatter")
_k_full = _make_layer("full")


def kernel(x, edge_index, batch, W1, b1, g1, be1, W2, b2, g2, be2,
           W3, b3, g3, be3, Wh1, bh1, Wh2, bh2):
    s = edge_index[0]
    d = edge_index[1]
    pad_e = _N + (jnp.arange(_EP - _E, dtype=jnp.int32) % (_NP - _N))
    s_r = jnp.concatenate([s, pad_e]).reshape(_EP // _CHUNK, _CHUNK)
    d_r = jnp.concatenate([d, pad_e]).reshape(_EP // _CHUNK, _CHUNK)
    tab = jnp.pad(x[:, :_HH], ((0, 2 * _NP - _N), (0, 0)))

    o2 = _k_gather(tab, s_r, d_r)
    o3 = _k_scatter(o2.reshape(_NC * _NP, _HH), s_r, d_r)
    o4 = _k_full(o3.reshape(_NC * _NP, _HH), s_r, d_r)
    return o4[0, :64, :12]

# --- scband reference (transcript-rebuilt; emitter-appended) ---
"""Pipeline reference for scband-gcnmodel-11536282157634 (READ-ONLY COPY).

The authoritative reference and input builder live on the scoring server;
editing this copy changes nothing except your own understanding.
"""

import jax, jax.numpy as jnp
import numpy as np

N = 10000
E = 320000
D_IN = 128
H = 256
HEAD = 128
TASKS = 12
G = 64
EPS = 1e-5


def _lin(k, fan_in, fan_out):
    bound = 1.0 / np.sqrt(fan_in)
    return jax.random.uniform(k, (fan_in, fan_out), minval=-bound, maxval=bound, dtype=jnp.float32)


def setup_inputs(seed: int = 0):
    key = jax.random.key(seed)
    ks = jax.random.split(key, 16)
    inp = {}
    inp['x'] = jax.random.normal(ks[0], (N, D_IN), dtype=jnp.float32)
    inp['edge_index'] = jax.random.randint(ks[1], (2, E), 0, N, dtype=jnp.int32)
    inp['batch'] = jnp.sort(jax.random.randint(ks[2], (N,), 0, G, dtype=jnp.int32))
    inp['W1'] = _lin(ks[3], D_IN, H); inp['b1'] = jnp.zeros((H,), jnp.float32)
    inp['W2'] = _lin(ks[4], H, H); inp['b2'] = jnp.zeros((H,), jnp.float32)
    inp['W3'] = _lin(ks[5], H, H); inp['b3'] = jnp.zeros((H,), jnp.float32)
    inp['g1'] = jnp.ones((H,), jnp.float32); inp['be1'] = jnp.zeros((H,), jnp.float32)
    inp['g2'] = jnp.ones((H,), jnp.float32); inp['be2'] = jnp.zeros((H,), jnp.float32)
    inp['g3'] = jnp.ones((H,), jnp.float32); inp['be3'] = jnp.zeros((H,), jnp.float32)
    inp['Wh1'] = _lin(ks[6], H, HEAD); inp['bh1'] = jnp.zeros((HEAD,), jnp.float32)
    inp['Wh2'] = _lin(ks[7], HEAD, TASKS); inp['bh2'] = jnp.zeros((TASKS,), jnp.float32)
    return inp


def reference(x, edge_index, batch, W1, b1, g1, be1, W2, b2, g2, be2, W3, b3, g3, be3, Wh1, bh1, Wh2, bh2):
    src = edge_index[0]
    dst = edge_index[1]
    loop = jnp.arange(N, dtype=src.dtype)
    s = jnp.concatenate([src, loop])
    d = jnp.concatenate([dst, loop])
    # GCN symmetric normalization with self-loops
    deg = jax.ops.segment_sum(jnp.ones(s.shape, jnp.float32), d, num_segments=N)
    dis = jnp.where(deg > 0, 1.0 / jnp.sqrt(deg), 0.0)
    norm = dis[s] * dis[d]

    def conv(h, W, b):
        h = h @ W
        msg = h[s] * norm[:, None]
        return jax.ops.segment_sum(msg, d, num_segments=N) + b

    def bn(h, g, be):
        # eval-mode BatchNorm1d with running_mean=0, running_var=1
        return h / jnp.sqrt(1.0 + EPS) * g + be

    h = jnp.maximum(bn(conv(x, W1, b1), g1, be1), 0.0)
    h = jnp.maximum(bn(conv(h, W2, b2), g2, be2), 0.0)
    h = jnp.maximum(bn(conv(h, W3, b3), g3, be3), 0.0)
    # global mean pool over graphs
    counts = jax.ops.segment_sum(jnp.ones((N,), jnp.float32), batch, num_segments=G)
    pooled = jax.ops.segment_sum(h, batch, num_segments=G) / jnp.maximum(counts, 1.0)[:, None]
    # multi-task head: Linear -> ReLU -> (dropout eval=identity) -> Linear
    hh = jnp.maximum(pooled @ Wh1 + bh1, 0.0)
    return hh @ Wh2 + bh2

if __name__ == "__main__":
    import jax
    _d = setup_inputs()
    print(jax.jit(kernel)(*tuple(_d.values())))

</pallas_src>

<mosaic_0001>
#map = affine_map<(d0, d1) -> (0, 0)>
#map1 = affine_map<(d0, d1) -> (0, 0, 0)>
module attributes {stable_mosaic.version = 14 : i64} {
  func.func @layer_gather(%arg0: i32, %arg1: i32, %arg2: memref<20480x128xf32, #tpu.memory_space<hbm>>, %arg3: memref<2560x128xi32, #tpu.memory_space<hbm>>, %arg4: memref<2560x128xi32, #tpu.memory_space<hbm>>, %arg5: memref<2x10240x128xf32, #tpu.memory_space<hbm>>, %arg6: memref<10240x128xf32, #tpu.memory_space<vmem_shared>>, %arg7: memref<2x128xi32, #tpu.memory_space<vmem>>, %arg8: memref<2x128xi32, #tpu.memory_space<vmem>>, %arg9: memref<2x128xi32, #tpu.memory_space<vmem>>, %arg10: memref<2x128xi32, #tpu.memory_space<vmem>>, %arg11: memref<2x128x128xf32, #tpu.memory_space<vmem>>, %arg12: memref<2x!tpu.dma_semaphore, #tpu.memory_space<semaphore_mem>>, %arg13: memref<2x!tpu.dma_semaphore, #tpu.memory_space<semaphore_mem>>) attributes {dimension_semantics = [#tpu.dimension_semantics<core_parallel>, #tpu.dimension_semantics<subcore_parallel>], iteration_bounds = array<i64: 2, 16>, scalar_prefetch = 0 : i64, scratch_operands = 8 : i64, tpu.core_type = #tpu.core_type<sc_vector_subcore>, window_params = [{transform_indices = #map}, {transform_indices = #map}, {transform_indices = #map}, {transform_indices = #map1}]} {
    %mul3A = arith.constant 10240 : i32
    %mul3A_0 = arith.muli %arg0, %mul3A : i32
    %mul3A_1 = arith.constant 640 : i32
    %mul3A_2 = arith.muli %arg1, %mul3A_1 : i32
    %add3A = arith.addi %mul3A_0, %mul3A_2 : i32
    %mul3A_3 = arith.constant 640 : i32
    %mul3A_4 = arith.muli %arg1, %mul3A_3 : i32
    "tpu.region"() ({
      %run_scoped3A = tpu.sem_alloc : memref<!tpu.dma_semaphore, #tpu.memory_space<semaphore_mem>>
      %dma_start3A_559 = arith.constant 0 : i32
      %dma_start3A_560 = tpu.memref_slice %arg6[%mul3A_4, %dma_start3A_559] : memref<10240x128xf32, #tpu.memory_space<vmem_shared>> -> memref<640x128xf32, #tpu.memory_space<vmem_shared>>
      %dma_start3A_561 = arith.constant 0 : i32
      %dma_start3A_562 = tpu.memref_slice %arg2[%add3A, %dma_start3A_561] : memref<20480x128xf32, #tpu.memory_space<hbm>> -> memref<640x128xf32, #tpu.memory_space<hbm>>
      tpu.enqueue_dma source(%dma_start3A_562 : memref<640x128xf32, #tpu.memory_space<hbm>>) target(%dma_start3A_560 : memref<640x128xf32, #tpu.memory_space<vmem_shared>>) target_semaphore(%run_scoped3A : memref<!tpu.dma_semaphore, #tpu.memory_space<semaphore_mem>>)
      %dma_wait3A_563 = arith.constant 0 : i32
      %dma_wait3A_564 = tpu.memref_slice %arg6[%mul3A_4, %dma_wait3A_563] : memref<10240x128xf32, #tpu.memory_space<vmem_shared>> -> memref<640x128xf32, #tpu.memory_space<vmem_shared>>
      %dma_wait3A_565 = arith.constant 0 : i32
      %dma_wait3A_566 = tpu.memref_slice %arg2[%add3A, %dma_wait3A_565] : memref<20480x128xf32, #tpu.memory_space<hbm>> -> memref<640x128xf32, #tpu.memory_space<hbm>>
      tpu.wait_dma2 semaphore(%run_scoped3A : memref<!tpu.dma_semaphore, #tpu.memory_space<semaphore_mem>>) src(%dma_wait3A_566 : memref<640x128xf32, #tpu.memory_space<hbm>>) dst(%dma_wait3A_564 : memref<640x128xf32, #tpu.memory_space<vmem_shared>>)
      tpu.yield
    }) : () -> ()
    %barrier3A = arith.constant 0 : index
    tpu.barrier barrier_id(%barrier3A)
    %mul3A_5 = arith.constant 80 : i32
    %mul3A_6 = arith.muli %arg1, %mul3A_5 : i32
    %mul3A_7 = arith.constant 2 : i32
    %mul3A_8 = arith.muli %mul3A_6, %mul3A_7 : i32
    %add3A_9 = arith.constant 0 : i32
    %add3A_10 = arith.addi %mul3A_8, %add3A_9 : i32
    "tpu.region"() ({
      %run_scoped3A = tpu.sem_alloc : memref<!tpu.dma_semaphore, #tpu.memory_space<semaphore_mem>>
      %dma_start3A_559 = arith.constant 0 : i32
      %dma_start3A_560 = tpu.memref_slice %arg3[%add3A_10, %dma_start3A_559] : memref<2560x128xi32, #tpu.memory_space<hbm>> -> memref<2x128xi32, #tpu.memory_space<hbm>>
      %dma_start3A_561 = arith.constant 0 : i32
      %dma_start3A_562 = tpu.memref_slice %arg3[%add3A_10, %dma_start3A_561] : memref<2560x128xi32, #tpu.memory_space<hbm>> -> memref<2x128xi32, #tpu.memory_space<hbm>>
      tpu.enqueue_dma source(%dma_start3A_562 : memref<2x128xi32, #tpu.memory_space<hbm>>) target(%arg7 : memref<2x128xi32, #tpu.memory_space<vmem>>) target_semaphore(%run_scoped3A : memref<!tpu.dma_semaphore, #tpu.memory_space<semaphore_mem>>)
      %dma_wait3A_563 = arith.constant 0 : i32
      %dma_wait3A_564 = tpu.memref_slice %arg3[%add3A_10, %dma_wait3A_563] : memref<2560x128xi32, #tpu.memory_space<hbm>> -> memref<2x128xi32, #tpu.memory_space<hbm>>
      %dma_wait3A_565 = arith.constant 0 : i32
      %dma_wait3A_566 = tpu.memref_slice %arg3[%add3A_10, %dma_wait3A_565] : memref<2560x128xi32, #tpu.memory_space<hbm>> -> memref<2x128xi32, #tpu.memory_space<hbm>>
      tpu.wait_dma2 semaphore(%run_scoped3A : memref<!tpu.dma_semaphore, #tpu.memory_space<semaphore_mem>>) src(%dma_wait3A_566 : memref<2x128xi32, #tpu.memory_space<hbm>>) dst(%arg7 : memref<2x128xi32, #tpu.memory_space<vmem>>)
      tpu.yield
    }) : () -> ()
    "tpu.region"() ({
      %run_scoped3A = tpu.sem_alloc : memref<!tpu.dma_semaphore, #tpu.memory_space<semaphore_mem>>
      %dma_start3A_559 = arith.constant 0 : i32
      %dma_start3A_560 = tpu.memref_slice %arg4[%add3A_10, %dma_start3A_559] : memref<2560x128xi32, #tpu.memory_space<hbm>> -> memref<2x128xi32, #tpu.memory_space<hbm>>
      %dma_start3A_561 = arith.constant 0 : i32
      %dma_start3A_562 = tpu.memref_slice %arg4[%add3A_10, %dma_start3A_561] : memref<2560x128xi32, #tpu.memory_space<hbm>> -> memref<2x128xi32, #tpu.memory_space<hbm>>
      tpu.enqueue_dma source(%dma_start3A_562 : memref<2x128xi32, #tpu.memory_space<hbm>>) target(%arg8 : memref<2x128xi32, #tpu.memory_space<vmem>>) target_semaphore(%run_scoped3A : memref<!tpu.dma_semaphore, #tpu.memory_space<semaphore_mem>>)
      %dma_wait3A_563 = arith.constant 0 : i32
      %dma_wait3A_564 = tpu.memref_slice %arg4[%add3A_10, %dma_wait3A_563] : memref<2560x128xi32, #tpu.memory_space<hbm>> -> memref<2x128xi32, #tpu.memory_space<hbm>>
      %dma_wait3A_565 = arith.constant 0 : i32
      %dma_wait3A_566 = tpu.memref_slice %arg4[%add3A_10, %dma_wait3A_565] : memref<2560x128xi32, #tpu.memory_space<hbm>> -> memref<2x128xi32, #tpu.memory_space<hbm>>
      tpu.wait_dma2 semaphore(%run_scoped3A : memref<!tpu.dma_semaphore, #tpu.memory_space<semaphore_mem>>) src(%dma_wait3A_566 : memref<2x128xi32, #tpu.memory_space<hbm>>) dst(%arg8 : memref<2x128xi32, #tpu.memory_space<vmem>>)
      tpu.yield
    }) : () -> ()
    %get3A = arith.constant 0 : i32
    %get3A_11 = arith.index_cast %get3A : i32 to index
    %get3A_12 = arith.constant 0 : index
    %get3A_13 = tpu.vector_load %arg7[%get3A_11, %get3A_12] {strides = array<i32>} : memref<2x128xi32, #tpu.memory_space<vmem>>, vector<1x16xi32>,
    %get3A_14 = vector.shape_cast %get3A_13 : vector<1x16xi32> to vector<16xi32>
    %add3A_15 = vector.broadcast %mul3A_0 : i32 to vector<16xi32>
    %add3A_16 = arith.addi %get3A_14, %add3A_15 : vector<16xi32>
    %swap3A = arith.constant 0 : i32
    %swap3A_17 = arith.index_cast %swap3A : i32 to index
    %swap3A_18 = arith.constant 0 : index
    %swap3A_19 = tpu.vector_load %arg7[%swap3A_17, %swap3A_18] {strides = array<i32>} : memref<2x128xi32, #tpu.memory_space<vmem>>, vector<1x16xi32>,
    %swap3A_20 = vector.shape_cast %swap3A_19 : vector<1x16xi32> to vector<16xi32>
    %swap3A_21 = vector.shape_cast %add3A_16 : vector<16xi32> to vector<1x16xi32>
    tpu.vector_store %arg7[%swap3A_17, %swap3A_18], %swap3A_21 {strides = array<i32>} : memref<2x128xi32, #tpu.memory_space<vmem>>, vector<1x16xi32>,
    %get3A_22 = arith.constant 0 : i32
    %get3A_23 = arith.index_cast %get3A_22 : i32 to index
    %get3A_24 = arith.constant 16 : index
    %get3A_25 = tpu.vector_load %arg7[%get3A_23, %get3A_24] {strides = array<i32>} : memref<2x128xi32, #tpu.memory_space<vmem>>, vector<1x16xi32>,
    %get3A_26 = vector.shape_cast %get3A_25 : vector<1x16xi32> to vector<16xi32>
    %add3A_27 = vector.broadcast %mul3A_0 : i32 to vector<16xi32>
    %add3A_28 = arith.addi %get3A_26, %add3A_27 : vector<16xi32>
    %swap3A_29 = arith.constant 0 : i32
    %swap3A_30 = arith.index_cast %swap3A_29 : i32 to index
    %swap3A_31 = arith.constant 16 : index
    %swap3A_32 = tpu.vector_load %arg7[%swap3A_30, %swap3A_31] {strides = array<i32>} : memref<2x128xi32, #tpu.memory_space<vmem>>, vector<1x16xi32>,
    %swap3A_33 = vector.shape_cast %swap3A_32 : vector<1x16xi32> to vector<16xi32>
    %swap3A_34 = vector.shape_cast %add3A_28 : vector<16xi32> to vector<1x16xi32>
    tpu.vector_store %arg7[%swap3A_30, %swap3A_31], %swap3A_34 {strides = array<i32>} : memref<2x128xi32, #tpu.memory_space<vmem>>, vector<1x16xi32>,
    %get3A_35 = arith.constant 0 : i32
    %get3A_36 = arith.index_cast %get3A_35 : i32 to index
    %get3A_37 = arith.constant 32 : index
    %get3A_38 = tpu.vector_load %arg7[%get3A_36, %get3A_37] {strides = array<i32>} : memref<2x128xi32, #tpu.memory_space<vmem>>, vector<1x16xi32>,
    %get3A_39 = vector.shape_cast %get3A_38 : vector<1x16xi32> to vector<16xi32>
    %add3A_40 = vector.broadcast %mul3A_0 : i32 to vector<16xi32>
    %add3A_41 = arith.addi %get3A_39, %add3A_40 : vector<16xi32>
    %swap3A_42 = arith.constant 0 : i32
    %swap3A_43 = arith.index_cast %swap3A_42 : i32 to index
    %swap3A_44 = arith.constant 32 : index
    %swap3A_45 = tpu.vector_load %arg7[%swap3A_43, %swap3A_44] {strides = array<i32>} : memref<2x128xi32, #tpu.memory_space<vmem>>, vector<1x16xi32>,
    %swap3A_46 = vector.shape_cast %swap3A_45 : vector<1x16xi32> to vector<16xi32>
    %swap3A_47 = vector.shape_cast %add3A_41 : vector<16xi32> to vector<1x16xi32>
    tpu.vector_store %arg7[%swap3A_43, %swap3A_44], %swap3A_47 {strides = array<i32>} : memref<2x128xi32, #tpu.memory_space<vmem>>, vector<1x16xi32>,
    %get3A_48 = arith.constant 0 : i32
    %get3A_49 = arith.index_cast %get3A_48 : i32 to index
    %get3A_50 = arith.constant 48 : index
    %get3A_51 = tpu.vector_load %arg7[%get3A_49, %get3A_50] {strides = array<i32>} : memref<2x128xi32, #tpu.memory_space<vmem>>, vector<1x16xi32>,
    %get3A_52 = vector.shape_cast %get3A_51 : vector<1x16xi32> to vector<16xi32>
    %add3A_53 = vector.broadcast %mul3A_0 : i32 to vector<16xi32>
    %add3A_54 = arith.addi %get3A_52, %add3A_53 : vector<16xi32>
    %swap3A_55 = arith.constant 0 : i32
    %swap3A_56 = arith.index_cast %swap3A_55 : i32 to index
    %swap3A_57 = arith.constant 48 : index
    %swap3A_58 = tpu.vector_load %arg7[%swap3A_56, %swap3A_57] {strides = array<i32>} : memref<2x128xi32, #tpu.memory_space<vmem>>, vector<1x16xi32>,
    %swap3A_59 = vector.shape_cast %swap3A_58 : vector<1x16xi32> to vector<16xi32>
    %swap3A_60 = vector.shape_cast %add3A_54 : vector<16xi32> to vector<1x16xi32>
    tpu.vector_store %arg7[%swap3A_56, %swap3A_57], %swap3A_60 {strides = array<i32>} : memref<2x128xi32, #tpu.memory_space<vmem>>, vector<1x16xi32>,
    %get3A_61 = arith.constant 0 : i32
    %get3A_62 = arith.index_cast %get3A_61 : i32 to index
    %get3A_63 = arith.constant 64 : index
    %get3A_64 = tpu.vector_load %arg7[%get3A_62, %get3A_63] {strides = array<i32>} : memref<2x128xi32, #tpu.memory_space<vmem>>, vector<1x16xi32>,
    %get3A_65 = vector.shape_cast %get3A_64 : vector<1x16xi32> to vector<16xi32>
    %add3A_66 = vector.broadcast %mul3A_0 : i32 to vector<16xi32>
    %add3A_67 = arith.addi %get3A_65, %add3A_66 : vector<16xi32>
    %swap3A_68 = arith.constant 0 : i32
    %swap3A_69 = arith.index_cast %swap3A_68 : i32 to index
    %swap3A_70 = arith.constant 64 : index
    %swap3A_71 = tpu.vector_load %arg7[%swap3A_69, %swap3A_70] {strides = array<i32>} : memref<2x128xi32, #tpu.memory_space<vmem>>, vector<1x16xi32>,
    %swap3A_72 = vector.shape_cast %swap3A_71 : vector<1x16xi32> to vector<16xi32>
    %swap3A_73 = vector.shape_cast %add3A_67 : vector<16xi32> to vector<1x16xi32>
    tpu.vector_store %arg7[%swap3A_69, %swap3A_70], %swap3A_73 {strides = array<i32>} : memref<2x128xi32, #tpu.memory_space<vmem>>, vector<1x16xi32>,
    %get3A_74 = arith.constant 0 : i32
    %get3A_75 = arith.index_cast %get3A_74 : i32 to index
    %get3A_76 = arith.constant 80 : index
    %get3A_77 = tpu.vector_load %arg7[%get3A_75, %get3A_76] {strides = array<i32>} : memref<2x128xi32, #tpu.memory_space<vmem>>, vector<1x16xi32>,
    %get3A_78 = vector.shape_cast %get3A_77 : vector<1x16xi32> to vector<16xi32>
    %add3A_79 = vector.broadcast %mul3A_0 : i32 to vector<16xi32>
    %add3A_80 = arith.addi %get3A_78, %add3A_79 : vector<16xi32>
    %swap3A_81 = arith.constant 0 : i32
    %swap3A_82 = arith.index_cast %swap3A_81 : i32 to index
    %swap3A_83 = arith.constant 80 : index
    %swap3A_84 = tpu.vector_load %arg7[%swap3A_82, %swap3A_83] {strides = array<i32>} : memref<2x128xi32, #tpu.memory_space<vmem>>, vector<1x16xi32>,
    %swap3A_85 = vector.shape_cast %swap3A_84 : vector<1x16xi32> to vector<16xi32>
    %swap3A_86 = vector.shape_cast %add3A_80 : vector<16xi32> to vector<1x16xi32>
    tpu.vector_store %arg7[%swap3A_82, %swap3A_83], %swap3A_86 {strides = array<i32>} : memref<2x128xi32, #tpu.memory_space<vmem>>, vector<1x16xi32>,
    %get3A_87 = arith.constant 0 : i32
    %get3A_88 = arith.index_cast %get3A_87 : i32 to index
    %get3A_89 = arith.constant 96 : index
    %get3A_90 = tpu.vector_load %arg7[%get3A_88, %get3A_89] {strides = array<i32>} : memref<2x128xi32, #tpu.memory_space<vmem>>, vector<1x16xi32>,
    %get3A_91 = vector.shape_cast %get3A_90 : vector<1x16xi32> to vector<16xi32>
    %add3A_92 = vector.broadcast %mul3A_0 : i32 to vector<16xi32>
    %add3A_93 = arith.addi %get3A_91, %add3A_92 : vector<16xi32>
    %swap3A_94 = arith.constant 0 : i32
    %swap3A_95 = arith.index_cast %swap3A_94 : i32 to index
    %swap3A_96 = arith.constant 96 : index
    %swap3A_97 = tpu.vector_load %arg7[%swap3A_95, %swap3A_96] {strides = array<i32>} : memref<2x128xi32, #tpu.memory_space<vmem>>, vector<1x16xi32>,
    %swap3A_98 = vector.shape_cast %swap3A_97 : vector<1x16xi32> to vector<16xi32>
    %swap3A_99 = vector.shape_cast %add3A_93 : vector<16xi32> to vector<1x16xi32>
    tpu.vector_store %arg7[%swap3A_95, %swap3A_96], %swap3A_99 {strides = array<i32>} : memref<2x128xi32, #tpu.memory_space<vmem>>, vector<1x16xi32>,
    %get3A_100 = arith.constant 0 : i32
    %get3A_101 = arith.index_cast %get3A_100 : i32 to index
    %get3A_102 = arith.constant 112 : index
    %get3A_103 = tpu.vector_load %arg7[%get3A_101, %get3A_102] {strides = array<i32>} : memref<2x128xi32, #tpu.memory_space<vmem>>, vector<1x16xi32>,
    %get3A_104 = vector.shape_cast %get3A_103 : vector<1x16xi32> to vector<16xi32>
    %add3A_105 = vector.broadcast %mul3A_0 : i32 to vector<16xi32>
    %add3A_106 = arith.addi %get3A_104, %add3A_105 : vector<16xi32>
    %swap3A_107 = arith.constant 0 : i32
    %swap3A_108 = arith.index_cast %swap3A_107 : i32 to index
    %swap3A_109 = arith.constant 112 : index
    %swap3A_110 = tpu.vector_load %arg7[%swap3A_108, %swap3A_109] {strides = array<i32>} : memref<2x128xi32, #tpu.memory_space<vmem>>, vector<1x16xi32>,
    %swap3A_111 = vector.shape_cast %swap3A_110 : vector<1x16xi32> to vector<16xi32>
    %swap3A_112 = vector.shape_cast %add3A_106 : vector<16xi32> to vector<1x16xi32>
    tpu.vector_store %arg7[%swap3A_108, %swap3A_109], %swap3A_112 {strides = array<i32>} : memref<2x128xi32, #tpu.memory_space<vmem>>, vector<1x16xi32>,
    %get3A_113 = arith.constant 1 : i32
    %get3A_114 = arith.index_cast %get3A_113 : i32 to index
    %get3A_115 = arith.constant 0 : index
    %get3A_116 = tpu.vector_load %arg7[%get3A_114, %get3A_115] {strides = array<i32>} : memref<2x128xi32, #tpu.memory_space<vmem>>, vector<1x16xi32>,
    %get3A_117 = vector.shape_cast %get3A_116 : vector<1x16xi32> to vector<16xi32>
    %add3A_118 = vector.broadcast %mul3A_0 : i32 to vector<16xi32>
    %add3A_119 = arith.addi %get3A_117, %add3A_118 : vector<16xi32>
    %swap3A_120 = arith.constant 1 : i32
    %swap3A_121 = arith.index_cast %swap3A_120 : i32 to index
    %swap3A_122 = arith.constant 0 : index
    %swap3A_123 = tpu.vector_load %arg7[%swap3A_121, %swap3A_122] {strides = array<i32>} : memref<2x128xi32, #tpu.memory_space<vmem>>, vector<1x16xi32>,
    %swap3A_124 = vector.shape_cast %swap3A_123 : vector<1x16xi32> to vector<16xi32>
    %swap3A_125 = vector.shape_cast %add3A_119 : vector<16xi32> to vector<1x16xi32>
    tpu.vector_store %arg7[%swap3A_121, %swap3A_122], %swap3A_125 {strides = array<i32>} : memref<2x128xi32, #tpu.memory_space<vmem>>, vector<1x16xi32>,
    %get3A_126 = arith.constant 1 : i32
    %get3A_127 = arith.index_cast %get3A_126 : i32 to index
    %get3A_128 = arith.constant 16 : index
    %get3A_129 = tpu.vector_load %arg7[%get3A_127, %get3A_128] {strides = array<i32>} : memref<2x128xi32, #tpu.memory_space<vmem>>, vector<1x16xi32>,
    %get3A_130 = vector.shape_cast %get3A_129 : vector<1x16xi32> to vector<16xi32>
    %add3A_131 = vector.broadcast %mul3A_0 : i32 to vector<16xi32>
    %add3A_132 = arith.addi %get3A_130, %add3A_131 : vector<16xi32>
    %swap3A_133 = arith.constant 1 : i32
    %swap3A_134 = arith.index_cast %swap3A_133 : i32 to index
    %swap3A_135 = arith.constant 16 : index
    %swap3A_136 = tpu.vector_load %arg7[%swap3A_134, %swap3A_135] {strides = array<i32>} : memref<2x128xi32, #tpu.memory_space<vmem>>, vector<1x16xi32>,
    %swap3A_137 = vector.shape_cast %swap3A_136 : vector<1x16xi32> to vector<16xi32>
    %swap3A_138 = vector.shape_cast %add3A_132 : vector<16xi32> to vector<1x16xi32>
    tpu.vector_store %arg7[%swap3A_134, %swap3A_135], %swap3A_138 {strides = array<i32>} : memref<2x128xi32, #tpu.memory_space<vmem>>, vector<1x16xi32>,
    %get3A_139 = arith.constant 1 : i32
    %get3A_140 = arith.index_cast %get3A_139 : i32 to index
    %get3A_141 = arith.constant 32 : index
    %get3A_142 = tpu.vector_load %arg7[%get3A_140, %get3A_141] {strides = array<i32>} : memref<2x128xi32, #tpu.memory_space<vmem>>, vector<1x16xi32>,
    %get3A_143 = vector.shape_cast %get3A_142 : vector<1x16xi32> to vector<16xi32>
    %add3A_144 = vector.broadcast %mul3A_0 : i32 to vector<16xi32>
    %add3A_145 = arith.addi %get3A_143, %add3A_144 : vector<16xi32>
    %swap3A_146 = arith.constant 1 : i32
    %swap3A_147 = arith.index_cast %swap3A_146 : i32 to index
    %swap3A_148 = arith.constant 32 : index
    %swap3A_149 = tpu.vector_load %arg7[%swap3A_147, %swap3A_148] {strides = array<i32>} : memref<2x128xi32, #tpu.memory_space<vmem>>, vector<1x16xi32>,
    %swap3A_150 = vector.shape_cast %swap3A_149 : vector<1x16xi32> to vector<16xi32>
    %swap3A_151 = vector.shape_cast %add3A_145 : vector<16xi32> to vector<1x16xi32>
    tpu.vector_store %arg7[%swap3A_147, %swap3A_148], %swap3A_151 {strides = array<i32>} : memref<2x128xi32, #tpu.memory_space<vmem>>, vector<1x16xi32>,
    %get3A_152 = arith.constant 1 : i32
    %get3A_153 = arith.index_cast %get3A_152 : i32 to index
    %get3A_154 = arith.constant 48 : index
    %get3A_155 = tpu.vector_load %arg7[%get3A_153, %get3A_154] {strides = array<i32>} : memref<2x128xi32, #tpu.memory_space<vmem>>, vector<1x16xi32>,
    %get3A_156 = vector.shape_cast %get3A_155 : vector<1x16xi32> to vector<16xi32>
    %add3A_157 = vector.broadcast %mul3A_0 : i32 to vector<16xi32>
    %add3A_158 = arith.addi %get3A_156, %add3A_157 : vector<16xi32>
    %swap3A_159 = arith.constant 1 : i32
    %swap3A_160 = arith.index_cast %swap3A_159 : i32 to index
    %swap3A_161 = arith.constant 48 : index
    %swap3A_162 = tpu.vector_load %arg7[%swap3A_160, %swap3A_161] {strides = array<i32>} : memref<2x128xi32, #tpu.memory_space<vmem>>, vector<1x16xi32>,
    %swap3A_163 = vector.shape_cast %swap3A_162 : vector<1x16xi32> to vector<16xi32>
    %swap3A_164 = vector.shape_cast %add3A_158 : vector<16xi32> to vector<1x16xi32>
    tpu.vector_store %arg7[%swap3A_160, %swap3A_161], %swap3A_164 {strides = array<i32>} : memref<2x128xi32, #tpu.memory_space<vmem>>, vector<1x16xi32>,
    %get3A_165 = arith.constant 1 : i32
    %get3A_166 = arith.index_cast %get3A_165 : i32 to index
    %get3A_167 = arith.constant 64 : index
    %get3A_168 = tpu.vector_load %arg7[%get3A_166, %get3A_167] {strides = array<i32>} : memref<2x128xi32, #tpu.memory_space<vmem>>, vector<1x16xi32>,
    %get3A_169 = vector.shape_cast %get3A_168 : vector<1x16xi32> to vector<16xi32>
    %add3A_170 = vector.broadcast %mul3A_0 : i32 to vector<16xi32>
    %add3A_171 = arith.addi %get3A_169, %add3A_170 : vector<16xi32>
    %swap3A_172 = arith.constant 1 : i32
    %swap3A_173 = arith.index_cast %swap3A_172 : i32 to index
    %swap3A_174 = arith.constant 64 : index
    %swap3A_175 = tpu.vector_load %arg7[%swap3A_173, %swap3A_174] {strides = array<i32>} : memref<2x128xi32, #tpu.memory_space<vmem>>, vector<1x16xi32>,
    %swap3A_176 = vector.shape_cast %swap3A_175 : vector<1x16xi32> to vector<16xi32>
    %swap3A_177 = vector.shape_cast %add3A_171 : vector<16xi32> to vector<1x16xi32>
    tpu.vector_store %arg7[%swap3A_173, %swap3A_174], %swap3A_177 {strides = array<i32>} : memref<2x128xi32, #tpu.memory_space<vmem>>, vector<1x16xi32>,
    %get3A_178 = arith.constant 1 : i32
    %get3A_179 = arith.index_cast %get3A_178 : i32 to index
    %get3A_180 = arith.constant 80 : index
    %get3A_181 = tpu.vector_load %arg7[%get3A_179, %get3A_180] {strides = array<i32>} : memref<2x128xi32, #tpu.memory_space<vmem>>, vector<1x16xi32>,
    %get3A_182 = vector.shape_cast %get3A_181 : vector<1x16xi32> to vector<16xi32>
    %add3A_183 = vector.broadcast %mul3A_0 : i32 to vector<16xi32>
    %add3A_184 = arith.addi %get3A_182, %add3A_183 : vector<16xi32>
    %swap3A_185 = arith.constant 1 : i32
    %swap3A_186 = arith.index_cast %swap3A_185 : i32 to index
    %swap3A_187 = arith.constant 80 : index
    %swap3A_188 = tpu.vector_load %arg7[%swap3A_186, %swap3A_187] {strides = array<i32>} : memref<2x128xi32, #tpu.memory_space<vmem>>, vector<1x16xi32>,
    %swap3A_189 = vector.shape_cast %swap3A_188 : vector<1x16xi32> to vector<16xi32>
    %swap3A_190 = vector.shape_cast %add3A_184 : vector<16xi32> to vector<1x16xi32>
    tpu.vector_store %arg7[%swap3A_186, %swap3A_187], %swap3A_190 {strides = array<i32>} : memref<2x128xi32, #tpu.memory_space<vmem>>, vector<1x16xi32>,
    %get3A_191 = arith.constant 1 : i32
    %get3A_192 = arith.index_cast %get3A_191 : i32 to index
    %get3A_193 = arith.constant 96 : index
    %get3A_194 = tpu.vector_load %arg7[%get3A_192, %get3A_193] {strides = array<i32>} : memref<2x128xi32, #tpu.memory_space<vmem>>, vector<1x16xi32>,
    %get3A_195 = vector.shape_cast %get3A_194 : vector<1x16xi32> to vector<16xi32>
    %add3A_196 = vector.broadcast %mul3A_0 : i32 to vector<16xi32>
    %add3A_197 = arith.addi %get3A_195, %add3A_196 : vector<16xi32>
    %swap3A_198 = arith.constant 1 : i32
    %swap3A_199 = arith.index_cast %swap3A_198 : i32 to index
    %swap3A_200 = arith.constant 96 : index
    %swap3A_201 = tpu.vector_load %arg7[%swap3A_199, %swap3A_200] {strides = array<i32>} : memref<2x128xi32, #tpu.memory_space<vmem>>, vector<1x16xi32>,
    %swap3A_202 = vector.shape_cast %swap3A_201 : vector<1x16xi32> to vector<16xi32>
    %swap3A_203 = vector.shape_cast %add3A_197 : vector<16xi32> to vector<1x16xi32>
    tpu.vector_store %arg7[%swap3A_199, %swap3A_200], %swap3A_203 {strides = array<i32>} : memref<2x128xi32, #tpu.memory_space<vmem>>, vector<1x16xi32>,
    %get3A_204 = arith.constant 1 : i32
    %get3A_205 = arith.index_cast %get3A_204 : i32 to index
    %get3A_206 = arith.constant 112 : index
    %get3A_207 = tpu.vector_load %arg7[%get3A_205, %get3A_206] {strides = array<i32>} : memref<2x128xi32, #tpu.memory_space<vmem>>, vector<1x16xi32>,
    %get3A_208 = vector.shape_cast %get3A_207 : vector<1x16xi32> to vector<16xi32>
    %add3A_209 = vector.broadcast %mul3A_0 : i32 to vector<16xi32>
    %add3A_210 = arith.addi %get3A_208, %add3A_209 : vector<16xi32>
    %swap3A_211 = arith.constant 1 : i32
    %swap3A_212 = arith.index_cast %swap3A_211 : i32 to index
    %swap3A_213 = arith.constant 112 : index
    %swap3A_214 = tpu.vector_load %arg7[%swap3A_212, %swap3A_213] {strides = array<i32>} : memref<2x128xi32, #tpu.memory_space<vmem>>, vector<1x16xi32>,
    %swap3A_215 = vector.shape_cast %swap3A_214 : vector<1x16xi32> to vector<16xi32>
    %swap3A_216 = vector.shape_cast %add3A_210 : vector<16xi32> to vector<1x16xi32>
    tpu.vector_store %arg7[%swap3A_212, %swap3A_213], %swap3A_216 {strides = array<i32>} : memref<2x128xi32, #tpu.memory_space<vmem>>, vector<1x16xi32>,
    %dma_start3A = arith.constant 0 : i32
    %dma_start3A_217 = arith.constant 0 : i32
    %dma_start3A_218 = arith.constant 0 : i32
    %dma_start3A_219 = arith.constant 0 : i32
    %dma_start3A_220 = arith.constant 0 : i32
    %dma_start3A_221 = tpu.memref_slice %arg11[%dma_start3A_217, %dma_start3A_219, %dma_start3A_220] : memref<2x128x128xf32, #tpu.memory_space<vmem>> -> memref<1x128x128xf32, #tpu.memory_space<vmem>>
    %dma_start3A_222 = tpu.memref_squeeze %dma_start3A_221 : memref<1x128x128xf32, #tpu.memory_space<vmem>> -> memref<128x128xf32, #tpu.memory_space<vmem>>
    %dma_start3A_223 = arith.constant 0 : i32
    %dma_start3A_224 = tpu.memref_slice %arg7[%dma_start3A, %dma_start3A_223] : memref<2x128xi32, #tpu.memory_space<vmem>> -> memref<1x128xi32, #tpu.memory_space<vmem>>
    %dma_start3A_225 = tpu.memref_squeeze %dma_start3A_224 : memref<1x128xi32, #tpu.memory_space<vmem>> -> memref<128xi32, #tpu.memory_space<vmem>>
    %dma_start3A_226 = arith.constant 0 : i32
    %dma_start3A_227 = arith.constant 0 : i32
    %dma_start3A_228 = tpu.memref_slice %arg2[%dma_start3A_226, %dma_start3A_227] : memref<20480x128xf32, #tpu.memory_space<hbm>> -> memref<20480x128xf32, #tpu.memory_space<hbm>>
    %dma_start3A_229 = tpu.memref_slice %arg12[%dma_start3A_218] : memref<2x!tpu.dma_semaphore, #tpu.memory_space<semaphore_mem>> -> memref<1x!tpu.dma_semaphore, #tpu.memory_space<semaphore_mem>>
    %dma_start3A_230 = tpu.memref_squeeze %dma_start3A_229 : memref<1x!tpu.dma_semaphore, #tpu.memory_space<semaphore_mem>> -> memref<!tpu.dma_semaphore, #tpu.memory_space<semaphore_mem>>
    tpu.enqueue_indirect_dma source(%dma_start3A_228 : memref<20480x128xf32, #tpu.memory_space<hbm>>) target(%dma_start3A_222 : memref<128x128xf32, #tpu.memory_space<vmem>>) offsets(%dma_start3A_225 : memref<128xi32, #tpu.memory_space<vmem>>) semaphore(%dma_start3A_230 : memref<!tpu.dma_semaphore, #tpu.memory_space<semaphore_mem>>)
    %dma_start3A_231 = arith.constant 1 : i32
    %dma_start3A_232 = arith.constant 1 : i32
    %dma_start3A_233 = arith.constant 1 : i32
    %dma_start3A_234 = arith.constant 0 : i32
    %dma_start3A_235 = arith.constant 0 : i32
    %dma_start3A_236 = tpu.memref_slice %arg11[%dma_start3A_232, %dma_start3A_234, %dma_start3A_235] : memref<2x128x128xf32, #tpu.memory_space<vmem>> -> memref<1x128x128xf32, #tpu.memory_space<vmem>>
    %dma_start3A_237 = tpu.memref_squeeze %dma_start3A_236 : memref<1x128x128xf32, #tpu.memory_space<vmem>> -> memref<128x128xf32, #tpu.memory_space<vmem>>
    %dma_start3A_238 = arith.constant 0 : i32
    %dma_start3A_239 = tpu.memref_slice %arg7[%dma_start3A_231, %dma_start3A_238] : memref<2x128xi32, #tpu.memory_space<vmem>> -> memref<1x128xi32, #tpu.memory_space<vmem>>
    %dma_start3A_240 = tpu.memref_squeeze %dma_start3A_239 : memref<1x128xi32, #tpu.memory_space<vmem>> -> memref<128xi32, #tpu.memory_space<vmem>>
    %dma_start3A_241 = arith.constant 0 : i32
    %dma_start3A_242 = arith.constant 0 : i32
    %dma_start3A_243 = tpu.memref_slice %arg2[%dma_start3A_241, %dma_start3A_242] : memref<20480x128xf32, #tpu.memory_space<hbm>> -> memref<20480x128xf32, #tpu.memory_space<hbm>>
    %dma_start3A_244 = tpu.memref_slice %arg12[%dma_start3A_233] : memref<2x!tpu.dma_semaphore, #tpu.memory_space<semaphore_mem>> -> memref<1x!tpu.dma_semaphore, #tpu.memory_space<semaphore_mem>>
    %dma_start3A_245 = tpu.memref_squeeze %dma_start3A_244 : memref<1x!tpu.dma_semaphore, #tpu.memory_space<semaphore_mem>> -> memref<!tpu.dma_semaphore, #tpu.memory_space<semaphore_mem>>
    tpu.enqueue_indirect_dma source(%dma_start3A_243 : memref<20480x128xf32, #tpu.memory_space<hbm>>) target(%dma_start3A_237 : memref<128x128xf32, #tpu.memory_space<vmem>>) offsets(%dma_start3A_240 : memref<128xi32, #tpu.memory_space<vmem>>) semaphore(%dma_start3A_245 : memref<!tpu.dma_semaphore, #tpu.memory_space<semaphore_mem>>)
    %mul3A_246 = arith.constant 80 : i32
    %mul3A_247 = arith.muli %arg1, %mul3A_246 : i32
    %mul3A_248 = arith.constant 2 : i32
    %mul3A_249 = arith.muli %mul3A_247, %mul3A_248 : i32
    %add3A_250 = arith.constant 2 : i32
    %add3A_251 = arith.addi %mul3A_249, %add3A_250 : i32
    "tpu.region"() ({
      %run_scoped3A = tpu.sem_alloc : memref<!tpu.dma_semaphore, #tpu.memory_space<semaphore_mem>>
      %dma_start3A_559 = arith.constant 0 : i32
      %dma_start3A_560 = tpu.memref_slice %arg3[%add3A_251, %dma_start3A_559] : memref<2560x128xi32, #tpu.memory_space<hbm>> -> memref<2x128xi32, #tpu.memory_space<hbm>>
      %dma_start3A_561 = arith.constant 0 : i32
      %dma_start3A_562 = tpu.memref_slice %arg3[%add3A_251, %dma_start3A_561] : memref<2560x128xi32, #tpu.memory_space<hbm>> -> memref<2x128xi32, #tpu.memory_space<hbm>>
      tpu.enqueue_dma source(%dma_start3A_562 : memref<2x128xi32, #tpu.memory_space<hbm>>) target(%arg9 : memref<2x128xi32, #tpu.memory_space<vmem>>) target_semaphore(%run_scoped3A : memref<!tpu.dma_semaphore, #tpu.memory_space<semaphore_mem>>)
      %dma_wait3A_563 = arith.constant 0 : i32
      %dma_wait3A_564 = tpu.memref_slice %arg3[%add3A_251, %dma_wait3A_563] : memref<2560x128xi32, #tpu.memory_space<hbm>> -> memref<2x128xi32, #tpu.memory_space<hbm>>
      %dma_wait3A_565 = arith.constant 0 : i32
      %dma_wait3A_566 = tpu.memref_slice %arg3[%add3A_251, %dma_wait3A_565] : memref<2560x128xi32, #tpu.memory_space<hbm>> -> memref<2x128xi32, #tpu.memory_space<hbm>>
      tpu.wait_dma2 semaphore(%run_scoped3A : memref<!tpu.dma_semaphore, #tpu.memory_space<semaphore_mem>>) src(%dma_wait3A_566 : memref<2x128xi32, #tpu.memory_space<hbm>>) dst(%arg9 : memref<2x128xi32, #tpu.memory_space<vmem>>)
      tpu.yield
    }) : () -> ()
    "tpu.region"() ({
      %run_scoped3A = tpu.sem_alloc : memref<!tpu.dma_semaphore, #tpu.memory_space<semaphore_mem>>
      %dma_start3A_559 = arith.constant 0 : i32
      %dma_start3A_560 = tpu.memref_slice %arg4[%add3A_251, %dma_start3A_559] : memref<2560x128xi32, #tpu.memory_space<hbm>> -> memref<2x128xi32, #tpu.memory_space<hbm>>
      %dma_start3A_561 = arith.constant 0 : i32
      %dma_start3A_562 = tpu.memref_slice %arg4[%add3A_251, %dma_start3A_561] : memref<2560x128xi32, #tpu.memory_space<hbm>> -> memref<2x128xi32, #tpu.memory_space<hbm>>
      tpu.enqueue_dma source(%dma_start3A_562 : memref<2x128xi32, #tpu.memory_space<hbm>>) target(%arg10 : memref<2x128xi32, #tpu.memory_space<vmem>>) target_semaphore(%run_scoped3A : memref<!tpu.dma_semaphore, #tpu.memory_space<semaphore_mem>>)
      %dma_wait3A_563 = arith.constant 0 : i32
      %dma_wait3A_564 = tpu.memref_slice %arg4[%add3A_251, %dma_wait3A_563] : memref<2560x128xi32, #tpu.memory_space<hbm>> -> memref<2x128xi32, #tpu.memory_space<hbm>>
      %dma_wait3A_565 = arith.constant 0 : i32
      %dma_wait3A_566 = tpu.memref_slice %arg4[%add3A_251, %dma_wait3A_565] : memref<2560x128xi32, #tpu.memory_space<hbm>> -> memref<2x128xi32, #tpu.memory_space<hbm>>
      tpu.wait_dma2 semaphore(%run_scoped3A : memref<!tpu.dma_semaphore, #tpu.memory_space<semaphore_mem>>) src(%dma_wait3A_566 : memref<2x128xi32, #tpu.memory_space<hbm>>) dst(%arg10 : memref<2x128xi32, #tpu.memory_space<vmem>>)
      tpu.yield
    }) : () -> ()
    %get3A_252 = arith.constant 0 : i32
    %get3A_253 = arith.index_cast %get3A_252 : i32 to index
    %get3A_254 = arith.constant 0 : index
    %get3A_255 = tpu.vector_load %arg9[%get3A_253, %get3A_254] {strides = array<i32>} : memref<2x128xi32, #tpu.memory_space<vmem>>, vector<1x16xi32>,
    %get3A_256 = vector.shape_cast %get3A_255 : vector<1x16xi32> to vector<16xi32>
    %add3A_257 = vector.broadcast %mul3A_0 : i32 to vector<16xi32>
    %add3A_258 = arith.addi %get3A_256, %add3A_257 : vector<16xi32>
    %swap3A_259 = arith.constant 0 : i32
    %swap3A_260 = arith.index_cast %swap3A_259 : i32 to index
    %swap3A_261 = arith.constant 0 : index
    %swap3A_262 = tpu.vector_load %arg9[%swap3A_260, %swap3A_261] {strides = array<i32>} : memref<2x128xi32, #tpu.memory_space<vmem>>, vector<1x16xi32>,
    %swap3A_263 = vector.shape_cast %swap3A_262 : vector<1x16xi32> to vector<16xi32>
    %swap3A_264 = vector.shape_cast %add3A_258 : vector<16xi32> to vector<1x16xi32>
    tpu.vector_store %arg9[%swap3A_260, %swap3A_261], %swap3A_264 {strides = array<i32>} : memref<2x128xi32, #tpu.memory_space<vmem>>, vector<1x16xi32>,
    %get3A_265 = arith.constant 0 : i32
    %get3A_266 = arith.index_cast %get3A_265 : i32 to index
    %get3A_267 = arith.constant 16 : index
    %get3A_268 = tpu.vector_load %arg9[%get3A_266, %get3A_267] {strides = array<i32>} : memref<2x128xi32, #tpu.memory_space<vmem>>, vector<1x16xi32>,
    %get3A_269 = vector.shape_cast %get3A_268 : vector<1x16xi32> to vector<16xi32>
    %add3A_270 = vector.broadcast %mul3A_0 : i32 to vector<16xi32>
    %add3A_271 = arith.addi %get3A_269, %add3A_270 : vector<16xi32>
    %swap3A_272 = arith.constant 0 : i32
    %swap3A_273 = arith.index_cast %swap3A_272 : i32 to index
    %swap3A_274 = arith.constant 16 : index
    %swap3A_275 = tpu.vector_load %arg9[%swap3A_273, %swap3A_274] {strides = array<i32>} : memref<2x128xi32, #tpu.memory_space<vmem>>, vector<1x16xi32>,
    %swap3A_276 = vector.shape_cast %swap3A_275 : vector<1x16xi32> to vector<16xi32>
    %swap3A_277 = vector.shape_cast %add3A_271 : vector<16xi32> to vector<1x16xi32>
    tpu.vector_store %arg9[%swap3A_273, %swap3A_274], %swap3A_277 {strides = array<i32>} : memref<2x128xi32, #tpu.memory_space<vmem>>, vector<1x16xi32>,
    %get3A_278 = arith.constant 0 : i32
    %get3A_279 = arith.index_cast %get3A_278 : i32 to index
    %get3A_280 = arith.constant 32 : index
    %get3A_281 = tpu.vector_load %arg9[%get3A_279, %get3A_280] {strides = array<i32>} : memref<2x128xi32, #tpu.memory_space<vmem>>, vector<1x16xi32>,
    %get3A_282 = vector.shape_cast %get3A_281 : vector<1x16xi32> to vector<16xi32>
    %add3A_283 = vector.broadcast %mul3A_0 : i32 to vector<16xi32>
    %add3A_284 = arith.addi %get3A_282, %add3A_283 : vector<16xi32>
    %swap3A_285 = arith.constant 0 : i32
    %swap3A_286 = arith.index_cast %swap3A_285 : i32 to index
    %swap3A_287 = arith.constant 32 : index
    %swap3A_288 = tpu.vector_load %arg9[%swap3A_286, %swap3A_287] {strides = array<i32>} : memref<2x128xi32, #tpu.memory_space<vmem>>, vector<1x16xi32>,
    %swap3A_289 = vector.shape_cast %swap3A_288 : vector<1x16xi32> to vector<16xi32>
    %swap3A_290 = vector.shape_cast %add3A_284 : vector<16xi32> to vector<1x16xi32>
    tpu.vector_store %arg9[%swap3A_286, %swap3A_287], %swap3A_290 {strides = array<i32>} : memref<2x128xi32, #tpu.memory_space<vmem>>, vector<1x16xi32>,
    %get3A_291 = arith.constant 0 : i32
    %get3A_292 = arith.index_cast %get3A_291 : i32 to index
    %get3A_293 = arith.constant 48 : index
    %get3A_294 = tpu.vector_load %arg9[%get3A_292, %get3A_293] {strides = array<i32>} : memref<2x128xi32, #tpu.memory_space<vmem>>, vector<1x16xi32>,
    %get3A_295 = vector.shape_cast %get3A_294 : vector<1x16xi32> to vector<16xi32>
    %add3A_296 = vector.broadcast %mul3A_0 : i32 to vector<16xi32>
    %add3A_297 = arith.addi %get3A_295, %add3A_296 : vector<16xi32>
    %swap3A_298 = arith.constant 0 : i32
    %swap3A_299 = arith.index_cast %swap3A_298 : i32 to index
    %swap3A_300 = arith.constant 48 : index
    %swap3A_301 = tpu.vector_load %arg9[%swap3A_299, %swap3A_300] {strides = array<i32>} : memref<2x128xi32, #tpu.memory_space<vmem>>, vector<1x16xi32>,
    %swap3A_302 = vector.shape_cast %swap3A_301 : vector<1x16xi32> to vector<16xi32>
    %swap3A_303 = vector.shape_cast %add3A_297 : vector<16xi32> to vector<1x16xi32>
    tpu.vector_store %arg9[%swap3A_299, %swap3A_300], %swap3A_303 {strides = array<i32>} : memref<2x128xi32, #tpu.memory_space<vmem>>, vector<1x16xi32>,
    %get3A_304 = arith.constant 0 : i32
    %get3A_305 = arith.index_cast %get3A_304 : i32 to index
    %get3A_306 = arith.constant 64 : index
    %get3A_307 = tpu.vector_load %arg9[%get3A_305, %get3A_306] {strides = array<i32>} : memref<2x128xi32, #tpu.memory_space<vmem>>, vector<1x16xi32>,
    %get3A_308 = vector.shape_cast %get3A_307 : vector<1x16xi32> to vector<16xi32>
    %add3A_309 = vector.broadcast %mul3A_0 : i32 to vector<16xi32>
    %add3A_310 = arith.addi %get3A_308, %add3A_309 : vector<16xi32>
    %swap3A_311 = arith.constant 0 : i32
    %swap3A_312 = arith.index_cast %swap3A_311 : i32 to index
    %swap3A_313 = arith.constant 64 : index
    %swap3A_314 = tpu.vector_load %arg9[%swap3A_312, %swap3A_313] {strides = array<i32>} : memref<2x128xi32, #tpu.memory_space<vmem>>, vector<1x16xi32>,
    %swap3A_315 = vector.shape_cast %swap3A_314 : vector<1x16xi32> to vector<16xi32>
    %swap3A_316 = vector.shape_cast %add3A_310 : vector<16xi32> to vector<1x16xi32>
    tpu.vector_store %arg9[%swap3A_312, %swap3A_313], %swap3A_316 {strides = array<i32>} : memref<2x128xi32, #tpu.memory_space<vmem>>, vector<1x16xi32>,
    %get3A_317 = arith.constant 0 : i32
    %get3A_318 = arith.index_cast %get3A_317 : i32 to index
    %get3A_319 = arith.constant 80 : index
    %get3A_320 = tpu.vector_load %arg9[%get3A_318, %get3A_319] {strides = array<i32>} : memref<2x128xi32, #tpu.memory_space<vmem>>, vector<1x16xi32>,
    %get3A_321 = vector.shape_cast %get3A_320 : vector<1x16xi32> to vector<16xi32>
    %add3A_322 = vector.broadcast %mul3A_0 : i32 to vector<16xi32>
    %add3A_323 = arith.addi %get3A_321, %add3A_322 : vector<16xi32>
    %swap3A_324 = arith.constant 0 : i32
    %swap3A_325 = arith.index_cast %swap3A_324 : i32 to index
    %swap3A_326 = arith.constant 80 : index
    %swap3A_327 = tpu.vector_load %arg9[%swap3A_325, %swap3A_326] {strides = array<i32>} : memref<2x128xi32, #tpu.memory_space<vmem>>, vector<1x16xi32>,
    %swap3A_328 = vector.shape_cast %swap3A_327 : vector<1x16xi32> to vector<16xi32>
    %swap3A_329 = vector.shape_cast %add3A_323 : vector<16xi32> to vector<1x16xi32>
    tpu.vector_store %arg9[%swap3A_325, %swap3A_326], %swap3A_329 {strides = array<i32>} : memref<2x128xi32, #tpu.memory_space<vmem>>, vector<1x16xi32>,
    %get3A_330 = arith.constant 0 : i32
    %get3A_331 = arith.index_cast %get3A_330 : i32 to index
    %get3A_332 = arith.constant 96 : index
    %get3A_333 = tpu.vector_load %arg9[%get3A_331, %get3A_332] {strides = array<i32>} : memref<2x128xi32, #tpu.memory_space<vmem>>, vector<1x16xi32>,
    %get3A_334 = vector.shape_cast %get3A_333 : vector<1x16xi32> to vector<16xi32>
    %add3A_335 = vector.broadcast %mul3A_0 : i32 to vector<16xi32>
    %add3A_336 = arith.addi %get3A_334, %add3A_335 : vector<16xi32>
    %swap3A_337 = arith.constant 0 : i32
    %swap3A_338 = arith.index_cast %swap3A_337 : i32 to index
    %swap3A_339 = arith.constant 96 : index
    %swap3A_340 = tpu.vector_load %arg9[%swap3A_338, %swap3A_339] {strides = array<i32>} : memref<2x128xi32, #tpu.memory_space<vmem>>, vector<1x16xi32>,
    %swap3A_341 = vector.shape_cast %swap3A_340 : vector<1x16xi32> to vector<16xi32>
    %swap3A_342 = vector.shape_cast %add3A_336 : vector<16xi32> to vector<1x16xi32>
    tpu.vector_store %arg9[%swap3A_338, %swap3A_339], %swap3A_342 {strides = array<i32>} : memref<2x128xi32, #tpu.memory_space<vmem>>, vector<1x16xi32>,
    %get3A_343 = arith.constant 0 : i32
    %get3A_344 = arith.index_cast %get3A_343 : i32 to index
    %get3A_345 = arith.constant 112 : index
    %get3A_346 = tpu.vector_load %arg9[%get3A_344, %get3A_345] {strides = array<i32>} : memref<2x128xi32, #tpu.memory_space<vmem>>, vector<1x16xi32>,
    %get3A_347 = vector.shape_cast %get3A_346 : vector<1x16xi32> to vector<16xi32>
    %add3A_348 = vector.broadcast %mul3A_0 : i32 to vector<16xi32>
    %add3A_349 = arith.addi %get3A_347, %add3A_348 : vector<16xi32>
    %swap3A_350 = arith.constant 0 : i32
    %swap3A_351 = arith.index_cast %swap3A_350 : i32 to index
    %swap3A_352 = arith.constant 112 : index
    %swap3A_353 = tpu.vector_load %arg9[%swap3A_351, %swap3A_352] {strides = array<i32>} : memref<2x128xi32, #tpu.memory_space<vmem>>, vector<1x16xi32>,
    %swap3A_354 = vector.shape_cast %swap3A_353 : vector<1x16xi32> to vector<16xi32>
    %swap3A_355 = vector.shape_cast %add3A_349 : vector<16xi32> to vector<1x16xi32>
    tpu.vector_store %arg9[%swap3A_351, %swap3A_352], %swap3A_355 {strides = array<i32>} : memref<2x128xi32, #tpu.memory_space<vmem>>, vector<1x16xi32>,
    %get3A_356 = arith.constant 1 : i32
    %get3A_357 = arith.index_cast %get3A_356 : i32 to index
    %get3A_358 = arith.constant 0 : index
    %get3A_359 = tpu.vector_load %arg9[%get3A_357, %get3A_358] {strides = array<i32>} : memref<2x128xi32, #tpu.memory_space<vmem>>, vector<1x16xi32>,
    %get3A_360 = vector.shape_cast %get3A_359 : vector<1x16xi32> to vector<16xi32>
    %add3A_361 = vector.broadcast %mul3A_0 : i32 to vector<16xi32>
    %add3A_362 = arith.addi %get3A_360, %add3A_361 : vector<16xi32>
    %swap3A_363 = arith.constant 1 : i32
    %swap3A_364 = arith.index_cast %swap3A_363 : i32 to index
    %swap3A_365 = arith.constant 0 : index
    %swap3A_366 = tpu.vector_load %arg9[%swap3A_364, %swap3A_365] {strides = array<i32>} : memref<2x128xi32, #tpu.memory_space<vmem>>, vector<1x16xi32>,
    %swap3A_367 = vector.shape_cast %swap3A_366 : vector<1x16xi32> to vector<16xi32>
    %swap3A_368 = vector.shape_cast %add3A_362 : vector<16xi32> to vector<1x16xi32>
    tpu.vector_store %arg9[%swap3A_364, %swap3A_365], %swap3A_368 {strides = array<i32>} : memref<2x128xi32, #tpu.memory_space<vmem>>, vector<1x16xi32>,
    %get3A_369 = arith.constant 1 : i32
    %get3A_370 = arith.index_cast %get3A_369 : i32 to index
    %get3A_371 = arith.constant 16 : index
    %get3A_372 = tpu.vector_load %arg9[%get3A_370, %get3A_371] {strides = array<i32>} : memref<2x128xi32, #tpu.memory_space<vmem>>, vector<1x16xi32>,
    %get3A_373 = vector.shape_cast %get3A_372 : vector<1x16xi32> to vector<16xi32>
    %add3A_374 = vector.broadcast %mul3A_0 : i32 to vector<16xi32>
    %add3A_375 = arith.addi %get3A_373, %add3A_374 : vector<16xi32>
    %swap3A_376 = arith.constant 1 : i32
    %swap3A_377 = arith.index_cast %swap3A_376 : i32 to index
    %swap3A_378 = arith.constant 16 : index
    %swap3A_379 = tpu.vector_load %arg9[%swap3A_377, %swap3A_378] {strides = array<i32>} : memref<2x128xi32, #tpu.memory_space<vmem>>, vector<1x16xi32>,
    %swap3A_380 = vector.shape_cast %swap3A_379 : vector<1x16xi32> to vector<16xi32>
    %swap3A_381 = vector.shape_cast %add3A_375 : vector<16xi32> to vector<1x16xi32>
    tpu.vector_store %arg9[%swap3A_377, %swap3A_378], %swap3A_381 {strides = array<i32>} : memref<2x128xi32, #tpu.memory_space<vmem>>, vector<1x16xi32>,
    %get3A_382 = arith.constant 1 : i32
    %get3A_383 = arith.index_cast %get3A_382 : i32 to index
    %get3A_384 = arith.constant 32 : index
    %get3A_385 = tpu.vector_load %arg9[%get3A_383, %get3A_384] {strides = array<i32>} : memref<2x128xi32, #tpu.memory_space<vmem>>, vector<1x16xi32>,
    %get3A_386 = vector.shape_cast %get3A_385 : vector<1x16xi32> to vector<16xi32>
    %add3A_387 = vector.broadcast %mul3A_0 : i32 to vector<16xi32>
    %add3A_388 = arith.addi %get3A_386, %add3A_387 : vector<16xi32>
    %swap3A_389 = arith.constant 1 : i32
    %swap3A_390 = arith.index_cast %swap3A_389 : i32 to index
    %swap3A_391 = arith.constant 32 : index
    %swap3A_392 = tpu.vector_load %arg9[%swap3A_390, %swap3A_391] {strides = array<i32>} : memref<2x128xi32, #tpu.memory_space<vmem>>, vector<1x16xi32>,
    %swap3A_393 = vector.shape_cast %swap3A_392 : vector<1x16xi32> to vector<16xi32>
    %swap3A_394 = vector.shape_cast %add3A_388 : vector<16xi32> to vector<1x16xi32>
    tpu.vector_store %arg9[%swap3A_390, %swap3A_391], %swap3A_394 {strides = array<i32>} : memref<2x128xi32, #tpu.memory_space<vmem>>, vector<1x16xi32>,
    %get3A_395 = arith.constant 1 : i32
    %get3A_396 = arith.index_cast %get3A_395 : i32 to index
    %get3A_397 = arith.constant 48 : index
    %get3A_398 = tpu.vector_load %arg9[%get3A_396, %get3A_397] {strides = array<i32>} : memref<2x128xi32, #tpu.memory_space<vmem>>, vector<1x16xi32>,
    %get3A_399 = vector.shape_cast %get3A_398 : vector<1x16xi32> to vector<16xi32>
    %add3A_400 = vector.broadcast %mul3A_0 : i32 to vector<16xi32>
    %add3A_401 = arith.addi %get3A_399, %add3A_400 : vector<16xi32>
    %swap3A_402 = arith.constant 1 : i32
    %swap3A_403 = arith.index_cast %swap3A_402 : i32 to index
    %swap3A_404 = arith.constant 48 : index
    %swap3A_405 = tpu.vector_load %arg9[%swap3A_403, %swap3A_404] {strides = array<i32>} : memref<2x128xi32, #tpu.memory_space<vmem>>, vector<1x16xi32>,
    %swap3A_406 = vector.shape_cast %swap3A_405 : vector<1x16xi32> to vector<16xi32>
    %swap3A_407 = vector.shape_cast %add3A_401 : vector<16xi32> to vector<1x16xi32>
    tpu.vector_store %arg9[%swap3A_403, %swap3A_404], %swap3A_407 {strides = array<i32>} : memref<2x128xi32, #tpu.memory_space<vmem>>, vector<1x16xi32>,
    %get3A_408 = arith.constant 1 : i32
    %get3A_409 = arith.index_cast %get3A_408 : i32 to index
    %get3A_410 = arith.constant 64 : index
    %get3A_411 = tpu.vector_load %arg9[%get3A_409, %get3A_410] {strides = array<i32>} : memref<2x128xi32, #tpu.memory_space<vmem>>, vector<1x16xi32>,
    %get3A_412 = vector.shape_cast %get3A_411 : vector<1x16xi32> to vector<16xi32>
    %add3A_413 = vector.broadcast %mul3A_0 : i32 to vector<16xi32>
    %add3A_414 = arith.addi %get3A_412, %add3A_413 : vector<16xi32>
    %swap3A_415 = arith.constant 1 : i32
    %swap3A_416 = arith.index_cast %swap3A_415 : i32 to index
    %swap3A_417 = arith.constant 64 : index
    %swap3A_418 = tpu.vector_load %arg9[%swap3A_416, %swap3A_417] {strides = array<i32>} : memref<2x128xi32, #tpu.memory_space<vmem>>, vector<1x16xi32>,
    %swap3A_419 = vector.shape_cast %swap3A_418 : vector<1x16xi32> to vector<16xi32>
    %swap3A_420 = vector.shape_cast %add3A_414 : vector<16xi32> to vector<1x16xi32>
    tpu.vector_store %arg9[%swap3A_416, %swap3A_417], %swap3A_420 {strides = array<i32>} : memref<2x128xi32, #tpu.memory_space<vmem>>, vector<1x16xi32>,
    %get3A_421 = arith.constant 1 : i32
    %get3A_422 = arith.index_cast %get3A_421 : i32 to index
    %get3A_423 = arith.constant 80 : index
    %get3A_424 = tpu.vector_load %arg9[%get3A_422, %get3A_423] {strides = array<i32>} : memref<2x128xi32, #tpu.memory_space<vmem>>, vector<1x16xi32>,
    %get3A_425 = vector.shape_cast %get3A_424 : vector<1x16xi32> to vector<16xi32>
    %add3A_426 = vector.broadcast %mul3A_0 : i32 to vector<16xi32>
    %add3A_427 = arith.addi %get3A_425, %add3A_426 : vector<16xi32>
    %swap3A_428 = arith.constant 1 : i32
    %swap3A_429 = arith.index_cast %swap3A_428 : i32 to index
    %swap3A_430 = arith.constant 80 : index
    %swap3A_431 = tpu.vector_load %arg9[%swap3A_429, %swap3A_430] {strides = array<i32>} : memref<2x128xi32, #tpu.memory_space<vmem>>, vector<1x16xi32>,
    %swap3A_432 = vector.shape_cast %swap3A_431 : vector<1x16xi32> to vector<16xi32>
    %swap3A_433 = vector.shape_cast %add3A_427 : vector<16xi32> to vector<1x16xi32>
    tpu.vector_store %arg9[%swap3A_429, %swap3A_430], %swap3A_433 {strides = array<i32>} : memref<2x128xi32, #tpu.memory_space<vmem>>, vector<1x16xi32>,
    %get3A_434 = arith.constant 1 : i32
    %get3A_435 = arith.index_cast %get3A_434 : i32 to index
    %get3A_436 = arith.constant 96 : index
    %get3A_437 = tpu.vector_load %arg9[%get3A_435, %get3A_436] {strides = array<i32>} : memref<2x128xi32, #tpu.memory_space<vmem>>, vector<1x16xi32>,
    %get3A_438 = vector.shape_cast %get3A_437 : vector<1x16xi32> to vector<16xi32>
    %add3A_439 = vector.broadcast %mul3A_0 : i32 to vector<16xi32>
    %add3A_440 = arith.addi %get3A_438, %add3A_439 : vector<16xi32>
    %swap3A_441 = arith.constant 1 : i32
    %swap3A_442 = arith.index_cast %swap3A_441 : i32 to index
    %swap3A_443 = arith.constant 96 : index
    %swap3A_444 = tpu.vector_load %arg9[%swap3A_442, %swap3A_443] {strides = array<i32>} : memref<2x128xi32, #tpu.memory_space<vmem>>, vector<1x16xi32>,
    %swap3A_445 = vector.shape_cast %swap3A_444 : vector<1x16xi32> to vector<16xi32>
    %swap3A_446 = vector.shape_cast %add3A_440 : vector<16xi32> to vector<1x16xi32>
    tpu.vector_store %arg9[%swap3A_442, %swap3A_443], %swap3A_446 {strides = array<i32>} : memref<2x128xi32, #tpu.memory_space<vmem>>, vector<1x16xi32>,
    %get3A_447 = arith.constant 1 : i32
    %get3A_448 = arith.index_cast %get3A_447 : i32 to index
    %get3A_449 = arith.constant 112 : index
    %get3A_450 = tpu.vector_load %arg9[%get3A_448, %get3A_449] {strides = array<i32>} : memref<2x128xi32, #tpu.memory_space<vmem>>, vector<1x16xi32>,
    %get3A_451 = vector.shape_cast %get3A_450 : vector<1x16xi32> to vector<16xi32>
    %add3A_452 = vector.broadcast %mul3A_0 : i32 to vector<16xi32>
    %add3A_453 = arith.addi %get3A_451, %add3A_452 : vector<16xi32>
    %swap3A_454 = arith.constant 1 : i32
    %swap3A_455 = arith.index_cast %swap3A_454 : i32 to index
    %swap3A_456 = arith.constant 112 : index
    %swap3A_457 = tpu.vector_load %arg9[%swap3A_455, %swap3A_456] {strides = array<i32>} : memref<2x128xi32, #tpu.memory_space<vmem>>, vector<1x16xi32>,
    %swap3A_458 = vector.shape_cast %swap3A_457 : vector<1x16xi32> to vector<16xi32>
    %swap3A_459 = vector.shape_cast %add3A_453 : vector<16xi32> to vector<1x16xi32>
    tpu.vector_store %arg9[%swap3A_455, %swap3A_456], %swap3A_459 {strides = array<i32>} : memref<2x128xi32, #tpu.memory_space<vmem>>, vector<1x16xi32>,
    %scan3A = arith.constant 0 : i32
    %scan3A_460 = arith.constant 0 : i32
    %scan3A_461 = arith.constant 39 : i32
    %scan3A_462 = arith.addi %scan3A_460, %scan3A_461 : i32
    %scan3A_463 = arith.constant 1 : i32
    scf.for %scan3A_559 = %scan3A_460 to %scan3A_462 step %scan3A_463  : i32 {
      %mul3A_560 = arith.constant 2 : i32
      %mul3A_561 = arith.muli %mul3A_560, %scan3A_559 : i32
      %dma_wait3A_562 = arith.constant 0 : i32
      %dma_wait3A_563 = arith.constant 0 : i32
      %dma_wait3A_564 = arith.constant 0 : i32
      %dma_wait3A_565 = arith.constant 0 : i32
      %dma_wait3A_566 = arith.constant 0 : i32
      %dma_wait3A_567 = tpu.memref_slice %arg11[%dma_wait3A_563, %dma_wait3A_565, %dma_wait3A_566] : memref<2x128x128xf32, #tpu.memory_space<vmem>> -> memref<1x128x128xf32, #tpu.memory_space<vmem>>
      %dma_wait3A_568 = tpu.memref_squeeze %dma_wait3A_567 : memref<1x128x128xf32, #tpu.memory_space<vmem>> -> memref<128x128xf32, #tpu.memory_space<vmem>>
      %dma_wait3A_569 = arith.constant 0 : i32
      %dma_wait3A_570 = tpu.memref_slice %arg7[%dma_wait3A_562, %dma_wait3A_569] : memref<2x128xi32, #tpu.memory_space<vmem>> -> memref<1x128xi32, #tpu.memory_space<vmem>>
      %dma_wait3A_571 = tpu.memref_squeeze %dma_wait3A_570 : memref<1x128xi32, #tpu.memory_space<vmem>> -> memref<128xi32, #tpu.memory_space<vmem>>
      %dma_wait3A_572 = arith.constant 0 : i32
      %dma_wait3A_573 = arith.constant 0 : i32
      %dma_wait3A_574 = tpu.memref_slice %arg2[%dma_wait3A_572, %dma_wait3A_573] : memref<20480x128xf32, #tpu.memory_space<hbm>> -> memref<20480x128xf32, #tpu.memory_space<hbm>>
      %dma_wait3A_575 = tpu.memref_slice %arg12[%dma_wait3A_564] : memref<2x!tpu.dma_semaphore, #tpu.memory_space<semaphore_mem>> -> memref<1x!tpu.dma_semaphore, #tpu.memory_space<semaphore_mem>>
      %dma_wait3A_576 = tpu.memref_squeeze %dma_wait3A_575 : memref<1x!tpu.dma_semaphore, #tpu.memory_space<semaphore_mem>> -> memref<!tpu.dma_semaphore, #tpu.memory_space<semaphore_mem>>
      tpu.wait_indirect_dma semaphore(%dma_wait3A_576 : memref<!tpu.dma_semaphore, #tpu.memory_space<semaphore_mem>>) src(%dma_wait3A_574 : memref<20480x128xf32, #tpu.memory_space<hbm>>) dst(%dma_wait3A_568 : memref<128x128xf32, #tpu.memory_space<vmem>>)
      %dma_wait3A_577 = arith.constant 1 : i32
      %dma_wait3A_578 = arith.constant 1 : i32
      %dma_wait3A_579 = arith.constant 1 : i32
      %dma_wait3A_580 = arith.constant 0 : i32
      %dma_wait3A_581 = arith.constant 0 : i32
      %dma_wait3A_582 = tpu.memref_slice %arg11[%dma_wait3A_578, %dma_wait3A_580, %dma_wait3A_581] : memref<2x128x128xf32, #tpu.memory_space<vmem>> -> memref<1x128x128xf32, #tpu.memory_space<vmem>>
      %dma_wait3A_583 = tpu.memref_squeeze %dma_wait3A_582 : memref<1x128x128xf32, #tpu.memory_space<vmem>> -> memref<128x128xf32, #tpu.memory_space<vmem>>
      %dma_wait3A_584 = arith.constant 0 : i32
      %dma_wait3A_585 = tpu.memref_slice %arg7[%dma_wait3A_577, %dma_wait3A_584] : memref<2x128xi32, #tpu.memory_space<vmem>> -> memref<1x128xi32, #tpu.memory_space<vmem>>
      %dma_wait3A_586 = tpu.memref_squeeze %dma_wait3A_585 : memref<1x128xi32, #tpu.memory_space<vmem>> -> memref<128xi32, #tpu.memory_space<vmem>>
      %dma_wait3A_587 = arith.constant 0 : i32
      %dma_wait3A_588 = arith.constant 0 : i32
      %dma_wait3A_589 = tpu.memref_slice %arg2[%dma_wait3A_587, %dma_wait3A_588] : memref<20480x128xf32, #tpu.memory_space<hbm>> -> memref<20480x128xf32, #tpu.memory_space<hbm>>
      %dma_wait3A_590 = tpu.memref_slice %arg12[%dma_wait3A_579] : memref<2x!tpu.dma_semaphore, #tpu.memory_space<semaphore_mem>> -> memref<1x!tpu.dma_semaphore, #tpu.memory_space<semaphore_mem>>
      %dma_wait3A_591 = tpu.memref_squeeze %dma_wait3A_590 : memref<1x!tpu.dma_semaphore, #tpu.memory_space<semaphore_mem>> -> memref<!tpu.dma_semaphore, #tpu.memory_space<semaphore_mem>>
      tpu.wait_indirect_dma semaphore(%dma_wait3A_591 : memref<!tpu.dma_semaphore, #tpu.memory_space<semaphore_mem>>) src(%dma_wait3A_589 : memref<20480x128xf32, #tpu.memory_space<hbm>>) dst(%dma_wait3A_583 : memref<128x128xf32, #tpu.memory_space<vmem>>)
      %dma_start3A_592 = arith.constant 0 : i32
      %dma_start3A_593 = arith.constant 0 : i32
      %dma_start3A_594 = arith.constant 0 : i32
      %dma_start3A_595 = arith.constant 0 : i32
      %dma_start3A_596 = arith.constant 0 : i32
      %dma_start3A_597 = tpu.memref_slice %arg11[%dma_start3A_593, %dma_start3A_595, %dma_start3A_596] : memref<2x128x128xf32, #tpu.memory_space<vmem>> -> memref<1x128x128xf32, #tpu.memory_space<vmem>>
      %dma_start3A_598 = tpu.memref_squeeze %dma_start3A_597 : memref<1x128x128xf32, #tpu.memory_space<vmem>> -> memref<128x128xf32, #tpu.memory_space<vmem>>
      %dma_start3A_599 = arith.constant 0 : i32
      %dma_start3A_600 = tpu.memref_slice %arg9[%dma_start3A_592, %dma_start3A_599] : memref<2x128xi32, #tpu.memory_space<vmem>> -> memref<1x128xi32, #tpu.memory_space<vmem>>
      %dma_start3A_601 = tpu.memref_squeeze %dma_start3A_600 : memref<1x128xi32, #tpu.memory_space<vmem>> -> memref<128xi32, #tpu.memory_space<vmem>>
      %dma_start3A_602 = arith.constant 0 : i32
      %dma_start3A_603 = arith.constant 0 : i32
      %dma_start3A_604 = tpu.memref_slice %arg2[%dma_start3A_602, %dma_start3A_603] : memref<20480x128xf32, #tpu.memory_space<hbm>> -> memref<20480x128xf32, #tpu.memory_space<hbm>>
      %dma_start3A_605 = tpu.memref_slice %arg12[%dma_start3A_594] : memref<2x!tpu.dma_semaphore, #tpu.memory_space<semaphore_mem>> -> memref<1x!tpu.dma_semaphore, #tpu.memory_space<semaphore_mem>>
      %dma_start3A_606 = tpu.memref_squeeze %dma_start3A_605 : memref<1x!tpu.dma_semaphore, #tpu.memory_space<semaphore_mem>> -> memref<!tpu.dma_semaphore, #tpu.memory_space<semaphore_mem>>
      tpu.enqueue_indirect_dma source(%dma_start3A_604 : memref<20480x128xf32, #tpu.memory_space<hbm>>) target(%dma_start3A_598 : memref<128x128xf32, #tpu.memory_space<vmem>>) offsets(%dma_start3A_601 : memref<128xi32, #tpu.memory_space<vmem>>) semaphore(%dma_start3A_606 : memref<!tpu.dma_semaphore, #tpu.memory_space<semaphore_mem>>)
      %dma_start3A_607 = arith.constant 1 : i32
      %dma_start3A_608 = arith.constant 1 : i32
      %dma_start3A_609 = arith.constant 1 : i32
      %dma_start3A_610 = arith.constant 0 : i32
      %dma_start3A_611 = arith.constant 0 : i32
      %dma_start3A_612 = tpu.memref_slice %arg11[%dma_start3A_608, %dma_start3A_610, %dma_start3A_611] : memref<2x128x128xf32, #tpu.memory_space<vmem>> -> memref<1x128x128xf32, #tpu.memory_space<vmem>>
      %dma_start3A_613 = tpu.memref_squeeze %dma_start3A_612 : memref<1x128x128xf32, #tpu.memory_space<vmem>> -> memref<128x128xf32, #tpu.memory_space<vmem>>
      %dma_start3A_614 = arith.constant 0 : i32
      %dma_start3A_615 = tpu.memref_slice %arg9[%dma_start3A_607, %dma_start3A_614] : memref<2x128xi32, #tpu.memory_space<vmem>> -> memref<1x128xi32, #tpu.memory_space<vmem>>
      %dma_start3A_616 = tpu.memref_squeeze %dma_start3A_615 : memref<1x128xi32, #tpu.memory_space<vmem>> -> memref<128xi32, #tpu.memory_space<vmem>>
      %dma_start3A_617 = arith.constant 0 : i32
      %dma_start3A_618 = arith.constant 0 : i32
      %dma_start3A_619 = tpu.memref_slice %arg2[%dma_start3A_617, %dma_start3A_618] : memref<20480x128xf32, #tpu.memory_space<hbm>> -> memref<20480x128xf32, #tpu.memory_space<hbm>>
      %dma_start3A_620 = tpu.memref_slice %arg12[%dma_start3A_609] : memref<2x!tpu.dma_semaphore, #tpu.memory_space<semaphore_mem>> -> memref<1x!tpu.dma_semaphore, #tpu.memory_space<semaphore_mem>>
      %dma_start3A_621 = tpu.memref_squeeze %dma_start3A_620 : memref<1x!tpu.dma_semaphore, #tpu.memory_space<semaphore_mem>> -> memref<!tpu.dma_semaphore, #tpu.memory_space<semaphore_mem>>
      tpu.enqueue_indirect_dma source(%dma_start3A_619 : memref<20480x128xf32, #tpu.memory_space<hbm>>) target(%dma_start3A_613 : memref<128x128xf32, #tpu.memory_space<vmem>>) offsets(%dma_start3A_616 : memref<128xi32, #tpu.memory_space<vmem>>) semaphore(%dma_start3A_621 : memref<!tpu.dma_semaphore, #tpu.memory_space<semaphore_mem>>)
      %add3A_622 = arith.constant 2 : i32
      %add3A_623 = arith.addi %mul3A_561, %add3A_622 : i32
      %mul3A_624 = arith.constant 80 : i32
      %mul3A_625 = arith.muli %arg1, %mul3A_624 : i32
      %mul3A_626 = arith.constant 2 : i32
      %mul3A_627 = arith.muli %mul3A_625, %mul3A_626 : i32
      %mul3A_628 = arith.constant 2 : i32
      %mul3A_629 = arith.muli %add3A_623, %mul3A_628 : i32
      %add3A_630 = arith.addi %mul3A_627, %mul3A_629 : i32
      "tpu.region"() ({
        %run_scoped3A = tpu.sem_alloc : memref<!tpu.dma_semaphore, #tpu.memory_space<semaphore_mem>>
        %dma_start3A_1120 = arith.constant 0 : i32
        %dma_start3A_1121 = tpu.memref_slice %arg3[%add3A_630, %dma_start3A_1120] : memref<2560x128xi32, #tpu.memory_space<hbm>> -> memref<2x128xi32, #tpu.memory_space<hbm>>
        %dma_start3A_1122 = arith.constant 0 : i32
        %dma_start3A_1123 = tpu.memref_slice %arg3[%add3A_630, %dma_start3A_1122] : memref<2560x128xi32, #tpu.memory_space<hbm>> -> memref<2x128xi32, #tpu.memory_space<hbm>>
        tpu.enqueue_dma source(%dma_start3A_1123 : memref<2x128xi32, #tpu.memory_space<hbm>>) target(%arg7 : memref<2x128xi32, #tpu.memory_space<vmem>>) target_semaphore(%run_scoped3A : memref<!tpu.dma_semaphore, #tpu.memory_space<semaphore_mem>>)
        %dma_wait3A_1124 = arith.constant 0 : i32
        %dma_wait3A_1125 = tpu.memref_slice %arg3[%add3A_630, %dma_wait3A_1124] : memref<2560x128xi32, #tpu.memory_space<hbm>> -> memref<2x128xi32, #tpu.memory_space<hbm>>
        %dma_wait3A_1126 = arith.constant 0 : i32
        %dma_wait3A_1127 = tpu.memref_slice %arg3[%add3A_630, %dma_wait3A_1126] : memref<2560x128xi32, #tpu.memory_space<hbm>> -> memref<2x128xi32, #tpu.memory_space<hbm>>
        tpu.wait_dma2 semaphore(%run_scoped3A : memref<!tpu.dma_semaphore, #tpu.memory_space<semaphore_mem>>) src(%dma_wait3A_1127 : memref<2x128xi32, #tpu.memory_space<hbm>>) dst(%arg7 : memref<2x128xi32, #tpu.memory_space<vmem>>)
        tpu.yield
      }) : () -> ()
      "tpu.region"() ({
        %run_scoped3A = tpu.sem_alloc : memref<!tpu.dma_semaphore, #tpu.memory_space<semaphore_mem>>
        %dma_start3A_1120 = arith.constant 0 : i32
        %dma_start3A_1121 = tpu.memref_slice %arg4[%add3A_630, %dma_start3A_1120] : memref<2560x128xi32, #tpu.memory_space<hbm>> -> memref<2x128xi32, #tpu.memory_space<hbm>>
        %dma_start3A_1122 = arith.constant 0 : i32
        %dma_start3A_1123 = tpu.memref_slice %arg4[%add3A_630, %dma_start3A_1122] : memref<2560x128xi32, #tpu.memory_space<hbm>> -> memref<2x128xi32, #tpu.memory_space<hbm>>
        tpu.enqueue_dma source(%dma_start3A_1123 : memref<2x128xi32, #tpu.memory_space<hbm>>) target(%arg8 : memref<2x128xi32, #tpu.memory_space<vmem>>) target_semaphore(%run_scoped3A : memref<!tpu.dma_semaphore, #tpu.memory_space<semaphore_mem>>)
        %dma_wait3A_1124 = arith.constant 0 : i32
        %dma_wait3A_1125 = tpu.memref_slice %arg4[%add3A_630, %dma_wait3A_1124] : memref<2560x128xi32, #tpu.memory_space<hbm>> -> memref<2x128xi32, #tpu.memory_space<hbm>>
        %dma_wait3A_1126 = arith.constant 0 : i32
        %dma_wait3A_1127 = tpu.memref_slice %arg4[%add3A_630, %dma_wait3A_1126] : memref<2560x128xi32, #tpu.memory_space<hbm>> -> memref<2x128xi32, #tpu.memory_space<hbm>>
        tpu.wait_dma2 semaphore(%run_scoped3A : memref<!tpu.dma_semaphore, #tpu.memory_space<semaphore_mem>>) src(%dma_wait3A_1127 : memref<2x128xi32, #tpu.memory_space<hbm>>) dst(%arg8 : memref<2x128xi32, #tpu.memory_space<vmem>>)
        tpu.yield
      }) : () -> ()
      %get3A_631 = arith.constant 0 : i32
      %get3A_632 = arith.index_cast %get3A_631 : i32 to index
      %get3A_633 = arith.constant 0 : index
      %get3A_634 = tpu.vector_load %arg7[%get3A_632, %get3A_633] {strides = array<i32>} : memref<2x128xi32, #tpu.memory_space<vmem>>, vector<1x16xi32>,
      %get3A_635 = vector.shape_cast %get3A_634 : vector<1x16xi32> to vector<16xi32>
      %add3A_636 = vector.broadcast %mul3A_0 : i32 to vector<16xi32>
      %add3A_637 = arith.addi %get3A_635, %add3A_636 : vector<16xi32>
      %swap3A_638 = arith.constant 0 : i32
      %swap3A_639 = arith.index_cast %swap3A_638 : i32 to index
      %swap3A_640 = arith.constant 0 : index
      %swap3A_641 = tpu.vector_load %arg7[%swap3A_639, %swap3A_640] {strides = array<i32>} : memref<2x128xi32, #tpu.memory_space<vmem>>, vector<1x16xi32>,
      %swap3A_642 = vector.shape_cast %swap3A_641 : vector<1x16xi32> to vector<16xi32>
      %swap3A_643 = vector.shape_cast %add3A_637 : vector<16xi32> to vector<1x16xi32>
      tpu.vector_store %arg7[%swap3A_639, %swap3A_640], %swap3A_643 {strides = array<i32>} : memref<2x128xi32, #tpu.memory_space<vmem>>, vector<1x16xi32>,
      %get3A_644 = arith.constant 0 : i32
      %get3A_645 = arith.index_cast %get3A_644 : i32 to index
      %get3A_646 = arith.constant 16 : index
      %get3A_647 = tpu.vector_load %arg7[%get3A_645, %get3A_646] {strides = array<i32>} : memref<2x128xi32, #tpu.memory_space<vmem>>, vector<1x16xi32>,
      %get3A_648 = vector.shape_cast %get3A_647 : vector<1x16xi32> to vector<16xi32>
      %add3A_649 = vector.broadcast %mul3A_0 : i32 to vector<16xi32>
      %add3A_650 = arith.addi %get3A_648, %add3A_649 : vector<16xi32>
      %swap3A_651 = arith.constant 0 : i32
      %swap3A_652 = arith.index_cast %swap3A_651 : i32 to index
      %swap3A_653 = arith.constant 16 : index
      %swap3A_654 = tpu.vector_load %arg7[%swap3A_652, %swap3A_653] {strides = array<i32>} : memref<2x128xi32, #tpu.memory_space<vmem>>, vector<1x16xi32>,
      %swap3A_655 = vector.shape_cast %swap3A_654 : vector<1x16xi32> to vector<16xi32>
      %swap3A_656 = vector.shape_cast %add3A_650 : vector<16xi32> to vector<1x16xi32>
      tpu.vector_store %arg7[%swap3A_652, %swap3A_653], %swap3A_656 {strides = array<i32>} : memref<2x128xi32, #tpu.memory_space<vmem>>, vector<1x16xi32>,
      %get3A_657 = arith.constant 0 : i32
      %get3A_658 = arith.index_cast %get3A_657 : i32 to index
      %get3A_659 = arith.constant 32 : index
      %get3A_660 = tpu.vector_load %arg7[%get3A_658, %get3A_659] {strides = array<i32>} : memref<2x128xi32, #tpu.memory_space<vmem>>, vector<1x16xi32>,
      %get3A_661 = vector.shape_cast %get3A_660 : vector<1x16xi32> to vector<16xi32>
      %add3A_662 = vector.broadcast %mul3A_0 : i32 to vector<16xi32>
      %add3A_663 = arith.addi %get3A_661, %add3A_662 : vector<16xi32>
      %swap3A_664 = arith.constant 0 : i32
      %swap3A_665 = arith.index_cast %swap3A_664 : i32 to index
      %swap3A_666 = arith.constant 32 : index
      %swap3A_667 = tpu.vector_load %arg7[%swap3A_665, %swap3A_666] {strides = array<i32>} : memref<2x128xi32, #tpu.memory_space<vmem>>, vector<1x16xi32>,
      %swap3A_668 = vector.shape_cast %swap3A_667 : vector<1x16xi32> to vector<16xi32>
      %swap3A_669 = vector.shape_cast %add3A_663 : vector<16xi32> to vector<1x16xi32>
      tpu.vector_store %arg7[%swap3A_665, %swap3A_666], %swap3A_669 {strides = array<i32>} : memref<2x128xi32, #tpu.memory_space<vmem>>, vector<1x16xi32>,
      %get3A_670 = arith.constant 0 : i32
      %get3A_671 = arith.index_cast %get3A_670 : i32 to index
      %get3A_672 = arith.constant 48 : index
      %get3A_673 = tpu.vector_load %arg7[%get3A_671, %get3A_672] {strides = array<i32>} : memref<2x128xi32, #tpu.memory_space<vmem>>, vector<1x16xi32>,
      %get3A_674 = vector.shape_cast %get3A_673 : vector<1x16xi32> to vector<16xi32>
      %add3A_675 = vector.broadcast %mul3A_0 : i32 to vector<16xi32>
      %add3A_676 = arith.addi %get3A_674, %add3A_675 : vector<16xi32>
      %swap3A_677 = arith.constant 0 : i32
      %swap3A_678 = arith.index_cast %swap3A_677 : i32 to index
      %swap3A_679 = arith.constant 48 : index
      %swap3A_680 = tpu.vector_load %arg7[%swap3A_678, %swap3A_679] {strides = array<i32>} : memref<2x128xi32, #tpu.memory_space<vmem>>, vector<1x16xi32>,
      %swap3A_681 = vector.shape_cast %swap3A_680 : vector<1x16xi32> to vector<16xi32>
      %swap3A_682 = vector.shape_cast %add3A_676 : vector<16xi32> to vector<1x16xi32>
      tpu.vector_store %arg7[%swap3A_678, %swap3A_679], %swap3A_682 {strides = array<i32>} : memref<2x128xi32, #tpu.memory_space<vmem>>, vector<1x16xi32>,
      %get3A_683 = arith.constant 0 : i32
      %get3A_684 = arith.index_cast %get3A_683 : i32 to index
      %get3A_685 = arith.constant 64 : index
      %get3A_686 = tpu.vector_load %arg7[%get3A_684, %get3A_685] {strides = array<i32>} : memref<2x128xi32, #tpu.memory_space<vmem>>, vector<1x16xi32>,
      %get3A_687 = vector.shape_cast %get3A_686 : vector<1x16xi32> to vector<16xi32>
      %add3A_688 = vector.broadcast %mul3A_0 : i32 to vector<16xi32>
      %add3A_689 = arith.addi %get3A_687, %add3A_688 : vector<16xi32>
      %swap3A_690 = arith.constant 0 : i32
      %swap3A_691 = arith.index_cast %swap3A_690 : i32 to index
      %swap3A_692 = arith.constant 64 : index
      %swap3A_693 = tpu.vector_load %arg7[%swap3A_691, %swap3A_692] {strides = array<i32>} : memref<2x128xi32, #tpu.memory_space<vmem>>, vector<1x16xi32>,
      %swap3A_694 = vector.shape_cast %swap3A_693 : vector<1x16xi32> to vector<16xi32>
      %swap3A_695 = vector.shape_cast %add3A_689 : vector<16xi32> to vector<1x16xi32>
      tpu.vector_store %arg7[%swap3A_691, %swap3A_692], %swap3A_695 {strides = array<i32>} : memref<2x128xi32, #tpu.memory_space<vmem>>, vector<1x16xi32>,
      %get3A_696 = arith.constant 0 : i32
      %get3A_697 = arith.index_cast %get3A_696 : i32 to index
      %get3A_698 = arith.constant 80 : index
      %get3A_699 = tpu.vector_load %arg7[%get3A_697, %get3A_698] {strides = array<i32>} : memref<2x128xi32, #tpu.memory_space<vmem>>, vector<1x16xi32>,
      %get3A_700 = vector.shape_cast %get3A_699 : vector<1x16xi32> to vector<16xi32>
      %add3A_701 = vector.broadcast %mul3A_0 : i32 to vector<16xi32>
      %add3A_702 = arith.addi %get3A_700, %add3A_701 : vector<16xi32>
      %swap3A_703 = arith.constant 0 : i32
      %swap3A_704 = arith.index_cast %swap3A_703 : i32 to index
      %swap3A_705 = arith.constant 80 : index
      %swap3A_706 = tpu.vector_load %arg7[%swap3A_704, %swap3A_705] {strides = array<i32>} : memref<2x128xi32, #tpu.memory_space<vmem>>, vector<1x16xi32>,
      %swap3A_707 = vector.shape_cast %swap3A_706 : vector<1x16xi32> to vector<16xi32>
      %swap3A_708 = vector.shape_cast %add3A_702 : vector<16xi32> to vector<1x16xi32>
      tpu.vector_store %arg7[%swap3A_704, %swap3A_705], %swap3A_708 {strides = array<i32>} : memref<2x128xi32, #tpu.memory_space<vmem>>, vector<1x16xi32>,
      %get3A_709 = arith.constant 0 : i32
      %get3A_710 = arith.index_cast %get3A_709 : i32 to index
      %get3A_711 = arith.constant 96 : index
      %get3A_712 = tpu.vector_load %arg7[%get3A_710, %get3A_711] {strides = array<i32>} : memref<2x128xi32, #tpu.memory_space<vmem>>, vector<1x16xi32>,
      %get3A_713 = vector.shape_cast %get3A_712 : vector<1x16xi32> to vector<16xi32>
      %add3A_714 = vector.broadcast %mul3A_0 : i32 to vector<16xi32>
      %add3A_715 = arith.addi %get3A_713, %add3A_714 : vector<16xi32>
      %swap3A_716 = arith.constant 0 : i32
      %swap3A_717 = arith.index_cast %swap3A_716 : i32 to index
      %swap3A_718 = arith.constant 96 : index
      %swap3A_719 = tpu.vector_load %arg7[%swap3A_717, %swap3A_718] {strides = array<i32>} : memref<2x128xi32, #tpu.memory_space<vmem>>, vector<1x16xi32>,
      %swap3A_720 = vector.shape_cast %swap3A_719 : vector<1x16xi32> to vector<16xi32>
      %swap3A_721 = vector.shape_cast %add3A_715 : vector<16xi32> to vector<1x16xi32>
      tpu.vector_store %arg7[%swap3A_717, %swap3A_718], %swap3A_721 {strides = array<i32>} : memref<2x128xi32, #tpu.memory_space<vmem>>, vector<1x16xi32>,
      %get3A_722 = arith.constant 0 : i32
      %get3A_723 = arith.index_cast %get3A_722 : i32 to index
      %get3A_724 = arith.constant 112 : index
      %get3A_725 = tpu.vector_load %arg7[%get3A_723, %get3A_724] {strides = array<i32>} : memref<2x128xi32, #tpu.memory_space<vmem>>, vector<1x16xi32>,
      %get3A_726 = vector.shape_cast %get3A_725 : vector<1x16xi32> to vector<16xi32>
      %add3A_727 = vector.broadcast %mul3A_0 : i32 to vector<16xi32>
      %add3A_728 = arith.addi %get3A_726, %add3A_727 : vector<16xi32>
      %swap3A_729 = arith.constant 0 : i32
      %swap3A_730 = arith.index_cast %swap3A_729 : i32 to index
      %swap3A_731 = arith.constant 112 : index
      %swap3A_732 = tpu.vector_load %arg7[%swap3A_730, %swap3A_731] {strides = array<i32>} : memref<2x128xi32, #tpu.memory_space<vmem>>, vector<1x16xi32>,
      %swap3A_733 = vector.shape_cast %swap3A_732 : vector<1x16xi32> to vector<16xi32>
      %swap3A_734 = vector.shape_cast %add3A_728 : vector<16xi32> to vector<1x16xi32>
      tpu.vector_store %arg7[%swap3A_730, %swap3A_731], %swap3A_734 {strides = array<i32>} : memref<2x128xi32, #tpu.memory_space<vmem>>, vector<1x16xi32>,
      %get3A_735 = arith.constant 1 : i32
      %get3A_736 = arith.index_cast %get3A_735 : i32 to index
      %get3A_737 = arith.constant 0 : index
      %get3A_738 = tpu.vector_load %arg7[%get3A_736, %get3A_737] {strides = array<i32>} : memref<2x128xi32, #tpu.memory_space<vmem>>, vector<1x16xi32>,
      %get3A_739 = vector.shape_cast %get3A_738 : vector<1x16xi32> to vector<16xi32>
      %add3A_740 = vector.broadcast %mul3A_0 : i32 to vector<16xi32>
      %add3A_741 = arith.addi %get3A_739, %add3A_740 : vector<16xi32>
      %swap3A_742 = arith.constant 1 : i32
      %swap3A_743 = arith.index_cast %swap3A_742 : i32 to index
      %swap3A_744 = arith.constant 0 : index
      %swap3A_745 = tpu.vector_load %arg7[%swap3A_743, %swap3A_744] {strides = array<i32>} : memref<2x128xi32, #tpu.memory_space<vmem>>, vector<1x16xi32>,
      %swap3A_746 = vector.shape_cast %swap3A_745 : vector<1x16xi32> to vector<16xi32>
      %swap3A_747 = vector.shape_cast %add3A_741 : vector<16xi32> to vector<1x16xi32>
      tpu.vector_store %arg7[%swap3A_743, %swap3A_744], %swap3A_747 {strides = array<i32>} : memref<2x128xi32, #tpu.memory_space<vmem>>, vector<1x16xi32>,
      %get3A_748 = arith.constant 1 : i32
      %get3A_749 = arith.index_cast %get3A_748 : i32 to index
      %get3A_750 = arith.constant 16 : index
      %get3A_751 = tpu.vector_load %arg7[%get3A_749, %get3A_750] {strides = array<i32>} : memref<2x128xi32, #tpu.memory_space<vmem>>, vector<1x16xi32>,
      %get3A_752 = vector.shape_cast %get3A_751 : vector<1x16xi32> to vector<16xi32>
      %add3A_753 = vector.broadcast %mul3A_0 : i32 to vector<16xi32>
      %add3A_754 = arith.addi %get3A_752, %add3A_753 : vector<16xi32>
      %swap3A_755 = arith.constant 1 : i32
      %swap3A_756 = arith.index_cast %swap3A_755 : i32 to index
      %swap3A_757 = arith.constant 16 : index
      %swap3A_758 = tpu.vector_load %arg7[%swap3A_756, %swap3A_757] {strides = array<i32>} : memref<2x128xi32, #tpu.memory_space<vmem>>, vector<1x16xi32>,
      %swap3A_759 = vector.shape_cast %swap3A_758 : vector<1x16xi32> to vector<16xi32>
      %swap3A_760 = vector.shape_cast %add3A_754 : vector<16xi32> to vector<1x16xi32>
      tpu.vector_store %arg7[%swap3A_756, %swap3A_757], %swap3A_760 {strides = array<i32>} : memref<2x128xi32, #tpu.memory_space<vmem>>, vector<1x16xi32>,
      %get3A_761 = arith.constant 1 : i32
      %get3A_762 = arith.index_cast %get3A_761 : i32 to index
      %get3A_763 = arith.constant 32 : index
      %get3A_764 = tpu.vector_load %arg7[%get3A_762, %get3A_763] {strides = array<i32>} : memref<2x128xi32, #tpu.memory_space<vmem>>, vector<1x16xi32>,
      %get3A_765 = vector.shape_cast %get3A_764 : vector<1x16xi32> to vector<16xi32>
      %add3A_766 = vector.broadcast %mul3A_0 : i32 to vector<16xi32>
      %add3A_767 = arith.addi %get3A_765, %add3A_766 : vector<16xi32>
      %swap3A_768 = arith.constant 1 : i32
      %swap3A_769 = arith.index_cast %swap3A_768 : i32 to index
      %swap3A_770 = arith.constant 32 : index
      %swap3A_771 = tpu.vector_load %arg7[%swap3A_769, %swap3A_770] {strides = array<i32>} : memref<2x128xi32, #tpu.memory_space<vmem>>, vector<1x16xi32>,
      %swap3A_772 = vector.shape_cast %swap3A_771 : vector<1x16xi32> to vector<16xi32>
      %swap3A_773 = vector.shape_cast %add3A_767 : vector<16xi32> to vector<1x16xi32>
      tpu.vector_store %arg7[%swap3A_769, %swap3A_770], %swap3A_773 {strides = array<i32>} : memref<2x128xi32, #tpu.memory_space<vmem>>, vector<1x16xi32>,
      %get3A_774 = arith.constant 1 : i32
      %get3A_775 = arith.index_cast %get3A_774 : i32 to index
      %get3A_776 = arith.constant 48 : index
      %get3A_777 = tpu.vector_load %arg7[%get3A_775, %get3A_776] {strides = array<i32>} : memref<2x128xi32, #tpu.memory_space<vmem>>, vector<1x16xi32>,
      %get3A_778 = vector.shape_cast %get3A_777 : vector<1x16xi32> to vector<16xi32>
      %add3A_779 = vector.broadcast %mul3A_0 : i32 to vector<16xi32>
      %add3A_780 = arith.addi %get3A_778, %add3A_779 : vector<16xi32>
      %swap3A_781 = arith.constant 1 : i32
      %swap3A_782 = arith.index_cast %swap3A_781 : i32 to index
      %swap3A_783 = arith.constant 48 : index
      %swap3A_784 = tpu.vector_load %arg7[%swap3A_782, %swap3A_783] {strides = array<i32>} : memref<2x128xi32, #tpu.memory_space<vmem>>, vector<1x16xi32>,
      %swap3A_785 = vector.shape_cast %swap3A_784 : vector<1x16xi32> to vector<16xi32>
      %swap3A_786 = vector.shape_cast %add3A_780 : vector<16xi32> to vector<1x16xi32>
      tpu.vector_store %arg7[%swap3A_782, %swap3A_783], %swap3A_786 {strides = array<i32>} : memref<2x128xi32, #tpu.memory_space<vmem>>, vector<1x16xi32>,
      %get3A_787 = arith.constant 1 : i32
      %get3A_788 = arith.index_cast %get3A_787 : i32 to index
      %get3A_789 = arith.constant 64 : index
      %get3A_790 = tpu.vector_load %arg7[%get3A_788, %get3A_789] {strides = array<i32>} : memref<2x128xi32, #tpu.memory_space<vmem>>, vector<1x16xi32>,
      %get3A_791 = vector.shape_cast %get3A_790 : vector<1x16xi32> to vector<16xi32>
      %add3A_792 = vector.broadcast %mul3A_0 : i32 to vector<16xi32>
      %add3A_793 = arith.addi %get3A_791, %add3A_792 : vector<16xi32>
      %swap3A_794 = arith.constant 1 : i32
      %swap3A_795 = arith.index_cast %swap3A_794 : i32 to index
      %swap3A_796 = arith.constant 64 : index
      %swap3A_797 = tpu.vector_load %arg7[%swap3A_795, %swap3A_796] {strides = array<i32>} : memref<2x128xi32, #tpu.memory_space<vmem>>, vector<1x16xi32>,
      %swap3A_798 = vector.shape_cast %swap3A_797 : vector<1x16xi32> to vector<16xi32>
      %swap3A_799 = vector.shape_cast %add3A_793 : vector<16xi32> to vector<1x16xi32>
      tpu.vector_store %arg7[%swap3A_795, %swap3A_796], %swap3A_799 {strides = array<i32>} : memref<2x128xi32, #tpu.memory_space<vmem>>, vector<1x16xi32>,
      %get3A_800 = arith.constant 1 : i32
      %get3A_801 = arith.index_cast %get3A_800 : i32 to index
      %get3A_802 = arith.constant 80 : index
      %get3A_803 = tpu.vector_load %arg7[%get3A_801, %get3A_802] {strides = array<i32>} : memref<2x128xi32, #tpu.memory_space<vmem>>, vector<1x16xi32>,
      %get3A_804 = vector.shape_cast %get3A_803 : vector<1x16xi32> to vector<16xi32>
      %add3A_805 = vector.broadcast %mul3A_0 : i32 to vector<16xi32>
      %add3A_806 = arith.addi %get3A_804, %add3A_805 : vector<16xi32>
      %swap3A_807 = arith.constant 1 : i32
      %swap3A_808 = arith.index_cast %swap3A_807 : i32 to index
      %swap3A_809 = arith.constant 80 : index
      %swap3A_810 = tpu.vector_load %arg7[%swap3A_808, %swap3A_809] {strides = array<i32>} : memref<2x128xi32, #tpu.memory_space<vmem>>, vector<1x16xi32>,
      %swap3A_811 = vector.shape_cast %swap3A_810 : vector<1x16xi32> to vector<16xi32>
      %swap3A_812 = vector.shape_cast %add3A_806 : vector<16xi32> to vector<1x16xi32>
      tpu.vector_store %arg7[%swap3A_808, %swap3A_809], %swap3A_812 {strides = array<i32>} : memref<2x128xi32, #tpu.memory_space<vmem>>, vector<1x16xi32>,
      %get3A_813 = arith.constant 1 : i32
      %get3A_814 = arith.index_cast %get3A_813 : i32 to index
      %get3A_815 = arith.constant 96 : index
      %get3A_816 = tpu.vector_load %arg7[%get3A_814, %get3A_815] {strides = array<i32>} : memref<2x128xi32, #tpu.memory_space<vmem>>, vector<1x16xi32>,
      %get3A_817 = vector.shape_cast %get3A_816 : vector<1x16xi32> to vector<16xi32>
      %add3A_818 = vector.broadcast %mul3A_0 : i32 to vector<16xi32>
      %add3A_819 = arith.addi %get3A_817, %add3A_818 : vector<16xi32>
      %swap3A_820 = arith.constant 1 : i32
      %swap3A_821 = arith.index_cast %swap3A_820 : i32 to index
      %swap3A_822 = arith.constant 96 : index
      %swap3A_823 = tpu.vector_load %arg7[%swap3A_821, %swap3A_822] {strides = array<i32>} : memref<2x128xi32, #tpu.memory_space<vmem>>, vector<1x16xi32>,
      %swap3A_824 = vector.shape_cast %swap3A_823 : vector<1x16xi32> to vector<16xi32>
      %swap3A_825 = vector.shape_cast %add3A_819 : vector<16xi32> to vector<1x16xi32>
      tpu.vector_store %arg7[%swap3A_821, %swap3A_822], %swap3A_825 {strides = array<i32>} : memref<2x128xi32, #tpu.memory_space<vmem>>, vector<1x16xi32>,
      %get3A_826 = arith.constant 1 : i32
      %get3A_827 = arith.index_cast %get3A_826 : i32 to index
      %get3A_828 = arith.constant 112 : index
      %get3A_829 = tpu.vector_load %arg7[%get3A_827, %get3A_828] {strides = array<i32>} : memref<2x128xi32, #tpu.memory_space<vmem>>, vector<1x16xi32>,
      %get3A_830 = vector.shape_cast %get3A_829 : vector<1x16xi32> to vector<16xi32>
      %add3A_831 = vector.broadcast %mul3A_0 : i32 to vector<16xi32>
      %add3A_832 = arith.addi %get3A_830, %add3A_831 : vector<16xi32>
      %swap3A_833 = arith.constant 1 : i32
      %swap3A_834 = arith.index_cast %swap3A_833 : i32 to index
      %swap3A_835 = arith.constant 112 : index
      %swap3A_836 = tpu.vector_load %arg7[%swap3A_834, %swap3A_835] {strides = array<i32>} : memref<2x128xi32, #tpu.memory_space<vmem>>, vector<1x16xi32>,
      %swap3A_837 = vector.shape_cast %swap3A_836 : vector<1x16xi32> to vector<16xi32>
      %swap3A_838 = vector.shape_cast %add3A_832 : vector<16xi32> to vector<1x16xi32>
      tpu.vector_store %arg7[%swap3A_834, %swap3A_835], %swap3A_838 {strides = array<i32>} : memref<2x128xi32, #tpu.memory_space<vmem>>, vector<1x16xi32>,
      %mul3A_839 = arith.constant 2 : i32
      %mul3A_840 = arith.muli %mul3A_839, %scan3A_559 : i32
      %add3A_841 = arith.constant 1 : i32
      %add3A_842 = arith.addi %mul3A_840, %add3A_841 : i32
      %dma_wait3A_843 = arith.constant 0 : i32
      %dma_wait3A_844 = arith.constant 0 : i32
      %dma_wait3A_845 = arith.constant 0 : i32
      %dma_wait3A_846 = arith.constant 0 : i32
      %dma_wait3A_847 = arith.constant 0 : i32
      %dma_wait3A_848 = tpu.memref_slice %arg11[%dma_wait3A_844, %dma_wait3A_846, %dma_wait3A_847] : memref<2x128x128xf32, #tpu.memory_space<vmem>> -> memref<1x128x128xf32, #tpu.memory_space<vmem>>
      %dma_wait3A_849 = tpu.memref_squeeze %dma_wait3A_848 : memref<1x128x128xf32, #tpu.memory_space<vmem>> -> memref<128x128xf32, #tpu.memory_space<vmem>>
      %dma_wait3A_850 = arith.constant 0 : i32
      %dma_wait3A_851 = tpu.memref_slice %arg9[%dma_wait3A_843, %dma_wait3A_850] : memref<2x128xi32, #tpu.memory_space<vmem>> -> memref<1x128xi32, #tpu.memory_space<vmem>>
      %dma_wait3A_852 = tpu.memref_squeeze %dma_wait3A_851 : memref<1x128xi32, #tpu.memory_space<vmem>> -> memref<128xi32, #tpu.memory_space<vmem>>
      %dma_wait3A_853 = arith.constant 0 : i32
      %dma_wait3A_854 = arith.constant 0 : i32
      %dma_wait3A_855 = tpu.memref_slice %arg2[%dma_wait3A_853, %dma_wait3A_854] : memref<20480x128xf32, #tpu.memory_space<hbm>> -> memref<20480x128xf32, #tpu.memory_space<hbm>>
      %dma_wait3A_856 = tpu.memref_slice %arg12[%dma_wait3A_845] : memref<2x!tpu.dma_semaphore, #tpu.memory_space<semaphore_mem>> -> memref<1x!tpu.dma_semaphore, #tpu.memory_space<semaphore_mem>>
      %dma_wait3A_857 = tpu.memref_squeeze %dma_wait3A_856 : memref<1x!tpu.dma_semaphore, #tpu.memory_space<semaphore_mem>> -> memref<!tpu.dma_semaphore, #tpu.memory_space<semaphore_mem>>
      tpu.wait_indirect_dma semaphore(%dma_wait3A_857 : memref<!tpu.dma_semaphore, #tpu.memory_space<semaphore_mem>>) src(%dma_wait3A_855 : memref<20480x128xf32, #tpu.memory_space<hbm>>) dst(%dma_wait3A_849 : memref<128x128xf32, #tpu.memory_space<vmem>>)
      %dma_wait3A_858 = arith.constant 1 : i32
      %dma_wait3A_859 = arith.constant 1 : i32
      %dma_wait3A_860 = arith.constant 1 : i32
      %dma_wait3A_861 = arith.constant 0 : i32
      %dma_wait3A_862 = arith.constant 0 : i32
      %dma_wait3A_863 = tpu.memref_slice %arg11[%dma_wait3A_859, %dma_wait3A_861, %dma_wait3A_862] : memref<2x128x128xf32, #tpu.memory_space<vmem>> -> memref<1x128x128xf32, #tpu.memory_space<vmem>>
      %dma_wait3A_864 = tpu.memref_squeeze %dma_wait3A_863 : memref<1x128x128xf32, #tpu.memory_space<vmem>> -> memref<128x128xf32, #tpu.memory_space<vmem>>
      %dma_wait3A_865 = arith.constant 0 : i32
      %dma_wait3A_866 = tpu.memref_slice %arg9[%dma_wait3A_858, %dma_wait3A_865] : memref<2x128xi32, #tpu.memory_space<vmem>> -> memref<1x128xi32, #tpu.memory_space<vmem>>
      %dma_wait3A_867 = tpu.memref_squeeze %dma_wait3A_866 : memref<1x128xi32, #tpu.memory_space<vmem>> -> memref<128xi32, #tpu.memory_space<vmem>>
      %dma_wait3A_868 = arith.constant 0 : i32
      %dma_wait3A_869 = arith.constant 0 : i32
      %dma_wait3A_870 = tpu.memref_slice %arg2[%dma_wait3A_868, %dma_wait3A_869] : memref<20480x128xf32, #tpu.memory_space<hbm>> -> memref<20480x128xf32, #tpu.memory_space<hbm>>
      %dma_wait3A_871 = tpu.memref_slice %arg12[%dma_wait3A_860] : memref<2x!tpu.dma_semaphore, #tpu.memory_space<semaphore_mem>> -> memref<1x!tpu.dma_semaphore, #tpu.memory_space<semaphore_mem>>
      %dma_wait3A_872 = tpu.memref_squeeze %dma_wait3A_871 : memref<1x!tpu.dma_semaphore, #tpu.memory_space<semaphore_mem>> -> memref<!tpu.dma_semaphore, #tpu.memory_space<semaphore_mem>>
      tpu.wait_indirect_dma semaphore(%dma_wait3A_872 : memref<!tpu.dma_semaphore, #tpu.memory_space<semaphore_mem>>) src(%dma_wait3A_870 : memref<20480x128xf32, #tpu.memory_space<hbm>>) dst(%dma_wait3A_864 : memref<128x128xf32, #tpu.memory_space<vmem>>)
      %dma_start3A_873 = arith.constant 0 : i32
      %dma_start3A_874 = arith.constant 0 : i32
      %dma_start3A_875 = arith.constant 0 : i32
      %dma_start3A_876 = arith.constant 0 : i32
      %dma_start3A_877 = arith.constant 0 : i32
      %dma_start3A_878 = tpu.memref_slice %arg11[%dma_start3A_874, %dma_start3A_876, %dma_start3A_877] : memref<2x128x128xf32, #tpu.memory_space<vmem>> -> memref<1x128x128xf32, #tpu.memory_space<vmem>>
      %dma_start3A_879 = tpu.memref_squeeze %dma_start3A_878 : memref<1x128x128xf32, #tpu.memory_space<vmem>> -> memref<128x128xf32, #tpu.memory_space<vmem>>
      %dma_start3A_880 = arith.constant 0 : i32
      %dma_start3A_881 = tpu.memref_slice %arg7[%dma_start3A_873, %dma_start3A_880] : memref<2x128xi32, #tpu.memory_space<vmem>> -> memref<1x128xi32, #tpu.memory_space<vmem>>
      %dma_start3A_882 = tpu.memref_squeeze %dma_start3A_881 : memref<1x128xi32, #tpu.memory_space<vmem>> -> memref<128xi32, #tpu.memory_space<vmem>>
      %dma_start3A_883 = arith.constant 0 : i32
      %dma_start3A_884 = arith.constant 0 : i32
      %dma_start3A_885 = tpu.memref_slice %arg2[%dma_start3A_883, %dma_start3A_884] : memref<20480x128xf32, #tpu.memory_space<hbm>> -> memref<20480x128xf32, #tpu.memory_space<hbm>>
      %dma_start3A_886 = tpu.memref_slice %arg12[%dma_start3A_875] : memref<2x!tpu.dma_semaphore, #tpu.memory_space<semaphore_mem>> -> memref<1x!tpu.dma_semaphore, #tpu.memory_space<semaphore_mem>>
      %dma_start3A_887 = tpu.memref_squeeze %dma_start3A_886 : memref<1x!tpu.dma_semaphore, #tpu.memory_space<semaphore_mem>> -> memref<!tpu.dma_semaphore, #tpu.memory_space<semaphore_mem>>
      tpu.enqueue_indirect_dma source(%dma_start3A_885 : memref<20480x128xf32, #tpu.memory_space<hbm>>) target(%dma_start3A_879 : memref<128x128xf32, #tpu.memory_space<vmem>>) offsets(%dma_start3A_882 : memref<128xi32, #tpu.memory_space<vmem>>) semaphore(%dma_start3A_887 : memref<!tpu.dma_semaphore, #tpu.memory_space<semaphore_mem>>)
      %dma_start3A_888 = arith.constant 1 : i32
      %dma_start3A_889 = arith.constant 1 : i32
      %dma_start3A_890 = arith.constant 1 : i32
      %dma_start3A_891 = arith.constant 0 : i32
      %dma_start3A_892 = arith.constant 0 : i32
      %dma_start3A_893 = tpu.memref_slice %arg11[%dma_start3A_889, %dma_start3A_891, %dma_start3A_892] : memref<2x128x128xf32, #tpu.memory_space<vmem>> -> memref<1x128x128xf32, #tpu.memory_space<vmem>>
      %dma_start3A_894 = tpu.memref_squeeze %dma_start3A_893 : memref<1x128x128xf32, #tpu.memory_space<vmem>> -> memref<128x128xf32, #tpu.memory_space<vmem>>
      %dma_start3A_895 = arith.constant 0 : i32
      %dma_start3A_896 = tpu.memref_slice %arg7[%dma_start3A_888, %dma_start3A_895] : memref<2x128xi32, #tpu.memory_space<vmem>> -> memref<1x128xi32, #tpu.memory_space<vmem>>
      %dma_start3A_897 = tpu.memref_squeeze %dma_start3A_896 : memref<1x128xi32, #tpu.memory_space<vmem>> -> memref<128xi32, #tpu.memory_space<vmem>>
      %dma_start3A_898 = arith.constant 0 : i32
      %dma_start3A_899 = arith.constant 0 : i32
      %dma_start3A_900 = tpu.memref_slice %arg2[%dma_start3A_898, %dma_start3A_899] : memref<20480x128xf32, #tpu.memory_space<hbm>> -> memref<20480x128xf32, #tpu.memory_space<hbm>>
      %dma_start3A_901 = tpu.memref_slice %arg12[%dma_start3A_890] : memref<2x!tpu.dma_semaphore, #tpu.memory_space<semaphore_mem>> -> memref<1x!tpu.dma_semaphore, #tpu.memory_space<semaphore_mem>>
      %dma_start3A_902 = tpu.memref_squeeze %dma_start3A_901 : memref<1x!tpu.dma_semaphore, #tpu.memory_space<semaphore_mem>> -> memref<!tpu.dma_semaphore, #tpu.memory_space<semaphore_mem>>
      tpu.enqueue_indirect_dma source(%dma_start3A_900 : memref<20480x128xf32, #tpu.memory_space<hbm>>) target(%dma_start3A_894 : memref<128x128xf32, #tpu.memory_space<vmem>>) offsets(%dma_start3A_897 : memref<128xi32, #tpu.memory_space<vmem>>) semaphore(%dma_start3A_902 : memref<!tpu.dma_semaphore, #tpu.memory_space<semaphore_mem>>)
      %add3A_903 = arith.constant 2 : i32
      %add3A_904 = arith.addi %add3A_842, %add3A_903 : i32
      %mul3A_905 = arith.constant 80 : i32
      %mul3A_906 = arith.muli %arg1, %mul3A_905 : i32
      %mul3A_907 = arith.constant 2 : i32
      %mul3A_908 = arith.muli %mul3A_906, %mul3A_907 : i32
      %mul3A_909 = arith.constant 2 : i32
      %mul3A_910 = arith.muli %add3A_904, %mul3A_909 : i32
      %add3A_911 = arith.addi %mul3A_908, %mul3A_910 : i32
      "tpu.region"() ({
        %run_scoped3A = tpu.sem_alloc : memref<!tpu.dma_semaphore, #tpu.memory_space<semaphore_mem>>
        %dma_start3A_1120 = arith.constant 0 : i32
        %dma_start3A_1121 = tpu.memref_slice %arg3[%add3A_911, %dma_start3A_1120] : memref<2560x128xi32, #tpu.memory_space<hbm>> -> memref<2x128xi32, #tpu.memory_space<hbm>>
        %dma_start3A_1122 = arith.constant 0 : i32
        %dma_start3A_1123 = tpu.memref_slice %arg3[%add3A_911, %dma_start3A_1122] : memref<2560x128xi32, #tpu.memory_space<hbm>> -> memref<2x128xi32, #tpu.memory_space<hbm>>
        tpu.enqueue_dma source(%dma_start3A_1123 : memref<2x128xi32, #tpu.memory_space<hbm>>) target(%arg9 : memref<2x128xi32, #tpu.memory_space<vmem>>) target_semaphore(%run_scoped3A : memref<!tpu.dma_semaphore, #tpu.memory_space<semaphore_mem>>)
        %dma_wait3A_1124 = arith.constant 0 : i32
        %dma_wait3A_1125 = tpu.memref_slice %arg3[%add3A_911, %dma_wait3A_1124] : memref<2560x128xi32, #tpu.memory_space<hbm>> -> memref<2x128xi32, #tpu.memory_space<hbm>>
        %dma_wait3A_1126 = arith.constant 0 : i32
        %dma_wait3A_1127 = tpu.memref_slice %arg3[%add3A_911, %dma_wait3A_1126] : memref<2560x128xi32, #tpu.memory_space<hbm>> -> memref<2x128xi32, #tpu.memory_space<hbm>>
        tpu.wait_dma2 semaphore(%run_scoped3A : memref<!tpu.dma_semaphore, #tpu.memory_space<semaphore_mem>>) src(%dma_wait3A_1127 : memref<2x128xi32, #tpu.memory_space<hbm>>) dst(%arg9 : memref<2x128xi32, #tpu.memory_space<vmem>>)
        tpu.yield
      }) : () -> ()
      "tpu.region"() ({
        %run_scoped3A = tpu.sem_alloc : memref<!tpu.dma_semaphore, #tpu.memory_space<semaphore_mem>>
        %dma_start3A_1120 = arith.constant 0 : i32
        %dma_start3A_1121 = tpu.memref_slice %arg4[%add3A_911, %dma_start3A_1120] : memref<2560x128xi32, #tpu.memory_space<hbm>> -> memref<2x128xi32, #tpu.memory_space<hbm>>
        %dma_start3A_1122 = arith.constant 0 : i32
        %dma_start3A_1123 = tpu.memref_slice %arg4[%add3A_911, %dma_start3A_1122] : memref<2560x128xi32, #tpu.memory_space<hbm>> -> memref<2x128xi32, #tpu.memory_space<hbm>>
        tpu.enqueue_dma source(%dma_start3A_1123 : memref<2x128xi32, #tpu.memory_space<hbm>>) target(%arg10 : memref<2x128xi32, #tpu.memory_space<vmem>>) target_semaphore(%run_scoped3A : memref<!tpu.dma_semaphore, #tpu.memory_space<semaphore_mem>>)
        %dma_wait3A_1124 = arith.constant 0 : i32
        %dma_wait3A_1125 = tpu.memref_slice %arg4[%add3A_911, %dma_wait3A_1124] : memref<2560x128xi32, #tpu.memory_space<hbm>> -> memref<2x128xi32, #tpu.memory_space<hbm>>
        %dma_wait3A_1126 = arith.constant 0 : i32
        %dma_wait3A_1127 = tpu.memref_slice %arg4[%add3A_911, %dma_wait3A_1126] : memref<2560x128xi32, #tpu.memory_space<hbm>> -> memref<2x128xi32, #tpu.memory_space<hbm>>
        tpu.wait_dma2 semaphore(%run_scoped3A : memref<!tpu.dma_semaphore, #tpu.memory_space<semaphore_mem>>) src(%dma_wait3A_1127 : memref<2x128xi32, #tpu.memory_space<hbm>>) dst(%arg10 : memref<2x128xi32, #tpu.memory_space<vmem>>)
        tpu.yield
      }) : () -> ()
      %get3A_912 = arith.constant 0 : i32
      %get3A_913 = arith.index_cast %get3A_912 : i32 to index
      %get3A_914 = arith.constant 0 : index
      %get3A_915 = tpu.vector_load %arg9[%get3A_913, %get3A_914] {strides = array<i32>} : memref<2x128xi32, #tpu.memory_space<vmem>>, vector<1x16xi32>,
      %get3A_916 = vector.shape_cast %get3A_915 : vector<1x16xi32> to vector<16xi32>
      %add3A_917 = vector.broadcast %mul3A_0 : i32 to vector<16xi32>
      %add3A_918 = arith.addi %get3A_916, %add3A_917 : vector<16xi32>
      %swap3A_919 = arith.constant 0 : i32
      %swap3A_920 = arith.index_cast %swap3A_919 : i32 to index
      %swap3A_921 = arith.constant 0 : index
      %swap3A_922 = tpu.vector_load %arg9[%swap3A_920, %swap3A_921] {strides = array<i32>} : memref<2x128xi32, #tpu.memory_space<vmem>>, vector<1x16xi32>,
      %swap3A_923 = vector.shape_cast %swap3A_922 : vector<1x16xi32> to vector<16xi32>
      %swap3A_924 = vector.shape_cast %add3A_918 : vector<16xi32> to vector<1x16xi32>
      tpu.vector_store %arg9[%swap3A_920, %swap3A_921], %swap3A_924 {strides = array<i32>} : memref<2x128xi32, #tpu.memory_space<vmem>>, vector<1x16xi32>,
      %get3A_925 = arith.constant 0 : i32
      %get3A_926 = arith.index_cast %get3A_925 : i32 to index
      %get3A_927 = arith.constant 16 : index
      %get3A_928 = tpu.vector_load %arg9[%get3A_926, %get3A_927] {strides = array<i32>} : memref<2x128xi32, #tpu.memory_space<vmem>>, vector<1x16xi32>,
      %get3A_929 = vector.shape_cast %get3A_928 : vector<1x16xi32> to vector<16xi32>
      %add3A_930 = vector.broadcast %mul3A_0 : i32 to vector<16xi32>
      %add3A_931 = arith.addi %get3A_929, %add3A_930 : vector<16xi32>
      %swap3A_932 = arith.constant 0 : i32
      %swap3A_933 = arith.index_cast %swap3A_932 : i32 to index
      %swap3A_934 = arith.constant 16 : index
      %swap3A_935 = tpu.vector_load %arg9[%swap3A_933, %swap3A_934] {strides = array<i32>} : memref<2x128xi32, #tpu.memory_space<vmem>>, vector<1x16xi32>,
      %swap3A_936 = vector.shape_cast %swap3A_935 : vector<1x16xi32> to vector<16xi32>
      %swap3A_937 = vector.shape_cast %add3A_931 : vector<16xi32> to vector<1x16xi32>
      tpu.vector_store %arg9[%swap3A_933, %swap3A_934], %swap3A_937 {strides = array<i32>} : memref<2x128xi32, #tpu.memory_space<vmem>>, vector<1x16xi32>,
      %get3A_938 = arith.constant 0 : i32
      %get3A_939 = arith.index_cast %get3A_938 : i32 to index
      %get3A_940 = arith.constant 32 : index
      %get3A_941 = tpu.vector_load %arg9[%get3A_939, %get3A_940] {strides = array<i32>} : memref<2x128xi32, #tpu.memory_space<vmem>>, vector<1x16xi32>,
      %get3A_942 = vector.shape_cast %get3A_941 : vector<1x16xi32> to vector<16xi32>
      %add3A_943 = vector.broadcast %mul3A_0 : i32 to vector<16xi32>
      %add3A_944 = arith.addi %get3A_942, %add3A_943 : vector<16xi32>
      %swap3A_945 = arith.constant 0 : i32
      %swap3A_946 = arith.index_cast %swap3A_945 : i32 to index
      %swap3A_947 = arith.constant 32 : index
      %swap3A_948 = tpu.vector_load %arg9[%swap3A_946, %swap3A_947] {strides = array<i32>} : memref<2x128xi32, #tpu.memory_space<vmem>>, vector<1x16xi32>,
      %swap3A_949 = vector.shape_cast %swap3A_948 : vector<1x16xi32> to vector<16xi32>
      %swap3A_950 = vector.shape_cast %add3A_944 : vector<16xi32> to vector<1x16xi32>
      tpu.vector_store %arg9[%swap3A_946, %swap3A_947], %swap3A_950 {strides = array<i32>} : memref<2x128xi32, #tpu.memory_space<vmem>>, vector<1x16xi32>,
      %get3A_951 = arith.constant 0 : i32
      %get3A_952 = arith.index_cast %get3A_951 : i32 to index
      %get3A_953 = arith.constant 48 : index
      %get3A_954 = tpu.vector_load %arg9[%get3A_952, %get3A_953] {strides = array<i32>} : memref<2x128xi32, #tpu.memory_space<vmem>>, vector<1x16xi32>,
      %get3A_955 = vector.shape_cast %get3A_954 : vector<1x16xi32> to vector<16xi32>
      %add3A_956 = vector.broadcast %mul3A_0 : i32 to vector<16xi32>
      %add3A_957 = arith.addi %get3A_955, %add3A_956 : vector<16xi32>
      %swap3A_958 = arith.constant 0 : i32
      %swap3A_959 = arith.index_cast %swap3A_958 : i32 to index
      %swap3A_960 = arith.constant 48 : index
      %swap3A_961 = tpu.vector_load %arg9[%swap3A_959, %swap3A_960] {strides = array<i32>} : memref<2x128xi32, #tpu.memory_space<vmem>>, vector<1x16xi32>,
      %swap3A_962 = vector.shape_cast %swap3A_961 : vector<1x16xi32> to vector<16xi32>
      %swap3A_963 = vector.shape_cast %add3A_957 : vector<16xi32> to vector<1x16xi32>
      tpu.vector_store %arg9[%swap3A_959, %swap3A_960], %swap3A_963 {strides = array<i32>} : memref<2x128xi32, #tpu.memory_space<vmem>>, vector<1x16xi32>,
      %get3A_964 = arith.constant 0 : i32
      %get3A_965 = arith.index_cast %get3A_964 : i32 to index
      %get3A_966 = arith.constant 64 : index
      %get3A_967 = tpu.vector_load %arg9[%get3A_965, %get3A_966] {strides = array<i32>} : memref<2x128xi32, #tpu.memory_space<vmem>>, vector<1x16xi32>,
      %get3A_968 = vector.shape_cast %get3A_967 : vector<1x16xi32> to vector<16xi32>
      %add3A_969 = vector.broadcast %mul3A_0 : i32 to vector<16xi32>
      %add3A_970 = arith.addi %get3A_968, %add3A_969 : vector<16xi32>
      %swap3A_971 = arith.constant 0 : i32
      %swap3A_972 = arith.index_cast %swap3A_971 : i32 to index
      %swap3A_973 = arith.constant 64 : index
      %swap3A_974 = tpu.vector_load %arg9[%swap3A_972, %swap3A_973] {strides = array<i32>} : memref<2x128xi32, #tpu.memory_space<vmem>>, vector<1x16xi32>,
      %swap3A_975 = vector.shape_cast %swap3A_974 : vector<1x16xi32> to vector<16xi32>
      %swap3A_976 = vector.shape_cast %add3A_970 : vector<16xi32> to vector<1x16xi32>
      tpu.vector_store %arg9[%swap3A_972, %swap3A_973], %swap3A_976 {strides = array<i32>} : memref<2x128xi32, #tpu.memory_space<vmem>>, vector<1x16xi32>,
      %get3A_977 = arith.constant 0 : i32
      %get3A_978 = arith.index_cast %get3A_977 : i32 to index
      %get3A_979 = arith.constant 80 : index
      %get3A_980 = tpu.vector_load %arg9[%get3A_978, %get3A_979] {strides = array<i32>} : memref<2x128xi32, #tpu.memory_space<vmem>>, vector<1x16xi32>,
      %get3A_981 = vector.shape_cast %get3A_980 : vector<1x16xi32> to vector<16xi32>
      %add3A_982 = vector.broadcast %mul3A_0 : i32 to vector<16xi32>
      %add3A_983 = arith.addi %get3A_981, %add3A_982 : vector<16xi32>
      %swap3A_984 = arith.constant 0 : i32
      %swap3A_985 = arith.index_cast %swap3A_984 : i32 to index
      %swap3A_986 = arith.constant 80 : index
      %swap3A_987 = tpu.vector_load %arg9[%swap3A_985, %swap3A_986] {strides = array<i32>} : memref<2x128xi32, #tpu.memory_space<vmem>>, vector<1x16xi32>,
      %swap3A_988 = vector.shape_cast %swap3A_987 : vector<1x16xi32> to vector<16xi32>
      %swap3A_989 = vector.shape_cast %add3A_983 : vector<16xi32> to vector<1x16xi32>
      tpu.vector_store %arg9[%swap3A_985, %swap3A_986], %swap3A_989 {strides = array<i32>} : memref<2x128xi32, #tpu.memory_space<vmem>>, vector<1x16xi32>,
      %get3A_990 = arith.constant 0 : i32
      %get3A_991 = arith.index_cast %get3A_990 : i32 to index
      %get3A_992 = arith.constant 96 : index
      %get3A_993 = tpu.vector_load %arg9[%get3A_991, %get3A_992] {strides = array<i32>} : memref<2x128xi32, #tpu.memory_space<vmem>>, vector<1x16xi32>,
      %get3A_994 = vector.shape_cast %get3A_993 : vector<1x16xi32> to vector<16xi32>
      %add3A_995 = vector.broadcast %mul3A_0 : i32 to vector<16xi32>
      %add3A_996 = arith.addi %get3A_994, %add3A_995 : vector<16xi32>
      %swap3A_997 = arith.constant 0 : i32
      %swap3A_998 = arith.index_cast %swap3A_997 : i32 to index
      %swap3A_999 = arith.constant 96 : index
      %swap3A_1000 = tpu.vector_load %arg9[%swap3A_998, %swap3A_999] {strides = array<i32>} : memref<2x128xi32, #tpu.memory_space<vmem>>, vector<1x16xi32>,
      %swap3A_1001 = vector.shape_cast %swap3A_1000 : vector<1x16xi32> to vector<16xi32>
      %swap3A_1002 = vector.shape_cast %add3A_996 : vector<16xi32> to vector<1x16xi32>
      tpu.vector_store %arg9[%swap3A_998, %swap3A_999], %swap3A_1002 {strides = array<i32>} : memref<2x128xi32, #tpu.memory_space<vmem>>, vector<1x16xi32>,
      %get3A_1003 = arith.constant 0 : i32
      %get3A_1004 = arith.index_cast %get3A_1003 : i32 to index
      %get3A_1005 = arith.constant 112 : index
      %get3A_1006 = tpu.vector_load %arg9[%get3A_1004, %get3A_1005] {strides = array<i32>} : memref<2x128xi32, #tpu.memory_space<vmem>>, vector<1x16xi32>,
      %get3A_1007 = vector.shape_cast %get3A_1006 : vector<1x16xi32> to vector<16xi32>
      %add3A_1008 = vector.broadcast %mul3A_0 : i32 to vector<16xi32>
      %add3A_1009 = arith.addi %get3A_1007, %add3A_1008 : vector<16xi32>
      %swap3A_1010 = arith.constant 0 : i32
      %swap3A_1011 = arith.index_cast %swap3A_1010 : i32 to index
      %swap3A_1012 = arith.constant 112 : index
      %swap3A_1013 = tpu.vector_load %arg9[%swap3A_1011, %swap3A_1012] {strides = array<i32>} : memref<2x128xi32, #tpu.memory_space<vmem>>, vector<1x16xi32>,
      %swap3A_1014 = vector.shape_cast %swap3A_1013 : vector<1x16xi32> to vector<16xi32>
      %swap3A_1015 = vector.shape_cast %add3A_1009 : vector<16xi32> to vector<1x16xi32>
      tpu.vector_store %arg9[%swap3A_1011, %swap3A_1012], %swap3A_1015 {strides = array<i32>} : memref<2x128xi32, #tpu.memory_space<vmem>>, vector<1x16xi32>,
      %get3A_1016 = arith.constant 1 : i32
      %get3A_1017 = arith.index_cast %get3A_1016 : i32 to index
      %get3A_1018 = arith.constant 0 : index
      %get3A_1019 = tpu.vector_load %arg9[%get3A_1017, %get3A_1018] {strides = array<i32>} : memref<2x128xi32, #tpu.memory_space<vmem>>, vector<1x16xi32>,
      %get3A_1020 = vector.shape_cast %get3A_1019 : vector<1x16xi32> to vector<16xi32>
      %add3A_1021 = vector.broadcast %mul3A_0 : i32 to vector<16xi32>
      %add3A_1022 = arith.addi %get3A_1020, %add3A_1021 : vector<16xi32>
      %swap3A_1023 = arith.constant 1 : i32
      %swap3A_1024 = arith.index_cast %swap3A_1023 : i32 to index
      %swap3A_1025 = arith.constant 0 : index
      %swap3A_1026 = tpu.vector_load %arg9[%swap3A_1024, %swap3A_1025] {strides = array<i32>} : memref<2x128xi32, #tpu.memory_space<vmem>>, vector<1x16xi32>,
      %swap3A_1027 = vector.shape_cast %swap3A_1026 : vector<1x16xi32> to vector<16xi32>
      %swap3A_1028 = vector.shape_cast %add3A_1022 : vector<16xi32> to vector<1x16xi32>
      tpu.vector_store %arg9[%swap3A_1024, %swap3A_1025], %swap3A_1028 {strides = array<i32>} : memref<2x128xi32, #tpu.memory_space<vmem>>, vector<1x16xi32>,
      %get3A_1029 = arith.constant 1 : i32
      %get3A_1030 = arith.index_cast %get3A_1029 : i32 to index
      %get3A_1031 = arith.constant 16 : index
      %get3A_1032 = tpu.vector_load %arg9[%get3A_1030, %get3A_1031] {strides = array<i32>} : memref<2x128xi32, #tpu.memory_space<vmem>>, vector<1x16xi32>,
      %get3A_1033 = vector.shape_cast %get3A_1032 : vector<1x16xi32> to vector<16xi32>
      %add3A_1034 = vector.broadcast %mul3A_0 : i32 to vector<16xi32>
      %add3A_1035 = arith.addi %get3A_1033, %add3A_1034 : vector<16xi32>
      %swap3A_1036 = arith.constant 1 : i32
      %swap3A_1037 = arith.index_cast %swap3A_1036 : i32 to index
      %swap3A_1038 = arith.constant 16 : index
      %swap3A_1039 = tpu.vector_load %arg9[%swap3A_1037, %swap3A_1038] {strides = array<i32>} : memref<2x128xi32, #tpu.memory_space<vmem>>, vector<1x16xi32>,
      %swap3A_1040 = vector.shape_cast %swap3A_1039 : vector<1x16xi32> to vector<16xi32>
      %swap3A_1041 = vector.shape_cast %add3A_1035 : vector<16xi32> to vector<1x16xi32>
      tpu.vector_store %arg9[%swap3A_1037, %swap3A_1038], %swap3A_1041 {strides = array<i32>} : memref<2x128xi32, #tpu.memory_space<vmem>>, vector<1x16xi32>,
      %get3A_1042 = arith.constant 1 : i32
      %get3A_1043 = arith.index_cast %get3A_1042 : i32 to index
      %get3A_1044 = arith.constant 32 : index
      %get3A_1045 = tpu.vector_load %arg9[%get3A_1043, %get3A_1044] {strides = array<i32>} : memref<2x128xi32, #tpu.memory_space<vmem>>, vector<1x16xi32>,
      %get3A_1046 = vector.shape_cast %get3A_1045 : vector<1x16xi32> to vector<16xi32>
      %add3A_1047 = vector.broadcast %mul3A_0 : i32 to vector<16xi32>
      %add3A_1048 = arith.addi %get3A_1046, %add3A_1047 : vector<16xi32>
      %swap3A_1049 = arith.constant 1 : i32
      %swap3A_1050 = arith.index_cast %swap3A_1049 : i32 to index
      %swap3A_1051 = arith.constant 32 : index
      %swap3A_1052 = tpu.vector_load %arg9[%swap3A_1050, %swap3A_1051] {strides = array<i32>} : memref<2x128xi32, #tpu.memory_space<vmem>>, vector<1x16xi32>,
      %swap3A_1053 = vector.shape_cast %swap3A_1052 : vector<1x16xi32> to vector<16xi32>
      %swap3A_1054 = vector.shape_cast %add3A_1048 : vector<16xi32> to vector<1x16xi32>
      tpu.vector_store %arg9[%swap3A_1050, %swap3A_1051], %swap3A_1054 {strides = array<i32>} : memref<2x128xi32, #tpu.memory_space<vmem>>, vector<1x16xi32>,
      %get3A_1055 = arith.constant 1 : i32
      %get3A_1056 = arith.index_cast %get3A_1055 : i32 to index
      %get3A_1057 = arith.constant 48 : index
      %get3A_1058 = tpu.vector_load %arg9[%get3A_1056, %get3A_1057] {strides = array<i32>} : memref<2x128xi32, #tpu.memory_space<vmem>>, vector<1x16xi32>,
      %get3A_1059 = vector.shape_cast %get3A_1058 : vector<1x16xi32> to vector<16xi32>
      %add3A_1060 = vector.broadcast %mul3A_0 : i32 to vector<16xi32>
      %add3A_1061 = arith.addi %get3A_1059, %add3A_1060 : vector<16xi32>
      %swap3A_1062 = arith.constant 1 : i32
      %swap3A_1063 = arith.index_cast %swap3A_1062 : i32 to index
      %swap3A_1064 = arith.constant 48 : index
      %swap3A_1065 = tpu.vector_load %arg9[%swap3A_1063, %swap3A_1064] {strides = array<i32>} : memref<2x128xi32, #tpu.memory_space<vmem>>, vector<1x16xi32>,
      %swap3A_1066 = vector.shape_cast %swap3A_1065 : vector<1x16xi32> to vector<16xi32>
      %swap3A_1067 = vector.shape_cast %add3A_1061 : vector<16xi32> to vector<1x16xi32>
      tpu.vector_store %arg9[%swap3A_1063, %swap3A_1064], %swap3A_1067 {strides = array<i32>} : memref<2x128xi32, #tpu.memory_space<vmem>>, vector<1x16xi32>,
      %get3A_1068 = arith.constant 1 : i32
      %get3A_1069 = arith.index_cast %get3A_1068 : i32 to index
      %get3A_1070 = arith.constant 64 : index
      %get3A_1071 = tpu.vector_load %arg9[%get3A_1069, %get3A_1070] {strides = array<i32>} : memref<2x128xi32, #tpu.memory_space<vmem>>, vector<1x16xi32>,
      %get3A_1072 = vector.shape_cast %get3A_1071 : vector<1x16xi32> to vector<16xi32>
      %add3A_1073 = vector.broadcast %mul3A_0 : i32 to vector<16xi32>
      %add3A_1074 = arith.addi %get3A_1072, %add3A_1073 : vector<16xi32>
      %swap3A_1075 = arith.constant 1 : i32
      %swap3A_1076 = arith.index_cast %swap3A_1075 : i32 to index
      %swap3A_1077 = arith.constant 64 : index
      %swap3A_1078 = tpu.vector_load %arg9[%swap3A_1076, %swap3A_1077] {strides = array<i32>} : memref<2x128xi32, #tpu.memory_space<vmem>>, vector<1x16xi32>,
      %swap3A_1079 = vector.shape_cast %swap3A_1078 : vector<1x16xi32> to vector<16xi32>
      %swap3A_1080 = vector.shape_cast %add3A_1074 : vector<16xi32> to vector<1x16xi32>
      tpu.vector_store %arg9[%swap3A_1076, %swap3A_1077], %swap3A_1080 {strides = array<i32>} : memref<2x128xi32, #tpu.memory_space<vmem>>, vector<1x16xi32>,
      %get3A_1081 = arith.constant 1 : i32
      %get3A_1082 = arith.index_cast %get3A_1081 : i32 to index
      %get3A_1083 = arith.constant 80 : index
      %get3A_1084 = tpu.vector_load %arg9[%get3A_1082, %get3A_1083] {strides = array<i32>} : memref<2x128xi32, #tpu.memory_space<vmem>>, vector<1x16xi32>,
      %get3A_1085 = vector.shape_cast %get3A_1084 : vector<1x16xi32> to vector<16xi32>
      %add3A_1086 = vector.broadcast %mul3A_0 : i32 to vector<16xi32>
      %add3A_1087 = arith.addi %get3A_1085, %add3A_1086 : vector<16xi32>
      %swap3A_1088 = arith.constant 1 : i32
      %swap3A_1089 = arith.index_cast %swap3A_1088 : i32 to index
      %swap3A_1090 = arith.constant 80 : index
      %swap3A_1091 = tpu.vector_load %arg9[%swap3A_1089, %swap3A_1090] {strides = array<i32>} : memref<2x128xi32, #tpu.memory_space<vmem>>, vector<1x16xi32>,
      %swap3A_1092 = vector.shape_cast %swap3A_1091 : vector<1x16xi32> to vector<16xi32>
      %swap3A_1093 = vector.shape_cast %add3A_1087 : vector<16xi32> to vector<1x16xi32>
      tpu.vector_store %arg9[%swap3A_1089, %swap3A_1090], %swap3A_1093 {strides = array<i32>} : memref<2x128xi32, #tpu.memory_space<vmem>>, vector<1x16xi32>,
      %get3A_1094 = arith.constant 1 : i32
      %get3A_1095 = arith.index_cast %get3A_1094 : i32 to index
      %get3A_1096 = arith.constant 96 : index
      %get3A_1097 = tpu.vector_load %arg9[%get3A_1095, %get3A_1096] {strides = array<i32>} : memref<2x128xi32, #tpu.memory_space<vmem>>, vector<1x16xi32>,
      %get3A_1098 = vector.shape_cast %get3A_1097 : vector<1x16xi32> to vector<16xi32>
      %add3A_1099 = vector.broadcast %mul3A_0 : i32 to vector<16xi32>
      %add3A_1100 = arith.addi %get3A_1098, %add3A_1099 : vector<16xi32>
      %swap3A_1101 = arith.constant 1 : i32
      %swap3A_1102 = arith.index_cast %swap3A_1101 : i32 to index
      %swap3A_1103 = arith.constant 96 : index
      %swap3A_1104 = tpu.vector_load %arg9[%swap3A_1102, %swap3A_1103] {strides = array<i32>} : memref<2x128xi32, #tpu.memory_space<vmem>>, vector<1x16xi32>,
      %swap3A_1105 = vector.shape_cast %swap3A_1104 : vector<1x16xi32> to vector<16xi32>
      %swap3A_1106 = vector.shape_cast %add3A_1100 : vector<16xi32> to vector<1x16xi32>
      tpu.vector_store %arg9[%swap3A_1102, %swap3A_1103], %swap3A_1106 {strides = array<i32>} : memref<2x128xi32, #tpu.memory_space<vmem>>, vector<1x16xi32>,
      %get3A_1107 = arith.constant 1 : i32
      %get3A_1108 = arith.index_cast %get3A_1107 : i32 to index
      %get3A_1109 = arith.constant 112 : index
      %get3A_1110 = tpu.vector_load %arg9[%get3A_1108, %get3A_1109] {strides = array<i32>} : memref<2x128xi32, #tpu.memory_space<vmem>>, vector<1x16xi32>,
      %get3A_1111 = vector.shape_cast %get3A_1110 : vector<1x16xi32> to vector<16xi32>
      %add3A_1112 = vector.broadcast %mul3A_0 : i32 to vector<16xi32>
      %add3A_1113 = arith.addi %get3A_1111, %add3A_1112 : vector<16xi32>
      %swap3A_1114 = arith.constant 1 : i32
      %swap3A_1115 = arith.index_cast %swap3A_1114 : i32 to index
      %swap3A_1116 = arith.constant 112 : index
      %swap3A_1117 = tpu.vector_load %arg9[%swap3A_1115, %swap3A_1116] {strides = array<i32>} : memref<2x128xi32, #tpu.memory_space<vmem>>, vector<1x16xi32>,
      %swap3A_1118 = vector.shape_cast %swap3A_1117 : vector<1x16xi32> to vector<16xi32>
      %swap3A_1119 = vector.shape_cast %add3A_1113 : vector<16xi32> to vector<1x16xi32>
      tpu.vector_store %arg9[%swap3A_1115, %swap3A_1116], %swap3A_1119 {strides = array<i32>} : memref<2x128xi32, #tpu.memory_space<vmem>>, vector<1x16xi32>,
    }
    %scan3A_464 = arith.constant 39 : i32
    %dma_wait3A = arith.constant 0 : i32
    %dma_wait3A_465 = arith.constant 0 : i32
    %dma_wait3A_466 = arith.constant 0 : i32
    %dma_wait3A_467 = arith.constant 0 : i32
    %dma_wait3A_468 = arith.constant 0 : i32
    %dma_wait3A_469 = tpu.memref_slice %arg11[%dma_wait3A_465, %dma_wait3A_467, %dma_wait3A_468] : memref<2x128x128xf32, #tpu.memory_space<vmem>> -> memref<1x128x128xf32, #tpu.memory_space<vmem>>
    %dma_wait3A_470 = tpu.memref_squeeze %dma_wait3A_469 : memref<1x128x128xf32, #tpu.memory_space<vmem>> -> memref<128x128xf32, #tpu.memory_space<vmem>>
    %dma_wait3A_471 = arith.constant 0 : i32
    %dma_wait3A_472 = tpu.memref_slice %arg7[%dma_wait3A, %dma_wait3A_471] : memref<2x128xi32, #tpu.memory_space<vmem>> -> memref<1x128xi32, #tpu.memory_space<vmem>>
    %dma_wait3A_473 = tpu.memref_squeeze %dma_wait3A_472 : memref<1x128xi32, #tpu.memory_space<vmem>> -> memref<128xi32, #tpu.memory_space<vmem>>
    %dma_wait3A_474 = arith.constant 0 : i32
    %dma_wait3A_475 = arith.constant 0 : i32
    %dma_wait3A_476 = tpu.memref_slice %arg2[%dma_wait3A_474, %dma_wait3A_475] : memref<20480x128xf32, #tpu.memory_space<hbm>> -> memref<20480x128xf32, #tpu.memory_space<hbm>>
    %dma_wait3A_477 = tpu.memref_slice %arg12[%dma_wait3A_466] : memref<2x!tpu.dma_semaphore, #tpu.memory_space<semaphore_mem>> -> memref<1x!tpu.dma_semaphore, #tpu.memory_space<semaphore_mem>>
    %dma_wait3A_478 = tpu.memref_squeeze %dma_wait3A_477 : memref<1x!tpu.dma_semaphore, #tpu.memory_space<semaphore_mem>> -> memref<!tpu.dma_semaphore, #tpu.memory_space<semaphore_mem>>
    tpu.wait_indirect_dma semaphore(%dma_wait3A_478 : memref<!tpu.dma_semaphore, #tpu.memory_space<semaphore_mem>>) src(%dma_wait3A_476 : memref<20480x128xf32, #tpu.memory_space<hbm>>) dst(%dma_wait3A_470 : memref<128x128xf32, #tpu.memory_space<vmem>>)
    %dma_wait3A_479 = arith.constant 1 : i32
    %dma_wait3A_480 = arith.constant 1 : i32
    %dma_wait3A_481 = arith.constant 1 : i32
    %dma_wait3A_482 = arith.constant 0 : i32
    %dma_wait3A_483 = arith.constant 0 : i32
    %dma_wait3A_484 = tpu.memref_slice %arg11[%dma_wait3A_480, %dma_wait3A_482, %dma_wait3A_483] : memref<2x128x128xf32, #tpu.memory_space<vmem>> -> memref<1x128x128xf32, #tpu.memory_space<vmem>>
    %dma_wait3A_485 = tpu.memref_squeeze %dma_wait3A_484 : memref<1x128x128xf32, #tpu.memory_space<vmem>> -> memref<128x128xf32, #tpu.memory_space<vmem>>
    %dma_wait3A_486 = arith.constant 0 : i32
    %dma_wait3A_487 = tpu.memref_slice %arg7[%dma_wait3A_479, %dma_wait3A_486] : memref<2x128xi32, #tpu.memory_space<vmem>> -> memref<1x128xi32, #tpu.memory_space<vmem>>
    %dma_wait3A_488 = tpu.memref_squeeze %dma_wait3A_487 : memref<1x128xi32, #tpu.memory_space<vmem>> -> memref<128xi32, #tpu.memory_space<vmem>>
    %dma_wait3A_489 = arith.constant 0 : i32
    %dma_wait3A_490 = arith.constant 0 : i32
    %dma_wait3A_491 = tpu.memref_slice %arg2[%dma_wait3A_489, %dma_wait3A_490] : memref<20480x128xf32, #tpu.memory_space<hbm>> -> memref<20480x128xf32, #tpu.memory_space<hbm>>
    %dma_wait3A_492 = tpu.memref_slice %arg12[%dma_wait3A_481] : memref<2x!tpu.dma_semaphore, #tpu.memory_space<semaphore_mem>> -> memref<1x!tpu.dma_semaphore, #tpu.memory_space<semaphore_mem>>
    %dma_wait3A_493 = tpu.memref_squeeze %dma_wait3A_492 : memref<1x!tpu.dma_semaphore, #tpu.memory_space<semaphore_mem>> -> memref<!tpu.dma_semaphore, #tpu.memory_space<semaphore_mem>>
    tpu.wait_indirect_dma semaphore(%dma_wait3A_493 : memref<!tpu.dma_semaphore, #tpu.memory_space<semaphore_mem>>) src(%dma_wait3A_491 : memref<20480x128xf32, #tpu.memory_space<hbm>>) dst(%dma_wait3A_485 : memref<128x128xf32, #tpu.memory_space<vmem>>)
    %dma_start3A_494 = arith.constant 0 : i32
    %dma_start3A_495 = arith.constant 0 : i32
    %dma_start3A_496 = arith.constant 0 : i32
    %dma_start3A_497 = arith.constant 0 : i32
    %dma_start3A_498 = arith.constant 0 : i32
    %dma_start3A_499 = tpu.memref_slice %arg11[%dma_start3A_495, %dma_start3A_497, %dma_start3A_498] : memref<2x128x128xf32, #tpu.memory_space<vmem>> -> memref<1x128x128xf32, #tpu.memory_space<vmem>>
    %dma_start3A_500 = tpu.memref_squeeze %dma_start3A_499 : memref<1x128x128xf32, #tpu.memory_space<vmem>> -> memref<128x128xf32, #tpu.memory_space<vmem>>
    %dma_start3A_501 = arith.constant 0 : i32
    %dma_start3A_502 = tpu.memref_slice %arg9[%dma_start3A_494, %dma_start3A_501] : memref<2x128xi32, #tpu.memory_space<vmem>> -> memref<1x128xi32, #tpu.memory_space<vmem>>
    %dma_start3A_503 = tpu.memref_squeeze %dma_start3A_502 : memref<1x128xi32, #tpu.memory_space<vmem>> -> memref<128xi32, #tpu.memory_space<vmem>>
    %dma_start3A_504 = arith.constant 0 : i32
    %dma_start3A_505 = arith.constant 0 : i32
    %dma_start3A_506 = tpu.memref_slice %arg2[%dma_start3A_504, %dma_start3A_505] : memref<20480x128xf32, #tpu.memory_space<hbm>> -> memref<20480x128xf32, #tpu.memory_space<hbm>>
    %dma_start3A_507 = tpu.memref_slice %arg12[%dma_start3A_496] : memref<2x!tpu.dma_semaphore, #tpu.memory_space<semaphore_mem>> -> memref<1x!tpu.dma_semaphore, #tpu.memory_space<semaphore_mem>>
    %dma_start3A_508 = tpu.memref_squeeze %dma_start3A_507 : memref<1x!tpu.dma_semaphore, #tpu.memory_space<semaphore_mem>> -> memref<!tpu.dma_semaphore, #tpu.memory_space<semaphore_mem>>
    tpu.enqueue_indirect_dma source(%dma_start3A_506 : memref<20480x128xf32, #tpu.memory_space<hbm>>) target(%dma_start3A_500 : memref<128x128xf32, #tpu.memory_space<vmem>>) offsets(%dma_start3A_503 : memref<128xi32, #tpu.memory_space<vmem>>) semaphore(%dma_start3A_508 : memref<!tpu.dma_semaphore, #tpu.memory_space<semaphore_mem>>)
    %dma_start3A_509 = arith.constant 1 : i32
    %dma_start3A_510 = arith.constant 1 : i32
    %dma_start3A_511 = arith.constant 1 : i32
    %dma_start3A_512 = arith.constant 0 : i32
    %dma_start3A_513 = arith.constant 0 : i32
    %dma_start3A_514 = tpu.memref_slice %arg11[%dma_start3A_510, %dma_start3A_512, %dma_start3A_513] : memref<2x128x128xf32, #tpu.memory_space<vmem>> -> memref<1x128x128xf32, #tpu.memory_space<vmem>>
    %dma_start3A_515 = tpu.memref_squeeze %dma_start3A_514 : memref<1x128x128xf32, #tpu.memory_space<vmem>> -> memref<128x128xf32, #tpu.memory_space<vmem>>
    %dma_start3A_516 = arith.constant 0 : i32
    %dma_start3A_517 = tpu.memref_slice %arg9[%dma_start3A_509, %dma_start3A_516] : memref<2x128xi32, #tpu.memory_space<vmem>> -> memref<1x128xi32, #tpu.memory_space<vmem>>
    %dma_start3A_518 = tpu.memref_squeeze %dma_start3A_517 : memref<1x128xi32, #tpu.memory_space<vmem>> -> memref<128xi32, #tpu.memory_space<vmem>>
    %dma_start3A_519 = arith.constant 0 : i32
    %dma_start3A_520 = arith.constant 0 : i32
    %dma_start3A_521 = tpu.memref_slice %arg2[%dma_start3A_519, %dma_start3A_520] : memref<20480x128xf32, #tpu.memory_space<hbm>> -> memref<20480x128xf32, #tpu.memory_space<hbm>>
    %dma_start3A_522 = tpu.memref_slice %arg12[%dma_start3A_511] : memref<2x!tpu.dma_semaphore, #tpu.memory_space<semaphore_mem>> -> memref<1x!tpu.dma_semaphore, #tpu.memory_space<semaphore_mem>>
    %dma_start3A_523 = tpu.memref_squeeze %dma_start3A_522 : memref<1x!tpu.dma_semaphore, #tpu.memory_space<semaphore_mem>> -> memref<!tpu.dma_semaphore, #tpu.memory_space<semaphore_mem>>
    tpu.enqueue_indirect_dma source(%dma_start3A_521 : memref<20480x128xf32, #tpu.memory_space<hbm>>) target(%dma_start3A_515 : memref<128x128xf32, #tpu.memory_space<vmem>>) offsets(%dma_start3A_518 : memref<128xi32, #tpu.memory_space<vmem>>) semaphore(%dma_start3A_523 : memref<!tpu.dma_semaphore, #tpu.memory_space<semaphore_mem>>)
    %dma_wait3A_524 = arith.constant 0 : i32
    %dma_wait3A_525 = arith.constant 0 : i32
    %dma_wait3A_526 = arith.constant 0 : i32
    %dma_wait3A_527 = arith.constant 0 : i32
    %dma_wait3A_528 = arith.constant 0 : i32
    %dma_wait3A_529 = tpu.memref_slice %arg11[%dma_wait3A_525, %dma_wait3A_527, %dma_wait3A_528] : memref<2x128x128xf32, #tpu.memory_space<vmem>> -> memref<1x128x128xf32, #tpu.memory_space<vmem>>
    %dma_wait3A_530 = tpu.memref_squeeze %dma_wait3A_529 : memref<1x128x128xf32, #tpu.memory_space<vmem>> -> memref<128x128xf32, #tpu.memory_space<vmem>>
    %dma_wait3A_531 = arith.constant 0 : i32
    %dma_wait3A_532 = tpu.memref_slice %arg9[%dma_wait3A_524, %dma_wait3A_531] : memref<2x128xi32, #tpu.memory_space<vmem>> -> memref<1x128xi32, #tpu.memory_space<vmem>>
    %dma_wait3A_533 = tpu.memref_squeeze %dma_wait3A_532 : memref<1x128xi32, #tpu.memory_space<vmem>> -> memref<128xi32, #tpu.memory_space<vmem>>
    %dma_wait3A_534 = arith.constant 0 : i32
    %dma_wait3A_535 = arith.constant 0 : i32
    %dma_wait3A_536 = tpu.memref_slice %arg2[%dma_wait3A_534, %dma_wait3A_535] : memref<20480x128xf32, #tpu.memory_space<hbm>> -> memref<20480x128xf32, #tpu.memory_space<hbm>>
    %dma_wait3A_537 = tpu.memref_slice %arg12[%dma_wait3A_526] : memref<2x!tpu.dma_semaphore, #tpu.memory_space<semaphore_mem>> -> memref<1x!tpu.dma_semaphore, #tpu.memory_space<semaphore_mem>>
    %dma_wait3A_538 = tpu.memref_squeeze %dma_wait3A_537 : memref<1x!tpu.dma_semaphore, #tpu.memory_space<semaphore_mem>> -> memref<!tpu.dma_semaphore, #tpu.memory_space<semaphore_mem>>
    tpu.wait_indirect_dma semaphore(%dma_wait3A_538 : memref<!tpu.dma_semaphore, #tpu.memory_space<semaphore_mem>>) src(%dma_wait3A_536 : memref<20480x128xf32, #tpu.memory_space<hbm>>) dst(%dma_wait3A_530 : memref<128x128xf32, #tpu.memory_space<vmem>>)
    %dma_wait3A_539 = arith.constant 1 : i32
    %dma_wait3A_540 = arith.constant 1 : i32
    %dma_wait3A_541 = arith.constant 1 : i32
    %dma_wait3A_542 = arith.constant 0 : i32
    %dma_wait3A_543 = arith.constant 0 : i32
    %dma_wait3A_544 = tpu.memref_slice %arg11[%dma_wait3A_540, %dma_wait3A_542, %dma_wait3A_543] : memref<2x128x128xf32, #tpu.memory_space<vmem>> -> memref<1x128x128xf32, #tpu.memory_space<vmem>>
    %dma_wait3A_545 = tpu.memref_squeeze %dma_wait3A_544 : memref<1x128x128xf32, #tpu.memory_space<vmem>> -> memref<128x128xf32, #tpu.memory_space<vmem>>
    %dma_wait3A_546 = arith.constant 0 : i32
    %dma_wait3A_547 = tpu.memref_slice %arg9[%dma_wait3A_539, %dma_wait3A_546] : memref<2x128xi32, #tpu.memory_space<vmem>> -> memref<1x128xi32, #tpu.memory_space<vmem>>
    %dma_wait3A_548 = tpu.memref_squeeze %dma_wait3A_547 : memref<1x128xi32, #tpu.memory_space<vmem>> -> memref<128xi32, #tpu.memory_space<vmem>>
    %dma_wait3A_549 = arith.constant 0 : i32
    %dma_wait3A_550 = arith.constant 0 : i32
    %dma_wait3A_551 = tpu.memref_slice %arg2[%dma_wait3A_549, %dma_wait3A_550] : memref<20480x128xf32, #tpu.memory_space<hbm>> -> memref<20480x128xf32, #tpu.memory_space<hbm>>
    %dma_wait3A_552 = tpu.memref_slice %arg12[%dma_wait3A_541] : memref<2x!tpu.dma_semaphore, #tpu.memory_space<semaphore_mem>> -> memref<1x!tpu.dma_semaphore, #tpu.memory_space<semaphore_mem>>
    %dma_wait3A_553 = tpu.memref_squeeze %dma_wait3A_552 : memref<1x!tpu.dma_semaphore, #tpu.memory_space<semaphore_mem>> -> memref<!tpu.dma_semaphore, #tpu.memory_space<semaphore_mem>>
    tpu.wait_indirect_dma semaphore(%dma_wait3A_553 : memref<!tpu.dma_semaphore, #tpu.memory_space<semaphore_mem>>) src(%dma_wait3A_551 : memref<20480x128xf32, #tpu.memory_space<hbm>>) dst(%dma_wait3A_545 : memref<128x128xf32, #tpu.memory_space<vmem>>)
    %barrier3A_554 = arith.constant 0 : index
    tpu.barrier barrier_id(%barrier3A_554)
    %mul3A_555 = arith.constant 640 : i32
    %mul3A_556 = arith.muli %arg1, %mul3A_555 : i32
    %mul3A_557 = arith.constant 640 : i32
    %mul3A_558 = arith.muli %arg1, %mul3A_557 : i32
    "tpu.region"() ({
      %run_scoped3A = tpu.sem_alloc : memref<!tpu.dma_semaphore, #tpu.memory_space<semaphore_mem>>
      %dma_start3A_559 = arith.constant 0 : i32
      %dma_start3A_560 = tpu.memref_slice %arg5[%arg0, %mul3A_558, %dma_start3A_559] : memref<2x10240x128xf32, #tpu.memory_space<hbm>> -> memref<1x640x128xf32, #tpu.memory_space<hbm>>
      %dma_start3A_561 = tpu.memref_squeeze %dma_start3A_560 : memref<1x640x128xf32, #tpu.memory_space<hbm>> -> memref<640x128xf32, #tpu.memory_space<hbm>>
      %dma_start3A_562 = arith.constant 0 : i32
      %dma_start3A_563 = tpu.memref_slice %arg6[%mul3A_556, %dma_start3A_562] : memref<10240x128xf32, #tpu.memory_space<vmem_shared>> -> memref<640x128xf32, #tpu.memory_space<vmem_shared>>
      tpu.enqueue_dma source(%dma_start3A_563 : memref<640x128xf32, #tpu.memory_space<vmem_shared>>) target(%dma_start3A_561 : memref<640x128xf32, #tpu.memory_space<hbm>>) target_semaphore(%run_scoped3A : memref<!tpu.dma_semaphore, #tpu.memory_space<semaphore_mem>>)
      %dma_wait3A_564 = arith.constant 0 : i32
      %dma_wait3A_565 = tpu.memref_slice %arg5[%arg0, %mul3A_558, %dma_wait3A_564] : memref<2x10240x128xf32, #tpu.memory_space<hbm>> -> memref<1x640x128xf32, #tpu.memory_space<hbm>>
      %dma_wait3A_566 = tpu.memref_squeeze %dma_wait3A_565 : memref<1x640x128xf32, #tpu.memory_space<hbm>> -> memref<640x128xf32, #tpu.memory_space<hbm>>
      %dma_wait3A_567 = arith.constant 0 : i32
      %dma_wait3A_568 = tpu.memref_slice %arg6[%mul3A_556, %dma_wait3A_567] : memref<10240x128xf32, #tpu.memory_space<vmem_shared>> -> memref<640x128xf32, #tpu.memory_space<vmem_shared>>
      tpu.wait_dma2 semaphore(%run_scoped3A : memref<!tpu.dma_semaphore, #tpu.memory_space<semaphore_mem>>) src(%dma_wait3A_568 : memref<640x128xf32, #tpu.memory_space<vmem_shared>>) dst(%dma_wait3A_566 : memref<640x128xf32, #tpu.memory_space<hbm>>)
      tpu.yield
    }) : () -> ()
    return
  }
}

#map = affine_map<(d0, d1) -> (0, 0)>
#map1 = affine_map<(d0, d1) -> (0, 0, 0)>
module attributes {stable_mosaic.version = 14 : i64} {
  func.func @layer_full(%arg0: i32, %arg1: i32, %arg2: memref<20480x128xf32, #tpu.memory_space<hbm>>, %arg3: memref<2560x128xi32, #tpu.memory_space<hbm>>, %arg4: memref<2560x128xi32, #tpu.memory_space<hbm>>, %arg5: memref<2x10240x128xf32, #tpu.memory_space<hbm>>, %arg6: memref<10240x128xf32, #tpu.memory_space<vmem_shared>>, %arg7: memref<2x128xi32, #tpu.memory_space<vmem>>, %arg8: memref<2x128xi32, #tpu.memory_space<vmem>>, %arg9: memref<2x128xi32, #tpu.memory_space<vmem>>, %arg10: memref<2x128xi32, #tpu.memory_space<vmem>>, %arg11: memref<2x128x128xf32, #tpu.memory_space<vmem>>, %arg12: memref<2x!tpu.dma_semaphore, #tpu.memory_space<semaphore_mem>>, %arg13: memref<2x!tpu.dma_semaphore, #tpu.memory_space<semaphore_mem>>) attributes {dimension_semantics = [#tpu.dimension_semantics<core_parallel>, #tpu.dimension_semantics<subcore_parallel>], iteration_bounds = array<i64: 2, 16>, scalar_prefetch = 0 : i64, scratch_operands = 8 : i64, tpu.core_type = #tpu.core_type<sc_vector_subcore>, window_params = [{transform_indices = #map}, {transform_indices = #map}, {transform_indices = #map}, {transform_indices = #map1}]} {
    %mul3A = arith.constant 10240 : i32
    %mul3A_0 = arith.muli %arg0, %mul3A : i32
    %mul3A_1 = arith.constant 640 : i32
    %mul3A_2 = arith.muli %arg1, %mul3A_1 : i32
    %add3A = arith.addi %mul3A_0, %mul3A_2 : i32
    %mul3A_3 = arith.constant 640 : i32
    %mul3A_4 = arith.muli %arg1, %mul3A_3 : i32
    "tpu.region"() ({
      %run_scoped3A = tpu.sem_alloc : memref<!tpu.dma_semaphore, #tpu.memory_space<semaphore_mem>>
      %dma_start3A_679 = arith.constant 0 : i32
      %dma_start3A_680 = tpu.memref_slice %arg6[%mul3A_4, %dma_start3A_679] : memref<10240x128xf32, #tpu.memory_space<vmem_shared>> -> memref<640x128xf32, #tpu.memory_space<vmem_shared>>
      %dma_start3A_681 = arith.constant 0 : i32
      %dma_start3A_682 = tpu.memref_slice %arg2[%add3A, %dma_start3A_681] : memref<20480x128xf32, #tpu.memory_space<hbm>> -> memref<640x128xf32, #tpu.memory_space<hbm>>
      tpu.enqueue_dma source(%dma_start3A_682 : memref<640x128xf32, #tpu.memory_space<hbm>>) target(%dma_start3A_680 : memref<640x128xf32, #tpu.memory_space<vmem_shared>>) target_semaphore(%run_scoped3A : memref<!tpu.dma_semaphore, #tpu.memory_space<semaphore_mem>>)
      %dma_wait3A_683 = arith.constant 0 : i32
      %dma_wait3A_684 = tpu.memref_slice %arg6[%mul3A_4, %dma_wait3A_683] : memref<10240x128xf32, #tpu.memory_space<vmem_shared>> -> memref<640x128xf32, #tpu.memory_space<vmem_shared>>
      %dma_wait3A_685 = arith.constant 0 : i32
      %dma_wait3A_686 = tpu.memref_slice %arg2[%add3A, %dma_wait3A_685] : memref<20480x128xf32, #tpu.memory_space<hbm>> -> memref<640x128xf32, #tpu.memory_space<hbm>>
      tpu.wait_dma2 semaphore(%run_scoped3A : memref<!tpu.dma_semaphore, #tpu.memory_space<semaphore_mem>>) src(%dma_wait3A_686 : memref<640x128xf32, #tpu.memory_space<hbm>>) dst(%dma_wait3A_684 : memref<640x128xf32, #tpu.memory_space<vmem_shared>>)
      tpu.yield
    }) : () -> ()
    %barrier3A = arith.constant 0 : index
    tpu.barrier barrier_id(%barrier3A)
    %mul3A_5 = arith.constant 80 : i32
    %mul3A_6 = arith.muli %arg1, %mul3A_5 : i32
    %mul3A_7 = arith.constant 2 : i32
    %mul3A_8 = arith.muli %mul3A_6, %mul3A_7 : i32
    %add3A_9 = arith.constant 0 : i32
    %add3A_10 = arith.addi %mul3A_8, %add3A_9 : i32
    "tpu.region"() ({
      %run_scoped3A = tpu.sem_alloc : memref<!tpu.dma_semaphore, #tpu.memory_space<semaphore_mem>>
      %dma_start3A_679 = arith.constant 0 : i32
      %dma_start3A_680 = tpu.memref_slice %arg3[%add3A_10, %dma_start3A_679] : memref<2560x128xi32, #tpu.memory_space<hbm>> -> memref<2x128xi32, #tpu.memory_space<hbm>>
      %dma_start3A_681 = arith.constant 0 : i32
      %dma_start3A_682 = tpu.memref_slice %arg3[%add3A_10, %dma_start3A_681] : memref<2560x128xi32, #tpu.memory_space<hbm>> -> memref<2x128xi32, #tpu.memory_space<hbm>>
      tpu.enqueue_dma source(%dma_start3A_682 : memref<2x128xi32, #tpu.memory_space<hbm>>) target(%arg7 : memref<2x128xi32, #tpu.memory_space<vmem>>) target_semaphore(%run_scoped3A : memref<!tpu.dma_semaphore, #tpu.memory_space<semaphore_mem>>)
      %dma_wait3A_683 = arith.constant 0 : i32
      %dma_wait3A_684 = tpu.memref_slice %arg3[%add3A_10, %dma_wait3A_683] : memref<2560x128xi32, #tpu.memory_space<hbm>> -> memref<2x128xi32, #tpu.memory_space<hbm>>
      %dma_wait3A_685 = arith.constant 0 : i32
      %dma_wait3A_686 = tpu.memref_slice %arg3[%add3A_10, %dma_wait3A_685] : memref<2560x128xi32, #tpu.memory_space<hbm>> -> memref<2x128xi32, #tpu.memory_space<hbm>>
      tpu.wait_dma2 semaphore(%run_scoped3A : memref<!tpu.dma_semaphore, #tpu.memory_space<semaphore_mem>>) src(%dma_wait3A_686 : memref<2x128xi32, #tpu.memory_space<hbm>>) dst(%arg7 : memref<2x128xi32, #tpu.memory_space<vmem>>)
      tpu.yield
    }) : () -> ()
    "tpu.region"() ({
      %run_scoped3A = tpu.sem_alloc : memref<!tpu.dma_semaphore, #tpu.memory_space<semaphore_mem>>
      %dma_start3A_679 = arith.constant 0 : i32
      %dma_start3A_680 = tpu.memref_slice %arg4[%add3A_10, %dma_start3A_679] : memref<2560x128xi32, #tpu.memory_space<hbm>> -> memref<2x128xi32, #tpu.memory_space<hbm>>
      %dma_start3A_681 = arith.constant 0 : i32
      %dma_start3A_682 = tpu.memref_slice %arg4[%add3A_10, %dma_start3A_681] : memref<2560x128xi32, #tpu.memory_space<hbm>> -> memref<2x128xi32, #tpu.memory_space<hbm>>
      tpu.enqueue_dma source(%dma_start3A_682 : memref<2x128xi32, #tpu.memory_space<hbm>>) target(%arg8 : memref<2x128xi32, #tpu.memory_space<vmem>>) target_semaphore(%run_scoped3A : memref<!tpu.dma_semaphore, #tpu.memory_space<semaphore_mem>>)
      %dma_wait3A_683 = arith.constant 0 : i32
      %dma_wait3A_684 = tpu.memref_slice %arg4[%add3A_10, %dma_wait3A_683] : memref<2560x128xi32, #tpu.memory_space<hbm>> -> memref<2x128xi32, #tpu.memory_space<hbm>>
      %dma_wait3A_685 = arith.constant 0 : i32
      %dma_wait3A_686 = tpu.memref_slice %arg4[%add3A_10, %dma_wait3A_685] : memref<2560x128xi32, #tpu.memory_space<hbm>> -> memref<2x128xi32, #tpu.memory_space<hbm>>
      tpu.wait_dma2 semaphore(%run_scoped3A : memref<!tpu.dma_semaphore, #tpu.memory_space<semaphore_mem>>) src(%dma_wait3A_686 : memref<2x128xi32, #tpu.memory_space<hbm>>) dst(%arg8 : memref<2x128xi32, #tpu.memory_space<vmem>>)
      tpu.yield
    }) : () -> ()
    %get3A = arith.constant 0 : i32
    %get3A_11 = arith.index_cast %get3A : i32 to index
    %get3A_12 = arith.constant 0 : index
    %get3A_13 = tpu.vector_load %arg7[%get3A_11, %get3A_12] {strides = array<i32>} : memref<2x128xi32, #tpu.memory_space<vmem>>, vector<1x16xi32>,
    %get3A_14 = vector.shape_cast %get3A_13 : vector<1x16xi32> to vector<16xi32>
    %add3A_15 = vector.broadcast %mul3A_0 : i32 to vector<16xi32>
    %add3A_16 = arith.addi %get3A_14, %add3A_15 : vector<16xi32>
    %swap3A = arith.constant 0 : i32
    %swap3A_17 = arith.index_cast %swap3A : i32 to index
    %swap3A_18 = arith.constant 0 : index
    %swap3A_19 = tpu.vector_load %arg7[%swap3A_17, %swap3A_18] {strides = array<i32>} : memref<2x128xi32, #tpu.memory_space<vmem>>, vector<1x16xi32>,
    %swap3A_20 = vector.shape_cast %swap3A_19 : vector<1x16xi32> to vector<16xi32>
    %swap3A_21 = vector.shape_cast %add3A_16 : vector<16xi32> to vector<1x16xi32>
    tpu.vector_store %arg7[%swap3A_17, %swap3A_18], %swap3A_21 {strides = array<i32>} : memref<2x128xi32, #tpu.memory_space<vmem>>, vector<1x16xi32>,
    %get3A_22 = arith.constant 0 : i32
    %get3A_23 = arith.index_cast %get3A_22 : i32 to index
    %get3A_24 = arith.constant 16 : index
    %get3A_25 = tpu.vector_load %arg7[%get3A_23, %get3A_24] {strides = array<i32>} : memref<2x128xi32, #tpu.memory_space<vmem>>, vector<1x16xi32>,
    %get3A_26 = vector.shape_cast %get3A_25 : vector<1x16xi32> to vector<16xi32>
    %add3A_27 = vector.broadcast %mul3A_0 : i32 to vector<16xi32>
    %add3A_28 = arith.addi %get3A_26, %add3A_27 : vector<16xi32>
    %swap3A_29 = arith.constant 0 : i32
    %swap3A_30 = arith.index_cast %swap3A_29 : i32 to index
    %swap3A_31 = arith.constant 16 : index
    %swap3A_32 = tpu.vector_load %arg7[%swap3A_30, %swap3A_31] {strides = array<i32>} : memref<2x128xi32, #tpu.memory_space<vmem>>, vector<1x16xi32>,
    %swap3A_33 = vector.shape_cast %swap3A_32 : vector<1x16xi32> to vector<16xi32>
    %swap3A_34 = vector.shape_cast %add3A_28 : vector<16xi32> to vector<1x16xi32>
    tpu.vector_store %arg7[%swap3A_30, %swap3A_31], %swap3A_34 {strides = array<i32>} : memref<2x128xi32, #tpu.memory_space<vmem>>, vector<1x16xi32>,
    %get3A_35 = arith.constant 0 : i32
    %get3A_36 = arith.index_cast %get3A_35 : i32 to index
    %get3A_37 = arith.constant 32 : index
    %get3A_38 = tpu.vector_load %arg7[%get3A_36, %get3A_37] {strides = array<i32>} : memref<2x128xi32, #tpu.memory_space<vmem>>, vector<1x16xi32>,
    %get3A_39 = vector.shape_cast %get3A_38 : vector<1x16xi32> to vector<16xi32>
    %add3A_40 = vector.broadcast %mul3A_0 : i32 to vector<16xi32>
    %add3A_41 = arith.addi %get3A_39, %add3A_40 : vector<16xi32>
    %swap3A_42 = arith.constant 0 : i32
    %swap3A_43 = arith.index_cast %swap3A_42 : i32 to index
    %swap3A_44 = arith.constant 32 : index
    %swap3A_45 = tpu.vector_load %arg7[%swap3A_43, %swap3A_44] {strides = array<i32>} : memref<2x128xi32, #tpu.memory_space<vmem>>, vector<1x16xi32>,
    %swap3A_46 = vector.shape_cast %swap3A_45 : vector<1x16xi32> to vector<16xi32>
    %swap3A_47 = vector.shape_cast %add3A_41 : vector<16xi32> to vector<1x16xi32>
    tpu.vector_store %arg7[%swap3A_43, %swap3A_44], %swap3A_47 {strides = array<i32>} : memref<2x128xi32, #tpu.memory_space<vmem>>, vector<1x16xi32>,
    %get3A_48 = arith.constant 0 : i32
    %get3A_49 = arith.index_cast %get3A_48 : i32 to index
    %get3A_50 = arith.constant 48 : index
    %get3A_51 = tpu.vector_load %arg7[%get3A_49, %get3A_50] {strides = array<i32>} : memref<2x128xi32, #tpu.memory_space<vmem>>, vector<1x16xi32>,
    %get3A_52 = vector.shape_cast %get3A_51 : vector<1x16xi32> to vector<16xi32>
    %add3A_53 = vector.broadcast %mul3A_0 : i32 to vector<16xi32>
    %add3A_54 = arith.addi %get3A_52, %add3A_53 : vector<16xi32>
    %swap3A_55 = arith.constant 0 : i32
    %swap3A_56 = arith.index_cast %swap3A_55 : i32 to index
    %swap3A_57 = arith.constant 48 : index
    %swap3A_58 = tpu.vector_load %arg7[%swap3A_56, %swap3A_57] {strides = array<i32>} : memref<2x128xi32, #tpu.memory_space<vmem>>, vector<1x16xi32>,
    %swap3A_59 = vector.shape_cast %swap3A_58 : vector<1x16xi32> to vector<16xi32>
    %swap3A_60 = vector.shape_cast %add3A_54 : vector<16xi32> to vector<1x16xi32>
    tpu.vector_store %arg7[%swap3A_56, %swap3A_57], %swap3A_60 {strides = array<i32>} : memref<2x128xi32, #tpu.memory_space<vmem>>, vector<1x16xi32>,
    %get3A_61 = arith.constant 0 : i32
    %get3A_62 = arith.index_cast %get3A_61 : i32 to index
    %get3A_63 = arith.constant 64 : index
    %get3A_64 = tpu.vector_load %arg7[%get3A_62, %get3A_63] {strides = array<i32>} : memref<2x128xi32, #tpu.memory_space<vmem>>, vector<1x16xi32>,
    %get3A_65 = vector.shape_cast %get3A_64 : vector<1x16xi32> to vector<16xi32>
    %add3A_66 = vector.broadcast %mul3A_0 : i32 to vector<16xi32>
    %add3A_67 = arith.addi %get3A_65, %add3A_66 : vector<16xi32>
    %swap3A_68 = arith.constant 0 : i32
    %swap3A_69 = arith.index_cast %swap3A_68 : i32 to index
    %swap3A_70 = arith.constant 64 : index
    %swap3A_71 = tpu.vector_load %arg7[%swap3A_69, %swap3A_70] {strides = array<i32>} : memref<2x128xi32, #tpu.memory_space<vmem>>, vector<1x16xi32>,
    %swap3A_72 = vector.shape_cast %swap3A_71 : vector<1x16xi32> to vector<16xi32>
    %swap3A_73 = vector.shape_cast %add3A_67 : vector<16xi32> to vector<1x16xi32>
    tpu.vector_store %arg7[%swap3A_69, %swap3A_70], %swap3A_73 {strides = array<i32>} : memref<2x128xi32, #tpu.memory_space<vmem>>, vector<1x16xi32>,
    %get3A_74 = arith.constant 0 : i32
    %get3A_75 = arith.index_cast %get3A_74 : i32 to index
    %get3A_76 = arith.constant 80 : index
    %get3A_77 = tpu.vector_load %arg7[%get3A_75, %get3A_76] {strides = array<i32>} : memref<2x128xi32, #tpu.memory_space<vmem>>, vector<1x16xi32>,
    %get3A_78 = vector.shape_cast %get3A_77 : vector<1x16xi32> to vector<16xi32>
    %add3A_79 = vector.broadcast %mul3A_0 : i32 to vector<16xi32>
    %add3A_80 = arith.addi %get3A_78, %add3A_79 : vector<16xi32>
    %swap3A_81 = arith.constant 0 : i32
    %swap3A_82 = arith.index_cast %swap3A_81 : i32 to index
    %swap3A_83 = arith.constant 80 : index
    %swap3A_84 = tpu.vector_load %arg7[%swap3A_82, %swap3A_83] {strides = array<i32>} : memref<2x128xi32, #tpu.memory_space<vmem>>, vector<1x16xi32>,
    %swap3A_85 = vector.shape_cast %swap3A_84 : vector<1x16xi32> to vector<16xi32>
    %swap3A_86 = vector.shape_cast %add3A_80 : vector<16xi32> to vector<1x16xi32>
    tpu.vector_store %arg7[%swap3A_82, %swap3A_83], %swap3A_86 {strides = array<i32>} : memref<2x128xi32, #tpu.memory_space<vmem>>, vector<1x16xi32>,
    %get3A_87 = arith.constant 0 : i32
    %get3A_88 = arith.index_cast %get3A_87 : i32 to index
    %get3A_89 = arith.constant 96 : index
    %get3A_90 = tpu.vector_load %arg7[%get3A_88, %get3A_89] {strides = array<i32>} : memref<2x128xi32, #tpu.memory_space<vmem>>, vector<1x16xi32>,
    %get3A_91 = vector.shape_cast %get3A_90 : vector<1x16xi32> to vector<16xi32>
    %add3A_92 = vector.broadcast %mul3A_0 : i32 to vector<16xi32>
    %add3A_93 = arith.addi %get3A_91, %add3A_92 : vector<16xi32>
    %swap3A_94 = arith.constant 0 : i32
    %swap3A_95 = arith.index_cast %swap3A_94 : i32 to index
    %swap3A_96 = arith.constant 96 : index
    %swap3A_97 = tpu.vector_load %arg7[%swap3A_95, %swap3A_96] {strides = array<i32>} : memref<2x128xi32, #tpu.memory_space<vmem>>, vector<1x16xi32>,
    %swap3A_98 = vector.shape_cast %swap3A_97 : vector<1x16xi32> to vector<16xi32>
    %swap3A_99 = vector.shape_cast %add3A_93 : vector<16xi32> to vector<1x16xi32>
    tpu.vector_store %arg7[%swap3A_95, %swap3A_96], %swap3A_99 {strides = array<i32>} : memref<2x128xi32, #tpu.memory_space<vmem>>, vector<1x16xi32>,
    %get3A_100 = arith.constant 0 : i32
    %get3A_101 = arith.index_cast %get3A_100 : i32 to index
    %get3A_102 = arith.constant 112 : index
    %get3A_103 = tpu.vector_load %arg7[%get3A_101, %get3A_102] {strides = array<i32>} : memref<2x128xi32, #tpu.memory_space<vmem>>, vector<1x16xi32>,
    %get3A_104 = vector.shape_cast %get3A_103 : vector<1x16xi32> to vector<16xi32>
    %add3A_105 = vector.broadcast %mul3A_0 : i32 to vector<16xi32>
    %add3A_106 = arith.addi %get3A_104, %add3A_105 : vector<16xi32>
    %swap3A_107 = arith.constant 0 : i32
    %swap3A_108 = arith.index_cast %swap3A_107 : i32 to index
    %swap3A_109 = arith.constant 112 : index
    %swap3A_110 = tpu.vector_load %arg7[%swap3A_108, %swap3A_109] {strides = array<i32>} : memref<2x128xi32, #tpu.memory_space<vmem>>, vector<1x16xi32>,
    %swap3A_111 = vector.shape_cast %swap3A_110 : vector<1x16xi32> to vector<16xi32>
    %swap3A_112 = vector.shape_cast %add3A_106 : vector<16xi32> to vector<1x16xi32>
    tpu.vector_store %arg7[%swap3A_108, %swap3A_109], %swap3A_112 {strides = array<i32>} : memref<2x128xi32, #tpu.memory_space<vmem>>, vector<1x16xi32>,
    %get3A_113 = arith.constant 1 : i32
    %get3A_114 = arith.index_cast %get3A_113 : i32 to index
    %get3A_115 = arith.constant 0 : index
    %get3A_116 = tpu.vector_load %arg7[%get3A_114, %get3A_115] {strides = array<i32>} : memref<2x128xi32, #tpu.memory_space<vmem>>, vector<1x16xi32>,
    %get3A_117 = vector.shape_cast %get3A_116 : vector<1x16xi32> to vector<16xi32>
    %add3A_118 = vector.broadcast %mul3A_0 : i32 to vector<16xi32>
    %add3A_119 = arith.addi %get3A_117, %add3A_118 : vector<16xi32>
    %swap3A_120 = arith.constant 1 : i32
    %swap3A_121 = arith.index_cast %swap3A_120 : i32 to index
    %swap3A_122 = arith.constant 0 : index
    %swap3A_123 = tpu.vector_load %arg7[%swap3A_121, %swap3A_122] {strides = array<i32>} : memref<2x128xi32, #tpu.memory_space<vmem>>, vector<1x16xi32>,
    %swap3A_124 = vector.shape_cast %swap3A_123 : vector<1x16xi32> to vector<16xi32>
    %swap3A_125 = vector.shape_cast %add3A_119 : vector<16xi32> to vector<1x16xi32>
    tpu.vector_store %arg7[%swap3A_121, %swap3A_122], %swap3A_125 {strides = array<i32>} : memref<2x128xi32, #tpu.memory_space<vmem>>, vector<1x16xi32>,
    %get3A_126 = arith.constant 1 : i32
    %get3A_127 = arith.index_cast %get3A_126 : i32 to index
    %get3A_128 = arith.constant 16 : index
    %get3A_129 = tpu.vector_load %arg7[%get3A_127, %get3A_128] {strides = array<i32>} : memref<2x128xi32, #tpu.memory_space<vmem>>, vector<1x16xi32>,
    %get3A_130 = vector.shape_cast %get3A_129 : vector<1x16xi32> to vector<16xi32>
    %add3A_131 = vector.broadcast %mul3A_0 : i32 to vector<16xi32>
    %add3A_132 = arith.addi %get3A_130, %add3A_131 : vector<16xi32>
    %swap3A_133 = arith.constant 1 : i32
    %swap3A_134 = arith.index_cast %swap3A_133 : i32 to index
    %swap3A_135 = arith.constant 16 : index
    %swap3A_136 = tpu.vector_load %arg7[%swap3A_134, %swap3A_135] {strides = array<i32>} : memref<2x128xi32, #tpu.memory_space<vmem>>, vector<1x16xi32>,
    %swap3A_137 = vector.shape_cast %swap3A_136 : vector<1x16xi32> to vector<16xi32>
    %swap3A_138 = vector.shape_cast %add3A_132 : vector<16xi32> to vector<1x16xi32>
    tpu.vector_store %arg7[%swap3A_134, %swap3A_135], %swap3A_138 {strides = array<i32>} : memref<2x128xi32, #tpu.memory_space<vmem>>, vector<1x16xi32>,
    %get3A_139 = arith.constant 1 : i32
    %get3A_140 = arith.index_cast %get3A_139 : i32 to index
    %get3A_141 = arith.constant 32 : index
    %get3A_142 = tpu.vector_load %arg7[%get3A_140, %get3A_141] {strides = array<i32>} : memref<2x128xi32, #tpu.memory_space<vmem>>, vector<1x16xi32>,
    %get3A_143 = vector.shape_cast %get3A_142 : vector<1x16xi32> to vector<16xi32>
    %add3A_144 = vector.broadcast %mul3A_0 : i32 to vector<16xi32>
    %add3A_145 = arith.addi %get3A_143, %add3A_144 : vector<16xi32>
    %swap3A_146 = arith.constant 1 : i32
    %swap3A_147 = arith.index_cast %swap3A_146 : i32 to index
    %swap3A_148 = arith.constant 32 : index
    %swap3A_149 = tpu.vector_load %arg7[%swap3A_147, %swap3A_148] {strides = array<i32>} : memref<2x128xi32, #tpu.memory_space<vmem>>, vector<1x16xi32>,
    %swap3A_150 = vector.shape_cast %swap3A_149 : vector<1x16xi32> to vector<16xi32>
    %swap3A_151 = vector.shape_cast %add3A_145 : vector<16xi32> to vector<1x16xi32>
    tpu.vector_store %arg7[%swap3A_147, %swap3A_148], %swap3A_151 {strides = array<i32>} : memref<2x128xi32, #tpu.memory_space<vmem>>, vector<1x16xi32>,
    %get3A_152 = arith.constant 1 : i32
    %get3A_153 = arith.index_cast %get3A_152 : i32 to index
    %get3A_154 = arith.constant 48 : index
    %get3A_155 = tpu.vector_load %arg7[%get3A_153, %get3A_154] {strides = array<i32>} : memref<2x128xi32, #tpu.memory_space<vmem>>, vector<1x16xi32>,
    %get3A_156 = vector.shape_cast %get3A_155 : vector<1x16xi32> to vector<16xi32>
    %add3A_157 = vector.broadcast %mul3A_0 : i32 to vector<16xi32>
    %add3A_158 = arith.addi %get3A_156, %add3A_157 : vector<16xi32>
    %swap3A_159 = arith.constant 1 : i32
    %swap3A_160 = arith.index_cast %swap3A_159 : i32 to index
    %swap3A_161 = arith.constant 48 : index
    %swap3A_162 = tpu.vector_load %arg7[%swap3A_160, %swap3A_161] {strides = array<i32>} : memref<2x128xi32, #tpu.memory_space<vmem>>, vector<1x16xi32>,
    %swap3A_163 = vector.shape_cast %swap3A_162 : vector<1x16xi32> to vector<16xi32>
    %swap3A_164 = vector.shape_cast %add3A_158 : vector<16xi32> to vector<1x16xi32>
    tpu.vector_store %arg7[%swap3A_160, %swap3A_161], %swap3A_164 {strides = array<i32>} : memref<2x128xi32, #tpu.memory_space<vmem>>, vector<1x16xi32>,
    %get3A_165 = arith.constant 1 : i32
    %get3A_166 = arith.index_cast %get3A_165 : i32 to index
    %get3A_167 = arith.constant 64 : index
    %get3A_168 = tpu.vector_load %arg7[%get3A_166, %get3A_167] {strides = array<i32>} : memref<2x128xi32, #tpu.memory_space<vmem>>, vector<1x16xi32>,
    %get3A_169 = vector.shape_cast %get3A_168 : vector<1x16xi32> to vector<16xi32>
    %add3A_170 = vector.broadcast %mul3A_0 : i32 to vector<16xi32>
    %add3A_171 = arith.addi %get3A_169, %add3A_170 : vector<16xi32>
    %swap3A_172 = arith.constant 1 : i32
    %swap3A_173 = arith.index_cast %swap3A_172 : i32 to index
    %swap3A_174 = arith.constant 64 : index
    %swap3A_175 = tpu.vector_load %arg7[%swap3A_173, %swap3A_174] {strides = array<i32>} : memref<2x128xi32, #tpu.memory_space<vmem>>, vector<1x16xi32>,
    %swap3A_176 = vector.shape_cast %swap3A_175 : vector<1x16xi32> to vector<16xi32>
    %swap3A_177 = vector.shape_cast %add3A_171 : vector<16xi32> to vector<1x16xi32>
    tpu.vector_store %arg7[%swap3A_173, %swap3A_174], %swap3A_177 {strides = array<i32>} : memref<2x128xi32, #tpu.memory_space<vmem>>, vector<1x16xi32>,
    %get3A_178 = arith.constant 1 : i32
    %get3A_179 = arith.index_cast %get3A_178 : i32 to index
    %get3A_180 = arith.constant 80 : index
    %get3A_181 = tpu.vector_load %arg7[%get3A_179, %get3A_180] {strides = array<i32>} : memref<2x128xi32, #tpu.memory_space<vmem>>, vector<1x16xi32>,
    %get3A_182 = vector.shape_cast %get3A_181 : vector<1x16xi32> to vector<16xi32>
    %add3A_183 = vector.broadcast %mul3A_0 : i32 to vector<16xi32>
    %add3A_184 = arith.addi %get3A_182, %add3A_183 : vector<16xi32>
    %swap3A_185 = arith.constant 1 : i32
    %swap3A_186 = arith.index_cast %swap3A_185 : i32 to index
    %swap3A_187 = arith.constant 80 : index
    %swap3A_188 = tpu.vector_load %arg7[%swap3A_186, %swap3A_187] {strides = array<i32>} : memref<2x128xi32, #tpu.memory_space<vmem>>, vector<1x16xi32>,
    %swap3A_189 = vector.shape_cast %swap3A_188 : vector<1x16xi32> to vector<16xi32>
    %swap3A_190 = vector.shape_cast %add3A_184 : vector<16xi32> to vector<1x16xi32>
    tpu.vector_store %arg7[%swap3A_186, %swap3A_187], %swap3A_190 {strides = array<i32>} : memref<2x128xi32, #tpu.memory_space<vmem>>, vector<1x16xi32>,
    %get3A_191 = arith.constant 1 : i32
    %get3A_192 = arith.index_cast %get3A_191 : i32 to index
    %get3A_193 = arith.constant 96 : index
    %get3A_194 = tpu.vector_load %arg7[%get3A_192, %get3A_193] {strides = array<i32>} : memref<2x128xi32, #tpu.memory_space<vmem>>, vector<1x16xi32>,
    %get3A_195 = vector.shape_cast %get3A_194 : vector<1x16xi32> to vector<16xi32>
    %add3A_196 = vector.broadcast %mul3A_0 : i32 to vector<16xi32>
    %add3A_197 = arith.addi %get3A_195, %add3A_196 : vector<16xi32>
    %swap3A_198 = arith.constant 1 : i32
    %swap3A_199 = arith.index_cast %swap3A_198 : i32 to index
    %swap3A_200 = arith.constant 96 : index
    %swap3A_201 = tpu.vector_load %arg7[%swap3A_199, %swap3A_200] {strides = array<i32>} : memref<2x128xi32, #tpu.memory_space<vmem>>, vector<1x16xi32>,
    %swap3A_202 = vector.shape_cast %swap3A_201 : vector<1x16xi32> to vector<16xi32>
    %swap3A_203 = vector.shape_cast %add3A_197 : vector<16xi32> to vector<1x16xi32>
    tpu.vector_store %arg7[%swap3A_199, %swap3A_200], %swap3A_203 {strides = array<i32>} : memref<2x128xi32, #tpu.memory_space<vmem>>, vector<1x16xi32>,
    %get3A_204 = arith.constant 1 : i32
    %get3A_205 = arith.index_cast %get3A_204 : i32 to index
    %get3A_206 = arith.constant 112 : index
    %get3A_207 = tpu.vector_load %arg7[%get3A_205, %get3A_206] {strides = array<i32>} : memref<2x128xi32, #tpu.memory_space<vmem>>, vector<1x16xi32>,
    %get3A_208 = vector.shape_cast %get3A_207 : vector<1x16xi32> to vector<16xi32>
    %add3A_209 = vector.broadcast %mul3A_0 : i32 to vector<16xi32>
    %add3A_210 = arith.addi %get3A_208, %add3A_209 : vector<16xi32>
    %swap3A_211 = arith.constant 1 : i32
    %swap3A_212 = arith.index_cast %swap3A_211 : i32 to index
    %swap3A_213 = arith.constant 112 : index
    %swap3A_214 = tpu.vector_load %arg7[%swap3A_212, %swap3A_213] {strides = array<i32>} : memref<2x128xi32, #tpu.memory_space<vmem>>, vector<1x16xi32>,
    %swap3A_215 = vector.shape_cast %swap3A_214 : vector<1x16xi32> to vector<16xi32>
    %swap3A_216 = vector.shape_cast %add3A_210 : vector<16xi32> to vector<1x16xi32>
    tpu.vector_store %arg7[%swap3A_212, %swap3A_213], %swap3A_216 {strides = array<i32>} : memref<2x128xi32, #tpu.memory_space<vmem>>, vector<1x16xi32>,
    %dma_start3A = arith.constant 0 : i32
    %dma_start3A_217 = arith.constant 0 : i32
    %dma_start3A_218 = arith.constant 0 : i32
    %dma_start3A_219 = arith.constant 0 : i32
    %dma_start3A_220 = arith.constant 0 : i32
    %dma_start3A_221 = tpu.memref_slice %arg11[%dma_start3A_217, %dma_start3A_219, %dma_start3A_220] : memref<2x128x128xf32, #tpu.memory_space<vmem>> -> memref<1x128x128xf32, #tpu.memory_space<vmem>>
    %dma_start3A_222 = tpu.memref_squeeze %dma_start3A_221 : memref<1x128x128xf32, #tpu.memory_space<vmem>> -> memref<128x128xf32, #tpu.memory_space<vmem>>
    %dma_start3A_223 = arith.constant 0 : i32
    %dma_start3A_224 = tpu.memref_slice %arg7[%dma_start3A, %dma_start3A_223] : memref<2x128xi32, #tpu.memory_space<vmem>> -> memref<1x128xi32, #tpu.memory_space<vmem>>
    %dma_start3A_225 = tpu.memref_squeeze %dma_start3A_224 : memref<1x128xi32, #tpu.memory_space<vmem>> -> memref<128xi32, #tpu.memory_space<vmem>>
    %dma_start3A_226 = arith.constant 0 : i32
    %dma_start3A_227 = arith.constant 0 : i32
    %dma_start3A_228 = tpu.memref_slice %arg2[%dma_start3A_226, %dma_start3A_227] : memref<20480x128xf32, #tpu.memory_space<hbm>> -> memref<20480x128xf32, #tpu.memory_space<hbm>>
    %dma_start3A_229 = tpu.memref_slice %arg12[%dma_start3A_218] : memref<2x!tpu.dma_semaphore, #tpu.memory_space<semaphore_mem>> -> memref<1x!tpu.dma_semaphore, #tpu.memory_space<semaphore_mem>>
    %dma_start3A_230 = tpu.memref_squeeze %dma_start3A_229 : memref<1x!tpu.dma_semaphore, #tpu.memory_space<semaphore_mem>> -> memref<!tpu.dma_semaphore, #tpu.memory_space<semaphore_mem>>
    tpu.enqueue_indirect_dma source(%dma_start3A_228 : memref<20480x128xf32, #tpu.memory_space<hbm>>) target(%dma_start3A_222 : memref<128x128xf32, #tpu.memory_space<vmem>>) offsets(%dma_start3A_225 : memref<128xi32, #tpu.memory_space<vmem>>) semaphore(%dma_start3A_230 : memref<!tpu.dma_semaphore, #tpu.memory_space<semaphore_mem>>)
    %dma_start3A_231 = arith.constant 1 : i32
    %dma_start3A_232 = arith.constant 1 : i32
    %dma_start3A_233 = arith.constant 1 : i32
    %dma_start3A_234 = arith.constant 0 : i32
    %dma_start3A_235 = arith.constant 0 : i32
    %dma_start3A_236 = tpu.memref_slice %arg11[%dma_start3A_232, %dma_start3A_234, %dma_start3A_235] : memref<2x128x128xf32, #tpu.memory_space<vmem>> -> memref<1x128x128xf32, #tpu.memory_space<vmem>>
    %dma_start3A_237 = tpu.memref_squeeze %dma_start3A_236 : memref<1x128x128xf32, #tpu.memory_space<vmem>> -> memref<128x128xf32, #tpu.memory_space<vmem>>
    %dma_start3A_238 = arith.constant 0 : i32
    %dma_start3A_239 = tpu.memref_slice %arg7[%dma_start3A_231, %dma_start3A_238] : memref<2x128xi32, #tpu.memory_space<vmem>> -> memref<1x128xi32, #tpu.memory_space<vmem>>
    %dma_start3A_240 = tpu.memref_squeeze %dma_start3A_239 : memref<1x128xi32, #tpu.memory_space<vmem>> -> memref<128xi32, #tpu.memory_space<vmem>>
    %dma_start3A_241 = arith.constant 0 : i32
    %dma_start3A_242 = arith.constant 0 : i32
    %dma_start3A_243 = tpu.memref_slice %arg2[%dma_start3A_241, %dma_start3A_242] : memref<20480x128xf32, #tpu.memory_space<hbm>> -> memref<20480x128xf32, #tpu.memory_space<hbm>>
    %dma_start3A_244 = tpu.memref_slice %arg12[%dma_start3A_233] : memref<2x!tpu.dma_semaphore, #tpu.memory_space<semaphore_mem>> -> memref<1x!tpu.dma_semaphore, #tpu.memory_space<semaphore_mem>>
    %dma_start3A_245 = tpu.memref_squeeze %dma_start3A_244 : memref<1x!tpu.dma_semaphore, #tpu.memory_space<semaphore_mem>> -> memref<!tpu.dma_semaphore, #tpu.memory_space<semaphore_mem>>
    tpu.enqueue_indirect_dma source(%dma_start3A_243 : memref<20480x128xf32, #tpu.memory_space<hbm>>) target(%dma_start3A_237 : memref<128x128xf32, #tpu.memory_space<vmem>>) offsets(%dma_start3A_240 : memref<128xi32, #tpu.memory_space<vmem>>) semaphore(%dma_start3A_245 : memref<!tpu.dma_semaphore, #tpu.memory_space<semaphore_mem>>)
    %mul3A_246 = arith.constant 80 : i32
    %mul3A_247 = arith.muli %arg1, %mul3A_246 : i32
    %mul3A_248 = arith.constant 2 : i32
    %mul3A_249 = arith.muli %mul3A_247, %mul3A_248 : i32
    %add3A_250 = arith.constant 2 : i32
    %add3A_251 = arith.addi %mul3A_249, %add3A_250 : i32
    "tpu.region"() ({
      %run_scoped3A = tpu.sem_alloc : memref<!tpu.dma_semaphore, #tpu.memory_space<semaphore_mem>>
      %dma_start3A_679 = arith.constant 0 : i32
      %dma_start3A_680 = tpu.memref_slice %arg3[%add3A_251, %dma_start3A_679] : memref<2560x128xi32, #tpu.memory_space<hbm>> -> memref<2x128xi32, #tpu.memory_space<hbm>>
      %dma_start3A_681 = arith.constant 0 : i32
      %dma_start3A_682 = tpu.memref_slice %arg3[%add3A_251, %dma_start3A_681] : memref<2560x128xi32, #tpu.memory_space<hbm>> -> memref<2x128xi32, #tpu.memory_space<hbm>>
      tpu.enqueue_dma source(%dma_start3A_682 : memref<2x128xi32, #tpu.memory_space<hbm>>) target(%arg9 : memref<2x128xi32, #tpu.memory_space<vmem>>) target_semaphore(%run_scoped3A : memref<!tpu.dma_semaphore, #tpu.memory_space<semaphore_mem>>)
      %dma_wait3A_683 = arith.constant 0 : i32
      %dma_wait3A_684 = tpu.memref_slice %arg3[%add3A_251, %dma_wait3A_683] : memref<2560x128xi32, #tpu.memory_space<hbm>> -> memref<2x128xi32, #tpu.memory_space<hbm>>
      %dma_wait3A_685 = arith.constant 0 : i32
      %dma_wait3A_686 = tpu.memref_slice %arg3[%add3A_251, %dma_wait3A_685] : memref<2560x128xi32, #tpu.memory_space<hbm>> -> memref<2x128xi32, #tpu.memory_space<hbm>>
      tpu.wait_dma2 semaphore(%run_scoped3A : memref<!tpu.dma_semaphore, #tpu.memory_space<semaphore_mem>>) src(%dma_wait3A_686 : memref<2x128xi32, #tpu.memory_space<hbm>>) dst(%arg9 : memref<2x128xi32, #tpu.memory_space<vmem>>)
      tpu.yield
    }) : () -> ()
    "tpu.region"() ({
      %run_scoped3A = tpu.sem_alloc : memref<!tpu.dma_semaphore, #tpu.memory_space<semaphore_mem>>
      %dma_start3A_679 = arith.constant 0 : i32
      %dma_start3A_680 = tpu.memref_slice %arg4[%add3A_251, %dma_start3A_679] : memref<2560x128xi32, #tpu.memory_space<hbm>> -> memref<2x128xi32, #tpu.memory_space<hbm>>
      %dma_start3A_681 = arith.constant 0 : i32
      %dma_start3A_682 = tpu.memref_slice %arg4[%add3A_251, %dma_start3A_681] : memref<2560x128xi32, #tpu.memory_space<hbm>> -> memref<2x128xi32, #tpu.memory_space<hbm>>
      tpu.enqueue_dma source(%dma_start3A_682 : memref<2x128xi32, #tpu.memory_space<hbm>>) target(%arg10 : memref<2x128xi32, #tpu.memory_space<vmem>>) target_semaphore(%run_scoped3A : memref<!tpu.dma_semaphore, #tpu.memory_space<semaphore_mem>>)
      %dma_wait3A_683 = arith.constant 0 : i32
      %dma_wait3A_684 = tpu.memref_slice %arg4[%add3A_251, %dma_wait3A_683] : memref<2560x128xi32, #tpu.memory_space<hbm>> -> memref<2x128xi32, #tpu.memory_space<hbm>>
      %dma_wait3A_685 = arith.constant 0 : i32
      %dma_wait3A_686 = tpu.memref_slice %arg4[%add3A_251, %dma_wait3A_685] : memref<2560x128xi32, #tpu.memory_space<hbm>> -> memref<2x128xi32, #tpu.memory_space<hbm>>
      tpu.wait_dma2 semaphore(%run_scoped3A : memref<!tpu.dma_semaphore, #tpu.memory_space<semaphore_mem>>) src(%dma_wait3A_686 : memref<2x128xi32, #tpu.memory_space<hbm>>) dst(%arg10 : memref<2x128xi32, #tpu.memory_space<vmem>>)
      tpu.yield
    }) : () -> ()
    %get3A_252 = arith.constant 0 : i32
    %get3A_253 = arith.index_cast %get3A_252 : i32 to index
    %get3A_254 = arith.constant 0 : index
    %get3A_255 = tpu.vector_load %arg9[%get3A_253, %get3A_254] {strides = array<i32>} : memref<2x128xi32, #tpu.memory_space<vmem>>, vector<1x16xi32>,
    %get3A_256 = vector.shape_cast %get3A_255 : vector<1x16xi32> to vector<16xi32>
    %add3A_257 = vector.broadcast %mul3A_0 : i32 to vector<16xi32>
    %add3A_258 = arith.addi %get3A_256, %add3A_257 : vector<16xi32>
    %swap3A_259 = arith.constant 0 : i32
    %swap3A_260 = arith.index_cast %swap3A_259 : i32 to index
    %swap3A_261 = arith.constant 0 : index
    %swap3A_262 = tpu.vector_load %arg9[%swap3A_260, %swap3A_261] {strides = array<i32>} : memref<2x128xi32, #tpu.memory_space<vmem>>, vector<1x16xi32>,
    %swap3A_263 = vector.shape_cast %swap3A_262 : vector<1x16xi32> to vector<16xi32>
    %swap3A_264 = vector.shape_cast %add3A_258 : vector<16xi32> to vector<1x16xi32>
    tpu.vector_store %arg9[%swap3A_260, %swap3A_261], %swap3A_264 {strides = array<i32>} : memref<2x128xi32, #tpu.memory_space<vmem>>, vector<1x16xi32>,
    %get3A_265 = arith.constant 0 : i32
    %get3A_266 = arith.index_cast %get3A_265 : i32 to index
    %get3A_267 = arith.constant 16 : index
    %get3A_268 = tpu.vector_load %arg9[%get3A_266, %get3A_267] {strides = array<i32>} : memref<2x128xi32, #tpu.memory_space<vmem>>, vector<1x16xi32>,
    %get3A_269 = vector.shape_cast %get3A_268 : vector<1x16xi32> to vector<16xi32>
    %add3A_270 = vector.broadcast %mul3A_0 : i32 to vector<16xi32>
    %add3A_271 = arith.addi %get3A_269, %add3A_270 : vector<16xi32>
    %swap3A_272 = arith.constant 0 : i32
    %swap3A_273 = arith.index_cast %swap3A_272 : i32 to index
    %swap3A_274 = arith.constant 16 : index
    %swap3A_275 = tpu.vector_load %arg9[%swap3A_273, %swap3A_274] {strides = array<i32>} : memref<2x128xi32, #tpu.memory_space<vmem>>, vector<1x16xi32>,
    %swap3A_276 = vector.shape_cast %swap3A_275 : vector<1x16xi32> to vector<16xi32>
    %swap3A_277 = vector.shape_cast %add3A_271 : vector<16xi32> to vector<1x16xi32>
    tpu.vector_store %arg9[%swap3A_273, %swap3A_274], %swap3A_277 {strides = array<i32>} : memref<2x128xi32, #tpu.memory_space<vmem>>, vector<1x16xi32>,
    %get3A_278 = arith.constant 0 : i32
    %get3A_279 = arith.index_cast %get3A_278 : i32 to index
    %get3A_280 = arith.constant 32 : index
    %get3A_281 = tpu.vector_load %arg9[%get3A_279, %get3A_280] {strides = array<i32>} : memref<2x128xi32, #tpu.memory_space<vmem>>, vector<1x16xi32>,
    %get3A_282 = vector.shape_cast %get3A_281 : vector<1x16xi32> to vector<16xi32>
    %add3A_283 = vector.broadcast %mul3A_0 : i32 to vector<16xi32>
    %add3A_284 = arith.addi %get3A_282, %add3A_283 : vector<16xi32>
    %swap3A_285 = arith.constant 0 : i32
    %swap3A_286 = arith.index_cast %swap3A_285 : i32 to index
    %swap3A_287 = arith.constant 32 : index
    %swap3A_288 = tpu.vector_load %arg9[%swap3A_286, %swap3A_287] {strides = array<i32>} : memref<2x128xi32, #tpu.memory_space<vmem>>, vector<1x16xi32>,
    %swap3A_289 = vector.shape_cast %swap3A_288 : vector<1x16xi32> to vector<16xi32>
    %swap3A_290 = vector.shape_cast %add3A_284 : vector<16xi32> to vector<1x16xi32>
    tpu.vector_store %arg9[%swap3A_286, %swap3A_287], %swap3A_290 {strides = array<i32>} : memref<2x128xi32, #tpu.memory_space<vmem>>, vector<1x16xi32>,
    %get3A_291 = arith.constant 0 : i32
    %get3A_292 = arith.index_cast %get3A_291 : i32 to index
    %get3A_293 = arith.constant 48 : index
    %get3A_294 = tpu.vector_load %arg9[%get3A_292, %get3A_293] {strides = array<i32>} : memref<2x128xi32, #tpu.memory_space<vmem>>, vector<1x16xi32>,
    %get3A_295 = vector.shape_cast %get3A_294 : vector<1x16xi32> to vector<16xi32>
    %add3A_296 = vector.broadcast %mul3A_0 : i32 to vector<16xi32>
    %add3A_297 = arith.addi %get3A_295, %add3A_296 : vector<16xi32>
    %swap3A_298 = arith.constant 0 : i32
    %swap3A_299 = arith.index_cast %swap3A_298 : i32 to index
    %swap3A_300 = arith.constant 48 : index
    %swap3A_301 = tpu.vector_load %arg9[%swap3A_299, %swap3A_300] {strides = array<i32>} : memref<2x128xi32, #tpu.memory_space<vmem>>, vector<1x16xi32>,
    %swap3A_302 = vector.shape_cast %swap3A_301 : vector<1x16xi32> to vector<16xi32>
    %swap3A_303 = vector.shape_cast %add3A_297 : vector<16xi32> to vector<1x16xi32>
    tpu.vector_store %arg9[%swap3A_299, %swap3A_300], %swap3A_303 {strides = array<i32>} : memref<2x128xi32, #tpu.memory_space<vmem>>, vector<1x16xi32>,
    %get3A_304 = arith.constant 0 : i32
    %get3A_305 = arith.index_cast %get3A_304 : i32 to index
    %get3A_306 = arith.constant 64 : index
    %get3A_307 = tpu.vector_load %arg9[%get3A_305, %get3A_306] {strides = array<i32>} : memref<2x128xi32, #tpu.memory_space<vmem>>, vector<1x16xi32>,
    %get3A_308 = vector.shape_cast %get3A_307 : vector<1x16xi32> to vector<16xi32>
    %add3A_309 = vector.broadcast %mul3A_0 : i32 to vector<16xi32>
    %add3A_310 = arith.addi %get3A_308, %add3A_309 : vector<16xi32>
    %swap3A_311 = arith.constant 0 : i32
    %swap3A_312 = arith.index_cast %swap3A_311 : i32 to index
    %swap3A_313 = arith.constant 64 : index
    %swap3A_314 = tpu.vector_load %arg9[%swap3A_312, %swap3A_313] {strides = array<i32>} : memref<2x128xi32, #tpu.memory_space<vmem>>, vector<1x16xi32>,
    %swap3A_315 = vector.shape_cast %swap3A_314 : vector<1x16xi32> to vector<16xi32>
    %swap3A_316 = vector.shape_cast %add3A_310 : vector<16xi32> to vector<1x16xi32>
    tpu.vector_store %arg9[%swap3A_312, %swap3A_313], %swap3A_316 {strides = array<i32>} : memref<2x128xi32, #tpu.memory_space<vmem>>, vector<1x16xi32>,
    %get3A_317 = arith.constant 0 : i32
    %get3A_318 = arith.index_cast %get3A_317 : i32 to index
    %get3A_319 = arith.constant 80 : index
    %get3A_320 = tpu.vector_load %arg9[%get3A_318, %get3A_319] {strides = array<i32>} : memref<2x128xi32, #tpu.memory_space<vmem>>, vector<1x16xi32>,
    %get3A_321 = vector.shape_cast %get3A_320 : vector<1x16xi32> to vector<16xi32>
    %add3A_322 = vector.broadcast %mul3A_0 : i32 to vector<16xi32>
    %add3A_323 = arith.addi %get3A_321, %add3A_322 : vector<16xi32>
    %swap3A_324 = arith.constant 0 : i32
    %swap3A_325 = arith.index_cast %swap3A_324 : i32 to index
    %swap3A_326 = arith.constant 80 : index
    %swap3A_327 = tpu.vector_load %arg9[%swap3A_325, %swap3A_326] {strides = array<i32>} : memref<2x128xi32, #tpu.memory_space<vmem>>, vector<1x16xi32>,
    %swap3A_328 = vector.shape_cast %swap3A_327 : vector<1x16xi32> to vector<16xi32>
    %swap3A_329 = vector.shape_cast %add3A_323 : vector<16xi32> to vector<1x16xi32>
    tpu.vector_store %arg9[%swap3A_325, %swap3A_326], %swap3A_329 {strides = array<i32>} : memref<2x128xi32, #tpu.memory_space<vmem>>, vector<1x16xi32>,
    %get3A_330 = arith.constant 0 : i32
    %get3A_331 = arith.index_cast %get3A_330 : i32 to index
    %get3A_332 = arith.constant 96 : index
    %get3A_333 = tpu.vector_load %arg9[%get3A_331, %get3A_332] {strides = array<i32>} : memref<2x128xi32, #tpu.memory_space<vmem>>, vector<1x16xi32>,
    %get3A_334 = vector.shape_cast %get3A_333 : vector<1x16xi32> to vector<16xi32>
    %add3A_335 = vector.broadcast %mul3A_0 : i32 to vector<16xi32>
    %add3A_336 = arith.addi %get3A_334, %add3A_335 : vector<16xi32>
    %swap3A_337 = arith.constant 0 : i32
    %swap3A_338 = arith.index_cast %swap3A_337 : i32 to index
    %swap3A_339 = arith.constant 96 : index
    %swap3A_340 = tpu.vector_load %arg9[%swap3A_338, %swap3A_339] {strides = array<i32>} : memref<2x128xi32, #tpu.memory_space<vmem>>, vector<1x16xi32>,
    %swap3A_341 = vector.shape_cast %swap3A_340 : vector<1x16xi32> to vector<16xi32>
    %swap3A_342 = vector.shape_cast %add3A_336 : vector<16xi32> to vector<1x16xi32>
    tpu.vector_store %arg9[%swap3A_338, %swap3A_339], %swap3A_342 {strides = array<i32>} : memref<2x128xi32, #tpu.memory_space<vmem>>, vector<1x16xi32>,
    %get3A_343 = arith.constant 0 : i32
    %get3A_344 = arith.index_cast %get3A_343 : i32 to index
    %get3A_345 = arith.constant 112 : index
    %get3A_346 = tpu.vector_load %arg9[%get3A_344, %get3A_345] {strides = array<i32>} : memref<2x128xi32, #tpu.memory_space<vmem>>, vector<1x16xi32>,
    %get3A_347 = vector.shape_cast %get3A_346 : vector<1x16xi32> to vector<16xi32>
    %add3A_348 = vector.broadcast %mul3A_0 : i32 to vector<16xi32>
    %add3A_349 = arith.addi %get3A_347, %add3A_348 : vector<16xi32>
    %swap3A_350 = arith.constant 0 : i32
    %swap3A_351 = arith.index_cast %swap3A_350 : i32 to index
    %swap3A_352 = arith.constant 112 : index
    %swap3A_353 = tpu.vector_load %arg9[%swap3A_351, %swap3A_352] {strides = array<i32>} : memref<2x128xi32, #tpu.memory_space<vmem>>, vector<1x16xi32>,
    %swap3A_354 = vector.shape_cast %swap3A_353 : vector<1x16xi32> to vector<16xi32>
    %swap3A_355 = vector.shape_cast %add3A_349 : vector<16xi32> to vector<1x16xi32>
    tpu.vector_store %arg9[%swap3A_351, %swap3A_352], %swap3A_355 {strides = array<i32>} : memref<2x128xi32, #tpu.memory_space<vmem>>, vector<1x16xi32>,
    %get3A_356 = arith.constant 1 : i32
    %get3A_357 = arith.index_cast %get3A_356 : i32 to index
    %get3A_358 = arith.constant 0 : index
    %get3A_359 = tpu.vector_load %arg9[%get3A_357, %get3A_358] {strides = array<i32>} : memref<2x128xi32, #tpu.memory_space<vmem>>, vector<1x16xi32>,
    %get3A_360 = vector.shape_cast %get3A_359 : vector<1x16xi32> to vector<16xi32>
    %add3A_361 = vector.broadcast %mul3A_0 : i32 to vector<16xi32>
    %add3A_362 = arith.addi %get3A_360, %add3A_361 : vector<16xi32>
    %swap3A_363 = arith.constant 1 : i32
    %swap3A_364 = arith.index_cast %swap3A_363 : i32 to index
    %swap3A_365 = arith.constant 0 : index
    %swap3A_366 = tpu.vector_load %arg9[%swap3A_364, %swap3A_365] {strides = array<i32>} : memref<2x128xi32, #tpu.memory_space<vmem>>, vector<1x16xi32>,
    %swap3A_367 = vector.shape_cast %swap3A_366 : vector<1x16xi32> to vector<16xi32>
    %swap3A_368 = vector.shape_cast %add3A_362 : vector<16xi32> to vector<1x16xi32>
    tpu.vector_store %arg9[%swap3A_364, %swap3A_365], %swap3A_368 {strides = array<i32>} : memref<2x128xi32, #tpu.memory_space<vmem>>, vector<1x16xi32>,
    %get3A_369 = arith.constant 1 : i32
    %get3A_370 = arith.index_cast %get3A_369 : i32 to index
    %get3A_371 = arith.constant 16 : index
    %get3A_372 = tpu.vector_load %arg9[%get3A_370, %get3A_371] {strides = array<i32>} : memref<2x128xi32, #tpu.memory_space<vmem>>, vector<1x16xi32>,
    %get3A_373 = vector.shape_cast %get3A_372 : vector<1x16xi32> to vector<16xi32>
    %add3A_374 = vector.broadcast %mul3A_0 : i32 to vector<16xi32>
    %add3A_375 = arith.addi %get3A_373, %add3A_374 : vector<16xi32>
    %swap3A_376 = arith.constant 1 : i32
    %swap3A_377 = arith.index_cast %swap3A_376 : i32 to index
    %swap3A_378 = arith.constant 16 : index
    %swap3A_379 = tpu.vector_load %arg9[%swap3A_377, %swap3A_378] {strides = array<i32>} : memref<2x128xi32, #tpu.memory_space<vmem>>, vector<1x16xi32>,
    %swap3A_380 = vector.shape_cast %swap3A_379 : vector<1x16xi32> to vector<16xi32>
    %swap3A_381 = vector.shape_cast %add3A_375 : vector<16xi32> to vector<1x16xi32>
    tpu.vector_store %arg9[%swap3A_377, %swap3A_378], %swap3A_381 {strides = array<i32>} : memref<2x128xi32, #tpu.memory_space<vmem>>, vector<1x16xi32>,
    %get3A_382 = arith.constant 1 : i32
    %get3A_383 = arith.index_cast %get3A_382 : i32 to index
    %get3A_384 = arith.constant 32 : index
    %get3A_385 = tpu.vector_load %arg9[%get3A_383, %get3A_384] {strides = array<i32>} : memref<2x128xi32, #tpu.memory_space<vmem>>, vector<1x16xi32>,
    %get3A_386 = vector.shape_cast %get3A_385 : vector<1x16xi32> to vector<16xi32>
    %add3A_387 = vector.broadcast %mul3A_0 : i32 to vector<16xi32>
    %add3A_388 = arith.addi %get3A_386, %add3A_387 : vector<16xi32>
    %swap3A_389 = arith.constant 1 : i32
    %swap3A_390 = arith.index_cast %swap3A_389 : i32 to index
    %swap3A_391 = arith.constant 32 : index
    %swap3A_392 = tpu.vector_load %arg9[%swap3A_390, %swap3A_391] {strides = array<i32>} : memref<2x128xi32, #tpu.memory_space<vmem>>, vector<1x16xi32>,
    %swap3A_393 = vector.shape_cast %swap3A_392 : vector<1x16xi32> to vector<16xi32>
    %swap3A_394 = vector.shape_cast %add3A_388 : vector<16xi32> to vector<1x16xi32>
    tpu.vector_store %arg9[%swap3A_390, %swap3A_391], %swap3A_394 {strides = array<i32>} : memref<2x128xi32, #tpu.memory_space<vmem>>, vector<1x16xi32>,
    %get3A_395 = arith.constant 1 : i32
    %get3A_396 = arith.index_cast %get3A_395 : i32 to index
    %get3A_397 = arith.constant 48 : index
    %get3A_398 = tpu.vector_load %arg9[%get3A_396, %get3A_397] {strides = array<i32>} : memref<2x128xi32, #tpu.memory_space<vmem>>, vector<1x16xi32>,
    %get3A_399 = vector.shape_cast %get3A_398 : vector<1x16xi32> to vector<16xi32>
    %add3A_400 = vector.broadcast %mul3A_0 : i32 to vector<16xi32>
    %add3A_401 = arith.addi %get3A_399, %add3A_400 : vector<16xi32>
    %swap3A_402 = arith.constant 1 : i32
    %swap3A_403 = arith.index_cast %swap3A_402 : i32 to index
    %swap3A_404 = arith.constant 48 : index
    %swap3A_405 = tpu.vector_load %arg9[%swap3A_403, %swap3A_404] {strides = array<i32>} : memref<2x128xi32, #tpu.memory_space<vmem>>, vector<1x16xi32>,
    %swap3A_406 = vector.shape_cast %swap3A_405 : vector<1x16xi32> to vector<16xi32>
    %swap3A_407 = vector.shape_cast %add3A_401 : vector<16xi32> to vector<1x16xi32>
    tpu.vector_store %arg9[%swap3A_403, %swap3A_404], %swap3A_407 {strides = array<i32>} : memref<2x128xi32, #tpu.memory_space<vmem>>, vector<1x16xi32>,
    %get3A_408 = arith.constant 1 : i32
    %get3A_409 = arith.index_cast %get3A_408 : i32 to index
    %get3A_410 = arith.constant 64 : index
    %get3A_411 = tpu.vector_load %arg9[%get3A_409, %get3A_410] {strides = array<i32>} : memref<2x128xi32, #tpu.memory_space<vmem>>, vector<1x16xi32>,
    %get3A_412 = vector.shape_cast %get3A_411 : vector<1x16xi32> to vector<16xi32>
    %add3A_413 = vector.broadcast %mul3A_0 : i32 to vector<16xi32>
    %add3A_414 = arith.addi %get3A_412, %add3A_413 : vector<16xi32>
    %swap3A_415 = arith.constant 1 : i32
    %swap3A_416 = arith.index_cast %swap3A_415 : i32 to index
    %swap3A_417 = arith.constant 64 : index
    %swap3A_418 = tpu.vector_load %arg9[%swap3A_416, %swap3A_417] {strides = array<i32>} : memref<2x128xi32, #tpu.memory_space<vmem>>, vector<1x16xi32>,
    %swap3A_419 = vector.shape_cast %swap3A_418 : vector<1x16xi32> to vector<16xi32>
    %swap3A_420 = vector.shape_cast %add3A_414 : vector<16xi32> to vector<1x16xi32>
    tpu.vector_store %arg9[%swap3A_416, %swap3A_417], %swap3A_420 {strides = array<i32>} : memref<2x128xi32, #tpu.memory_space<vmem>>, vector<1x16xi32>,
    %get3A_421 = arith.constant 1 : i32
    %get3A_422 = arith.index_cast %get3A_421 : i32 to index
    %get3A_423 = arith.constant 80 : index
    %get3A_424 = tpu.vector_load %arg9[%get3A_422, %get3A_423] {strides = array<i32>} : memref<2x128xi32, #tpu.memory_space<vmem>>, vector<1x16xi32>,
    %get3A_425 = vector.shape_cast %get3A_424 : vector<1x16xi32> to vector<16xi32>
    %add3A_426 = vector.broadcast %mul3A_0 : i32 to vector<16xi32>
    %add3A_427 = arith.addi %get3A_425, %add3A_426 : vector<16xi32>
    %swap3A_428 = arith.constant 1 : i32
    %swap3A_429 = arith.index_cast %swap3A_428 : i32 to index
    %swap3A_430 = arith.constant 80 : index
    %swap3A_431 = tpu.vector_load %arg9[%swap3A_429, %swap3A_430] {strides = array<i32>} : memref<2x128xi32, #tpu.memory_space<vmem>>, vector<1x16xi32>,
    %swap3A_432 = vector.shape_cast %swap3A_431 : vector<1x16xi32> to vector<16xi32>
    %swap3A_433 = vector.shape_cast %add3A_427 : vector<16xi32> to vector<1x16xi32>
    tpu.vector_store %arg9[%swap3A_429, %swap3A_430], %swap3A_433 {strides = array<i32>} : memref<2x128xi32, #tpu.memory_space<vmem>>, vector<1x16xi32>,
    %get3A_434 = arith.constant 1 : i32
    %get3A_435 = arith.index_cast %get3A_434 : i32 to index
    %get3A_436 = arith.constant 96 : index
    %get3A_437 = tpu.vector_load %arg9[%get3A_435, %get3A_436] {strides = array<i32>} : memref<2x128xi32, #tpu.memory_space<vmem>>, vector<1x16xi32>,
    %get3A_438 = vector.shape_cast %get3A_437 : vector<1x16xi32> to vector<16xi32>
    %add3A_439 = vector.broadcast %mul3A_0 : i32 to vector<16xi32>
    %add3A_440 = arith.addi %get3A_438, %add3A_439 : vector<16xi32>
    %swap3A_441 = arith.constant 1 : i32
    %swap3A_442 = arith.index_cast %swap3A_441 : i32 to index
    %swap3A_443 = arith.constant 96 : index
    %swap3A_444 = tpu.vector_load %arg9[%swap3A_442, %swap3A_443] {strides = array<i32>} : memref<2x128xi32, #tpu.memory_space<vmem>>, vector<1x16xi32>,
    %swap3A_445 = vector.shape_cast %swap3A_444 : vector<1x16xi32> to vector<16xi32>
    %swap3A_446 = vector.shape_cast %add3A_440 : vector<16xi32> to vector<1x16xi32>
    tpu.vector_store %arg9[%swap3A_442, %swap3A_443], %swap3A_446 {strides = array<i32>} : memref<2x128xi32, #tpu.memory_space<vmem>>, vector<1x16xi32>,
    %get3A_447 = arith.constant 1 : i32
    %get3A_448 = arith.index_cast %get3A_447 : i32 to index
    %get3A_449 = arith.constant 112 : index
    %get3A_450 = tpu.vector_load %arg9[%get3A_448, %get3A_449] {strides = array<i32>} : memref<2x128xi32, #tpu.memory_space<vmem>>, vector<1x16xi32>,
    %get3A_451 = vector.shape_cast %get3A_450 : vector<1x16xi32> to vector<16xi32>
    %add3A_452 = vector.broadcast %mul3A_0 : i32 to vector<16xi32>
    %add3A_453 = arith.addi %get3A_451, %add3A_452 : vector<16xi32>
    %swap3A_454 = arith.constant 1 : i32
    %swap3A_455 = arith.index_cast %swap3A_454 : i32 to index
    %swap3A_456 = arith.constant 112 : index
    %swap3A_457 = tpu.vector_load %arg9[%swap3A_455, %swap3A_456] {strides = array<i32>} : memref<2x128xi32, #tpu.memory_space<vmem>>, vector<1x16xi32>,
    %swap3A_458 = vector.shape_cast %swap3A_457 : vector<1x16xi32> to vector<16xi32>
    %swap3A_459 = vector.shape_cast %add3A_453 : vector<16xi32> to vector<1x16xi32>
    tpu.vector_store %arg9[%swap3A_455, %swap3A_456], %swap3A_459 {strides = array<i32>} : memref<2x128xi32, #tpu.memory_space<vmem>>, vector<1x16xi32>,
    %scan3A = arith.constant 0 : i32
    %scan3A_460 = arith.constant 0 : i32
    %scan3A_461 = arith.constant 39 : i32
    %scan3A_462 = arith.addi %scan3A_460, %scan3A_461 : i32
    %scan3A_463 = arith.constant 1 : i32
    scf.for %scan3A_679 = %scan3A_460 to %scan3A_462 step %scan3A_463  : i32 {
      %mul3A_680 = arith.constant 2 : i32
      %mul3A_681 = arith.muli %mul3A_680, %scan3A_679 : i32
      %dma_wait3A_682 = arith.constant 0 : i32
      %dma_wait3A_683 = arith.constant 0 : i32
      %dma_wait3A_684 = arith.constant 0 : i32
      %dma_wait3A_685 = arith.constant 0 : i32
      %dma_wait3A_686 = arith.constant 0 : i32
      %dma_wait3A_687 = tpu.memref_slice %arg11[%dma_wait3A_683, %dma_wait3A_685, %dma_wait3A_686] : memref<2x128x128xf32, #tpu.memory_space<vmem>> -> memref<1x128x128xf32, #tpu.memory_space<vmem>>
      %dma_wait3A_688 = tpu.memref_squeeze %dma_wait3A_687 : memref<1x128x128xf32, #tpu.memory_space<vmem>> -> memref<128x128xf32, #tpu.memory_space<vmem>>
      %dma_wait3A_689 = arith.constant 0 : i32
      %dma_wait3A_690 = tpu.memref_slice %arg7[%dma_wait3A_682, %dma_wait3A_689] : memref<2x128xi32, #tpu.memory_space<vmem>> -> memref<1x128xi32, #tpu.memory_space<vmem>>
      %dma_wait3A_691 = tpu.memref_squeeze %dma_wait3A_690 : memref<1x128xi32, #tpu.memory_space<vmem>> -> memref<128xi32, #tpu.memory_space<vmem>>
      %dma_wait3A_692 = arith.constant 0 : i32
      %dma_wait3A_693 = arith.constant 0 : i32
      %dma_wait3A_694 = tpu.memref_slice %arg2[%dma_wait3A_692, %dma_wait3A_693] : memref<20480x128xf32, #tpu.memory_space<hbm>> -> memref<20480x128xf32, #tpu.memory_space<hbm>>
      %dma_wait3A_695 = tpu.memref_slice %arg12[%dma_wait3A_684] : memref<2x!tpu.dma_semaphore, #tpu.memory_space<semaphore_mem>> -> memref<1x!tpu.dma_semaphore, #tpu.memory_space<semaphore_mem>>
      %dma_wait3A_696 = tpu.memref_squeeze %dma_wait3A_695 : memref<1x!tpu.dma_semaphore, #tpu.memory_space<semaphore_mem>> -> memref<!tpu.dma_semaphore, #tpu.memory_space<semaphore_mem>>
      tpu.wait_indirect_dma semaphore(%dma_wait3A_696 : memref<!tpu.dma_semaphore, #tpu.memory_space<semaphore_mem>>) src(%dma_wait3A_694 : memref<20480x128xf32, #tpu.memory_space<hbm>>) dst(%dma_wait3A_688 : memref<128x128xf32, #tpu.memory_space<vmem>>)
      %dma_start3A_697 = arith.constant 0 : i32
      %dma_start3A_698 = arith.constant 0 : i32
      %dma_start3A_699 = arith.constant 0 : i32
      %dma_start3A_700 = arith.constant 0 : i32
      %dma_start3A_701 = arith.constant 0 : i32
      %dma_start3A_702 = tpu.memref_slice %arg11[%dma_start3A_697, %dma_start3A_700, %dma_start3A_701] : memref<2x128x128xf32, #tpu.memory_space<vmem>> -> memref<1x128x128xf32, #tpu.memory_space<vmem>>
      %dma_start3A_703 = tpu.memref_squeeze %dma_start3A_702 : memref<1x128x128xf32, #tpu.memory_space<vmem>> -> memref<128x128xf32, #tpu.memory_space<vmem>>
      %dma_start3A_704 = arith.constant 0 : i32
      %dma_start3A_705 = tpu.memref_slice %arg8[%dma_start3A_698, %dma_start3A_704] : memref<2x128xi32, #tpu.memory_space<vmem>> -> memref<1x128xi32, #tpu.memory_space<vmem>>
      %dma_start3A_706 = tpu.memref_squeeze %dma_start3A_705 : memref<1x128xi32, #tpu.memory_space<vmem>> -> memref<128xi32, #tpu.memory_space<vmem>>
      %dma_start3A_707 = arith.constant 0 : i32
      %dma_start3A_708 = arith.constant 0 : i32
      %dma_start3A_709 = tpu.memref_slice %arg6[%dma_start3A_707, %dma_start3A_708] : memref<10240x128xf32, #tpu.memory_space<vmem_shared>> -> memref<10240x128xf32, #tpu.memory_space<vmem_shared>>
      %dma_start3A_710 = tpu.memref_slice %arg13[%dma_start3A_699] : memref<2x!tpu.dma_semaphore, #tpu.memory_space<semaphore_mem>> -> memref<1x!tpu.dma_semaphore, #tpu.memory_space<semaphore_mem>>
      %dma_start3A_711 = tpu.memref_squeeze %dma_start3A_710 : memref<1x!tpu.dma_semaphore, #tpu.memory_space<semaphore_mem>> -> memref<!tpu.dma_semaphore, #tpu.memory_space<semaphore_mem>>
      tpu.enqueue_indirect_dma source(%dma_start3A_703 : memref<128x128xf32, #tpu.memory_space<vmem>>) target(%dma_start3A_709 : memref<10240x128xf32, #tpu.memory_space<vmem_shared>>) offsets(%dma_start3A_706 : memref<128xi32, #tpu.memory_space<vmem>>) semaphore(%dma_start3A_711 : memref<!tpu.dma_semaphore, #tpu.memory_space<semaphore_mem>>) {add = true}
      %dma_wait3A_712 = arith.constant 1 : i32
      %dma_wait3A_713 = arith.constant 1 : i32
      %dma_wait3A_714 = arith.constant 1 : i32
      %dma_wait3A_715 = arith.constant 0 : i32
      %dma_wait3A_716 = arith.constant 0 : i32
      %dma_wait3A_717 = tpu.memref_slice %arg11[%dma_wait3A_713, %dma_wait3A_715, %dma_wait3A_716] : memref<2x128x128xf32, #tpu.memory_space<vmem>> -> memref<1x128x128xf32, #tpu.memory_space<vmem>>
      %dma_wait3A_718 = tpu.memref_squeeze %dma_wait3A_717 : memref<1x128x128xf32, #tpu.memory_space<vmem>> -> memref<128x128xf32, #tpu.memory_space<vmem>>
      %dma_wait3A_719 = arith.constant 0 : i32
      %dma_wait3A_720 = tpu.memref_slice %arg7[%dma_wait3A_712, %dma_wait3A_719] : memref<2x128xi32, #tpu.memory_space<vmem>> -> memref<1x128xi32, #tpu.memory_space<vmem>>
      %dma_wait3A_721 = tpu.memref_squeeze %dma_wait3A_720 : memref<1x128xi32, #tpu.memory_space<vmem>> -> memref<128xi32, #tpu.memory_space<vmem>>
      %dma_wait3A_722 = arith.constant 0 : i32
      %dma_wait3A_723 = arith.constant 0 : i32
      %dma_wait3A_724 = tpu.memref_slice %arg2[%dma_wait3A_722, %dma_wait3A_723] : memref<20480x128xf32, #tpu.memory_space<hbm>> -> memref<20480x128xf32, #tpu.memory_space<hbm>>
      %dma_wait3A_725 = tpu.memref_slice %arg12[%dma_wait3A_714] : memref<2x!tpu.dma_semaphore, #tpu.memory_space<semaphore_mem>> -> memref<1x!tpu.dma_semaphore, #tpu.memory_space<semaphore_mem>>
      %dma_wait3A_726 = tpu.memref_squeeze %dma_wait3A_725 : memref<1x!tpu.dma_semaphore, #tpu.memory_space<semaphore_mem>> -> memref<!tpu.dma_semaphore, #tpu.memory_space<semaphore_mem>>
      tpu.wait_indirect_dma semaphore(%dma_wait3A_726 : memref<!tpu.dma_semaphore, #tpu.memory_space<semaphore_mem>>) src(%dma_wait3A_724 : memref<20480x128xf32, #tpu.memory_space<hbm>>) dst(%dma_wait3A_718 : memref<128x128xf32, #tpu.memory_space<vmem>>)
      %dma_start3A_727 = arith.constant 1 : i32
      %dma_start3A_728 = arith.constant 1 : i32
      %dma_start3A_729 = arith.constant 1 : i32
      %dma_start3A_730 = arith.constant 0 : i32
      %dma_start3A_731 = arith.constant 0 : i32
      %dma_start3A_732 = tpu.memref_slice %arg11[%dma_start3A_727, %dma_start3A_730, %dma_start3A_731] : memref<2x128x128xf32, #tpu.memory_space<vmem>> -> memref<1x128x128xf32, #tpu.memory_space<vmem>>
      %dma_start3A_733 = tpu.memref_squeeze %dma_start3A_732 : memref<1x128x128xf32, #tpu.memory_space<vmem>> -> memref<128x128xf32, #tpu.memory_space<vmem>>
      %dma_start3A_734 = arith.constant 0 : i32
      %dma_start3A_735 = tpu.memref_slice %arg8[%dma_start3A_728, %dma_start3A_734] : memref<2x128xi32, #tpu.memory_space<vmem>> -> memref<1x128xi32, #tpu.memory_space<vmem>>
      %dma_start3A_736 = tpu.memref_squeeze %dma_start3A_735 : memref<1x128xi32, #tpu.memory_space<vmem>> -> memref<128xi32, #tpu.memory_space<vmem>>
      %dma_start3A_737 = arith.constant 0 : i32
      %dma_start3A_738 = arith.constant 0 : i32
      %dma_start3A_739 = tpu.memref_slice %arg6[%dma_start3A_737, %dma_start3A_738] : memref<10240x128xf32, #tpu.memory_space<vmem_shared>> -> memref<10240x128xf32, #tpu.memory_space<vmem_shared>>
      %dma_start3A_740 = tpu.memref_slice %arg13[%dma_start3A_729] : memref<2x!tpu.dma_semaphore, #tpu.memory_space<semaphore_mem>> -> memref<1x!tpu.dma_semaphore, #tpu.memory_space<semaphore_mem>>
      %dma_start3A_741 = tpu.memref_squeeze %dma_start3A_740 : memref<1x!tpu.dma_semaphore, #tpu.memory_space<semaphore_mem>> -> memref<!tpu.dma_semaphore, #tpu.memory_space<semaphore_mem>>
      tpu.enqueue_indirect_dma source(%dma_start3A_733 : memref<128x128xf32, #tpu.memory_space<vmem>>) target(%dma_start3A_739 : memref<10240x128xf32, #tpu.memory_space<vmem_shared>>) offsets(%dma_start3A_736 : memref<128xi32, #tpu.memory_space<vmem>>) semaphore(%dma_start3A_741 : memref<!tpu.dma_semaphore, #tpu.memory_space<semaphore_mem>>) {add = true}
      %dma_wait3A_742 = arith.constant 0 : i32
      %dma_wait3A_743 = arith.constant 0 : i32
      %dma_wait3A_744 = arith.constant 0 : i32
      %dma_wait3A_745 = arith.constant 0 : i32
      %dma_wait3A_746 = arith.constant 0 : i32
      %dma_wait3A_747 = tpu.memref_slice %arg11[%dma_wait3A_742, %dma_wait3A_745, %dma_wait3A_746] : memref<2x128x128xf32, #tpu.memory_space<vmem>> -> memref<1x128x128xf32, #tpu.memory_space<vmem>>
      %dma_wait3A_748 = tpu.memref_squeeze %dma_wait3A_747 : memref<1x128x128xf32, #tpu.memory_space<vmem>> -> memref<128x128xf32, #tpu.memory_space<vmem>>
      %dma_wait3A_749 = arith.constant 0 : i32
      %dma_wait3A_750 = tpu.memref_slice %arg8[%dma_wait3A_743, %dma_wait3A_749] : memref<2x128xi32, #tpu.memory_space<vmem>> -> memref<1x128xi32, #tpu.memory_space<vmem>>
      %dma_wait3A_751 = tpu.memref_squeeze %dma_wait3A_750 : memref<1x128xi32, #tpu.memory_space<vmem>> -> memref<128xi32, #tpu.memory_space<vmem>>
      %dma_wait3A_752 = arith.constant 0 : i32
      %dma_wait3A_753 = arith.constant 0 : i32
      %dma_wait3A_754 = tpu.memref_slice %arg6[%dma_wait3A_752, %dma_wait3A_753] : memref<10240x128xf32, #tpu.memory_space<vmem_shared>> -> memref<10240x128xf32, #tpu.memory_space<vmem_shared>>
      %dma_wait3A_755 = tpu.memref_slice %arg13[%dma_wait3A_744] : memref<2x!tpu.dma_semaphore, #tpu.memory_space<semaphore_mem>> -> memref<1x!tpu.dma_semaphore, #tpu.memory_space<semaphore_mem>>
      %dma_wait3A_756 = tpu.memref_squeeze %dma_wait3A_755 : memref<1x!tpu.dma_semaphore, #tpu.memory_space<semaphore_mem>> -> memref<!tpu.dma_semaphore, #tpu.memory_space<semaphore_mem>>
      tpu.wait_indirect_dma semaphore(%dma_wait3A_756 : memref<!tpu.dma_semaphore, #tpu.memory_space<semaphore_mem>>) src(%dma_wait3A_748 : memref<128x128xf32, #tpu.memory_space<vmem>>) dst(%dma_wait3A_754 : memref<10240x128xf32, #tpu.memory_space<vmem_shared>>)
      %dma_start3A_757 = arith.constant 0 : i32
      %dma_start3A_758 = arith.constant 0 : i32
      %dma_start3A_759 = arith.constant 0 : i32
      %dma_start3A_760 = arith.constant 0 : i32
      %dma_start3A_761 = arith.constant 0 : i32
      %dma_start3A_762 = tpu.memref_slice %arg11[%dma_start3A_758, %dma_start3A_760, %dma_start3A_761] : memref<2x128x128xf32, #tpu.memory_space<vmem>> -> memref<1x128x128xf32, #tpu.memory_space<vmem>>
      %dma_start3A_763 = tpu.memref_squeeze %dma_start3A_762 : memref<1x128x128xf32, #tpu.memory_space<vmem>> -> memref<128x128xf32, #tpu.memory_space<vmem>>
      %dma_start3A_764 = arith.constant 0 : i32
      %dma_start3A_765 = tpu.memref_slice %arg9[%dma_start3A_757, %dma_start3A_764] : memref<2x128xi32, #tpu.memory_space<vmem>> -> memref<1x128xi32, #tpu.memory_space<vmem>>
      %dma_start3A_766 = tpu.memref_squeeze %dma_start3A_765 : memref<1x128xi32, #tpu.memory_space<vmem>> -> memref<128xi32, #tpu.memory_space<vmem>>
      %dma_start3A_767 = arith.constant 0 : i32
      %dma_start3A_768 = arith.constant 0 : i32
      %dma_start3A_769 = tpu.memref_slice %arg2[%dma_start3A_767, %dma_start3A_768] : memref<20480x128xf32, #tpu.memory_space<hbm>> -> memref<20480x128xf32, #tpu.memory_space<hbm>>
      %dma_start3A_770 = tpu.memref_slice %arg12[%dma_start3A_759] : memref<2x!tpu.dma_semaphore, #tpu.memory_space<semaphore_mem>> -> memref<1x!tpu.dma_semaphore, #tpu.memory_space<semaphore_mem>>
      %dma_start3A_771 = tpu.memref_squeeze %dma_start3A_770 : memref<1x!tpu.dma_semaphore, #tpu.memory_space<semaphore_mem>> -> memref<!tpu.dma_semaphore, #tpu.memory_space<semaphore_mem>>
      tpu.enqueue_indirect_dma source(%dma_start3A_769 : memref<20480x128xf32, #tpu.memory_space<hbm>>) target(%dma_start3A_763 : memref<128x128xf32, #tpu.memory_space<vmem>>) offsets(%dma_start3A_766 : memref<128xi32, #tpu.memory_space<vmem>>) semaphore(%dma_start3A_771 : memref<!tpu.dma_semaphore, #tpu.memory_space<semaphore_mem>>)
      %dma_wait3A_772 = arith.constant 1 : i32
      %dma_wait3A_773 = arith.constant 1 : i32
      %dma_wait3A_774 = arith.constant 1 : i32
      %dma_wait3A_775 = arith.constant 0 : i32
      %dma_wait3A_776 = arith.constant 0 : i32
      %dma_wait3A_777 = tpu.memref_slice %arg11[%dma_wait3A_772, %dma_wait3A_775, %dma_wait3A_776] : memref<2x128x128xf32, #tpu.memory_space<vmem>> -> memref<1x128x128xf32, #tpu.memory_space<vmem>>
      %dma_wait3A_778 = tpu.memref_squeeze %dma_wait3A_777 : memref<1x128x128xf32, #tpu.memory_space<vmem>> -> memref<128x128xf32, #tpu.memory_space<vmem>>
      %dma_wait3A_779 = arith.constant 0 : i32
      %dma_wait3A_780 = tpu.memref_slice %arg8[%dma_wait3A_773, %dma_wait3A_779] : memref<2x128xi32, #tpu.memory_space<vmem>> -> memref<1x128xi32, #tpu.memory_space<vmem>>
      %dma_wait3A_781 = tpu.memref_squeeze %dma_wait3A_780 : memref<1x128xi32, #tpu.memory_space<vmem>> -> memref<128xi32, #tpu.memory_space<vmem>>
      %dma_wait3A_782 = arith.constant 0 : i32
      %dma_wait3A_783 = arith.constant 0 : i32
      %dma_wait3A_784 = tpu.memref_slice %arg6[%dma_wait3A_782, %dma_wait3A_783] : memref<10240x128xf32, #tpu.memory_space<vmem_shared>> -> memref<10240x128xf32, #tpu.memory_space<vmem_shared>>
      %dma_wait3A_785 = tpu.memref_slice %arg13[%dma_wait3A_774] : memref<2x!tpu.dma_semaphore, #tpu.memory_space<semaphore_mem>> -> memref<1x!tpu.dma_semaphore, #tpu.memory_space<semaphore_mem>>
      %dma_wait3A_786 = tpu.memref_squeeze %dma_wait3A_785 : memref<1x!tpu.dma_semaphore, #tpu.memory_space<semaphore_mem>> -> memref<!tpu.dma_semaphore, #tpu.memory_space<semaphore_mem>>
      tpu.wait_indirect_dma semaphore(%dma_wait3A_786 : memref<!tpu.dma_semaphore, #tpu.memory_space<semaphore_mem>>) src(%dma_wait3A_778 : memref<128x128xf32, #tpu.memory_space<vmem>>) dst(%dma_wait3A_784 : memref<10240x128xf32, #tpu.memory_space<vmem_shared>>)
      %dma_start3A_787 = arith.constant 1 : i32
      %dma_start3A_788 = arith.constant 1 : i32
      %dma_start3A_789 = arith.constant 1 : i32
      %dma_start3A_790 = arith.constant 0 : i32
      %dma_start3A_791 = arith.constant 0 : i32
      %dma_start3A_792 = tpu.memref_slice %arg11[%dma_start3A_788, %dma_start3A_790, %dma_start3A_791] : memref<2x128x128xf32, #tpu.memory_space<vmem>> -> memref<1x128x128xf32, #tpu.memory_space<vmem>>
      %dma_start3A_793 = tpu.memref_squeeze %dma_start3A_792 : memref<1x128x128xf32, #tpu.memory_space<vmem>> -> memref<128x128xf32, #tpu.memory_space<vmem>>
      %dma_start3A_794 = arith.constant 0 : i32
      %dma_start3A_795 = tpu.memref_slice %arg9[%dma_start3A_787, %dma_start3A_794] : memref<2x128xi32, #tpu.memory_space<vmem>> -> memref<1x128xi32, #tpu.memory_space<vmem>>
      %dma_start3A_796 = tpu.memref_squeeze %dma_start3A_795 : memref<1x128xi32, #tpu.memory_space<vmem>> -> memref<128xi32, #tpu.memory_space<vmem>>
      %dma_start3A_797 = arith.constant 0 : i32
      %dma_start3A_798 = arith.constant 0 : i32
      %dma_start3A_799 = tpu.memref_slice %arg2[%dma_start3A_797, %dma_start3A_798] : memref<20480x128xf32, #tpu.memory_space<hbm>> -> memref<20480x128xf32, #tpu.memory_space<hbm>>
      %dma_start3A_800 = tpu.memref_slice %arg12[%dma_start3A_789] : memref<2x!tpu.dma_semaphore, #tpu.memory_space<semaphore_mem>> -> memref<1x!tpu.dma_semaphore, #tpu.memory_space<semaphore_mem>>
      %dma_start3A_801 = tpu.memref_squeeze %dma_start3A_800 : memref<1x!tpu.dma_semaphore, #tpu.memory_space<semaphore_mem>> -> memref<!tpu.dma_semaphore, #tpu.memory_space<semaphore_mem>>
      tpu.enqueue_indirect_dma source(%dma_start3A_799 : memref<20480x128xf32, #tpu.memory_space<hbm>>) target(%dma_start3A_793 : memref<128x128xf32, #tpu.memory_space<vmem>>) offsets(%dma_start3A_796 : memref<128xi32, #tpu.memory_space<vmem>>) semaphore(%dma_start3A_801 : memref<!tpu.dma_semaphore, #tpu.memory_space<semaphore_mem>>)
      %add3A_802 = arith.constant 2 : i32
      %add3A_803 = arith.addi %mul3A_681, %add3A_802 : i32
      %mul3A_804 = arith.constant 80 : i32
      %mul3A_805 = arith.muli %arg1, %mul3A_804 : i32
      %mul3A_806 = arith.constant 2 : i32
      %mul3A_807 = arith.muli %mul3A_805, %mul3A_806 : i32
      %mul3A_808 = arith.constant 2 : i32
      %mul3A_809 = arith.muli %add3A_803, %mul3A_808 : i32
      %add3A_810 = arith.addi %mul3A_807, %mul3A_809 : i32
      "tpu.region"() ({
        %run_scoped3A = tpu.sem_alloc : memref<!tpu.dma_semaphore, #tpu.memory_space<semaphore_mem>>
        %dma_start3A_1360 = arith.constant 0 : i32
        %dma_start3A_1361 = tpu.memref_slice %arg3[%add3A_810, %dma_start3A_1360] : memref<2560x128xi32, #tpu.memory_space<hbm>> -> memref<2x128xi32, #tpu.memory_space<hbm>>
        %dma_start3A_1362 = arith.constant 0 : i32
        %dma_start3A_1363 = tpu.memref_slice %arg3[%add3A_810, %dma_start3A_1362] : memref<2560x128xi32, #tpu.memory_space<hbm>> -> memref<2x128xi32, #tpu.memory_space<hbm>>
        tpu.enqueue_dma source(%dma_start3A_1363 : memref<2x128xi32, #tpu.memory_space<hbm>>) target(%arg7 : memref<2x128xi32, #tpu.memory_space<vmem>>) target_semaphore(%run_scoped3A : memref<!tpu.dma_semaphore, #tpu.memory_space<semaphore_mem>>)
        %dma_wait3A_1364 = arith.constant 0 : i32
        %dma_wait3A_1365 = tpu.memref_slice %arg3[%add3A_810, %dma_wait3A_1364] : memref<2560x128xi32, #tpu.memory_space<hbm>> -> memref<2x128xi32, #tpu.memory_space<hbm>>
        %dma_wait3A_1366 = arith.constant 0 : i32
        %dma_wait3A_1367 = tpu.memref_slice %arg3[%add3A_810, %dma_wait3A_1366] : memref<2560x128xi32, #tpu.memory_space<hbm>> -> memref<2x128xi32, #tpu.memory_space<hbm>>
        tpu.wait_dma2 semaphore(%run_scoped3A : memref<!tpu.dma_semaphore, #tpu.memory_space<semaphore_mem>>) src(%dma_wait3A_1367 : memref<2x128xi32, #tpu.memory_space<hbm>>) dst(%arg7 : memref<2x128xi32, #tpu.memory_space<vmem>>)
        tpu.yield
      }) : () -> ()
      "tpu.region"() ({
        %run_scoped3A = tpu.sem_alloc : memref<!tpu.dma_semaphore, #tpu.memory_space<semaphore_mem>>
        %dma_start3A_1360 = arith.constant 0 : i32
        %dma_start3A_1361 = tpu.memref_slice %arg4[%add3A_810, %dma_start3A_1360] : memref<2560x128xi32, #tpu.memory_space<hbm>> -> memref<2x128xi32, #tpu.memory_space<hbm>>
        %dma_start3A_1362 = arith.constant 0 : i32
        %dma_start3A_1363 = tpu.memref_slice %arg4[%add3A_810, %dma_start3A_1362] : memref<2560x128xi32, #tpu.memory_space<hbm>> -> memref<2x128xi32, #tpu.memory_space<hbm>>
        tpu.enqueue_dma source(%dma_start3A_1363 : memref<2x128xi32, #tpu.memory_space<hbm>>) target(%arg8 : memref<2x128xi32, #tpu.memory_space<vmem>>) target_semaphore(%run_scoped3A : memref<!tpu.dma_semaphore, #tpu.memory_space<semaphore_mem>>)
        %dma_wait3A_1364 = arith.constant 0 : i32
        %dma_wait3A_1365 = tpu.memref_slice %arg4[%add3A_810, %dma_wait3A_1364] : memref<2560x128xi32, #tpu.memory_space<hbm>> -> memref<2x128xi32, #tpu.memory_space<hbm>>
        %dma_wait3A_1366 = arith.constant 0 : i32
        %dma_wait3A_1367 = tpu.memref_slice %arg4[%add3A_810, %dma_wait3A_1366] : memref<2560x128xi32, #tpu.memory_space<hbm>> -> memref<2x128xi32, #tpu.memory_space<hbm>>
        tpu.wait_dma2 semaphore(%run_scoped3A : memref<!tpu.dma_semaphore, #tpu.memory_space<semaphore_mem>>) src(%dma_wait3A_1367 : memref<2x128xi32, #tpu.memory_space<hbm>>) dst(%arg8 : memref<2x128xi32, #tpu.memory_space<vmem>>)
        tpu.yield
      }) : () -> ()
      %get3A_811 = arith.constant 0 : i32
      %get3A_812 = arith.index_cast %get3A_811 : i32 to index
      %get3A_813 = arith.constant 0 : index
      %get3A_814 = tpu.vector_load %arg7[%get3A_812, %get3A_813] {strides = array<i32>} : memref<2x128xi32, #tpu.memory_space<vmem>>, vector<1x16xi32>,
      %get3A_815 = vector.shape_cast %get3A_814 : vector<1x16xi32> to vector<16xi32>
      %add3A_816 = vector.broadcast %mul3A_0 : i32 to vector<16xi32>
      %add3A_817 = arith.addi %get3A_815, %add3A_816 : vector<16xi32>
      %swap3A_818 = arith.constant 0 : i32
      %swap3A_819 = arith.index_cast %swap3A_818 : i32 to index
      %swap3A_820 = arith.constant 0 : index
      %swap3A_821 = tpu.vector_load %arg7[%swap3A_819, %swap3A_820] {strides = array<i32>} : memref<2x128xi32, #tpu.memory_space<vmem>>, vector<1x16xi32>,
      %swap3A_822 = vector.shape_cast %swap3A_821 : vector<1x16xi32> to vector<16xi32>
      %swap3A_823 = vector.shape_cast %add3A_817 : vector<16xi32> to vector<1x16xi32>
      tpu.vector_store %arg7[%swap3A_819, %swap3A_820], %swap3A_823 {strides = array<i32>} : memref<2x128xi32, #tpu.memory_space<vmem>>, vector<1x16xi32>,
      %get3A_824 = arith.constant 0 : i32
      %get3A_825 = arith.index_cast %get3A_824 : i32 to index
      %get3A_826 = arith.constant 16 : index
      %get3A_827 = tpu.vector_load %arg7[%get3A_825, %get3A_826] {strides = array<i32>} : memref<2x128xi32, #tpu.memory_space<vmem>>, vector<1x16xi32>,
      %get3A_828 = vector.shape_cast %get3A_827 : vector<1x16xi32> to vector<16xi32>
      %add3A_829 = vector.broadcast %mul3A_0 : i32 to vector<16xi32>
      %add3A_830 = arith.addi %get3A_828, %add3A_829 : vector<16xi32>
      %swap3A_831 = arith.constant 0 : i32
      %swap3A_832 = arith.index_cast %swap3A_831 : i32 to index
      %swap3A_833 = arith.constant 16 : index
      %swap3A_834 = tpu.vector_load %arg7[%swap3A_832, %swap3A_833] {strides = array<i32>} : memref<2x128xi32, #tpu.memory_space<vmem>>, vector<1x16xi32>,
      %swap3A_835 = vector.shape_cast %swap3A_834 : vector<1x16xi32> to vector<16xi32>
      %swap3A_836 = vector.shape_cast %add3A_830 : vector<16xi32> to vector<1x16xi32>
      tpu.vector_store %arg7[%swap3A_832, %swap3A_833], %swap3A_836 {strides = array<i32>} : memref<2x128xi32, #tpu.memory_space<vmem>>, vector<1x16xi32>,
      %get3A_837 = arith.constant 0 : i32
      %get3A_838 = arith.index_cast %get3A_837 : i32 to index
      %get3A_839 = arith.constant 32 : index
      %get3A_840 = tpu.vector_load %arg7[%get3A_838, %get3A_839] {strides = array<i32>} : memref<2x128xi32, #tpu.memory_space<vmem>>, vector<1x16xi32>,
      %get3A_841 = vector.shape_cast %get3A_840 : vector<1x16xi32> to vector<16xi32>
      %add3A_842 = vector.broadcast %mul3A_0 : i32 to vector<16xi32>
      %add3A_843 = arith.addi %get3A_841, %add3A_842 : vector<16xi32>
      %swap3A_844 = arith.constant 0 : i32
      %swap3A_845 = arith.index_cast %swap3A_844 : i32 to index
      %swap3A_846 = arith.constant 32 : index
      %swap3A_847 = tpu.vector_load %arg7[%swap3A_845, %swap3A_846] {strides = array<i32>} : memref<2x128xi32, #tpu.memory_space<vmem>>, vector<1x16xi32>,
      %swap3A_848 = vector.shape_cast %swap3A_847 : vector<1x16xi32> to vector<16xi32>
      %swap3A_849 = vector.shape_cast %add3A_843 : vector<16xi32> to vector<1x16xi32>
      tpu.vector_store %arg7[%swap3A_845, %swap3A_846], %swap3A_849 {strides = array<i32>} : memref<2x128xi32, #tpu.memory_space<vmem>>, vector<1x16xi32>,
      %get3A_850 = arith.constant 0 : i32
      %get3A_851 = arith.index_cast %get3A_850 : i32 to index
      %get3A_852 = arith.constant 48 : index
      %get3A_853 = tpu.vector_load %arg7[%get3A_851, %get3A_852] {strides = array<i32>} : memref<2x128xi32, #tpu.memory_space<vmem>>, vector<1x16xi32>,
      %get3A_854 = vector.shape_cast %get3A_853 : vector<1x16xi32> to vector<16xi32>
      %add3A_855 = vector.broadcast %mul3A_0 : i32 to vector<16xi32>
      %add3A_856 = arith.addi %get3A_854, %add3A_855 : vector<16xi32>
      %swap3A_857 = arith.constant 0 : i32
      %swap3A_858 = arith.index_cast %swap3A_857 : i32 to index
      %swap3A_859 = arith.constant 48 : index
      %swap3A_860 = tpu.vector_load %arg7[%swap3A_858, %swap3A_859] {strides = array<i32>} : memref<2x128xi32, #tpu.memory_space<vmem>>, vector<1x16xi32>,
      %swap3A_861 = vector.shape_cast %swap3A_860 : vector<1x16xi32> to vector<16xi32>
      %swap3A_862 = vector.shape_cast %add3A_856 : vector<16xi32> to vector<1x16xi32>
      tpu.vector_store %arg7[%swap3A_858, %swap3A_859], %swap3A_862 {strides = array<i32>} : memref<2x128xi32, #tpu.memory_space<vmem>>, vector<1x16xi32>,
      %get3A_863 = arith.constant 0 : i32
      %get3A_864 = arith.index_cast %get3A_863 : i32 to index
      %get3A_865 = arith.constant 64 : index
      %get3A_866 = tpu.vector_load %arg7[%get3A_864, %get3A_865] {strides = array<i32>} : memref<2x128xi32, #tpu.memory_space<vmem>>, vector<1x16xi32>,
      %get3A_867 = vector.shape_cast %get3A_866 : vector<1x16xi32> to vector<16xi32>
      %add3A_868 = vector.broadcast %mul3A_0 : i32 to vector<16xi32>
      %add3A_869 = arith.addi %get3A_867, %add3A_868 : vector<16xi32>
      %swap3A_870 = arith.constant 0 : i32
      %swap3A_871 = arith.index_cast %swap3A_870 : i32 to index
      %swap3A_872 = arith.constant 64 : index
      %swap3A_873 = tpu.vector_load %arg7[%swap3A_871, %swap3A_872] {strides = array<i32>} : memref<2x128xi32, #tpu.memory_space<vmem>>, vector<1x16xi32>,
      %swap3A_874 = vector.shape_cast %swap3A_873 : vector<1x16xi32> to vector<16xi32>
      %swap3A_875 = vector.shape_cast %add3A_869 : vector<16xi32> to vector<1x16xi32>
      tpu.vector_store %arg7[%swap3A_871, %swap3A_872], %swap3A_875 {strides = array<i32>} : memref<2x128xi32, #tpu.memory_space<vmem>>, vector<1x16xi32>,
      %get3A_876 = arith.constant 0 : i32
      %get3A_877 = arith.index_cast %get3A_876 : i32 to index
      %get3A_878 = arith.constant 80 : index
      %get3A_879 = tpu.vector_load %arg7[%get3A_877, %get3A_878] {strides = array<i32>} : memref<2x128xi32, #tpu.memory_space<vmem>>, vector<1x16xi32>,
      %get3A_880 = vector.shape_cast %get3A_879 : vector<1x16xi32> to vector<16xi32>
      %add3A_881 = vector.broadcast %mul3A_0 : i32 to vector<16xi32>
      %add3A_882 = arith.addi %get3A_880, %add3A_881 : vector<16xi32>
      %swap3A_883 = arith.constant 0 : i32
      %swap3A_884 = arith.index_cast %swap3A_883 : i32 to index
      %swap3A_885 = arith.constant 80 : index
      %swap3A_886 = tpu.vector_load %arg7[%swap3A_884, %swap3A_885] {strides = array<i32>} : memref<2x128xi32, #tpu.memory_space<vmem>>, vector<1x16xi32>,
      %swap3A_887 = vector.shape_cast %swap3A_886 : vector<1x16xi32> to vector<16xi32>
      %swap3A_888 = vector.shape_cast %add3A_882 : vector<16xi32> to vector<1x16xi32>
      tpu.vector_store %arg7[%swap3A_884, %swap3A_885], %swap3A_888 {strides = array<i32>} : memref<2x128xi32, #tpu.memory_space<vmem>>, vector<1x16xi32>,
      %get3A_889 = arith.constant 0 : i32
      %get3A_890 = arith.index_cast %get3A_889 : i32 to index
      %get3A_891 = arith.constant 96 : index
      %get3A_892 = tpu.vector_load %arg7[%get3A_890, %get3A_891] {strides = array<i32>} : memref<2x128xi32, #tpu.memory_space<vmem>>, vector<1x16xi32>,
      %get3A_893 = vector.shape_cast %get3A_892 : vector<1x16xi32> to vector<16xi32>
      %add3A_894 = vector.broadcast %mul3A_0 : i32 to vector<16xi32>
      %add3A_895 = arith.addi %get3A_893, %add3A_894 : vector<16xi32>
      %swap3A_896 = arith.constant 0 : i32
      %swap3A_897 = arith.index_cast %swap3A_896 : i32 to index
      %swap3A_898 = arith.constant 96 : index
      %swap3A_899 = tpu.vector_load %arg7[%swap3A_897, %swap3A_898] {strides = array<i32>} : memref<2x128xi32, #tpu.memory_space<vmem>>, vector<1x16xi32>,
      %swap3A_900 = vector.shape_cast %swap3A_899 : vector<1x16xi32> to vector<16xi32>
      %swap3A_901 = vector.shape_cast %add3A_895 : vector<16xi32> to vector<1x16xi32>
      tpu.vector_store %arg7[%swap3A_897, %swap3A_898], %swap3A_901 {strides = array<i32>} : memref<2x128xi32, #tpu.memory_space<vmem>>, vector<1x16xi32>,
      %get3A_902 = arith.constant 0 : i32
      %get3A_903 = arith.index_cast %get3A_902 : i32 to index
      %get3A_904 = arith.constant 112 : index
      %get3A_905 = tpu.vector_load %arg7[%get3A_903, %get3A_904] {strides = array<i32>} : memref<2x128xi32, #tpu.memory_space<vmem>>, vector<1x16xi32>,
      %get3A_906 = vector.shape_cast %get3A_905 : vector<1x16xi32> to vector<16xi32>
      %add3A_907 = vector.broadcast %mul3A_0 : i32 to vector<16xi32>
      %add3A_908 = arith.addi %get3A_906, %add3A_907 : vector<16xi32>
      %swap3A_909 = arith.constant 0 : i32
      %swap3A_910 = arith.index_cast %swap3A_909 : i32 to index
      %swap3A_911 = arith.constant 112 : index
      %swap3A_912 = tpu.vector_load %arg7[%swap3A_910, %swap3A_911] {strides = array<i32>} : memref<2x128xi32, #tpu.memory_space<vmem>>, vector<1x16xi32>,
      %swap3A_913 = vector.shape_cast %swap3A_912 : vector<1x16xi32> to vector<16xi32>
      %swap3A_914 = vector.shape_cast %add3A_908 : vector<16xi32> to vector<1x16xi32>
      tpu.vector_store %arg7[%swap3A_910, %swap3A_911], %swap3A_914 {strides = array<i32>} : memref<2x128xi32, #tpu.memory_space<vmem>>, vector<1x16xi32>,
      %get3A_915 = arith.constant 1 : i32
      %get3A_916 = arith.index_cast %get3A_915 : i32 to index
      %get3A_917 = arith.constant 0 : index
      %get3A_918 = tpu.vector_load %arg7[%get3A_916, %get3A_917] {strides = array<i32>} : memref<2x128xi32, #tpu.memory_space<vmem>>, vector<1x16xi32>,
      %get3A_919 = vector.shape_cast %get3A_918 : vector<1x16xi32> to vector<16xi32>
      %add3A_920 = vector.broadcast %mul3A_0 : i32 to vector<16xi32>
      %add3A_921 = arith.addi %get3A_919, %add3A_920 : vector<16xi32>
      %swap3A_922 = arith.constant 1 : i32
      %swap3A_923 = arith.index_cast %swap3A_922 : i32 to index
      %swap3A_924 = arith.constant 0 : index
      %swap3A_925 = tpu.vector_load %arg7[%swap3A_923, %swap3A_924] {strides = array<i32>} : memref<2x128xi32, #tpu.memory_space<vmem>>, vector<1x16xi32>,
      %swap3A_926 = vector.shape_cast %swap3A_925 : vector<1x16xi32> to vector<16xi32>
      %swap3A_927 = vector.shape_cast %add3A_921 : vector<16xi32> to vector<1x16xi32>
      tpu.vector_store %arg7[%swap3A_923, %swap3A_924], %swap3A_927 {strides = array<i32>} : memref<2x128xi32, #tpu.memory_space<vmem>>, vector<1x16xi32>,
      %get3A_928 = arith.constant 1 : i32
      %get3A_929 = arith.index_cast %get3A_928 : i32 to index
      %get3A_930 = arith.constant 16 : index
      %get3A_931 = tpu.vector_load %arg7[%get3A_929, %get3A_930] {strides = array<i32>} : memref<2x128xi32, #tpu.memory_space<vmem>>, vector<1x16xi32>,
      %get3A_932 = vector.shape_cast %get3A_931 : vector<1x16xi32> to vector<16xi32>
      %add3A_933 = vector.broadcast %mul3A_0 : i32 to vector<16xi32>
      %add3A_934 = arith.addi %get3A_932, %add3A_933 : vector<16xi32>
      %swap3A_935 = arith.constant 1 : i32
      %swap3A_936 = arith.index_cast %swap3A_935 : i32 to index
      %swap3A_937 = arith.constant 16 : index
      %swap3A_938 = tpu.vector_load %arg7[%swap3A_936, %swap3A_937] {strides = array<i32>} : memref<2x128xi32, #tpu.memory_space<vmem>>, vector<1x16xi32>,
      %swap3A_939 = vector.shape_cast %swap3A_938 : vector<1x16xi32> to vector<16xi32>
      %swap3A_940 = vector.shape_cast %add3A_934 : vector<16xi32> to vector<1x16xi32>
      tpu.vector_store %arg7[%swap3A_936, %swap3A_937], %swap3A_940 {strides = array<i32>} : memref<2x128xi32, #tpu.memory_space<vmem>>, vector<1x16xi32>,
      %get3A_941 = arith.constant 1 : i32
      %get3A_942 = arith.index_cast %get3A_941 : i32 to index
      %get3A_943 = arith.constant 32 : index
      %get3A_944 = tpu.vector_load %arg7[%get3A_942, %get3A_943] {strides = array<i32>} : memref<2x128xi32, #tpu.memory_space<vmem>>, vector<1x16xi32>,
      %get3A_945 = vector.shape_cast %get3A_944 : vector<1x16xi32> to vector<16xi32>
      %add3A_946 = vector.broadcast %mul3A_0 : i32 to vector<16xi32>
      %add3A_947 = arith.addi %get3A_945, %add3A_946 : vector<16xi32>
      %swap3A_948 = arith.constant 1 : i32
      %swap3A_949 = arith.index_cast %swap3A_948 : i32 to index
      %swap3A_950 = arith.constant 32 : index
      %swap3A_951 = tpu.vector_load %arg7[%swap3A_949, %swap3A_950] {strides = array<i32>} : memref<2x128xi32, #tpu.memory_space<vmem>>, vector<1x16xi32>,
      %swap3A_952 = vector.shape_cast %swap3A_951 : vector<1x16xi32> to vector<16xi32>
      %swap3A_953 = vector.shape_cast %add3A_947 : vector<16xi32> to vector<1x16xi32>
      tpu.vector_store %arg7[%swap3A_949, %swap3A_950], %swap3A_953 {strides = array<i32>} : memref<2x128xi32, #tpu.memory_space<vmem>>, vector<1x16xi32>,
      %get3A_954 = arith.constant 1 : i32
      %get3A_955 = arith.index_cast %get3A_954 : i32 to index
      %get3A_956 = arith.constant 48 : index
      %get3A_957 = tpu.vector_load %arg7[%get3A_955, %get3A_956] {strides = array<i32>} : memref<2x128xi32, #tpu.memory_space<vmem>>, vector<1x16xi32>,
      %get3A_958 = vector.shape_cast %get3A_957 : vector<1x16xi32> to vector<16xi32>
      %add3A_959 = vector.broadcast %mul3A_0 : i32 to vector<16xi32>
      %add3A_960 = arith.addi %get3A_958, %add3A_959 : vector<16xi32>
      %swap3A_961 = arith.constant 1 : i32
      %swap3A_962 = arith.index_cast %swap3A_961 : i32 to index
      %swap3A_963 = arith.constant 48 : index
      %swap3A_964 = tpu.vector_load %arg7[%swap3A_962, %swap3A_963] {strides = array<i32>} : memref<2x128xi32, #tpu.memory_space<vmem>>, vector<1x16xi32>,
      %swap3A_965 = vector.shape_cast %swap3A_964 : vector<1x16xi32> to vector<16xi32>
      %swap3A_966 = vector.shape_cast %add3A_960 : vector<16xi32> to vector<1x16xi32>
      tpu.vector_store %arg7[%swap3A_962, %swap3A_963], %swap3A_966 {strides = array<i32>} : memref<2x128xi32, #tpu.memory_space<vmem>>, vector<1x16xi32>,
      %get3A_967 = arith.constant 1 : i32
      %get3A_968 = arith.index_cast %get3A_967 : i32 to index
      %get3A_969 = arith.constant 64 : index
      %get3A_970 = tpu.vector_load %arg7[%get3A_968, %get3A_969] {strides = array<i32>} : memref<2x128xi32, #tpu.memory_space<vmem>>, vector<1x16xi32>,
      %get3A_971 = vector.shape_cast %get3A_970 : vector<1x16xi32> to vector<16xi32>
      %add3A_972 = vector.broadcast %mul3A_0 : i32 to vector<16xi32>
      %add3A_973 = arith.addi %get3A_971, %add3A_972 : vector<16xi32>
      %swap3A_974 = arith.constant 1 : i32
      %swap3A_975 = arith.index_cast %swap3A_974 : i32 to index
      %swap3A_976 = arith.constant 64 : index
      %swap3A_977 = tpu.vector_load %arg7[%swap3A_975, %swap3A_976] {strides = array<i32>} : memref<2x128xi32, #tpu.memory_space<vmem>>, vector<1x16xi32>,
      %swap3A_978 = vector.shape_cast %swap3A_977 : vector<1x16xi32> to vector<16xi32>
      %swap3A_979 = vector.shape_cast %add3A_973 : vector<16xi32> to vector<1x16xi32>
      tpu.vector_store %arg7[%swap3A_975, %swap3A_976], %swap3A_979 {strides = array<i32>} : memref<2x128xi32, #tpu.memory_space<vmem>>, vector<1x16xi32>,
      %get3A_980 = arith.constant 1 : i32
      %get3A_981 = arith.index_cast %get3A_980 : i32 to index
      %get3A_982 = arith.constant 80 : index
      %get3A_983 = tpu.vector_load %arg7[%get3A_981, %get3A_982] {strides = array<i32>} : memref<2x128xi32, #tpu.memory_space<vmem>>, vector<1x16xi32>,
      %get3A_984 = vector.shape_cast %get3A_983 : vector<1x16xi32> to vector<16xi32>
      %add3A_985 = vector.broadcast %mul3A_0 : i32 to vector<16xi32>
      %add3A_986 = arith.addi %get3A_984, %add3A_985 : vector<16xi32>
      %swap3A_987 = arith.constant 1 : i32
      %swap3A_988 = arith.index_cast %swap3A_987 : i32 to index
      %swap3A_989 = arith.constant 80 : index
      %swap3A_990 = tpu.vector_load %arg7[%swap3A_988, %swap3A_989] {strides = array<i32>} : memref<2x128xi32, #tpu.memory_space<vmem>>, vector<1x16xi32>,
      %swap3A_991 = vector.shape_cast %swap3A_990 : vector<1x16xi32> to vector<16xi32>
      %swap3A_992 = vector.shape_cast %add3A_986 : vector<16xi32> to vector<1x16xi32>
      tpu.vector_store %arg7[%swap3A_988, %swap3A_989], %swap3A_992 {strides = array<i32>} : memref<2x128xi32, #tpu.memory_space<vmem>>, vector<1x16xi32>,
      %get3A_993 = arith.constant 1 : i32
      %get3A_994 = arith.index_cast %get3A_993 : i32 to index
      %get3A_995 = arith.constant 96 : index
      %get3A_996 = tpu.vector_load %arg7[%get3A_994, %get3A_995] {strides = array<i32>} : memref<2x128xi32, #tpu.memory_space<vmem>>, vector<1x16xi32>,
      %get3A_997 = vector.shape_cast %get3A_996 : vector<1x16xi32> to vector<16xi32>
      %add3A_998 = vector.broadcast %mul3A_0 : i32 to vector<16xi32>
      %add3A_999 = arith.addi %get3A_997, %add3A_998 : vector<16xi32>
      %swap3A_1000 = arith.constant 1 : i32
      %swap3A_1001 = arith.index_cast %swap3A_1000 : i32 to index
      %swap3A_1002 = arith.constant 96 : index
      %swap3A_1003 = tpu.vector_load %arg7[%swap3A_1001, %swap3A_1002] {strides = array<i32>} : memref<2x128xi32, #tpu.memory_space<vmem>>, vector<1x16xi32>,
      %swap3A_1004 = vector.shape_cast %swap3A_1003 : vector<1x16xi32> to vector<16xi32>
      %swap3A_1005 = vector.shape_cast %add3A_999 : vector<16xi32> to vector<1x16xi32>
      tpu.vector_store %arg7[%swap3A_1001, %swap3A_1002], %swap3A_1005 {strides = array<i32>} : memref<2x128xi32, #tpu.memory_space<vmem>>, vector<1x16xi32>,
      %get3A_1006 = arith.constant 1 : i32
      %get3A_1007 = arith.index_cast %get3A_1006 : i32 to index
      %get3A_1008 = arith.constant 112 : index
      %get3A_1009 = tpu.vector_load %arg7[%get3A_1007, %get3A_1008] {strides = array<i32>} : memref<2x128xi32, #tpu.memory_space<vmem>>, vector<1x16xi32>,
      %get3A_1010 = vector.shape_cast %get3A_1009 : vector<1x16xi32> to vector<16xi32>
      %add3A_1011 = vector.broadcast %mul3A_0 : i32 to vector<16xi32>
      %add3A_1012 = arith.addi %get3A_1010, %add3A_1011 : vector<16xi32>
      %swap3A_1013 = arith.constant 1 : i32
      %swap3A_1014 = arith.index_cast %swap3A_1013 : i32 to index
      %swap3A_1015 = arith.constant 112 : index
      %swap3A_1016 = tpu.vector_load %arg7[%swap3A_1014, %swap3A_1015] {strides = array<i32>} : memref<2x128xi32, #tpu.memory_space<vmem>>, vector<1x16xi32>,
      %swap3A_1017 = vector.shape_cast %swap3A_1016 : vector<1x16xi32> to vector<16xi32>
      %swap3A_1018 = vector.shape_cast %add3A_1012 : vector<16xi32> to vector<1x16xi32>
      tpu.vector_store %arg7[%swap3A_1014, %swap3A_1015], %swap3A_1018 {strides = array<i32>} : memref<2x128xi32, #tpu.memory_space<vmem>>, vector<1x16xi32>,
      %mul3A_1019 = arith.constant 2 : i32
      %mul3A_1020 = arith.muli %mul3A_1019, %scan3A_679 : i32
      %add3A_1021 = arith.constant 1 : i32
      %add3A_1022 = arith.addi %mul3A_1020, %add3A_1021 : i32
      %dma_wait3A_1023 = arith.constant 0 : i32
      %dma_wait3A_1024 = arith.constant 0 : i32
      %dma_wait3A_1025 = arith.constant 0 : i32
      %dma_wait3A_1026 = arith.constant 0 : i32
      %dma_wait3A_1027 = arith.constant 0 : i32
      %dma_wait3A_1028 = tpu.memref_slice %arg11[%dma_wait3A_1024, %dma_wait3A_1026, %dma_wait3A_1027] : memref<2x128x128xf32, #tpu.memory_space<vmem>> -> memref<1x128x128xf32, #tpu.memory_space<vmem>>
      %dma_wait3A_1029 = tpu.memref_squeeze %dma_wait3A_1028 : memref<1x128x128xf32, #tpu.memory_space<vmem>> -> memref<128x128xf32, #tpu.memory_space<vmem>>
      %dma_wait3A_1030 = arith.constant 0 : i32
      %dma_wait3A_1031 = tpu.memref_slice %arg9[%dma_wait3A_1023, %dma_wait3A_1030] : memref<2x128xi32, #tpu.memory_space<vmem>> -> memref<1x128xi32, #tpu.memory_space<vmem>>
      %dma_wait3A_1032 = tpu.memref_squeeze %dma_wait3A_1031 : memref<1x128xi32, #tpu.memory_space<vmem>> -> memref<128xi32, #tpu.memory_space<vmem>>
      %dma_wait3A_1033 = arith.constant 0 : i32
      %dma_wait3A_1034 = arith.constant 0 : i32
      %dma_wait3A_1035 = tpu.memref_slice %arg2[%dma_wait3A_1033, %dma_wait3A_1034] : memref<20480x128xf32, #tpu.memory_space<hbm>> -> memref<20480x128xf32, #tpu.memory_space<hbm>>
      %dma_wait3A_1036 = tpu.memref_slice %arg12[%dma_wait3A_1025] : memref<2x!tpu.dma_semaphore, #tpu.memory_space<semaphore_mem>> -> memref<1x!tpu.dma_semaphore, #tpu.memory_space<semaphore_mem>>
      %dma_wait3A_1037 = tpu.memref_squeeze %dma_wait3A_1036 : memref<1x!tpu.dma_semaphore, #tpu.memory_space<semaphore_mem>> -> memref<!tpu.dma_semaphore, #tpu.memory_space<semaphore_mem>>
      tpu.wait_indirect_dma semaphore(%dma_wait3A_1037 : memref<!tpu.dma_semaphore, #tpu.memory_space<semaphore_mem>>) src(%dma_wait3A_1035 : memref<20480x128xf32, #tpu.memory_space<hbm>>) dst(%dma_wait3A_1029 : memref<128x128xf32, #tpu.memory_space<vmem>>)
      %dma_start3A_1038 = arith.constant 0 : i32
      %dma_start3A_1039 = arith.constant 0 : i32
      %dma_start3A_1040 = arith.constant 0 : i32
      %dma_start3A_1041 = arith.constant 0 : i32
      %dma_start3A_1042 = arith.constant 0 : i32
      %dma_start3A_1043 = tpu.memref_slice %arg11[%dma_start3A_1038, %dma_start3A_1041, %dma_start3A_1042] : memref<2x128x128xf32, #tpu.memory_space<vmem>> -> memref<1x128x128xf32, #tpu.memory_space<vmem>>
      %dma_start3A_1044 = tpu.memref_squeeze %dma_start3A_1043 : memref<1x128x128xf32, #tpu.memory_space<vmem>> -> memref<128x128xf32, #tpu.memory_space<vmem>>
      %dma_start3A_1045 = arith.constant 0 : i32
      %dma_start3A_1046 = tpu.memref_slice %arg10[%dma_start3A_1039, %dma_start3A_1045] : memref<2x128xi32, #tpu.memory_space<vmem>> -> memref<1x128xi32, #tpu.memory_space<vmem>>
      %dma_start3A_1047 = tpu.memref_squeeze %dma_start3A_1046 : memref<1x128xi32, #tpu.memory_space<vmem>> -> memref<128xi32, #tpu.memory_space<vmem>>
      %dma_start3A_1048 = arith.constant 0 : i32
      %dma_start3A_1049 = arith.constant 0 : i32
      %dma_start3A_1050 = tpu.memref_slice %arg6[%dma_start3A_1048, %dma_start3A_1049] : memref<10240x128xf32, #tpu.memory_space<vmem_shared>> -> memref<10240x128xf32, #tpu.memory_space<vmem_shared>>
      %dma_start3A_1051 = tpu.memref_slice %arg13[%dma_start3A_1040] : memref<2x!tpu.dma_semaphore, #tpu.memory_space<semaphore_mem>> -> memref<1x!tpu.dma_semaphore, #tpu.memory_space<semaphore_mem>>
      %dma_start3A_1052 = tpu.memref_squeeze %dma_start3A_1051 : memref<1x!tpu.dma_semaphore, #tpu.memory_space<semaphore_mem>> -> memref<!tpu.dma_semaphore, #tpu.memory_space<semaphore_mem>>
      tpu.enqueue_indirect_dma source(%dma_start3A_1044 : memref<128x128xf32, #tpu.memory_space<vmem>>) target(%dma_start3A_1050 : memref<10240x128xf32, #tpu.memory_space<vmem_shared>>) offsets(%dma_start3A_1047 : memref<128xi32, #tpu.memory_space<vmem>>) semaphore(%dma_start3A_1052 : memref<!tpu.dma_semaphore, #tpu.memory_space<semaphore_mem>>) {add = true}
      %dma_wait3A_1053 = arith.constant 1 : i32
      %dma_wait3A_1054 = arith.constant 1 : i32
      %dma_wait3A_1055 = arith.constant 1 : i32
      %dma_wait3A_1056 = arith.constant 0 : i32
      %dma_wait3A_1057 = arith.constant 0 : i32
      %dma_wait3A_1058 = tpu.memref_slice %arg11[%dma_wait3A_1054, %dma_wait3A_1056, %dma_wait3A_1057] : memref<2x128x128xf32, #tpu.memory_space<vmem>> -> memref<1x128x128xf32, #tpu.memory_space<vmem>>
      %dma_wait3A_1059 = tpu.memref_squeeze %dma_wait3A_1058 : memref<1x128x128xf32, #tpu.memory_space<vmem>> -> memref<128x128xf32, #tpu.memory_space<vmem>>
      %dma_wait3A_1060 = arith.constant 0 : i32
      %dma_wait3A_1061 = tpu.memref_slice %arg9[%dma_wait3A_1053, %dma_wait3A_1060] : memref<2x128xi32, #tpu.memory_space<vmem>> -> memref<1x128xi32, #tpu.memory_space<vmem>>
      %dma_wait3A_1062 = tpu.memref_squeeze %dma_wait3A_1061 : memref<1x128xi32, #tpu.memory_space<vmem>> -> memref<128xi32, #tpu.memory_space<vmem>>
      %dma_wait3A_1063 = arith.constant 0 : i32
      %dma_wait3A_1064 = arith.constant 0 : i32
      %dma_wait3A_1065 = tpu.memref_slice %arg2[%dma_wait3A_1063, %dma_wait3A_1064] : memref<20480x128xf32, #tpu.memory_space<hbm>> -> memref<20480x128xf32, #tpu.memory_space<hbm>>
      %dma_wait3A_1066 = tpu.memref_slice %arg12[%dma_wait3A_1055] : memref<2x!tpu.dma_semaphore, #tpu.memory_space<semaphore_mem>> -> memref<1x!tpu.dma_semaphore, #tpu.memory_space<semaphore_mem>>
      %dma_wait3A_1067 = tpu.memref_squeeze %dma_wait3A_1066 : memref<1x!tpu.dma_semaphore, #tpu.memory_space<semaphore_mem>> -> memref<!tpu.dma_semaphore, #tpu.memory_space<semaphore_mem>>
      tpu.wait_indirect_dma semaphore(%dma_wait3A_1067 : memref<!tpu.dma_semaphore, #tpu.memory_space<semaphore_mem>>) src(%dma_wait3A_1065 : memref<20480x128xf32, #tpu.memory_space<hbm>>) dst(%dma_wait3A_1059 : memref<128x128xf32, #tpu.memory_space<vmem>>)
      %dma_start3A_1068 = arith.constant 1 : i32
      %dma_start3A_1069 = arith.constant 1 : i32
      %dma_start3A_1070 = arith.constant 1 : i32
      %dma_start3A_1071 = arith.constant 0 : i32
      %dma_start3A_1072 = arith.constant 0 : i32
      %dma_start3A_1073 = tpu.memref_slice %arg11[%dma_start3A_1068, %dma_start3A_1071, %dma_start3A_1072] : memref<2x128x128xf32, #tpu.memory_space<vmem>> -> memref<1x128x128xf32, #tpu.memory_space<vmem>>
      %dma_start3A_1074 = tpu.memref_squeeze %dma_start3A_1073 : memref<1x128x128xf32, #tpu.memory_space<vmem>> -> memref<128x128xf32, #tpu.memory_space<vmem>>
      %dma_start3A_1075 = arith.constant 0 : i32
      %dma_start3A_1076 = tpu.memref_slice %arg10[%dma_start3A_1069, %dma_start3A_1075] : memref<2x128xi32, #tpu.memory_space<vmem>> -> memref<1x128xi32, #tpu.memory_space<vmem>>
      %dma_start3A_1077 = tpu.memref_squeeze %dma_start3A_1076 : memref<1x128xi32, #tpu.memory_space<vmem>> -> memref<128xi32, #tpu.memory_space<vmem>>
      %dma_start3A_1078 = arith.constant 0 : i32
      %dma_start3A_1079 = arith.constant 0 : i32
      %dma_start3A_1080 = tpu.memref_slice %arg6[%dma_start3A_1078, %dma_start3A_1079] : memref<10240x128xf32, #tpu.memory_space<vmem_shared>> -> memref<10240x128xf32, #tpu.memory_space<vmem_shared>>
      %dma_start3A_1081 = tpu.memref_slice %arg13[%dma_start3A_1070] : memref<2x!tpu.dma_semaphore, #tpu.memory_space<semaphore_mem>> -> memref<1x!tpu.dma_semaphore, #tpu.memory_space<semaphore_mem>>
      %dma_start3A_1082 = tpu.memref_squeeze %dma_start3A_1081 : memref<1x!tpu.dma_semaphore, #tpu.memory_space<semaphore_mem>> -> memref<!tpu.dma_semaphore, #tpu.memory_space<semaphore_mem>>
      tpu.enqueue_indirect_dma source(%dma_start3A_1074 : memref<128x128xf32, #tpu.memory_space<vmem>>) target(%dma_start3A_1080 : memref<10240x128xf32, #tpu.memory_space<vmem_shared>>) offsets(%dma_start3A_1077 : memref<128xi32, #tpu.memory_space<vmem>>) semaphore(%dma_start3A_1082 : memref<!tpu.dma_semaphore, #tpu.memory_space<semaphore_mem>>) {add = true}
      %dma_wait3A_1083 = arith.constant 0 : i32
      %dma_wait3A_1084 = arith.constant 0 : i32
      %dma_wait3A_1085 = arith.constant 0 : i32
      %dma_wait3A_1086 = arith.constant 0 : i32
      %dma_wait3A_1087 = arith.constant 0 : i32
      %dma_wait3A_1088 = tpu.memref_slice %arg11[%dma_wait3A_1083, %dma_wait3A_1086, %dma_wait3A_1087] : memref<2x128x128xf32, #tpu.memory_space<vmem>> -> memref<1x128x128xf32, #tpu.memory_space<vmem>>
      %dma_wait3A_1089 = tpu.memref_squeeze %dma_wait3A_1088 : memref<1x128x128xf32, #tpu.memory_space<vmem>> -> memref<128x128xf32, #tpu.memory_space<vmem>>
      %dma_wait3A_1090 = arith.constant 0 : i32
      %dma_wait3A_1091 = tpu.memref_slice %arg10[%dma_wait3A_1084, %dma_wait3A_1090] : memref<2x128xi32, #tpu.memory_space<vmem>> -> memref<1x128xi32, #tpu.memory_space<vmem>>
      %dma_wait3A_1092 = tpu.memref_squeeze %dma_wait3A_1091 : memref<1x128xi32, #tpu.memory_space<vmem>> -> memref<128xi32, #tpu.memory_space<vmem>>
      %dma_wait3A_1093 = arith.constant 0 : i32
      %dma_wait3A_1094 = arith.constant 0 : i32
      %dma_wait3A_1095 = tpu.memref_slice %arg6[%dma_wait3A_1093, %dma_wait3A_1094] : memref<10240x128xf32, #tpu.memory_space<vmem_shared>> -> memref<10240x128xf32, #tpu.memory_space<vmem_shared>>
      %dma_wait3A_1096 = tpu.memref_slice %arg13[%dma_wait3A_1085] : memref<2x!tpu.dma_semaphore, #tpu.memory_space<semaphore_mem>> -> memref<1x!tpu.dma_semaphore, #tpu.memory_space<semaphore_mem>>
      %dma_wait3A_1097 = tpu.memref_squeeze %dma_wait3A_1096 : memref<1x!tpu.dma_semaphore, #tpu.memory_space<semaphore_mem>> -> memref<!tpu.dma_semaphore, #tpu.memory_space<semaphore_mem>>
      tpu.wait_indirect_dma semaphore(%dma_wait3A_1097 : memref<!tpu.dma_semaphore, #tpu.memory_space<semaphore_mem>>) src(%dma_wait3A_1089 : memref<128x128xf32, #tpu.memory_space<vmem>>) dst(%dma_wait3A_1095 : memref<10240x128xf32, #tpu.memory_space<vmem_shared>>)
      %dma_start3A_1098 = arith.constant 0 : i32
      %dma_start3A_1099 = arith.constant 0 : i32
      %dma_start3A_1100 = arith.constant 0 : i32
      %dma_start3A_1101 = arith.constant 0 : i32
      %dma_start3A_1102 = arith.constant 0 : i32
      %dma_start3A_1103 = tpu.memref_slice %arg11[%dma_start3A_1099, %dma_start3A_1101, %dma_start3A_1102] : memref<2x128x128xf32, #tpu.memory_space<vmem>> -> memref<1x128x128xf32, #tpu.memory_space<vmem>>
      %dma_start3A_1104 = tpu.memref_squeeze %dma_start3A_1103 : memref<1x128x128xf32, #tpu.memory_space<vmem>> -> memref<128x128xf32, #tpu.memory_space<vmem>>
      %dma_start3A_1105 = arith.constant 0 : i32
      %dma_start3A_1106 = tpu.memref_slice %arg7[%dma_start3A_1098, %dma_start3A_1105] : memref<2x128xi32, #tpu.memory_space<vmem>> -> memref<1x128xi32, #tpu.memory_space<vmem>>
      %dma_start3A_1107 = tpu.memref_squeeze %dma_start3A_1106 : memref<1x128xi32, #tpu.memory_space<vmem>> -> memref<128xi32, #tpu.memory_space<vmem>>
      %dma_start3A_1108 = arith.constant 0 : i32
      %dma_start3A_1109 = arith.constant 0 : i32
      %dma_start3A_1110 = tpu.memref_slice %arg2[%dma_start3A_1108, %dma_start3A_1109] : memref<20480x128xf32, #tpu.memory_space<hbm>> -> memref<20480x128xf32, #tpu.memory_space<hbm>>
      %dma_start3A_1111 = tpu.memref_slice %arg12[%dma_start3A_1100] : memref<2x!tpu.dma_semaphore, #tpu.memory_space<semaphore_mem>> -> memref<1x!tpu.dma_semaphore, #tpu.memory_space<semaphore_mem>>
      %dma_start3A_1112 = tpu.memref_squeeze %dma_start3A_1111 : memref<1x!tpu.dma_semaphore, #tpu.memory_space<semaphore_mem>> -> memref<!tpu.dma_semaphore, #tpu.memory_space<semaphore_mem>>
      tpu.enqueue_indirect_dma source(%dma_start3A_1110 : memref<20480x128xf32, #tpu.memory_space<hbm>>) target(%dma_start3A_1104 : memref<128x128xf32, #tpu.memory_space<vmem>>) offsets(%dma_start3A_1107 : memref<128xi32, #tpu.memory_space<vmem>>) semaphore(%dma_start3A_1112 : memref<!tpu.dma_semaphore, #tpu.memory_space<semaphore_mem>>)
      %dma_wait3A_1113 = arith.constant 1 : i32
      %dma_wait3A_1114 = arith.constant 1 : i32
      %dma_wait3A_1115 = arith.constant 1 : i32
      %dma_wait3A_1116 = arith.constant 0 : i32
      %dma_wait3A_1117 = arith.constant 0 : i32
      %dma_wait3A_1118 = tpu.memref_slice %arg11[%dma_wait3A_1113, %dma_wait3A_1116, %dma_wait3A_1117] : memref<2x128x128xf32, #tpu.memory_space<vmem>> -> memref<1x128x128xf32, #tpu.memory_space<vmem>>
      %dma_wait3A_1119 = tpu.memref_squeeze %dma_wait3A_1118 : memref<1x128x128xf32, #tpu.memory_space<vmem>> -> memref<128x128xf32, #tpu.memory_space<vmem>>
      %dma_wait3A_1120 = arith.constant 0 : i32
      %dma_wait3A_1121 = tpu.memref_slice %arg10[%dma_wait3A_1114, %dma_wait3A_1120] : memref<2x128xi32, #tpu.memory_space<vmem>> -> memref<1x128xi32, #tpu.memory_space<vmem>>
      %dma_wait3A_1122 = tpu.memref_squeeze %dma_wait3A_1121 : memref<1x128xi32, #tpu.memory_space<vmem>> -> memref<128xi32, #tpu.memory_space<vmem>>
      %dma_wait3A_1123 = arith.constant 0 : i32
      %dma_wait3A_1124 = arith.constant 0 : i32
      %dma_wait3A_1125 = tpu.memref_slice %arg6[%dma_wait3A_1123, %dma_wait3A_1124] : memref<10240x128xf32, #tpu.memory_space<vmem_shared>> -> memref<10240x128xf32, #tpu.memory_space<vmem_shared>>
      %dma_wait3A_1126 = tpu.memref_slice %arg13[%dma_wait3A_1115] : memref<2x!tpu.dma_semaphore, #tpu.memory_space<semaphore_mem>> -> memref<1x!tpu.dma_semaphore, #tpu.memory_space<semaphore_mem>>
      %dma_wait3A_1127 = tpu.memref_squeeze %dma_wait3A_1126 : memref<1x!tpu.dma_semaphore, #tpu.memory_space<semaphore_mem>> -> memref<!tpu.dma_semaphore, #tpu.memory_space<semaphore_mem>>
      tpu.wait_indirect_dma semaphore(%dma_wait3A_1127 : memref<!tpu.dma_semaphore, #tpu.memory_space<semaphore_mem>>) src(%dma_wait3A_1119 : memref<128x128xf32, #tpu.memory_space<vmem>>) dst(%dma_wait3A_1125 : memref<10240x128xf32, #tpu.memory_space<vmem_shared>>)
      %dma_start3A_1128 = arith.constant 1 : i32
      %dma_start3A_1129 = arith.constant 1 : i32
      %dma_start3A_1130 = arith.constant 1 : i32
      %dma_start3A_1131 = arith.constant 0 : i32
      %dma_start3A_1132 = arith.constant 0 : i32
      %dma_start3A_1133 = tpu.memref_slice %arg11[%dma_start3A_1129, %dma_start3A_1131, %dma_start3A_1132] : memref<2x128x128xf32, #tpu.memory_space<vmem>> -> memref<1x128x128xf32, #tpu.memory_space<vmem>>
      %dma_start3A_1134 = tpu.memref_squeeze %dma_start3A_1133 : memref<1x128x128xf32, #tpu.memory_space<vmem>> -> memref<128x128xf32, #tpu.memory_space<vmem>>
      %dma_start3A_1135 = arith.constant 0 : i32
      %dma_start3A_1136 = tpu.memref_slice %arg7[%dma_start3A_1128, %dma_start3A_1135] : memref<2x128xi32, #tpu.memory_space<vmem>> -> memref<1x128xi32, #tpu.memory_space<vmem>>
      %dma_start3A_1137 = tpu.memref_squeeze %dma_start3A_1136 : memref<1x128xi32, #tpu.memory_space<vmem>> -> memref<128xi32, #tpu.memory_space<vmem>>
      %dma_start3A_1138 = arith.constant 0 : i32
      %dma_start3A_1139 = arith.constant 0 : i32
      %dma_start3A_1140 = tpu.memref_slice %arg2[%dma_start3A_1138, %dma_start3A_1139] : memref<20480x128xf32, #tpu.memory_space<hbm>> -> memref<20480x128xf32, #tpu.memory_space<hbm>>
      %dma_start3A_1141 = tpu.memref_slice %arg12[%dma_start3A_1130] : memref<2x!tpu.dma_semaphore, #tpu.memory_space<semaphore_mem>> -> memref<1x!tpu.dma_semaphore, #tpu.memory_space<semaphore_mem>>
      %dma_start3A_1142 = tpu.memref_squeeze %dma_start3A_1141 : memref<1x!tpu.dma_semaphore, #tpu.memory_space<semaphore_mem>> -> memref<!tpu.dma_semaphore, #tpu.memory_space<semaphore_mem>>
      tpu.enqueue_indirect_dma source(%dma_start3A_1140 : memref<20480x128xf32, #tpu.memory_space<hbm>>) target(%dma_start3A_1134 : memref<128x128xf32, #tpu.memory_space<vmem>>) offsets(%dma_start3A_1137 : memref<128xi32, #tpu.memory_space<vmem>>) semaphore(%dma_start3A_1142 : memref<!tpu.dma_semaphore, #tpu.memory_space<semaphore_mem>>)
      %add3A_1143 = arith.constant 2 : i32
      %add3A_1144 = arith.addi %add3A_1022, %add3A_1143 : i32
      %mul3A_1145 = arith.constant 80 : i32
      %mul3A_1146 = arith.muli %arg1, %mul3A_1145 : i32
      %mul3A_1147 = arith.constant 2 : i32
      %mul3A_1148 = arith.muli %mul3A_1146, %mul3A_1147 : i32
      %mul3A_1149 = arith.constant 2 : i32
      %mul3A_1150 = arith.muli %add3A_1144, %mul3A_1149 : i32
      %add3A_1151 = arith.addi %mul3A_1148, %mul3A_1150 : i32
      "tpu.region"() ({
        %run_scoped3A = tpu.sem_alloc : memref<!tpu.dma_semaphore, #tpu.memory_space<semaphore_mem>>
        %dma_start3A_1360 = arith.constant 0 : i32
        %dma_start3A_1361 = tpu.memref_slice %arg3[%add3A_1151, %dma_start3A_1360] : memref<2560x128xi32, #tpu.memory_space<hbm>> -> memref<2x128xi32, #tpu.memory_space<hbm>>
        %dma_start3A_1362 = arith.constant 0 : i32
        %dma_start3A_1363 = tpu.memref_slice %arg3[%add3A_1151, %dma_start3A_1362] : memref<2560x128xi32, #tpu.memory_space<hbm>> -> memref<2x128xi32, #tpu.memory_space<hbm>>
        tpu.enqueue_dma source(%dma_start3A_1363 : memref<2x128xi32, #tpu.memory_space<hbm>>) target(%arg9 : memref<2x128xi32, #tpu.memory_space<vmem>>) target_semaphore(%run_scoped3A : memref<!tpu.dma_semaphore, #tpu.memory_space<semaphore_mem>>)
        %dma_wait3A_1364 = arith.constant 0 : i32
        %dma_wait3A_1365 = tpu.memref_slice %arg3[%add3A_1151, %dma_wait3A_1364] : memref<2560x128xi32, #tpu.memory_space<hbm>> -> memref<2x128xi32, #tpu.memory_space<hbm>>
        %dma_wait3A_1366 = arith.constant 0 : i32
        %dma_wait3A_1367 = tpu.memref_slice %arg3[%add3A_1151, %dma_wait3A_1366] : memref<2560x128xi32, #tpu.memory_space<hbm>> -> memref<2x128xi32, #tpu.memory_space<hbm>>
        tpu.wait_dma2 semaphore(%run_scoped3A : memref<!tpu.dma_semaphore, #tpu.memory_space<semaphore_mem>>) src(%dma_wait3A_1367 : memref<2x128xi32, #tpu.memory_space<hbm>>) dst(%arg9 : memref<2x128xi32, #tpu.memory_space<vmem>>)
        tpu.yield
      }) : () -> ()
      "tpu.region"() ({
        %run_scoped3A = tpu.sem_alloc : memref<!tpu.dma_semaphore, #tpu.memory_space<semaphore_mem>>
        %dma_start3A_1360 = arith.constant 0 : i32
        %dma_start3A_1361 = tpu.memref_slice %arg4[%add3A_1151, %dma_start3A_1360] : memref<2560x128xi32, #tpu.memory_space<hbm>> -> memref<2x128xi32, #tpu.memory_space<hbm>>
        %dma_start3A_1362 = arith.constant 0 : i32
        %dma_start3A_1363 = tpu.memref_slice %arg4[%add3A_1151, %dma_start3A_1362] : memref<2560x128xi32, #tpu.memory_space<hbm>> -> memref<2x128xi32, #tpu.memory_space<hbm>>
        tpu.enqueue_dma source(%dma_start3A_1363 : memref<2x128xi32, #tpu.memory_space<hbm>>) target(%arg10 : memref<2x128xi32, #tpu.memory_space<vmem>>) target_semaphore(%run_scoped3A : memref<!tpu.dma_semaphore, #tpu.memory_space<semaphore_mem>>)
        %dma_wait3A_1364 = arith.constant 0 : i32
        %dma_wait3A_1365 = tpu.memref_slice %arg4[%add3A_1151, %dma_wait3A_1364] : memref<2560x128xi32, #tpu.memory_space<hbm>> -> memref<2x128xi32, #tpu.memory_space<hbm>>
        %dma_wait3A_1366 = arith.constant 0 : i32
        %dma_wait3A_1367 = tpu.memref_slice %arg4[%add3A_1151, %dma_wait3A_1366] : memref<2560x128xi32, #tpu.memory_space<hbm>> -> memref<2x128xi32, #tpu.memory_space<hbm>>
        tpu.wait_dma2 semaphore(%run_scoped3A : memref<!tpu.dma_semaphore, #tpu.memory_space<semaphore_mem>>) src(%dma_wait3A_1367 : memref<2x128xi32, #tpu.memory_space<hbm>>) dst(%arg10 : memref<2x128xi32, #tpu.memory_space<vmem>>)
        tpu.yield
      }) : () -> ()
      %get3A_1152 = arith.constant 0 : i32
      %get3A_1153 = arith.index_cast %get3A_1152 : i32 to index
      %get3A_1154 = arith.constant 0 : index
      %get3A_1155 = tpu.vector_load %arg9[%get3A_1153, %get3A_1154] {strides = array<i32>} : memref<2x128xi32, #tpu.memory_space<vmem>>, vector<1x16xi32>,
      %get3A_1156 = vector.shape_cast %get3A_1155 : vector<1x16xi32> to vector<16xi32>
      %add3A_1157 = vector.broadcast %mul3A_0 : i32 to vector<16xi32>
      %add3A_1158 = arith.addi %get3A_1156, %add3A_1157 : vector<16xi32>
      %swap3A_1159 = arith.constant 0 : i32
      %swap3A_1160 = arith.index_cast %swap3A_1159 : i32 to index
      %swap3A_1161 = arith.constant 0 : index
      %swap3A_1162 = tpu.vector_load %arg9[%swap3A_1160, %swap3A_1161] {strides = array<i32>} : memref<2x128xi32, #tpu.memory_space<vmem>>, vector<1x16xi32>,
      %swap3A_1163 = vector.shape_cast %swap3A_1162 : vector<1x16xi32> to vector<16xi32>
      %swap3A_1164 = vector.shape_cast %add3A_1158 : vector<16xi32> to vector<1x16xi32>
      tpu.vector_store %arg9[%swap3A_1160, %swap3A_1161], %swap3A_1164 {strides = array<i32>} : memref<2x128xi32, #tpu.memory_space<vmem>>, vector<1x16xi32>,
      %get3A_1165 = arith.constant 0 : i32
      %get3A_1166 = arith.index_cast %get3A_1165 : i32 to index
      %get3A_1167 = arith.constant 16 : index
      %get3A_1168 = tpu.vector_load %arg9[%get3A_1166, %get3A_1167] {strides = array<i32>} : memref<2x128xi32, #tpu.memory_space<vmem>>, vector<1x16xi32>,
      %get3A_1169 = vector.shape_cast %get3A_1168 : vector<1x16xi32> to vector<16xi32>
      %add3A_1170 = vector.broadcast %mul3A_0 : i32 to vector<16xi32>
      %add3A_1171 = arith.addi %get3A_1169, %add3A_1170 : vector<16xi32>
      %swap3A_1172 = arith.constant 0 : i32
      %swap3A_1173 = arith.index_cast %swap3A_1172 : i32 to index
      %swap3A_1174 = arith.constant 16 : index
      %swap3A_1175 = tpu.vector_load %arg9[%swap3A_1173, %swap3A_1174] {strides = array<i32>} : memref<2x128xi32, #tpu.memory_space<vmem>>, vector<1x16xi32>,
      %swap3A_1176 = vector.shape_cast %swap3A_1175 : vector<1x16xi32> to vector<16xi32>
      %swap3A_1177 = vector.shape_cast %add3A_1171 : vector<16xi32> to vector<1x16xi32>
      tpu.vector_store %arg9[%swap3A_1173, %swap3A_1174], %swap3A_1177 {strides = array<i32>} : memref<2x128xi32, #tpu.memory_space<vmem>>, vector<1x16xi32>,
      %get3A_1178 = arith.constant 0 : i32
      %get3A_1179 = arith.index_cast %get3A_1178 : i32 to index
      %get3A_1180 = arith.constant 32 : index
      %get3A_1181 = tpu.vector_load %arg9[%get3A_1179, %get3A_1180] {strides = array<i32>} : memref<2x128xi32, #tpu.memory_space<vmem>>, vector<1x16xi32>,
      %get3A_1182 = vector.shape_cast %get3A_1181 : vector<1x16xi32> to vector<16xi32>
      %add3A_1183 = vector.broadcast %mul3A_0 : i32 to vector<16xi32>
      %add3A_1184 = arith.addi %get3A_1182, %add3A_1183 : vector<16xi32>
      %swap3A_1185 = arith.constant 0 : i32
      %swap3A_1186 = arith.index_cast %swap3A_1185 : i32 to index
      %swap3A_1187 = arith.constant 32 : index
      %swap3A_1188 = tpu.vector_load %arg9[%swap3A_1186, %swap3A_1187] {strides = array<i32>} : memref<2x128xi32, #tpu.memory_space<vmem>>, vector<1x16xi32>,
      %swap3A_1189 = vector.shape_cast %swap3A_1188 : vector<1x16xi32> to vector<16xi32>
      %swap3A_1190 = vector.shape_cast %add3A_1184 : vector<16xi32> to vector<1x16xi32>
      tpu.vector_store %arg9[%swap3A_1186, %swap3A_1187], %swap3A_1190 {strides = array<i32>} : memref<2x128xi32, #tpu.memory_space<vmem>>, vector<1x16xi32>,
      %get3A_1191 = arith.constant 0 : i32
      %get3A_1192 = arith.index_cast %get3A_1191 : i32 to index
      %get3A_1193 = arith.constant 48 : index
      %get3A_1194 = tpu.vector_load %arg9[%get3A_1192, %get3A_1193] {strides = array<i32>} : memref<2x128xi32, #tpu.memory_space<vmem>>, vector<1x16xi32>,
      %get3A_1195 = vector.shape_cast %get3A_1194 : vector<1x16xi32> to vector<16xi32>
      %add3A_1196 = vector.broadcast %mul3A_0 : i32 to vector<16xi32>
      %add3A_1197 = arith.addi %get3A_1195, %add3A_1196 : vector<16xi32>
      %swap3A_1198 = arith.constant 0 : i32
      %swap3A_1199 = arith.index_cast %swap3A_1198 : i32 to index
      %swap3A_1200 = arith.constant 48 : index
      %swap3A_1201 = tpu.vector_load %arg9[%swap3A_1199, %swap3A_1200] {strides = array<i32>} : memref<2x128xi32, #tpu.memory_space<vmem>>, vector<1x16xi32>,
      %swap3A_1202 = vector.shape_cast %swap3A_1201 : vector<1x16xi32> to vector<16xi32>
      %swap3A_1203 = vector.shape_cast %add3A_1197 : vector<16xi32> to vector<1x16xi32>
      tpu.vector_store %arg9[%swap3A_1199, %swap3A_1200], %swap3A_1203 {strides = array<i32>} : memref<2x128xi32, #tpu.memory_space<vmem>>, vector<1x16xi32>,
      %get3A_1204 = arith.constant 0 : i32
      %get3A_1205 = arith.index_cast %get3A_1204 : i32 to index
      %get3A_1206 = arith.constant 64 : index
      %get3A_1207 = tpu.vector_load %arg9[%get3A_1205, %get3A_1206] {strides = array<i32>} : memref<2x128xi32, #tpu.memory_space<vmem>>, vector<1x16xi32>,
      %get3A_1208 = vector.shape_cast %get3A_1207 : vector<1x16xi32> to vector<16xi32>
      %add3A_1209 = vector.broadcast %mul3A_0 : i32 to vector<16xi32>
      %add3A_1210 = arith.addi %get3A_1208, %add3A_1209 : vector<16xi32>
      %swap3A_1211 = arith.constant 0 : i32
      %swap3A_1212 = arith.index_cast %swap3A_1211 : i32 to index
      %swap3A_1213 = arith.constant 64 : index
      %swap3A_1214 = tpu.vector_load %arg9[%swap3A_1212, %swap3A_1213] {strides = array<i32>} : memref<2x128xi32, #tpu.memory_space<vmem>>, vector<1x16xi32>,
      %swap3A_1215 = vector.shape_cast %swap3A_1214 : vector<1x16xi32> to vector<16xi32>
      %swap3A_1216 = vector.shape_cast %add3A_1210 : vector<16xi32> to vector<1x16xi32>
      tpu.vector_store %arg9[%swap3A_1212, %swap3A_1213], %swap3A_1216 {strides = array<i32>} : memref<2x128xi32, #tpu.memory_space<vmem>>, vector<1x16xi32>,
      %get3A_1217 = arith.constant 0 : i32
      %get3A_1218 = arith.index_cast %get3A_1217 : i32 to index
      %get3A_1219 = arith.constant 80 : index
      %get3A_1220 = tpu.vector_load %arg9[%get3A_1218, %get3A_1219] {strides = array<i32>} : memref<2x128xi32, #tpu.memory_space<vmem>>, vector<1x16xi32>,
      %get3A_1221 = vector.shape_cast %get3A_1220 : vector<1x16xi32> to vector<16xi32>
      %add3A_1222 = vector.broadcast %mul3A_0 : i32 to vector<16xi32>
      %add3A_1223 = arith.addi %get3A_1221, %add3A_1222 : vector<16xi32>
      %swap3A_1224 = arith.constant 0 : i32
      %swap3A_1225 = arith.index_cast %swap3A_1224 : i32 to index
      %swap3A_1226 = arith.constant 80 : index
      %swap3A_1227 = tpu.vector_load %arg9[%swap3A_1225, %swap3A_1226] {strides = array<i32>} : memref<2x128xi32, #tpu.memory_space<vmem>>, vector<1x16xi32>,
      %swap3A_1228 = vector.shape_cast %swap3A_1227 : vector<1x16xi32> to vector<16xi32>
      %swap3A_1229 = vector.shape_cast %add3A_1223 : vector<16xi32> to vector<1x16xi32>
      tpu.vector_store %arg9[%swap3A_1225, %swap3A_1226], %swap3A_1229 {strides = array<i32>} : memref<2x128xi32, #tpu.memory_space<vmem>>, vector<1x16xi32>,
      %get3A_1230 = arith.constant 0 : i32
      %get3A_1231 = arith.index_cast %get3A_1230 : i32 to index
      %get3A_1232 = arith.constant 96 : index
      %get3A_1233 = tpu.vector_load %arg9[%get3A_1231, %get3A_1232] {strides = array<i32>} : memref<2x128xi32, #tpu.memory_space<vmem>>, vector<1x16xi32>,
      %get3A_1234 = vector.shape_cast %get3A_1233 : vector<1x16xi32> to vector<16xi32>
      %add3A_1235 = vector.broadcast %mul3A_0 : i32 to vector<16xi32>
      %add3A_1236 = arith.addi %get3A_1234, %add3A_1235 : vector<16xi32>
      %swap3A_1237 = arith.constant 0 : i32
      %swap3A_1238 = arith.index_cast %swap3A_1237 : i32 to index
      %swap3A_1239 = arith.constant 96 : index
      %swap3A_1240 = tpu.vector_load %arg9[%swap3A_1238, %swap3A_1239] {strides = array<i32>} : memref<2x128xi32, #tpu.memory_space<vmem>>, vector<1x16xi32>,
      %swap3A_1241 = vector.shape_cast %swap3A_1240 : vector<1x16xi32> to vector<16xi32>
      %swap3A_1242 = vector.shape_cast %add3A_1236 : vector<16xi32> to vector<1x16xi32>
      tpu.vector_store %arg9[%swap3A_1238, %swap3A_1239], %swap3A_1242 {strides = array<i32>} : memref<2x128xi32, #tpu.memory_space<vmem>>, vector<1x16xi32>,
      %get3A_1243 = arith.constant 0 : i32
      %get3A_1244 = arith.index_cast %get3A_1243 : i32 to index
      %get3A_1245 = arith.constant 112 : index
      %get3A_1246 = tpu.vector_load %arg9[%get3A_1244, %get3A_1245] {strides = array<i32>} : memref<2x128xi32, #tpu.memory_space<vmem>>, vector<1x16xi32>,
      %get3A_1247 = vector.shape_cast %get3A_1246 : vector<1x16xi32> to vector<16xi32>
      %add3A_1248 = vector.broadcast %mul3A_0 : i32 to vector<16xi32>
      %add3A_1249 = arith.addi %get3A_1247, %add3A_1248 : vector<16xi32>
      %swap3A_1250 = arith.constant 0 : i32
      %swap3A_1251 = arith.index_cast %swap3A_1250 : i32 to index
      %swap3A_1252 = arith.constant 112 : index
      %swap3A_1253 = tpu.vector_load %arg9[%swap3A_1251, %swap3A_1252] {strides = array<i32>} : memref<2x128xi32, #tpu.memory_space<vmem>>, vector<1x16xi32>,
      %swap3A_1254 = vector.shape_cast %swap3A_1253 : vector<1x16xi32> to vector<16xi32>
      %swap3A_1255 = vector.shape_cast %add3A_1249 : vector<16xi32> to vector<1x16xi32>
      tpu.vector_store %arg9[%swap3A_1251, %swap3A_1252], %swap3A_1255 {strides = array<i32>} : memref<2x128xi32, #tpu.memory_space<vmem>>, vector<1x16xi32>,
      %get3A_1256 = arith.constant 1 : i32
      %get3A_1257 = arith.index_cast %get3A_1256 : i32 to index
      %get3A_1258 = arith.constant 0 : index
      %get3A_1259 = tpu.vector_load %arg9[%get3A_1257, %get3A_1258] {strides = array<i32>} : memref<2x128xi32, #tpu.memory_space<vmem>>, vector<1x16xi32>,
      %get3A_1260 = vector.shape_cast %get3A_1259 : vector<1x16xi32> to vector<16xi32>
      %add3A_1261 = vector.broadcast %mul3A_0 : i32 to vector<16xi32>
      %add3A_1262 = arith.addi %get3A_1260, %add3A_1261 : vector<16xi32>
      %swap3A_1263 = arith.constant 1 : i32
      %swap3A_1264 = arith.index_cast %swap3A_1263 : i32 to index
      %swap3A_1265 = arith.constant 0 : index
      %swap3A_1266 = tpu.vector_load %arg9[%swap3A_1264, %swap3A_1265] {strides = array<i32>} : memref<2x128xi32, #tpu.memory_space<vmem>>, vector<1x16xi32>,
      %swap3A_1267 = vector.shape_cast %swap3A_1266 : vector<1x16xi32> to vector<16xi32>
      %swap3A_1268 = vector.shape_cast %add3A_1262 : vector<16xi32> to vector<1x16xi32>
      tpu.vector_store %arg9[%swap3A_1264, %swap3A_1265], %swap3A_1268 {strides = array<i32>} : memref<2x128xi32, #tpu.memory_space<vmem>>, vector<1x16xi32>,
      %get3A_1269 = arith.constant 1 : i32
      %get3A_1270 = arith.index_cast %get3A_1269 : i32 to index
      %get3A_1271 = arith.constant 16 : index
      %get3A_1272 = tpu.vector_load %arg9[%get3A_1270, %get3A_1271] {strides = array<i32>} : memref<2x128xi32, #tpu.memory_space<vmem>>, vector<1x16xi32>,
      %get3A_1273 = vector.shape_cast %get3A_1272 : vector<1x16xi32> to vector<16xi32>
      %add3A_1274 = vector.broadcast %mul3A_0 : i32 to vector<16xi32>
      %add3A_1275 = arith.addi %get3A_1273, %add3A_1274 : vector<16xi32>
      %swap3A_1276 = arith.constant 1 : i32
      %swap3A_1277 = arith.index_cast %swap3A_1276 : i32 to index
      %swap3A_1278 = arith.constant 16 : index
      %swap3A_1279 = tpu.vector_load %arg9[%swap3A_1277, %swap3A_1278] {strides = array<i32>} : memref<2x128xi32, #tpu.memory_space<vmem>>, vector<1x16xi32>,
      %swap3A_1280 = vector.shape_cast %swap3A_1279 : vector<1x16xi32> to vector<16xi32>
      %swap3A_1281 = vector.shape_cast %add3A_1275 : vector<16xi32> to vector<1x16xi32>
      tpu.vector_store %arg9[%swap3A_1277, %swap3A_1278], %swap3A_1281 {strides = array<i32>} : memref<2x128xi32, #tpu.memory_space<vmem>>, vector<1x16xi32>,
      %get3A_1282 = arith.constant 1 : i32
      %get3A_1283 = arith.index_cast %get3A_1282 : i32 to index
      %get3A_1284 = arith.constant 32 : index
      %get3A_1285 = tpu.vector_load %arg9[%get3A_1283, %get3A_1284] {strides = array<i32>} : memref<2x128xi32, #tpu.memory_space<vmem>>, vector<1x16xi32>,
      %get3A_1286 = vector.shape_cast %get3A_1285 : vector<1x16xi32> to vector<16xi32>
      %add3A_1287 = vector.broadcast %mul3A_0 : i32 to vector<16xi32>
      %add3A_1288 = arith.addi %get3A_1286, %add3A_1287 : vector<16xi32>
      %swap3A_1289 = arith.constant 1 : i32
      %swap3A_1290 = arith.index_cast %swap3A_1289 : i32 to index
      %swap3A_1291 = arith.constant 32 : index
      %swap3A_1292 = tpu.vector_load %arg9[%swap3A_1290, %swap3A_1291] {strides = array<i32>} : memref<2x128xi32, #tpu.memory_space<vmem>>, vector<1x16xi32>,
      %swap3A_1293 = vector.shape_cast %swap3A_1292 : vector<1x16xi32> to vector<16xi32>
      %swap3A_1294 = vector.shape_cast %add3A_1288 : vector<16xi32> to vector<1x16xi32>
      tpu.vector_store %arg9[%swap3A_1290, %swap3A_1291], %swap3A_1294 {strides = array<i32>} : memref<2x128xi32, #tpu.memory_space<vmem>>, vector<1x16xi32>,
      %get3A_1295 = arith.constant 1 : i32
      %get3A_1296 = arith.index_cast %get3A_1295 : i32 to index
      %get3A_1297 = arith.constant 48 : index
      %get3A_1298 = tpu.vector_load %arg9[%get3A_1296, %get3A_1297] {strides = array<i32>} : memref<2x128xi32, #tpu.memory_space<vmem>>, vector<1x16xi32>,
      %get3A_1299 = vector.shape_cast %get3A_1298 : vector<1x16xi32> to vector<16xi32>
      %add3A_1300 = vector.broadcast %mul3A_0 : i32 to vector<16xi32>
      %add3A_1301 = arith.addi %get3A_1299, %add3A_1300 : vector<16xi32>
      %swap3A_1302 = arith.constant 1 : i32
      %swap3A_1303 = arith.index_cast %swap3A_1302 : i32 to index
      %swap3A_1304 = arith.constant 48 : index
      %swap3A_1305 = tpu.vector_load %arg9[%swap3A_1303, %swap3A_1304] {strides = array<i32>} : memref<2x128xi32, #tpu.memory_space<vmem>>, vector<1x16xi32>,
      %swap3A_1306 = vector.shape_cast %swap3A_1305 : vector<1x16xi32> to vector<16xi32>
      %swap3A_1307 = vector.shape_cast %add3A_1301 : vector<16xi32> to vector<1x16xi32>
      tpu.vector_store %arg9[%swap3A_1303, %swap3A_1304], %swap3A_1307 {strides = array<i32>} : memref<2x128xi32, #tpu.memory_space<vmem>>, vector<1x16xi32>,
      %get3A_1308 = arith.constant 1 : i32
      %get3A_1309 = arith.index_cast %get3A_1308 : i32 to index
      %get3A_1310 = arith.constant 64 : index
      %get3A_1311 = tpu.vector_load %arg9[%get3A_1309, %get3A_1310] {strides = array<i32>} : memref<2x128xi32, #tpu.memory_space<vmem>>, vector<1x16xi32>,
      %get3A_1312 = vector.shape_cast %get3A_1311 : vector<1x16xi32> to vector<16xi32>
      %add3A_1313 = vector.broadcast %mul3A_0 : i32 to vector<16xi32>
      %add3A_1314 = arith.addi %get3A_1312, %add3A_1313 : vector<16xi32>
      %swap3A_1315 = arith.constant 1 : i32
      %swap3A_1316 = arith.index_cast %swap3A_1315 : i32 to index
      %swap3A_1317 = arith.constant 64 : index
      %swap3A_1318 = tpu.vector_load %arg9[%swap3A_1316, %swap3A_1317] {strides = array<i32>} : memref<2x128xi32, #tpu.memory_space<vmem>>, vector<1x16xi32>,
      %swap3A_1319 = vector.shape_cast %swap3A_1318 : vector<1x16xi32> to vector<16xi32>
      %swap3A_1320 = vector.shape_cast %add3A_1314 : vector<16xi32> to vector<1x16xi32>
      tpu.vector_store %arg9[%swap3A_1316, %swap3A_1317], %swap3A_1320 {strides = array<i32>} : memref<2x128xi32, #tpu.memory_space<vmem>>, vector<1x16xi32>,
      %get3A_1321 = arith.constant 1 : i32
      %get3A_1322 = arith.index_cast %get3A_1321 : i32 to index
      %get3A_1323 = arith.constant 80 : index
      %get3A_1324 = tpu.vector_load %arg9[%get3A_1322, %get3A_1323] {strides = array<i32>} : memref<2x128xi32, #tpu.memory_space<vmem>>, vector<1x16xi32>,
      %get3A_1325 = vector.shape_cast %get3A_1324 : vector<1x16xi32> to vector<16xi32>
      %add3A_1326 = vector.broadcast %mul3A_0 : i32 to vector<16xi32>
      %add3A_1327 = arith.addi %get3A_1325, %add3A_1326 : vector<16xi32>
      %swap3A_1328 = arith.constant 1 : i32
      %swap3A_1329 = arith.index_cast %swap3A_1328 : i32 to index
      %swap3A_1330 = arith.constant 80 : index
      %swap3A_1331 = tpu.vector_load %arg9[%swap3A_1329, %swap3A_1330] {strides = array<i32>} : memref<2x128xi32, #tpu.memory_space<vmem>>, vector<1x16xi32>,
      %swap3A_1332 = vector.shape_cast %swap3A_1331 : vector<1x16xi32> to vector<16xi32>
      %swap3A_1333 = vector.shape_cast %add3A_1327 : vector<16xi32> to vector<1x16xi32>
      tpu.vector_store %arg9[%swap3A_1329, %swap3A_1330], %swap3A_1333 {strides = array<i32>} : memref<2x128xi32, #tpu.memory_space<vmem>>, vector<1x16xi32>,
      %get3A_1334 = arith.constant 1 : i32
      %get3A_1335 = arith.index_cast %get3A_1334 : i32 to index
      %get3A_1336 = arith.constant 96 : index
      %get3A_1337 = tpu.vector_load %arg9[%get3A_1335, %get3A_1336] {strides = array<i32>} : memref<2x128xi32, #tpu.memory_space<vmem>>, vector<1x16xi32>,
      %get3A_1338 = vector.shape_cast %get3A_1337 : vector<1x16xi32> to vector<16xi32>
      %add3A_1339 = vector.broadcast %mul3A_0 : i32 to vector<16xi32>
      %add3A_1340 = arith.addi %get3A_1338, %add3A_1339 : vector<16xi32>
      %swap3A_1341 = arith.constant 1 : i32
      %swap3A_1342 = arith.index_cast %swap3A_1341 : i32 to index
      %swap3A_1343 = arith.constant 96 : index
      %swap3A_1344 = tpu.vector_load %arg9[%swap3A_1342, %swap3A_1343] {strides = array<i32>} : memref<2x128xi32, #tpu.memory_space<vmem>>, vector<1x16xi32>,
      %swap3A_1345 = vector.shape_cast %swap3A_1344 : vector<1x16xi32> to vector<16xi32>
      %swap3A_1346 = vector.shape_cast %add3A_1340 : vector<16xi32> to vector<1x16xi32>
      tpu.vector_store %arg9[%swap3A_1342, %swap3A_1343], %swap3A_1346 {strides = array<i32>} : memref<2x128xi32, #tpu.memory_space<vmem>>, vector<1x16xi32>,
      %get3A_1347 = arith.constant 1 : i32
      %get3A_1348 = arith.index_cast %get3A_1347 : i32 to index
      %get3A_1349 = arith.constant 112 : index
      %get3A_1350 = tpu.vector_load %arg9[%get3A_1348, %get3A_1349] {strides = array<i32>} : memref<2x128xi32, #tpu.memory_space<vmem>>, vector<1x16xi32>,
      %get3A_1351 = vector.shape_cast %get3A_1350 : vector<1x16xi32> to vector<16xi32>
      %add3A_1352 = vector.broadcast %mul3A_0 : i32 to vector<16xi32>
      %add3A_1353 = arith.addi %get3A_1351, %add3A_1352 : vector<16xi32>
      %swap3A_1354 = arith.constant 1 : i32
      %swap3A_1355 = arith.index_cast %swap3A_1354 : i32 to index
      %swap3A_1356 = arith.constant 112 : index
      %swap3A_1357 = tpu.vector_load %arg9[%swap3A_1355, %swap3A_1356] {strides = array<i32>} : memref<2x128xi32, #tpu.memory_space<vmem>>, vector<1x16xi32>,
      %swap3A_1358 = vector.shape_cast %swap3A_1357 : vector<1x16xi32> to vector<16xi32>
      %swap3A_1359 = vector.shape_cast %add3A_1353 : vector<16xi32> to vector<1x16xi32>
      tpu.vector_store %arg9[%swap3A_1355, %swap3A_1356], %swap3A_1359 {strides = array<i32>} : memref<2x128xi32, #tpu.memory_space<vmem>>, vector<1x16xi32>,
    }
    %scan3A_464 = arith.constant 39 : i32
    %dma_wait3A = arith.constant 0 : i32
    %dma_wait3A_465 = arith.constant 0 : i32
    %dma_wait3A_466 = arith.constant 0 : i32
    %dma_wait3A_467 = arith.constant 0 : i32
    %dma_wait3A_468 = arith.constant 0 : i32
    %dma_wait3A_469 = tpu.memref_slice %arg11[%dma_wait3A_465, %dma_wait3A_467, %dma_wait3A_468] : memref<2x128x128xf32, #tpu.memory_space<vmem>> -> memref<1x128x128xf32, #tpu.memory_space<vmem>>
    %dma_wait3A_470 = tpu.memref_squeeze %dma_wait3A_469 : memref<1x128x128xf32, #tpu.memory_space<vmem>> -> memref<128x128xf32, #tpu.memory_space<vmem>>
    %dma_wait3A_471 = arith.constant 0 : i32
    %dma_wait3A_472 = tpu.memref_slice %arg7[%dma_wait3A, %dma_wait3A_471] : memref<2x128xi32, #tpu.memory_space<vmem>> -> memref<1x128xi32, #tpu.memory_space<vmem>>
    %dma_wait3A_473 = tpu.memref_squeeze %dma_wait3A_472 : memref<1x128xi32, #tpu.memory_space<vmem>> -> memref<128xi32, #tpu.memory_space<vmem>>
    %dma_wait3A_474 = arith.constant 0 : i32
    %dma_wait3A_475 = arith.constant 0 : i32
    %dma_wait3A_476 = tpu.memref_slice %arg2[%dma_wait3A_474, %dma_wait3A_475] : memref<20480x128xf32, #tpu.memory_space<hbm>> -> memref<20480x128xf32, #tpu.memory_space<hbm>>
    %dma_wait3A_477 = tpu.memref_slice %arg12[%dma_wait3A_466] : memref<2x!tpu.dma_semaphore, #tpu.memory_space<semaphore_mem>> -> memref<1x!tpu.dma_semaphore, #tpu.memory_space<semaphore_mem>>
    %dma_wait3A_478 = tpu.memref_squeeze %dma_wait3A_477 : memref<1x!tpu.dma_semaphore, #tpu.memory_space<semaphore_mem>> -> memref<!tpu.dma_semaphore, #tpu.memory_space<semaphore_mem>>
    tpu.wait_indirect_dma semaphore(%dma_wait3A_478 : memref<!tpu.dma_semaphore, #tpu.memory_space<semaphore_mem>>) src(%dma_wait3A_476 : memref<20480x128xf32, #tpu.memory_space<hbm>>) dst(%dma_wait3A_470 : memref<128x128xf32, #tpu.memory_space<vmem>>)
    %dma_start3A_479 = arith.constant 0 : i32
    %dma_start3A_480 = arith.constant 0 : i32
    %dma_start3A_481 = arith.constant 0 : i32
    %dma_start3A_482 = arith.constant 0 : i32
    %dma_start3A_483 = arith.constant 0 : i32
    %dma_start3A_484 = tpu.memref_slice %arg11[%dma_start3A_479, %dma_start3A_482, %dma_start3A_483] : memref<2x128x128xf32, #tpu.memory_space<vmem>> -> memref<1x128x128xf32, #tpu.memory_space<vmem>>
    %dma_start3A_485 = tpu.memref_squeeze %dma_start3A_484 : memref<1x128x128xf32, #tpu.memory_space<vmem>> -> memref<128x128xf32, #tpu.memory_space<vmem>>
    %dma_start3A_486 = arith.constant 0 : i32
    %dma_start3A_487 = tpu.memref_slice %arg8[%dma_start3A_480, %dma_start3A_486] : memref<2x128xi32, #tpu.memory_space<vmem>> -> memref<1x128xi32, #tpu.memory_space<vmem>>
    %dma_start3A_488 = tpu.memref_squeeze %dma_start3A_487 : memref<1x128xi32, #tpu.memory_space<vmem>> -> memref<128xi32, #tpu.memory_space<vmem>>
    %dma_start3A_489 = arith.constant 0 : i32
    %dma_start3A_490 = arith.constant 0 : i32
    %dma_start3A_491 = tpu.memref_slice %arg6[%dma_start3A_489, %dma_start3A_490] : memref<10240x128xf32, #tpu.memory_space<vmem_shared>> -> memref<10240x128xf32, #tpu.memory_space<vmem_shared>>
    %dma_start3A_492 = tpu.memref_slice %arg13[%dma_start3A_481] : memref<2x!tpu.dma_semaphore, #tpu.memory_space<semaphore_mem>> -> memref<1x!tpu.dma_semaphore, #tpu.memory_space<semaphore_mem>>
    %dma_start3A_493 = tpu.memref_squeeze %dma_start3A_492 : memref<1x!tpu.dma_semaphore, #tpu.memory_space<semaphore_mem>> -> memref<!tpu.dma_semaphore, #tpu.memory_space<semaphore_mem>>
    tpu.enqueue_indirect_dma source(%dma_start3A_485 : memref<128x128xf32, #tpu.memory_space<vmem>>) target(%dma_start3A_491 : memref<10240x128xf32, #tpu.memory_space<vmem_shared>>) offsets(%dma_start3A_488 : memref<128xi32, #tpu.memory_space<vmem>>) semaphore(%dma_start3A_493 : memref<!tpu.dma_semaphore, #tpu.memory_space<semaphore_mem>>) {add = true}
    %dma_wait3A_494 = arith.constant 1 : i32
    %dma_wait3A_495 = arith.constant 1 : i32
    %dma_wait3A_496 = arith.constant 1 : i32
    %dma_wait3A_497 = arith.constant 0 : i32
    %dma_wait3A_498 = arith.constant 0 : i32
    %dma_wait3A_499 = tpu.memref_slice %arg11[%dma_wait3A_495, %dma_wait3A_497, %dma_wait3A_498] : memref<2x128x128xf32, #tpu.memory_space<vmem>> -> memref<1x128x128xf32, #tpu.memory_space<vmem>>
    %dma_wait3A_500 = tpu.memref_squeeze %dma_wait3A_499 : memref<1x128x128xf32, #tpu.memory_space<vmem>> -> memref<128x128xf32, #tpu.memory_space<vmem>>
    %dma_wait3A_501 = arith.constant 0 : i32
    %dma_wait3A_502 = tpu.memref_slice %arg7[%dma_wait3A_494, %dma_wait3A_501] : memref<2x128xi32, #tpu.memory_space<vmem>> -> memref<1x128xi32, #tpu.memory_space<vmem>>
    %dma_wait3A_503 = tpu.memref_squeeze %dma_wait3A_502 : memref<1x128xi32, #tpu.memory_space<vmem>> -> memref<128xi32, #tpu.memory_space<vmem>>
    %dma_wait3A_504 = arith.constant 0 : i32
    %dma_wait3A_505 = arith.constant 0 : i32
    %dma_wait3A_506 = tpu.memref_slice %arg2[%dma_wait3A_504, %dma_wait3A_505] : memref<20480x128xf32, #tpu.memory_space<hbm>> -> memref<20480x128xf32, #tpu.memory_space<hbm>>
    %dma_wait3A_507 = tpu.memref_slice %arg12[%dma_wait3A_496] : memref<2x!tpu.dma_semaphore, #tpu.memory_space<semaphore_mem>> -> memref<1x!tpu.dma_semaphore, #tpu.memory_space<semaphore_mem>>
    %dma_wait3A_508 = tpu.memref_squeeze %dma_wait3A_507 : memref<1x!tpu.dma_semaphore, #tpu.memory_space<semaphore_mem>> -> memref<!tpu.dma_semaphore, #tpu.memory_space<semaphore_mem>>
    tpu.wait_indirect_dma semaphore(%dma_wait3A_508 : memref<!tpu.dma_semaphore, #tpu.memory_space<semaphore_mem>>) src(%dma_wait3A_506 : memref<20480x128xf32, #tpu.memory_space<hbm>>) dst(%dma_wait3A_500 : memref<128x128xf32, #tpu.memory_space<vmem>>)
    %dma_start3A_509 = arith.constant 1 : i32
    %dma_start3A_510 = arith.constant 1 : i32
    %dma_start3A_511 = arith.constant 1 : i32
    %dma_start3A_512 = arith.constant 0 : i32
    %dma_start3A_513 = arith.constant 0 : i32
    %dma_start3A_514 = tpu.memref_slice %arg11[%dma_start3A_509, %dma_start3A_512, %dma_start3A_513] : memref<2x128x128xf32, #tpu.memory_space<vmem>> -> memref<1x128x128xf32, #tpu.memory_space<vmem>>
    %dma_start3A_515 = tpu.memref_squeeze %dma_start3A_514 : memref<1x128x128xf32, #tpu.memory_space<vmem>> -> memref<128x128xf32, #tpu.memory_space<vmem>>
    %dma_start3A_516 = arith.constant 0 : i32
    %dma_start3A_517 = tpu.memref_slice %arg8[%dma_start3A_510, %dma_start3A_516] : memref<2x128xi32, #tpu.memory_space<vmem>> -> memref<1x128xi32, #tpu.memory_space<vmem>>
    %dma_start3A_518 = tpu.memref_squeeze %dma_start3A_517 : memref<1x128xi32, #tpu.memory_space<vmem>> -> memref<128xi32, #tpu.memory_space<vmem>>
    %dma_start3A_519 = arith.constant 0 : i32
    %dma_start3A_520 = arith.constant 0 : i32
    %dma_start3A_521 = tpu.memref_slice %arg6[%dma_start3A_519, %dma_start3A_520] : memref<10240x128xf32, #tpu.memory_space<vmem_shared>> -> memref<10240x128xf32, #tpu.memory_space<vmem_shared>>
    %dma_start3A_522 = tpu.memref_slice %arg13[%dma_start3A_511] : memref<2x!tpu.dma_semaphore, #tpu.memory_space<semaphore_mem>> -> memref<1x!tpu.dma_semaphore, #tpu.memory_space<semaphore_mem>>
    %dma_start3A_523 = tpu.memref_squeeze %dma_start3A_522 : memref<1x!tpu.dma_semaphore, #tpu.memory_space<semaphore_mem>> -> memref<!tpu.dma_semaphore, #tpu.memory_space<semaphore_mem>>
    tpu.enqueue_indirect_dma source(%dma_start3A_515 : memref<128x128xf32, #tpu.memory_space<vmem>>) target(%dma_start3A_521 : memref<10240x128xf32, #tpu.memory_space<vmem_shared>>) offsets(%dma_start3A_518 : memref<128xi32, #tpu.memory_space<vmem>>) semaphore(%dma_start3A_523 : memref<!tpu.dma_semaphore, #tpu.memory_space<semaphore_mem>>) {add = true}
    %dma_wait3A_524 = arith.constant 0 : i32
    %dma_wait3A_525 = arith.constant 0 : i32
    %dma_wait3A_526 = arith.constant 0 : i32
    %dma_wait3A_527 = arith.constant 0 : i32
    %dma_wait3A_528 = arith.constant 0 : i32
    %dma_wait3A_529 = tpu.memref_slice %arg11[%dma_wait3A_524, %dma_wait3A_527, %dma_wait3A_528] : memref<2x128x128xf32, #tpu.memory_space<vmem>> -> memref<1x128x128xf32, #tpu.memory_space<vmem>>
    %dma_wait3A_530 = tpu.memref_squeeze %dma_wait3A_529 : memref<1x128x128xf32, #tpu.memory_space<vmem>> -> memref<128x128xf32, #tpu.memory_space<vmem>>
    %dma_wait3A_531 = arith.constant 0 : i32
    %dma_wait3A_532 = tpu.memref_slice %arg8[%dma_wait3A_525, %dma_wait3A_531] : memref<2x128xi32, #tpu.memory_space<vmem>> -> memref<1x128xi32, #tpu.memory_space<vmem>>
    %dma_wait3A_533 = tpu.memref_squeeze %dma_wait3A_532 : memref<1x128xi32, #tpu.memory_space<vmem>> -> memref<128xi32, #tpu.memory_space<vmem>>
    %dma_wait3A_534 = arith.constant 0 : i32
    %dma_wait3A_535 = arith.constant 0 : i32
    %dma_wait3A_536 = tpu.memref_slice %arg6[%dma_wait3A_534, %dma_wait3A_535] : memref<10240x128xf32, #tpu.memory_space<vmem_shared>> -> memref<10240x128xf32, #tpu.memory_space<vmem_shared>>
    %dma_wait3A_537 = tpu.memref_slice %arg13[%dma_wait3A_526] : memref<2x!tpu.dma_semaphore, #tpu.memory_space<semaphore_mem>> -> memref<1x!tpu.dma_semaphore, #tpu.memory_space<semaphore_mem>>
    %dma_wait3A_538 = tpu.memref_squeeze %dma_wait3A_537 : memref<1x!tpu.dma_semaphore, #tpu.memory_space<semaphore_mem>> -> memref<!tpu.dma_semaphore, #tpu.memory_space<semaphore_mem>>
    tpu.wait_indirect_dma semaphore(%dma_wait3A_538 : memref<!tpu.dma_semaphore, #tpu.memory_space<semaphore_mem>>) src(%dma_wait3A_530 : memref<128x128xf32, #tpu.memory_space<vmem>>) dst(%dma_wait3A_536 : memref<10240x128xf32, #tpu.memory_space<vmem_shared>>)
    %dma_start3A_539 = arith.constant 0 : i32
    %dma_start3A_540 = arith.constant 0 : i32
    %dma_start3A_541 = arith.constant 0 : i32
    %dma_start3A_542 = arith.constant 0 : i32
    %dma_start3A_543 = arith.constant 0 : i32
    %dma_start3A_544 = tpu.memref_slice %arg11[%dma_start3A_540, %dma_start3A_542, %dma_start3A_543] : memref<2x128x128xf32, #tpu.memory_space<vmem>> -> memref<1x128x128xf32, #tpu.memory_space<vmem>>
    %dma_start3A_545 = tpu.memref_squeeze %dma_start3A_544 : memref<1x128x128xf32, #tpu.memory_space<vmem>> -> memref<128x128xf32, #tpu.memory_space<vmem>>
    %dma_start3A_546 = arith.constant 0 : i32
    %dma_start3A_547 = tpu.memref_slice %arg9[%dma_start3A_539, %dma_start3A_546] : memref<2x128xi32, #tpu.memory_space<vmem>> -> memref<1x128xi32, #tpu.memory_space<vmem>>
    %dma_start3A_548 = tpu.memref_squeeze %dma_start3A_547 : memref<1x128xi32, #tpu.memory_space<vmem>> -> memref<128xi32, #tpu.memory_space<vmem>>
    %dma_start3A_549 = arith.constant 0 : i32
    %dma_start3A_550 = arith.constant 0 : i32
    %dma_start3A_551 = tpu.memref_slice %arg2[%dma_start3A_549, %dma_start3A_550] : memref<20480x128xf32, #tpu.memory_space<hbm>> -> memref<20480x128xf32, #tpu.memory_space<hbm>>
    %dma_start3A_552 = tpu.memref_slice %arg12[%dma_start3A_541] : memref<2x!tpu.dma_semaphore, #tpu.memory_space<semaphore_mem>> -> memref<1x!tpu.dma_semaphore, #tpu.memory_space<semaphore_mem>>
    %dma_start3A_553 = tpu.memref_squeeze %dma_start3A_552 : memref<1x!tpu.dma_semaphore, #tpu.memory_space<semaphore_mem>> -> memref<!tpu.dma_semaphore, #tpu.memory_space<semaphore_mem>>
    tpu.enqueue_indirect_dma source(%dma_start3A_551 : memref<20480x128xf32, #tpu.memory_space<hbm>>) target(%dma_start3A_545 : memref<128x128xf32, #tpu.memory_space<vmem>>) offsets(%dma_start3A_548 : memref<128xi32, #tpu.memory_space<vmem>>) semaphore(%dma_start3A_553 : memref<!tpu.dma_semaphore, #tpu.memory_space<semaphore_mem>>)
    %dma_wait3A_554 = arith.constant 1 : i32
    %dma_wait3A_555 = arith.constant 1 : i32
    %dma_wait3A_556 = arith.constant 1 : i32
    %dma_wait3A_557 = arith.constant 0 : i32
    %dma_wait3A_558 = arith.constant 0 : i32
    %dma_wait3A_559 = tpu.memref_slice %arg11[%dma_wait3A_554, %dma_wait3A_557, %dma_wait3A_558] : memref<2x128x128xf32, #tpu.memory_space<vmem>> -> memref<1x128x128xf32, #tpu.memory_space<vmem>>
    %dma_wait3A_560 = tpu.memref_squeeze %dma_wait3A_559 : memref<1x128x128xf32, #tpu.memory_space<vmem>> -> memref<128x128xf32, #tpu.memory_space<vmem>>
    %dma_wait3A_561 = arith.constant 0 : i32
    %dma_wait3A_562 = tpu.memref_slice %arg8[%dma_wait3A_555, %dma_wait3A_561] : memref<2x128xi32, #tpu.memory_space<vmem>> -> memref<1x128xi32, #tpu.memory_space<vmem>>
    %dma_wait3A_563 = tpu.memref_squeeze %dma_wait3A_562 : memref<1x128xi32, #tpu.memory_space<vmem>> -> memref<128xi32, #tpu.memory_space<vmem>>
    %dma_wait3A_564 = arith.constant 0 : i32
    %dma_wait3A_565 = arith.constant 0 : i32
    %dma_wait3A_566 = tpu.memref_slice %arg6[%dma_wait3A_564, %dma_wait3A_565] : memref<10240x128xf32, #tpu.memory_space<vmem_shared>> -> memref<10240x128xf32, #tpu.memory_space<vmem_shared>>
    %dma_wait3A_567 = tpu.memref_slice %arg13[%dma_wait3A_556] : memref<2x!tpu.dma_semaphore, #tpu.memory_space<semaphore_mem>> -> memref<1x!tpu.dma_semaphore, #tpu.memory_space<semaphore_mem>>
    %dma_wait3A_568 = tpu.memref_squeeze %dma_wait3A_567 : memref<1x!tpu.dma_semaphore, #tpu.memory_space<semaphore_mem>> -> memref<!tpu.dma_semaphore, #tpu.memory_space<semaphore_mem>>
    tpu.wait_indirect_dma semaphore(%dma_wait3A_568 : memref<!tpu.dma_semaphore, #tpu.memory_space<semaphore_mem>>) src(%dma_wait3A_560 : memref<128x128xf32, #tpu.memory_space<vmem>>) dst(%dma_wait3A_566 : memref<10240x128xf32, #tpu.memory_space<vmem_shared>>)
    %dma_start3A_569 = arith.constant 1 : i32
    %dma_start3A_570 = arith.constant 1 : i32
    %dma_start3A_571 = arith.constant 1 : i32
    %dma_start3A_572 = arith.constant 0 : i32
    %dma_start3A_573 = arith.constant 0 : i32
    %dma_start3A_574 = tpu.memref_slice %arg11[%dma_start3A_570, %dma_start3A_572, %dma_start3A_573] : memref<2x128x128xf32, #tpu.memory_space<vmem>> -> memref<1x128x128xf32, #tpu.memory_space<vmem>>
    %dma_start3A_575 = tpu.memref_squeeze %dma_start3A_574 : memref<1x128x128xf32, #tpu.memory_space<vmem>> -> memref<128x128xf32, #tpu.memory_space<vmem>>
    %dma_start3A_576 = arith.constant 0 : i32
    %dma_start3A_577 = tpu.memref_slice %arg9[%dma_start3A_569, %dma_start3A_576] : memref<2x128xi32, #tpu.memory_space<vmem>> -> memref<1x128xi32, #tpu.memory_space<vmem>>
    %dma_start3A_578 = tpu.memref_squeeze %dma_start3A_577 : memref<1x128xi32, #tpu.memory_space<vmem>> -> memref<128xi32, #tpu.memory_space<vmem>>
    %dma_start3A_579 = arith.constant 0 : i32
    %dma_start3A_580 = arith.constant 0 : i32
    %dma_start3A_581 = tpu.memref_slice %arg2[%dma_start3A_579, %dma_start3A_580] : memref<20480x128xf32, #tpu.memory_space<hbm>> -> memref<20480x128xf32, #tpu.memory_space<hbm>>
    %dma_start3A_582 = tpu.memref_slice %arg12[%dma_start3A_571] : memref<2x!tpu.dma_semaphore, #tpu.memory_space<semaphore_mem>> -> memref<1x!tpu.dma_semaphore, #tpu.memory_space<semaphore_mem>>
    %dma_start3A_583 = tpu.memref_squeeze %dma_start3A_582 : memref<1x!tpu.dma_semaphore, #tpu.memory_space<semaphore_mem>> -> memref<!tpu.dma_semaphore, #tpu.memory_space<semaphore_mem>>
    tpu.enqueue_indirect_dma source(%dma_start3A_581 : memref<20480x128xf32, #tpu.memory_space<hbm>>) target(%dma_start3A_575 : memref<128x128xf32, #tpu.memory_space<vmem>>) offsets(%dma_start3A_578 : memref<128xi32, #tpu.memory_space<vmem>>) semaphore(%dma_start3A_583 : memref<!tpu.dma_semaphore, #tpu.memory_space<semaphore_mem>>)
    %dma_wait3A_584 = arith.constant 0 : i32
    %dma_wait3A_585 = arith.constant 0 : i32
    %dma_wait3A_586 = arith.constant 0 : i32
    %dma_wait3A_587 = arith.constant 0 : i32
    %dma_wait3A_588 = arith.constant 0 : i32
    %dma_wait3A_589 = tpu.memref_slice %arg11[%dma_wait3A_585, %dma_wait3A_587, %dma_wait3A_588] : memref<2x128x128xf32, #tpu.memory_space<vmem>> -> memref<1x128x128xf32, #tpu.memory_space<vmem>>
    %dma_wait3A_590 = tpu.memref_squeeze %dma_wait3A_589 : memref<1x128x128xf32, #tpu.memory_space<vmem>> -> memref<128x128xf32, #tpu.memory_space<vmem>>
    %dma_wait3A_591 = arith.constant 0 : i32
    %dma_wait3A_592 = tpu.memref_slice %arg9[%dma_wait3A_584, %dma_wait3A_591] : memref<2x128xi32, #tpu.memory_space<vmem>> -> memref<1x128xi32, #tpu.memory_space<vmem>>
    %dma_wait3A_593 = tpu.memref_squeeze %dma_wait3A_592 : memref<1x128xi32, #tpu.memory_space<vmem>> -> memref<128xi32, #tpu.memory_space<vmem>>
    %dma_wait3A_594 = arith.constant 0 : i32
    %dma_wait3A_595 = arith.constant 0 : i32
    %dma_wait3A_596 = tpu.memref_slice %arg2[%dma_wait3A_594, %dma_wait3A_595] : memref<20480x128xf32, #tpu.memory_space<hbm>> -> memref<20480x128xf32, #tpu.memory_space<hbm>>
    %dma_wait3A_597 = tpu.memref_slice %arg12[%dma_wait3A_586] : memref<2x!tpu.dma_semaphore, #tpu.memory_space<semaphore_mem>> -> memref<1x!tpu.dma_semaphore, #tpu.memory_space<semaphore_mem>>
    %dma_wait3A_598 = tpu.memref_squeeze %dma_wait3A_597 : memref<1x!tpu.dma_semaphore, #tpu.memory_space<semaphore_mem>> -> memref<!tpu.dma_semaphore, #tpu.memory_space<semaphore_mem>>
    tpu.wait_indirect_dma semaphore(%dma_wait3A_598 : memref<!tpu.dma_semaphore, #tpu.memory_space<semaphore_mem>>) src(%dma_wait3A_596 : memref<20480x128xf32, #tpu.memory_space<hbm>>) dst(%dma_wait3A_590 : memref<128x128xf32, #tpu.memory_space<vmem>>)
    %dma_start3A_599 = arith.constant 0 : i32
    %dma_start3A_600 = arith.constant 0 : i32
    %dma_start3A_601 = arith.constant 0 : i32
    %dma_start3A_602 = arith.constant 0 : i32
    %dma_start3A_603 = arith.constant 0 : i32
    %dma_start3A_604 = tpu.memref_slice %arg11[%dma_start3A_599, %dma_start3A_602, %dma_start3A_603] : memref<2x128x128xf32, #tpu.memory_space<vmem>> -> memref<1x128x128xf32, #tpu.memory_space<vmem>>
    %dma_start3A_605 = tpu.memref_squeeze %dma_start3A_604 : memref<1x128x128xf32, #tpu.memory_space<vmem>> -> memref<128x128xf32, #tpu.memory_space<vmem>>
    %dma_start3A_606 = arith.constant 0 : i32
    %dma_start3A_607 = tpu.memref_slice %arg10[%dma_start3A_600, %dma_start3A_606] : memref<2x128xi32, #tpu.memory_space<vmem>> -> memref<1x128xi32, #tpu.memory_space<vmem>>
    %dma_start3A_608 = tpu.memref_squeeze %dma_start3A_607 : memref<1x128xi32, #tpu.memory_space<vmem>> -> memref<128xi32, #tpu.memory_space<vmem>>
    %dma_start3A_609 = arith.constant 0 : i32
    %dma_start3A_610 = arith.constant 0 : i32
    %dma_start3A_611 = tpu.memref_slice %arg6[%dma_start3A_609, %dma_start3A_610] : memref<10240x128xf32, #tpu.memory_space<vmem_shared>> -> memref<10240x128xf32, #tpu.memory_space<vmem_shared>>
    %dma_start3A_612 = tpu.memref_slice %arg13[%dma_start3A_601] : memref<2x!tpu.dma_semaphore, #tpu.memory_space<semaphore_mem>> -> memref<1x!tpu.dma_semaphore, #tpu.memory_space<semaphore_mem>>
    %dma_start3A_613 = tpu.memref_squeeze %dma_start3A_612 : memref<1x!tpu.dma_semaphore, #tpu.memory_space<semaphore_mem>> -> memref<!tpu.dma_semaphore, #tpu.memory_space<semaphore_mem>>
    tpu.enqueue_indirect_dma source(%dma_start3A_605 : memref<128x128xf32, #tpu.memory_space<vmem>>) target(%dma_start3A_611 : memref<10240x128xf32, #tpu.memory_space<vmem_shared>>) offsets(%dma_start3A_608 : memref<128xi32, #tpu.memory_space<vmem>>) semaphore(%dma_start3A_613 : memref<!tpu.dma_semaphore, #tpu.memory_space<semaphore_mem>>) {add = true}
    %dma_wait3A_614 = arith.constant 1 : i32
    %dma_wait3A_615 = arith.constant 1 : i32
    %dma_wait3A_616 = arith.constant 1 : i32
    %dma_wait3A_617 = arith.constant 0 : i32
    %dma_wait3A_618 = arith.constant 0 : i32
    %dma_wait3A_619 = tpu.memref_slice %arg11[%dma_wait3A_615, %dma_wait3A_617, %dma_wait3A_618] : memref<2x128x128xf32, #tpu.memory_space<vmem>> -> memref<1x128x128xf32, #tpu.memory_space<vmem>>
    %dma_wait3A_620 = tpu.memref_squeeze %dma_wait3A_619 : memref<1x128x128xf32, #tpu.memory_space<vmem>> -> memref<128x128xf32, #tpu.memory_space<vmem>>
    %dma_wait3A_621 = arith.constant 0 : i32
    %dma_wait3A_622 = tpu.memref_slice %arg9[%dma_wait3A_614, %dma_wait3A_621] : memref<2x128xi32, #tpu.memory_space<vmem>> -> memref<1x128xi32, #tpu.memory_space<vmem>>
    %dma_wait3A_623 = tpu.memref_squeeze %dma_wait3A_622 : memref<1x128xi32, #tpu.memory_space<vmem>> -> memref<128xi32, #tpu.memory_space<vmem>>
    %dma_wait3A_624 = arith.constant 0 : i32
    %dma_wait3A_625 = arith.constant 0 : i32
    %dma_wait3A_626 = tpu.memref_slice %arg2[%dma_wait3A_624, %dma_wait3A_625] : memref<20480x128xf32, #tpu.memory_space<hbm>> -> memref<20480x128xf32, #tpu.memory_space<hbm>>
    %dma_wait3A_627 = tpu.memref_slice %arg12[%dma_wait3A_616] : memref<2x!tpu.dma_semaphore, #tpu.memory_space<semaphore_mem>> -> memref<1x!tpu.dma_semaphore, #tpu.memory_space<semaphore_mem>>
    %dma_wait3A_628 = tpu.memref_squeeze %dma_wait3A_627 : memref<1x!tpu.dma_semaphore, #tpu.memory_space<semaphore_mem>> -> memref<!tpu.dma_semaphore, #tpu.memory_space<semaphore_mem>>
    tpu.wait_indirect_dma semaphore(%dma_wait3A_628 : memref<!tpu.dma_semaphore, #tpu.memory_space<semaphore_mem>>) src(%dma_wait3A_626 : memref<20480x128xf32, #tpu.memory_space<hbm>>) dst(%dma_wait3A_620 : memref<128x128xf32, #tpu.memory_space<vmem>>)
    %dma_start3A_629 = arith.constant 1 : i32
    %dma_start3A_630 = arith.constant 1 : i32
    %dma_start3A_631 = arith.constant 1 : i32
    %dma_start3A_632 = arith.constant 0 : i32
    %dma_start3A_633 = arith.constant 0 : i32
    %dma_start3A_634 = tpu.memref_slice %arg11[%dma_start3A_629, %dma_start3A_632, %dma_start3A_633] : memref<2x128x128xf32, #tpu.memory_space<vmem>> -> memref<1x128x128xf32, #tpu.memory_space<vmem>>
    %dma_start3A_635 = tpu.memref_squeeze %dma_start3A_634 : memref<1x128x128xf32, #tpu.memory_space<vmem>> -> memref<128x128xf32, #tpu.memory_space<vmem>>
    %dma_start3A_636 = arith.constant 0 : i32
    %dma_start3A_637 = tpu.memref_slice %arg10[%dma_start3A_630, %dma_start3A_636] : memref<2x128xi32, #tpu.memory_space<vmem>> -> memref<1x128xi32, #tpu.memory_space<vmem>>
    %dma_start3A_638 = tpu.memref_squeeze %dma_start3A_637 : memref<1x128xi32, #tpu.memory_space<vmem>> -> memref<128xi32, #tpu.memory_space<vmem>>
    %dma_start3A_639 = arith.constant 0 : i32
    %dma_start3A_640 = arith.constant 0 : i32
    %dma_start3A_641 = tpu.memref_slice %arg6[%dma_start3A_639, %dma_start3A_640] : memref<10240x128xf32, #tpu.memory_space<vmem_shared>> -> memref<10240x128xf32, #tpu.memory_space<vmem_shared>>
    %dma_start3A_642 = tpu.memref_slice %arg13[%dma_start3A_631] : memref<2x!tpu.dma_semaphore, #tpu.memory_space<semaphore_mem>> -> memref<1x!tpu.dma_semaphore, #tpu.memory_space<semaphore_mem>>
    %dma_start3A_643 = tpu.memref_squeeze %dma_start3A_642 : memref<1x!tpu.dma_semaphore, #tpu.memory_space<semaphore_mem>> -> memref<!tpu.dma_semaphore, #tpu.memory_space<semaphore_mem>>
    tpu.enqueue_indirect_dma source(%dma_start3A_635 : memref<128x128xf32, #tpu.memory_space<vmem>>) target(%dma_start3A_641 : memref<10240x128xf32, #tpu.memory_space<vmem_shared>>) offsets(%dma_start3A_638 : memref<128xi32, #tpu.memory_space<vmem>>) semaphore(%dma_start3A_643 : memref<!tpu.dma_semaphore, #tpu.memory_space<semaphore_mem>>) {add = true}
    %dma_wait3A_644 = arith.constant 0 : i32
    %dma_wait3A_645 = arith.constant 0 : i32
    %dma_wait3A_646 = arith.constant 0 : i32
    %dma_wait3A_647 = arith.constant 0 : i32
    %dma_wait3A_648 = arith.constant 0 : i32
    %dma_wait3A_649 = tpu.memref_slice %arg11[%dma_wait3A_644, %dma_wait3A_647, %dma_wait3A_648] : memref<2x128x128xf32, #tpu.memory_space<vmem>> -> memref<1x128x128xf32, #tpu.memory_space<vmem>>
    %dma_wait3A_650 = tpu.memref_squeeze %dma_wait3A_649 : memref<1x128x128xf32, #tpu.memory_space<vmem>> -> memref<128x128xf32, #tpu.memory_space<vmem>>
    %dma_wait3A_651 = arith.constant 0 : i32
    %dma_wait3A_652 = tpu.memref_slice %arg10[%dma_wait3A_645, %dma_wait3A_651] : memref<2x128xi32, #tpu.memory_space<vmem>> -> memref<1x128xi32, #tpu.memory_space<vmem>>
    %dma_wait3A_653 = tpu.memref_squeeze %dma_wait3A_652 : memref<1x128xi32, #tpu.memory_space<vmem>> -> memref<128xi32, #tpu.memory_space<vmem>>
    %dma_wait3A_654 = arith.constant 0 : i32
    %dma_wait3A_655 = arith.constant 0 : i32
    %dma_wait3A_656 = tpu.memref_slice %arg6[%dma_wait3A_654, %dma_wait3A_655] : memref<10240x128xf32, #tpu.memory_space<vmem_shared>> -> memref<10240x128xf32, #tpu.memory_space<vmem_shared>>
    %dma_wait3A_657 = tpu.memref_slice %arg13[%dma_wait3A_646] : memref<2x!tpu.dma_semaphore, #tpu.memory_space<semaphore_mem>> -> memref<1x!tpu.dma_semaphore, #tpu.memory_space<semaphore_mem>>
    %dma_wait3A_658 = tpu.memref_squeeze %dma_wait3A_657 : memref<1x!tpu.dma_semaphore, #tpu.memory_space<semaphore_mem>> -> memref<!tpu.dma_semaphore, #tpu.memory_space<semaphore_mem>>
    tpu.wait_indirect_dma semaphore(%dma_wait3A_658 : memref<!tpu.dma_semaphore, #tpu.memory_space<semaphore_mem>>) src(%dma_wait3A_650 : memref<128x128xf32, #tpu.memory_space<vmem>>) dst(%dma_wait3A_656 : memref<10240x128xf32, #tpu.memory_space<vmem_shared>>)
    %dma_wait3A_659 = arith.constant 1 : i32
    %dma_wait3A_660 = arith.constant 1 : i32
    %dma_wait3A_661 = arith.constant 1 : i32
    %dma_wait3A_662 = arith.constant 0 : i32
    %dma_wait3A_663 = arith.constant 0 : i32
    %dma_wait3A_664 = tpu.memref_slice %arg11[%dma_wait3A_659, %dma_wait3A_662, %dma_wait3A_663] : memref<2x128x128xf32, #tpu.memory_space<vmem>> -> memref<1x128x128xf32, #tpu.memory_space<vmem>>
    %dma_wait3A_665 = tpu.memref_squeeze %dma_wait3A_664 : memref<1x128x128xf32, #tpu.memory_space<vmem>> -> memref<128x128xf32, #tpu.memory_space<vmem>>
    %dma_wait3A_666 = arith.constant 0 : i32
    %dma_wait3A_667 = tpu.memref_slice %arg10[%dma_wait3A_660, %dma_wait3A_666] : memref<2x128xi32, #tpu.memory_space<vmem>> -> memref<1x128xi32, #tpu.memory_space<vmem>>
    %dma_wait3A_668 = tpu.memref_squeeze %dma_wait3A_667 : memref<1x128xi32, #tpu.memory_space<vmem>> -> memref<128xi32, #tpu.memory_space<vmem>>
    %dma_wait3A_669 = arith.constant 0 : i32
    %dma_wait3A_670 = arith.constant 0 : i32
    %dma_wait3A_671 = tpu.memref_slice %arg6[%dma_wait3A_669, %dma_wait3A_670] : memref<10240x128xf32, #tpu.memory_space<vmem_shared>> -> memref<10240x128xf32, #tpu.memory_space<vmem_shared>>
    %dma_wait3A_672 = tpu.memref_slice %arg13[%dma_wait3A_661] : memref<2x!tpu.dma_semaphore, #tpu.memory_space<semaphore_mem>> -> memref<1x!tpu.dma_semaphore, #tpu.memory_space<semaphore_mem>>
    %dma_wait3A_673 = tpu.memref_squeeze %dma_wait3A_672 : memref<1x!tpu.dma_semaphore, #tpu.memory_space<semaphore_mem>> -> memref<!tpu.dma_semaphore, #tpu.memory_space<semaphore_mem>>
    tpu.wait_indirect_dma semaphore(%dma_wait3A_673 : memref<!tpu.dma_semaphore, #tpu.memory_space<semaphore_mem>>) src(%dma_wait3A_665 : memref<128x128xf32, #tpu.memory_space<vmem>>) dst(%dma_wait3A_671 : memref<10240x128xf32, #tpu.memory_space<vmem_shared>>)
    %barrier3A_674 = arith.constant 0 : index
    tpu.barrier barrier_id(%barrier3A_674)
    %mul3A_675 = arith.constant 640 : i32
    %mul3A_676 = arith.muli %arg1, %mul3A_675 : i32
    %mul3A_677 = arith.constant 640 : i32
    %mul3A_678 = arith.muli %arg1, %mul3A_677 : i32
    "tpu.region"() ({
      %run_scoped3A = tpu.sem_alloc : memref<!tpu.dma_semaphore, #tpu.memory_space<semaphore_mem>>
      %dma_start3A_679 = arith.constant 0 : i32
      %dma_start3A_680 = tpu.memref_slice %arg5[%arg0, %mul3A_678, %dma_start3A_679] : memref<2x10240x128xf32, #tpu.memory_space<hbm>> -> memref<1x640x128xf32, #tpu.memory_space<hbm>>
      %dma_start3A_681 = tpu.memref_squeeze %dma_start3A_680 : memref<1x640x128xf32, #tpu.memory_space<hbm>> -> memref<640x128xf32, #tpu.memory_space<hbm>>
      %dma_start3A_682 = arith.constant 0 : i32
      %dma_start3A_683 = tpu.memref_slice %arg6[%mul3A_676, %dma_start3A_682] : memref<10240x128xf32, #tpu.memory_space<vmem_shared>> -> memref<640x128xf32, #tpu.memory_space<vmem_shared>>
      tpu.enqueue_dma source(%dma_start3A_683 : memref<640x128xf32, #tpu.memory_space<vmem_shared>>) target(%dma_start3A_681 : memref<640x128xf32, #tpu.memory_space<hbm>>) target_semaphore(%run_scoped3A : memref<!tpu.dma_semaphore, #tpu.memory_space<semaphore_mem>>)
      %dma_wait3A_684 = arith.constant 0 : i32
      %dma_wait3A_685 = tpu.memref_slice %arg5[%arg0, %mul3A_678, %dma_wait3A_684] : memref<2x10240x128xf32, #tpu.memory_space<hbm>> -> memref<1x640x128xf32, #tpu.memory_space<hbm>>
      %dma_wait3A_686 = tpu.memref_squeeze %dma_wait3A_685 : memref<1x640x128xf32, #tpu.memory_space<hbm>> -> memref<640x128xf32, #tpu.memory_space<hbm>>
      %dma_wait3A_687 = arith.constant 0 : i32
      %dma_wait3A_688 = tpu.memref_slice %arg6[%mul3A_676, %dma_wait3A_687] : memref<10240x128xf32, #tpu.memory_space<vmem_shared>> -> memref<640x128xf32, #tpu.memory_space<vmem_shared>>
      tpu.wait_dma2 semaphore(%run_scoped3A : memref<!tpu.dma_semaphore, #tpu.memory_space<semaphore_mem>>) src(%dma_wait3A_688 : memref<640x128xf32, #tpu.memory_space<vmem_shared>>) dst(%dma_wait3A_686 : memref<640x128xf32, #tpu.memory_space<hbm>>)
      tpu.yield
    }) : () -> ()
    return
  }
}

#map = affine_map<(d0, d1) -> (0, 0)>
#map1 = affine_map<(d0, d1) -> (0, 0, 0)>
module attributes {stable_mosaic.version = 14 : i64} {
  func.func @layer_scatter(%arg0: i32, %arg1: i32, %arg2: memref<20480x128xf32, #tpu.memory_space<hbm>>, %arg3: memref<2560x128xi32, #tpu.memory_space<hbm>>, %arg4: memref<2560x128xi32, #tpu.memory_space<hbm>>, %arg5: memref<2x10240x128xf32, #tpu.memory_space<hbm>>, %arg6: memref<10240x128xf32, #tpu.memory_space<vmem_shared>>, %arg7: memref<2x128xi32, #tpu.memory_space<vmem>>, %arg8: memref<2x128xi32, #tpu.memory_space<vmem>>, %arg9: memref<2x128xi32, #tpu.memory_space<vmem>>, %arg10: memref<2x128xi32, #tpu.memory_space<vmem>>, %arg11: memref<2x128x128xf32, #tpu.memory_space<vmem>>, %arg12: memref<2x!tpu.dma_semaphore, #tpu.memory_space<semaphore_mem>>, %arg13: memref<2x!tpu.dma_semaphore, #tpu.memory_space<semaphore_mem>>) attributes {dimension_semantics = [#tpu.dimension_semantics<core_parallel>, #tpu.dimension_semantics<subcore_parallel>], iteration_bounds = array<i64: 2, 16>, scalar_prefetch = 0 : i64, scratch_operands = 8 : i64, tpu.core_type = #tpu.core_type<sc_vector_subcore>, window_params = [{transform_indices = #map}, {transform_indices = #map}, {transform_indices = #map}, {transform_indices = #map1}]} {
    %mul3A = arith.constant 10240 : i32
    %mul3A_0 = arith.muli %arg0, %mul3A : i32
    %mul3A_1 = arith.constant 640 : i32
    %mul3A_2 = arith.muli %arg1, %mul3A_1 : i32
    %add3A = arith.addi %mul3A_0, %mul3A_2 : i32
    %mul3A_3 = arith.constant 640 : i32
    %mul3A_4 = arith.muli %arg1, %mul3A_3 : i32
    "tpu.region"() ({
      %run_scoped3A = tpu.sem_alloc : memref<!tpu.dma_semaphore, #tpu.memory_space<semaphore_mem>>
      %dma_start3A_559 = arith.constant 0 : i32
      %dma_start3A_560 = tpu.memref_slice %arg6[%mul3A_4, %dma_start3A_559] : memref<10240x128xf32, #tpu.memory_space<vmem_shared>> -> memref<640x128xf32, #tpu.memory_space<vmem_shared>>
      %dma_start3A_561 = arith.constant 0 : i32
      %dma_start3A_562 = tpu.memref_slice %arg2[%add3A, %dma_start3A_561] : memref<20480x128xf32, #tpu.memory_space<hbm>> -> memref<640x128xf32, #tpu.memory_space<hbm>>
      tpu.enqueue_dma source(%dma_start3A_562 : memref<640x128xf32, #tpu.memory_space<hbm>>) target(%dma_start3A_560 : memref<640x128xf32, #tpu.memory_space<vmem_shared>>) target_semaphore(%run_scoped3A : memref<!tpu.dma_semaphore, #tpu.memory_space<semaphore_mem>>)
      %dma_wait3A_563 = arith.constant 0 : i32
      %dma_wait3A_564 = tpu.memref_slice %arg6[%mul3A_4, %dma_wait3A_563] : memref<10240x128xf32, #tpu.memory_space<vmem_shared>> -> memref<640x128xf32, #tpu.memory_space<vmem_shared>>
      %dma_wait3A_565 = arith.constant 0 : i32
      %dma_wait3A_566 = tpu.memref_slice %arg2[%add3A, %dma_wait3A_565] : memref<20480x128xf32, #tpu.memory_space<hbm>> -> memref<640x128xf32, #tpu.memory_space<hbm>>
      tpu.wait_dma2 semaphore(%run_scoped3A : memref<!tpu.dma_semaphore, #tpu.memory_space<semaphore_mem>>) src(%dma_wait3A_566 : memref<640x128xf32, #tpu.memory_space<hbm>>) dst(%dma_wait3A_564 : memref<640x128xf32, #tpu.memory_space<vmem_shared>>)
      tpu.yield
    }) : () -> ()
    %barrier3A = arith.constant 0 : index
    tpu.barrier barrier_id(%barrier3A)
    %mul3A_5 = arith.constant 80 : i32
    %mul3A_6 = arith.muli %arg1, %mul3A_5 : i32
    %mul3A_7 = arith.constant 2 : i32
    %mul3A_8 = arith.muli %mul3A_6, %mul3A_7 : i32
    %add3A_9 = arith.constant 0 : i32
    %add3A_10 = arith.addi %mul3A_8, %add3A_9 : i32
    "tpu.region"() ({
      %run_scoped3A = tpu.sem_alloc : memref<!tpu.dma_semaphore, #tpu.memory_space<semaphore_mem>>
      %dma_start3A_559 = arith.constant 0 : i32
      %dma_start3A_560 = tpu.memref_slice %arg3[%add3A_10, %dma_start3A_559] : memref<2560x128xi32, #tpu.memory_space<hbm>> -> memref<2x128xi32, #tpu.memory_space<hbm>>
      %dma_start3A_561 = arith.constant 0 : i32
      %dma_start3A_562 = tpu.memref_slice %arg3[%add3A_10, %dma_start3A_561] : memref<2560x128xi32, #tpu.memory_space<hbm>> -> memref<2x128xi32, #tpu.memory_space<hbm>>
      tpu.enqueue_dma source(%dma_start3A_562 : memref<2x128xi32, #tpu.memory_space<hbm>>) target(%arg7 : memref<2x128xi32, #tpu.memory_space<vmem>>) target_semaphore(%run_scoped3A : memref<!tpu.dma_semaphore, #tpu.memory_space<semaphore_mem>>)
      %dma_wait3A_563 = arith.constant 0 : i32
      %dma_wait3A_564 = tpu.memref_slice %arg3[%add3A_10, %dma_wait3A_563] : memref<2560x128xi32, #tpu.memory_space<hbm>> -> memref<2x128xi32, #tpu.memory_space<hbm>>
      %dma_wait3A_565 = arith.constant 0 : i32
      %dma_wait3A_566 = tpu.memref_slice %arg3[%add3A_10, %dma_wait3A_565] : memref<2560x128xi32, #tpu.memory_space<hbm>> -> memref<2x128xi32, #tpu.memory_space<hbm>>
      tpu.wait_dma2 semaphore(%run_scoped3A : memref<!tpu.dma_semaphore, #tpu.memory_space<semaphore_mem>>) src(%dma_wait3A_566 : memref<2x128xi32, #tpu.memory_space<hbm>>) dst(%arg7 : memref<2x128xi32, #tpu.memory_space<vmem>>)
      tpu.yield
    }) : () -> ()
    "tpu.region"() ({
      %run_scoped3A = tpu.sem_alloc : memref<!tpu.dma_semaphore, #tpu.memory_space<semaphore_mem>>
      %dma_start3A_559 = arith.constant 0 : i32
      %dma_start3A_560 = tpu.memref_slice %arg4[%add3A_10, %dma_start3A_559] : memref<2560x128xi32, #tpu.memory_space<hbm>> -> memref<2x128xi32, #tpu.memory_space<hbm>>
      %dma_start3A_561 = arith.constant 0 : i32
      %dma_start3A_562 = tpu.memref_slice %arg4[%add3A_10, %dma_start3A_561] : memref<2560x128xi32, #tpu.memory_space<hbm>> -> memref<2x128xi32, #tpu.memory_space<hbm>>
      tpu.enqueue_dma source(%dma_start3A_562 : memref<2x128xi32, #tpu.memory_space<hbm>>) target(%arg8 : memref<2x128xi32, #tpu.memory_space<vmem>>) target_semaphore(%run_scoped3A : memref<!tpu.dma_semaphore, #tpu.memory_space<semaphore_mem>>)
      %dma_wait3A_563 = arith.constant 0 : i32
      %dma_wait3A_564 = tpu.memref_slice %arg4[%add3A_10, %dma_wait3A_563] : memref<2560x128xi32, #tpu.memory_space<hbm>> -> memref<2x128xi32, #tpu.memory_space<hbm>>
      %dma_wait3A_565 = arith.constant 0 : i32
      %dma_wait3A_566 = tpu.memref_slice %arg4[%add3A_10, %dma_wait3A_565] : memref<2560x128xi32, #tpu.memory_space<hbm>> -> memref<2x128xi32, #tpu.memory_space<hbm>>
      tpu.wait_dma2 semaphore(%run_scoped3A : memref<!tpu.dma_semaphore, #tpu.memory_space<semaphore_mem>>) src(%dma_wait3A_566 : memref<2x128xi32, #tpu.memory_space<hbm>>) dst(%arg8 : memref<2x128xi32, #tpu.memory_space<vmem>>)
      tpu.yield
    }) : () -> ()
    %get3A = arith.constant 0 : i32
    %get3A_11 = arith.index_cast %get3A : i32 to index
    %get3A_12 = arith.constant 0 : index
    %get3A_13 = tpu.vector_load %arg7[%get3A_11, %get3A_12] {strides = array<i32>} : memref<2x128xi32, #tpu.memory_space<vmem>>, vector<1x16xi32>,
    %get3A_14 = vector.shape_cast %get3A_13 : vector<1x16xi32> to vector<16xi32>
    %add3A_15 = vector.broadcast %mul3A_0 : i32 to vector<16xi32>
    %add3A_16 = arith.addi %get3A_14, %add3A_15 : vector<16xi32>
    %swap3A = arith.constant 0 : i32
    %swap3A_17 = arith.index_cast %swap3A : i32 to index
    %swap3A_18 = arith.constant 0 : index
    %swap3A_19 = tpu.vector_load %arg7[%swap3A_17, %swap3A_18] {strides = array<i32>} : memref<2x128xi32, #tpu.memory_space<vmem>>, vector<1x16xi32>,
    %swap3A_20 = vector.shape_cast %swap3A_19 : vector<1x16xi32> to vector<16xi32>
    %swap3A_21 = vector.shape_cast %add3A_16 : vector<16xi32> to vector<1x16xi32>
    tpu.vector_store %arg7[%swap3A_17, %swap3A_18], %swap3A_21 {strides = array<i32>} : memref<2x128xi32, #tpu.memory_space<vmem>>, vector<1x16xi32>,
    %get3A_22 = arith.constant 0 : i32
    %get3A_23 = arith.index_cast %get3A_22 : i32 to index
    %get3A_24 = arith.constant 16 : index
    %get3A_25 = tpu.vector_load %arg7[%get3A_23, %get3A_24] {strides = array<i32>} : memref<2x128xi32, #tpu.memory_space<vmem>>, vector<1x16xi32>,
    %get3A_26 = vector.shape_cast %get3A_25 : vector<1x16xi32> to vector<16xi32>
    %add3A_27 = vector.broadcast %mul3A_0 : i32 to vector<16xi32>
    %add3A_28 = arith.addi %get3A_26, %add3A_27 : vector<16xi32>
    %swap3A_29 = arith.constant 0 : i32
    %swap3A_30 = arith.index_cast %swap3A_29 : i32 to index
    %swap3A_31 = arith.constant 16 : index
    %swap3A_32 = tpu.vector_load %arg7[%swap3A_30, %swap3A_31] {strides = array<i32>} : memref<2x128xi32, #tpu.memory_space<vmem>>, vector<1x16xi32>,
    %swap3A_33 = vector.shape_cast %swap3A_32 : vector<1x16xi32> to vector<16xi32>
    %swap3A_34 = vector.shape_cast %add3A_28 : vector<16xi32> to vector<1x16xi32>
    tpu.vector_store %arg7[%swap3A_30, %swap3A_31], %swap3A_34 {strides = array<i32>} : memref<2x128xi32, #tpu.memory_space<vmem>>, vector<1x16xi32>,
    %get3A_35 = arith.constant 0 : i32
    %get3A_36 = arith.index_cast %get3A_35 : i32 to index
    %get3A_37 = arith.constant 32 : index
    %get3A_38 = tpu.vector_load %arg7[%get3A_36, %get3A_37] {strides = array<i32>} : memref<2x128xi32, #tpu.memory_space<vmem>>, vector<1x16xi32>,
    %get3A_39 = vector.shape_cast %get3A_38 : vector<1x16xi32> to vector<16xi32>
    %add3A_40 = vector.broadcast %mul3A_0 : i32 to vector<16xi32>
    %add3A_41 = arith.addi %get3A_39, %add3A_40 : vector<16xi32>
    %swap3A_42 = arith.constant 0 : i32
    %swap3A_43 = arith.index_cast %swap3A_42 : i32 to index
    %swap3A_44 = arith.constant 32 : index
    %swap3A_45 = tpu.vector_load %arg7[%swap3A_43, %swap3A_44] {strides = array<i32>} : memref<2x128xi32, #tpu.memory_space<vmem>>, vector<1x16xi32>,
    %swap3A_46 = vector.shape_cast %swap3A_45 : vector<1x16xi32> to vector<16xi32>
    %swap3A_47 = vector.shape_cast %add3A_41 : vector<16xi32> to vector<1x16xi32>
    tpu.vector_store %arg7[%swap3A_43, %swap3A_44], %swap3A_47 {strides = array<i32>} : memref<2x128xi32, #tpu.memory_space<vmem>>, vector<1x16xi32>,
    %get3A_48 = arith.constant 0 : i32
    %get3A_49 = arith.index_cast %get3A_48 : i32 to index
    %get3A_50 = arith.constant 48 : index
    %get3A_51 = tpu.vector_load %arg7[%get3A_49, %get3A_50] {strides = array<i32>} : memref<2x128xi32, #tpu.memory_space<vmem>>, vector<1x16xi32>,
    %get3A_52 = vector.shape_cast %get3A_51 : vector<1x16xi32> to vector<16xi32>
    %add3A_53 = vector.broadcast %mul3A_0 : i32 to vector<16xi32>
    %add3A_54 = arith.addi %get3A_52, %add3A_53 : vector<16xi32>
    %swap3A_55 = arith.constant 0 : i32
    %swap3A_56 = arith.index_cast %swap3A_55 : i32 to index
    %swap3A_57 = arith.constant 48 : index
    %swap3A_58 = tpu.vector_load %arg7[%swap3A_56, %swap3A_57] {strides = array<i32>} : memref<2x128xi32, #tpu.memory_space<vmem>>, vector<1x16xi32>,
    %swap3A_59 = vector.shape_cast %swap3A_58 : vector<1x16xi32> to vector<16xi32>
    %swap3A_60 = vector.shape_cast %add3A_54 : vector<16xi32> to vector<1x16xi32>
    tpu.vector_store %arg7[%swap3A_56, %swap3A_57], %swap3A_60 {strides = array<i32>} : memref<2x128xi32, #tpu.memory_space<vmem>>, vector<1x16xi32>,
    %get3A_61 = arith.constant 0 : i32
    %get3A_62 = arith.index_cast %get3A_61 : i32 to index
    %get3A_63 = arith.constant 64 : index
    %get3A_64 = tpu.vector_load %arg7[%get3A_62, %get3A_63] {strides = array<i32>} : memref<2x128xi32, #tpu.memory_space<vmem>>, vector<1x16xi32>,
    %get3A_65 = vector.shape_cast %get3A_64 : vector<1x16xi32> to vector<16xi32>
    %add3A_66 = vector.broadcast %mul3A_0 : i32 to vector<16xi32>
    %add3A_67 = arith.addi %get3A_65, %add3A_66 : vector<16xi32>
    %swap3A_68 = arith.constant 0 : i32
    %swap3A_69 = arith.index_cast %swap3A_68 : i32 to index
    %swap3A_70 = arith.constant 64 : index
    %swap3A_71 = tpu.vector_load %arg7[%swap3A_69, %swap3A_70] {strides = array<i32>} : memref<2x128xi32, #tpu.memory_space<vmem>>, vector<1x16xi32>,
    %swap3A_72 = vector.shape_cast %swap3A_71 : vector<1x16xi32> to vector<16xi32>
    %swap3A_73 = vector.shape_cast %add3A_67 : vector<16xi32> to vector<1x16xi32>
    tpu.vector_store %arg7[%swap3A_69, %swap3A_70], %swap3A_73 {strides = array<i32>} : memref<2x128xi32, #tpu.memory_space<vmem>>, vector<1x16xi32>,
    %get3A_74 = arith.constant 0 : i32
    %get3A_75 = arith.index_cast %get3A_74 : i32 to index
    %get3A_76 = arith.constant 80 : index
    %get3A_77 = tpu.vector_load %arg7[%get3A_75, %get3A_76] {strides = array<i32>} : memref<2x128xi32, #tpu.memory_space<vmem>>, vector<1x16xi32>,
    %get3A_78 = vector.shape_cast %get3A_77 : vector<1x16xi32> to vector<16xi32>
    %add3A_79 = vector.broadcast %mul3A_0 : i32 to vector<16xi32>
    %add3A_80 = arith.addi %get3A_78, %add3A_79 : vector<16xi32>
    %swap3A_81 = arith.constant 0 : i32
    %swap3A_82 = arith.index_cast %swap3A_81 : i32 to index
    %swap3A_83 = arith.constant 80 : index
    %swap3A_84 = tpu.vector_load %arg7[%swap3A_82, %swap3A_83] {strides = array<i32>} : memref<2x128xi32, #tpu.memory_space<vmem>>, vector<1x16xi32>,
    %swap3A_85 = vector.shape_cast %swap3A_84 : vector<1x16xi32> to vector<16xi32>
    %swap3A_86 = vector.shape_cast %add3A_80 : vector<16xi32> to vector<1x16xi32>
    tpu.vector_store %arg7[%swap3A_82, %swap3A_83], %swap3A_86 {strides = array<i32>} : memref<2x128xi32, #tpu.memory_space<vmem>>, vector<1x16xi32>,
    %get3A_87 = arith.constant 0 : i32
    %get3A_88 = arith.index_cast %get3A_87 : i32 to index
    %get3A_89 = arith.constant 96 : index
    %get3A_90 = tpu.vector_load %arg7[%get3A_88, %get3A_89] {strides = array<i32>} : memref<2x128xi32, #tpu.memory_space<vmem>>, vector<1x16xi32>,
    %get3A_91 = vector.shape_cast %get3A_90 : vector<1x16xi32> to vector<16xi32>
    %add3A_92 = vector.broadcast %mul3A_0 : i32 to vector<16xi32>
    %add3A_93 = arith.addi %get3A_91, %add3A_92 : vector<16xi32>
    %swap3A_94 = arith.constant 0 : i32
    %swap3A_95 = arith.index_cast %swap3A_94 : i32 to index
    %swap3A_96 = arith.constant 96 : index
    %swap3A_97 = tpu.vector_load %arg7[%swap3A_95, %swap3A_96] {strides = array<i32>} : memref<2x128xi32, #tpu.memory_space<vmem>>, vector<1x16xi32>,
    %swap3A_98 = vector.shape_cast %swap3A_97 : vector<1x16xi32> to vector<16xi32>
    %swap3A_99 = vector.shape_cast %add3A_93 : vector<16xi32> to vector<1x16xi32>
    tpu.vector_store %arg7[%swap3A_95, %swap3A_96], %swap3A_99 {strides = array<i32>} : memref<2x128xi32, #tpu.memory_space<vmem>>, vector<1x16xi32>,
    %get3A_100 = arith.constant 0 : i32
    %get3A_101 = arith.index_cast %get3A_100 : i32 to index
    %get3A_102 = arith.constant 112 : index
    %get3A_103 = tpu.vector_load %arg7[%get3A_101, %get3A_102] {strides = array<i32>} : memref<2x128xi32, #tpu.memory_space<vmem>>, vector<1x16xi32>,
    %get3A_104 = vector.shape_cast %get3A_103 : vector<1x16xi32> to vector<16xi32>
    %add3A_105 = vector.broadcast %mul3A_0 : i32 to vector<16xi32>
    %add3A_106 = arith.addi %get3A_104, %add3A_105 : vector<16xi32>
    %swap3A_107 = arith.constant 0 : i32
    %swap3A_108 = arith.index_cast %swap3A_107 : i32 to index
    %swap3A_109 = arith.constant 112 : index
    %swap3A_110 = tpu.vector_load %arg7[%swap3A_108, %swap3A_109] {strides = array<i32>} : memref<2x128xi32, #tpu.memory_space<vmem>>, vector<1x16xi32>,
    %swap3A_111 = vector.shape_cast %swap3A_110 : vector<1x16xi32> to vector<16xi32>
    %swap3A_112 = vector.shape_cast %add3A_106 : vector<16xi32> to vector<1x16xi32>
    tpu.vector_store %arg7[%swap3A_108, %swap3A_109], %swap3A_112 {strides = array<i32>} : memref<2x128xi32, #tpu.memory_space<vmem>>, vector<1x16xi32>,
    %get3A_113 = arith.constant 1 : i32
    %get3A_114 = arith.index_cast %get3A_113 : i32 to index
    %get3A_115 = arith.constant 0 : index
    %get3A_116 = tpu.vector_load %arg7[%get3A_114, %get3A_115] {strides = array<i32>} : memref<2x128xi32, #tpu.memory_space<vmem>>, vector<1x16xi32>,
    %get3A_117 = vector.shape_cast %get3A_116 : vector<1x16xi32> to vector<16xi32>
    %add3A_118 = vector.broadcast %mul3A_0 : i32 to vector<16xi32>
    %add3A_119 = arith.addi %get3A_117, %add3A_118 : vector<16xi32>
    %swap3A_120 = arith.constant 1 : i32
    %swap3A_121 = arith.index_cast %swap3A_120 : i32 to index
    %swap3A_122 = arith.constant 0 : index
    %swap3A_123 = tpu.vector_load %arg7[%swap3A_121, %swap3A_122] {strides = array<i32>} : memref<2x128xi32, #tpu.memory_space<vmem>>, vector<1x16xi32>,
    %swap3A_124 = vector.shape_cast %swap3A_123 : vector<1x16xi32> to vector<16xi32>
    %swap3A_125 = vector.shape_cast %add3A_119 : vector<16xi32> to vector<1x16xi32>
    tpu.vector_store %arg7[%swap3A_121, %swap3A_122], %swap3A_125 {strides = array<i32>} : memref<2x128xi32, #tpu.memory_space<vmem>>, vector<1x16xi32>,
    %get3A_126 = arith.constant 1 : i32
    %get3A_127 = arith.index_cast %get3A_126 : i32 to index
    %get3A_128 = arith.constant 16 : index
    %get3A_129 = tpu.vector_load %arg7[%get3A_127, %get3A_128] {strides = array<i32>} : memref<2x128xi32, #tpu.memory_space<vmem>>, vector<1x16xi32>,
    %get3A_130 = vector.shape_cast %get3A_129 : vector<1x16xi32> to vector<16xi32>
    %add3A_131 = vector.broadcast %mul3A_0 : i32 to vector<16xi32>
    %add3A_132 = arith.addi %get3A_130, %add3A_131 : vector<16xi32>
    %swap3A_133 = arith.constant 1 : i32
    %swap3A_134 = arith.index_cast %swap3A_133 : i32 to index
    %swap3A_135 = arith.constant 16 : index
    %swap3A_136 = tpu.vector_load %arg7[%swap3A_134, %swap3A_135] {strides = array<i32>} : memref<2x128xi32, #tpu.memory_space<vmem>>, vector<1x16xi32>,
    %swap3A_137 = vector.shape_cast %swap3A_136 : vector<1x16xi32> to vector<16xi32>
    %swap3A_138 = vector.shape_cast %add3A_132 : vector<16xi32> to vector<1x16xi32>
    tpu.vector_store %arg7[%swap3A_134, %swap3A_135], %swap3A_138 {strides = array<i32>} : memref<2x128xi32, #tpu.memory_space<vmem>>, vector<1x16xi32>,
    %get3A_139 = arith.constant 1 : i32
    %get3A_140 = arith.index_cast %get3A_139 : i32 to index
    %get3A_141 = arith.constant 32 : index
    %get3A_142 = tpu.vector_load %arg7[%get3A_140, %get3A_141] {strides = array<i32>} : memref<2x128xi32, #tpu.memory_space<vmem>>, vector<1x16xi32>,
    %get3A_143 = vector.shape_cast %get3A_142 : vector<1x16xi32> to vector<16xi32>
    %add3A_144 = vector.broadcast %mul3A_0 : i32 to vector<16xi32>
    %add3A_145 = arith.addi %get3A_143, %add3A_144 : vector<16xi32>
    %swap3A_146 = arith.constant 1 : i32
    %swap3A_147 = arith.index_cast %swap3A_146 : i32 to index
    %swap3A_148 = arith.constant 32 : index
    %swap3A_149 = tpu.vector_load %arg7[%swap3A_147, %swap3A_148] {strides = array<i32>} : memref<2x128xi32, #tpu.memory_space<vmem>>, vector<1x16xi32>,
    %swap3A_150 = vector.shape_cast %swap3A_149 : vector<1x16xi32> to vector<16xi32>
    %swap3A_151 = vector.shape_cast %add3A_145 : vector<16xi32> to vector<1x16xi32>
    tpu.vector_store %arg7[%swap3A_147, %swap3A_148], %swap3A_151 {strides = array<i32>} : memref<2x128xi32, #tpu.memory_space<vmem>>, vector<1x16xi32>,
    %get3A_152 = arith.constant 1 : i32
    %get3A_153 = arith.index_cast %get3A_152 : i32 to index
    %get3A_154 = arith.constant 48 : index
    %get3A_155 = tpu.vector_load %arg7[%get3A_153, %get3A_154] {strides = array<i32>} : memref<2x128xi32, #tpu.memory_space<vmem>>, vector<1x16xi32>,
    %get3A_156 = vector.shape_cast %get3A_155 : vector<1x16xi32> to vector<16xi32>
    %add3A_157 = vector.broadcast %mul3A_0 : i32 to vector<16xi32>
    %add3A_158 = arith.addi %get3A_156, %add3A_157 : vector<16xi32>
    %swap3A_159 = arith.constant 1 : i32
    %swap3A_160 = arith.index_cast %swap3A_159 : i32 to index
    %swap3A_161 = arith.constant 48 : index
    %swap3A_162 = tpu.vector_load %arg7[%swap3A_160, %swap3A_161] {strides = array<i32>} : memref<2x128xi32, #tpu.memory_space<vmem>>, vector<1x16xi32>,
    %swap3A_163 = vector.shape_cast %swap3A_162 : vector<1x16xi32> to vector<16xi32>
    %swap3A_164 = vector.shape_cast %add3A_158 : vector<16xi32> to vector<1x16xi32>
    tpu.vector_store %arg7[%swap3A_160, %swap3A_161], %swap3A_164 {strides = array<i32>} : memref<2x128xi32, #tpu.memory_space<vmem>>, vector<1x16xi32>,
    %get3A_165 = arith.constant 1 : i32
    %get3A_166 = arith.index_cast %get3A_165 : i32 to index
    %get3A_167 = arith.constant 64 : index
    %get3A_168 = tpu.vector_load %arg7[%get3A_166, %get3A_167] {strides = array<i32>} : memref<2x128xi32, #tpu.memory_space<vmem>>, vector<1x16xi32>,
    %get3A_169 = vector.shape_cast %get3A_168 : vector<1x16xi32> to vector<16xi32>
    %add3A_170 = vector.broadcast %mul3A_0 : i32 to vector<16xi32>
    %add3A_171 = arith.addi %get3A_169, %add3A_170 : vector<16xi32>
    %swap3A_172 = arith.constant 1 : i32
    %swap3A_173 = arith.index_cast %swap3A_172 : i32 to index
    %swap3A_174 = arith.constant 64 : index
    %swap3A_175 = tpu.vector_load %arg7[%swap3A_173, %swap3A_174] {strides = array<i32>} : memref<2x128xi32, #tpu.memory_space<vmem>>, vector<1x16xi32>,
    %swap3A_176 = vector.shape_cast %swap3A_175 : vector<1x16xi32> to vector<16xi32>
    %swap3A_177 = vector.shape_cast %add3A_171 : vector<16xi32> to vector<1x16xi32>
    tpu.vector_store %arg7[%swap3A_173, %swap3A_174], %swap3A_177 {strides = array<i32>} : memref<2x128xi32, #tpu.memory_space<vmem>>, vector<1x16xi32>,
    %get3A_178 = arith.constant 1 : i32
    %get3A_179 = arith.index_cast %get3A_178 : i32 to index
    %get3A_180 = arith.constant 80 : index
    %get3A_181 = tpu.vector_load %arg7[%get3A_179, %get3A_180] {strides = array<i32>} : memref<2x128xi32, #tpu.memory_space<vmem>>, vector<1x16xi32>,
    %get3A_182 = vector.shape_cast %get3A_181 : vector<1x16xi32> to vector<16xi32>
    %add3A_183 = vector.broadcast %mul3A_0 : i32 to vector<16xi32>
    %add3A_184 = arith.addi %get3A_182, %add3A_183 : vector<16xi32>
    %swap3A_185 = arith.constant 1 : i32
    %swap3A_186 = arith.index_cast %swap3A_185 : i32 to index
    %swap3A_187 = arith.constant 80 : index
    %swap3A_188 = tpu.vector_load %arg7[%swap3A_186, %swap3A_187] {strides = array<i32>} : memref<2x128xi32, #tpu.memory_space<vmem>>, vector<1x16xi32>,
    %swap3A_189 = vector.shape_cast %swap3A_188 : vector<1x16xi32> to vector<16xi32>
    %swap3A_190 = vector.shape_cast %add3A_184 : vector<16xi32> to vector<1x16xi32>
    tpu.vector_store %arg7[%swap3A_186, %swap3A_187], %swap3A_190 {strides = array<i32>} : memref<2x128xi32, #tpu.memory_space<vmem>>, vector<1x16xi32>,
    %get3A_191 = arith.constant 1 : i32
    %get3A_192 = arith.index_cast %get3A_191 : i32 to index
    %get3A_193 = arith.constant 96 : index
    %get3A_194 = tpu.vector_load %arg7[%get3A_192, %get3A_193] {strides = array<i32>} : memref<2x128xi32, #tpu.memory_space<vmem>>, vector<1x16xi32>,
    %get3A_195 = vector.shape_cast %get3A_194 : vector<1x16xi32> to vector<16xi32>
    %add3A_196 = vector.broadcast %mul3A_0 : i32 to vector<16xi32>
    %add3A_197 = arith.addi %get3A_195, %add3A_196 : vector<16xi32>
    %swap3A_198 = arith.constant 1 : i32
    %swap3A_199 = arith.index_cast %swap3A_198 : i32 to index
    %swap3A_200 = arith.constant 96 : index
    %swap3A_201 = tpu.vector_load %arg7[%swap3A_199, %swap3A_200] {strides = array<i32>} : memref<2x128xi32, #tpu.memory_space<vmem>>, vector<1x16xi32>,
    %swap3A_202 = vector.shape_cast %swap3A_201 : vector<1x16xi32> to vector<16xi32>
    %swap3A_203 = vector.shape_cast %add3A_197 : vector<16xi32> to vector<1x16xi32>
    tpu.vector_store %arg7[%swap3A_199, %swap3A_200], %swap3A_203 {strides = array<i32>} : memref<2x128xi32, #tpu.memory_space<vmem>>, vector<1x16xi32>,
    %get3A_204 = arith.constant 1 : i32
    %get3A_205 = arith.index_cast %get3A_204 : i32 to index
    %get3A_206 = arith.constant 112 : index
    %get3A_207 = tpu.vector_load %arg7[%get3A_205, %get3A_206] {strides = array<i32>} : memref<2x128xi32, #tpu.memory_space<vmem>>, vector<1x16xi32>,
    %get3A_208 = vector.shape_cast %get3A_207 : vector<1x16xi32> to vector<16xi32>
    %add3A_209 = vector.broadcast %mul3A_0 : i32 to vector<16xi32>
    %add3A_210 = arith.addi %get3A_208, %add3A_209 : vector<16xi32>
    %swap3A_211 = arith.constant 1 : i32
    %swap3A_212 = arith.index_cast %swap3A_211 : i32 to index
    %swap3A_213 = arith.constant 112 : index
    %swap3A_214 = tpu.vector_load %arg7[%swap3A_212, %swap3A_213] {strides = array<i32>} : memref<2x128xi32, #tpu.memory_space<vmem>>, vector<1x16xi32>,
    %swap3A_215 = vector.shape_cast %swap3A_214 : vector<1x16xi32> to vector<16xi32>
    %swap3A_216 = vector.shape_cast %add3A_210 : vector<16xi32> to vector<1x16xi32>
    tpu.vector_store %arg7[%swap3A_212, %swap3A_213], %swap3A_216 {strides = array<i32>} : memref<2x128xi32, #tpu.memory_space<vmem>>, vector<1x16xi32>,
    %mul3A_217 = arith.constant 80 : i32
    %mul3A_218 = arith.muli %arg1, %mul3A_217 : i32
    %mul3A_219 = arith.constant 2 : i32
    %mul3A_220 = arith.muli %mul3A_218, %mul3A_219 : i32
    %add3A_221 = arith.constant 2 : i32
    %add3A_222 = arith.addi %mul3A_220, %add3A_221 : i32
    "tpu.region"() ({
      %run_scoped3A = tpu.sem_alloc : memref<!tpu.dma_semaphore, #tpu.memory_space<semaphore_mem>>
      %dma_start3A_559 = arith.constant 0 : i32
      %dma_start3A_560 = tpu.memref_slice %arg3[%add3A_222, %dma_start3A_559] : memref<2560x128xi32, #tpu.memory_space<hbm>> -> memref<2x128xi32, #tpu.memory_space<hbm>>
      %dma_start3A_561 = arith.constant 0 : i32
      %dma_start3A_562 = tpu.memref_slice %arg3[%add3A_222, %dma_start3A_561] : memref<2560x128xi32, #tpu.memory_space<hbm>> -> memref<2x128xi32, #tpu.memory_space<hbm>>
      tpu.enqueue_dma source(%dma_start3A_562 : memref<2x128xi32, #tpu.memory_space<hbm>>) target(%arg9 : memref<2x128xi32, #tpu.memory_space<vmem>>) target_semaphore(%run_scoped3A : memref<!tpu.dma_semaphore, #tpu.memory_space<semaphore_mem>>)
      %dma_wait3A_563 = arith.constant 0 : i32
      %dma_wait3A_564 = tpu.memref_slice %arg3[%add3A_222, %dma_wait3A_563] : memref<2560x128xi32, #tpu.memory_space<hbm>> -> memref<2x128xi32, #tpu.memory_space<hbm>>
      %dma_wait3A_565 = arith.constant 0 : i32
      %dma_wait3A_566 = tpu.memref_slice %arg3[%add3A_222, %dma_wait3A_565] : memref<2560x128xi32, #tpu.memory_space<hbm>> -> memref<2x128xi32, #tpu.memory_space<hbm>>
      tpu.wait_dma2 semaphore(%run_scoped3A : memref<!tpu.dma_semaphore, #tpu.memory_space<semaphore_mem>>) src(%dma_wait3A_566 : memref<2x128xi32, #tpu.memory_space<hbm>>) dst(%arg9 : memref<2x128xi32, #tpu.memory_space<vmem>>)
      tpu.yield
    }) : () -> ()
    "tpu.region"() ({
      %run_scoped3A = tpu.sem_alloc : memref<!tpu.dma_semaphore, #tpu.memory_space<semaphore_mem>>
      %dma_start3A_559 = arith.constant 0 : i32
      %dma_start3A_560 = tpu.memref_slice %arg4[%add3A_222, %dma_start3A_559] : memref<2560x128xi32, #tpu.memory_space<hbm>> -> memref<2x128xi32, #tpu.memory_space<hbm>>
      %dma_start3A_561 = arith.constant 0 : i32
      %dma_start3A_562 = tpu.memref_slice %arg4[%add3A_222, %dma_start3A_561] : memref<2560x128xi32, #tpu.memory_space<hbm>> -> memref<2x128xi32, #tpu.memory_space<hbm>>
      tpu.enqueue_dma source(%dma_start3A_562 : memref<2x128xi32, #tpu.memory_space<hbm>>) target(%arg10 : memref<2x128xi32, #tpu.memory_space<vmem>>) target_semaphore(%run_scoped3A : memref<!tpu.dma_semaphore, #tpu.memory_space<semaphore_mem>>)
      %dma_wait3A_563 = arith.constant 0 : i32
      %dma_wait3A_564 = tpu.memref_slice %arg4[%add3A_222, %dma_wait3A_563] : memref<2560x128xi32, #tpu.memory_space<hbm>> -> memref<2x128xi32, #tpu.memory_space<hbm>>
      %dma_wait3A_565 = arith.constant 0 : i32
      %dma_wait3A_566 = tpu.memref_slice %arg4[%add3A_222, %dma_wait3A_565] : memref<2560x128xi32, #tpu.memory_space<hbm>> -> memref<2x128xi32, #tpu.memory_space<hbm>>
      tpu.wait_dma2 semaphore(%run_scoped3A : memref<!tpu.dma_semaphore, #tpu.memory_space<semaphore_mem>>) src(%dma_wait3A_566 : memref<2x128xi32, #tpu.memory_space<hbm>>) dst(%arg10 : memref<2x128xi32, #tpu.memory_space<vmem>>)
      tpu.yield
    }) : () -> ()
    %get3A_223 = arith.constant 0 : i32
    %get3A_224 = arith.index_cast %get3A_223 : i32 to index
    %get3A_225 = arith.constant 0 : index
    %get3A_226 = tpu.vector_load %arg9[%get3A_224, %get3A_225] {strides = array<i32>} : memref<2x128xi32, #tpu.memory_space<vmem>>, vector<1x16xi32>,
    %get3A_227 = vector.shape_cast %get3A_226 : vector<1x16xi32> to vector<16xi32>
    %add3A_228 = vector.broadcast %mul3A_0 : i32 to vector<16xi32>
    %add3A_229 = arith.addi %get3A_227, %add3A_228 : vector<16xi32>
    %swap3A_230 = arith.constant 0 : i32
    %swap3A_231 = arith.index_cast %swap3A_230 : i32 to index
    %swap3A_232 = arith.constant 0 : index
    %swap3A_233 = tpu.vector_load %arg9[%swap3A_231, %swap3A_232] {strides = array<i32>} : memref<2x128xi32, #tpu.memory_space<vmem>>, vector<1x16xi32>,
    %swap3A_234 = vector.shape_cast %swap3A_233 : vector<1x16xi32> to vector<16xi32>
    %swap3A_235 = vector.shape_cast %add3A_229 : vector<16xi32> to vector<1x16xi32>
    tpu.vector_store %arg9[%swap3A_231, %swap3A_232], %swap3A_235 {strides = array<i32>} : memref<2x128xi32, #tpu.memory_space<vmem>>, vector<1x16xi32>,
    %get3A_236 = arith.constant 0 : i32
    %get3A_237 = arith.index_cast %get3A_236 : i32 to index
    %get3A_238 = arith.constant 16 : index
    %get3A_239 = tpu.vector_load %arg9[%get3A_237, %get3A_238] {strides = array<i32>} : memref<2x128xi32, #tpu.memory_space<vmem>>, vector<1x16xi32>,
    %get3A_240 = vector.shape_cast %get3A_239 : vector<1x16xi32> to vector<16xi32>
    %add3A_241 = vector.broadcast %mul3A_0 : i32 to vector<16xi32>
    %add3A_242 = arith.addi %get3A_240, %add3A_241 : vector<16xi32>
    %swap3A_243 = arith.constant 0 : i32
    %swap3A_244 = arith.index_cast %swap3A_243 : i32 to index
    %swap3A_245 = arith.constant 16 : index
    %swap3A_246 = tpu.vector_load %arg9[%swap3A_244, %swap3A_245] {strides = array<i32>} : memref<2x128xi32, #tpu.memory_space<vmem>>, vector<1x16xi32>,
    %swap3A_247 = vector.shape_cast %swap3A_246 : vector<1x16xi32> to vector<16xi32>
    %swap3A_248 = vector.shape_cast %add3A_242 : vector<16xi32> to vector<1x16xi32>
    tpu.vector_store %arg9[%swap3A_244, %swap3A_245], %swap3A_248 {strides = array<i32>} : memref<2x128xi32, #tpu.memory_space<vmem>>, vector<1x16xi32>,
    %get3A_249 = arith.constant 0 : i32
    %get3A_250 = arith.index_cast %get3A_249 : i32 to index
    %get3A_251 = arith.constant 32 : index
    %get3A_252 = tpu.vector_load %arg9[%get3A_250, %get3A_251] {strides = array<i32>} : memref<2x128xi32, #tpu.memory_space<vmem>>, vector<1x16xi32>,
    %get3A_253 = vector.shape_cast %get3A_252 : vector<1x16xi32> to vector<16xi32>
    %add3A_254 = vector.broadcast %mul3A_0 : i32 to vector<16xi32>
    %add3A_255 = arith.addi %get3A_253, %add3A_254 : vector<16xi32>
    %swap3A_256 = arith.constant 0 : i32
    %swap3A_257 = arith.index_cast %swap3A_256 : i32 to index
    %swap3A_258 = arith.constant 32 : index
    %swap3A_259 = tpu.vector_load %arg9[%swap3A_257, %swap3A_258] {strides = array<i32>} : memref<2x128xi32, #tpu.memory_space<vmem>>, vector<1x16xi32>,
    %swap3A_260 = vector.shape_cast %swap3A_259 : vector<1x16xi32> to vector<16xi32>
    %swap3A_261 = vector.shape_cast %add3A_255 : vector<16xi32> to vector<1x16xi32>
    tpu.vector_store %arg9[%swap3A_257, %swap3A_258], %swap3A_261 {strides = array<i32>} : memref<2x128xi32, #tpu.memory_space<vmem>>, vector<1x16xi32>,
    %get3A_262 = arith.constant 0 : i32
    %get3A_263 = arith.index_cast %get3A_262 : i32 to index
    %get3A_264 = arith.constant 48 : index
    %get3A_265 = tpu.vector_load %arg9[%get3A_263, %get3A_264] {strides = array<i32>} : memref<2x128xi32, #tpu.memory_space<vmem>>, vector<1x16xi32>,
    %get3A_266 = vector.shape_cast %get3A_265 : vector<1x16xi32> to vector<16xi32>
    %add3A_267 = vector.broadcast %mul3A_0 : i32 to vector<16xi32>
    %add3A_268 = arith.addi %get3A_266, %add3A_267 : vector<16xi32>
    %swap3A_269 = arith.constant 0 : i32
    %swap3A_270 = arith.index_cast %swap3A_269 : i32 to index
    %swap3A_271 = arith.constant 48 : index
    %swap3A_272 = tpu.vector_load %arg9[%swap3A_270, %swap3A_271] {strides = array<i32>} : memref<2x128xi32, #tpu.memory_space<vmem>>, vector<1x16xi32>,
    %swap3A_273 = vector.shape_cast %swap3A_272 : vector<1x16xi32> to vector<16xi32>
    %swap3A_274 = vector.shape_cast %add3A_268 : vector<16xi32> to vector<1x16xi32>
    tpu.vector_store %arg9[%swap3A_270, %swap3A_271], %swap3A_274 {strides = array<i32>} : memref<2x128xi32, #tpu.memory_space<vmem>>, vector<1x16xi32>,
    %get3A_275 = arith.constant 0 : i32
    %get3A_276 = arith.index_cast %get3A_275 : i32 to index
    %get3A_277 = arith.constant 64 : index
    %get3A_278 = tpu.vector_load %arg9[%get3A_276, %get3A_277] {strides = array<i32>} : memref<2x128xi32, #tpu.memory_space<vmem>>, vector<1x16xi32>,
    %get3A_279 = vector.shape_cast %get3A_278 : vector<1x16xi32> to vector<16xi32>
    %add3A_280 = vector.broadcast %mul3A_0 : i32 to vector<16xi32>
    %add3A_281 = arith.addi %get3A_279, %add3A_280 : vector<16xi32>
    %swap3A_282 = arith.constant 0 : i32
    %swap3A_283 = arith.index_cast %swap3A_282 : i32 to index
    %swap3A_284 = arith.constant 64 : index
    %swap3A_285 = tpu.vector_load %arg9[%swap3A_283, %swap3A_284] {strides = array<i32>} : memref<2x128xi32, #tpu.memory_space<vmem>>, vector<1x16xi32>,
    %swap3A_286 = vector.shape_cast %swap3A_285 : vector<1x16xi32> to vector<16xi32>
    %swap3A_287 = vector.shape_cast %add3A_281 : vector<16xi32> to vector<1x16xi32>
    tpu.vector_store %arg9[%swap3A_283, %swap3A_284], %swap3A_287 {strides = array<i32>} : memref<2x128xi32, #tpu.memory_space<vmem>>, vector<1x16xi32>,
    %get3A_288 = arith.constant 0 : i32
    %get3A_289 = arith.index_cast %get3A_288 : i32 to index
    %get3A_290 = arith.constant 80 : index
    %get3A_291 = tpu.vector_load %arg9[%get3A_289, %get3A_290] {strides = array<i32>} : memref<2x128xi32, #tpu.memory_space<vmem>>, vector<1x16xi32>,
    %get3A_292 = vector.shape_cast %get3A_291 : vector<1x16xi32> to vector<16xi32>
    %add3A_293 = vector.broadcast %mul3A_0 : i32 to vector<16xi32>
    %add3A_294 = arith.addi %get3A_292, %add3A_293 : vector<16xi32>
    %swap3A_295 = arith.constant 0 : i32
    %swap3A_296 = arith.index_cast %swap3A_295 : i32 to index
    %swap3A_297 = arith.constant 80 : index
    %swap3A_298 = tpu.vector_load %arg9[%swap3A_296, %swap3A_297] {strides = array<i32>} : memref<2x128xi32, #tpu.memory_space<vmem>>, vector<1x16xi32>,
    %swap3A_299 = vector.shape_cast %swap3A_298 : vector<1x16xi32> to vector<16xi32>
    %swap3A_300 = vector.shape_cast %add3A_294 : vector<16xi32> to vector<1x16xi32>
    tpu.vector_store %arg9[%swap3A_296, %swap3A_297], %swap3A_300 {strides = array<i32>} : memref<2x128xi32, #tpu.memory_space<vmem>>, vector<1x16xi32>,
    %get3A_301 = arith.constant 0 : i32
    %get3A_302 = arith.index_cast %get3A_301 : i32 to index
    %get3A_303 = arith.constant 96 : index
    %get3A_304 = tpu.vector_load %arg9[%get3A_302, %get3A_303] {strides = array<i32>} : memref<2x128xi32, #tpu.memory_space<vmem>>, vector<1x16xi32>,
    %get3A_305 = vector.shape_cast %get3A_304 : vector<1x16xi32> to vector<16xi32>
    %add3A_306 = vector.broadcast %mul3A_0 : i32 to vector<16xi32>
    %add3A_307 = arith.addi %get3A_305, %add3A_306 : vector<16xi32>
    %swap3A_308 = arith.constant 0 : i32
    %swap3A_309 = arith.index_cast %swap3A_308 : i32 to index
    %swap3A_310 = arith.constant 96 : index
    %swap3A_311 = tpu.vector_load %arg9[%swap3A_309, %swap3A_310] {strides = array<i32>} : memref<2x128xi32, #tpu.memory_space<vmem>>, vector<1x16xi32>,
    %swap3A_312 = vector.shape_cast %swap3A_311 : vector<1x16xi32> to vector<16xi32>
    %swap3A_313 = vector.shape_cast %add3A_307 : vector<16xi32> to vector<1x16xi32>
    tpu.vector_store %arg9[%swap3A_309, %swap3A_310], %swap3A_313 {strides = array<i32>} : memref<2x128xi32, #tpu.memory_space<vmem>>, vector<1x16xi32>,
    %get3A_314 = arith.constant 0 : i32
    %get3A_315 = arith.index_cast %get3A_314 : i32 to index
    %get3A_316 = arith.constant 112 : index
    %get3A_317 = tpu.vector_load %arg9[%get3A_315, %get3A_316] {strides = array<i32>} : memref<2x128xi32, #tpu.memory_space<vmem>>, vector<1x16xi32>,
    %get3A_318 = vector.shape_cast %get3A_317 : vector<1x16xi32> to vector<16xi32>
    %add3A_319 = vector.broadcast %mul3A_0 : i32 to vector<16xi32>
    %add3A_320 = arith.addi %get3A_318, %add3A_319 : vector<16xi32>
    %swap3A_321 = arith.constant 0 : i32
    %swap3A_322 = arith.index_cast %swap3A_321 : i32 to index
    %swap3A_323 = arith.constant 112 : index
    %swap3A_324 = tpu.vector_load %arg9[%swap3A_322, %swap3A_323] {strides = array<i32>} : memref<2x128xi32, #tpu.memory_space<vmem>>, vector<1x16xi32>,
    %swap3A_325 = vector.shape_cast %swap3A_324 : vector<1x16xi32> to vector<16xi32>
    %swap3A_326 = vector.shape_cast %add3A_320 : vector<16xi32> to vector<1x16xi32>
    tpu.vector_store %arg9[%swap3A_322, %swap3A_323], %swap3A_326 {strides = array<i32>} : memref<2x128xi32, #tpu.memory_space<vmem>>, vector<1x16xi32>,
    %get3A_327 = arith.constant 1 : i32
    %get3A_328 = arith.index_cast %get3A_327 : i32 to index
    %get3A_329 = arith.constant 0 : index
    %get3A_330 = tpu.vector_load %arg9[%get3A_328, %get3A_329] {strides = array<i32>} : memref<2x128xi32, #tpu.memory_space<vmem>>, vector<1x16xi32>,
    %get3A_331 = vector.shape_cast %get3A_330 : vector<1x16xi32> to vector<16xi32>
    %add3A_332 = vector.broadcast %mul3A_0 : i32 to vector<16xi32>
    %add3A_333 = arith.addi %get3A_331, %add3A_332 : vector<16xi32>
    %swap3A_334 = arith.constant 1 : i32
    %swap3A_335 = arith.index_cast %swap3A_334 : i32 to index
    %swap3A_336 = arith.constant 0 : index
    %swap3A_337 = tpu.vector_load %arg9[%swap3A_335, %swap3A_336] {strides = array<i32>} : memref<2x128xi32, #tpu.memory_space<vmem>>, vector<1x16xi32>,
    %swap3A_338 = vector.shape_cast %swap3A_337 : vector<1x16xi32> to vector<16xi32>
    %swap3A_339 = vector.shape_cast %add3A_333 : vector<16xi32> to vector<1x16xi32>
    tpu.vector_store %arg9[%swap3A_335, %swap3A_336], %swap3A_339 {strides = array<i32>} : memref<2x128xi32, #tpu.memory_space<vmem>>, vector<1x16xi32>,
    %get3A_340 = arith.constant 1 : i32
    %get3A_341 = arith.index_cast %get3A_340 : i32 to index
    %get3A_342 = arith.constant 16 : index
    %get3A_343 = tpu.vector_load %arg9[%get3A_341, %get3A_342] {strides = array<i32>} : memref<2x128xi32, #tpu.memory_space<vmem>>, vector<1x16xi32>,
    %get3A_344 = vector.shape_cast %get3A_343 : vector<1x16xi32> to vector<16xi32>
    %add3A_345 = vector.broadcast %mul3A_0 : i32 to vector<16xi32>
    %add3A_346 = arith.addi %get3A_344, %add3A_345 : vector<16xi32>
    %swap3A_347 = arith.constant 1 : i32
    %swap3A_348 = arith.index_cast %swap3A_347 : i32 to index
    %swap3A_349 = arith.constant 16 : index
    %swap3A_350 = tpu.vector_load %arg9[%swap3A_348, %swap3A_349] {strides = array<i32>} : memref<2x128xi32, #tpu.memory_space<vmem>>, vector<1x16xi32>,
    %swap3A_351 = vector.shape_cast %swap3A_350 : vector<1x16xi32> to vector<16xi32>
    %swap3A_352 = vector.shape_cast %add3A_346 : vector<16xi32> to vector<1x16xi32>
    tpu.vector_store %arg9[%swap3A_348, %swap3A_349], %swap3A_352 {strides = array<i32>} : memref<2x128xi32, #tpu.memory_space<vmem>>, vector<1x16xi32>,
    %get3A_353 = arith.constant 1 : i32
    %get3A_354 = arith.index_cast %get3A_353 : i32 to index
    %get3A_355 = arith.constant 32 : index
    %get3A_356 = tpu.vector_load %arg9[%get3A_354, %get3A_355] {strides = array<i32>} : memref<2x128xi32, #tpu.memory_space<vmem>>, vector<1x16xi32>,
    %get3A_357 = vector.shape_cast %get3A_356 : vector<1x16xi32> to vector<16xi32>
    %add3A_358 = vector.broadcast %mul3A_0 : i32 to vector<16xi32>
    %add3A_359 = arith.addi %get3A_357, %add3A_358 : vector<16xi32>
    %swap3A_360 = arith.constant 1 : i32
    %swap3A_361 = arith.index_cast %swap3A_360 : i32 to index
    %swap3A_362 = arith.constant 32 : index
    %swap3A_363 = tpu.vector_load %arg9[%swap3A_361, %swap3A_362] {strides = array<i32>} : memref<2x128xi32, #tpu.memory_space<vmem>>, vector<1x16xi32>,
    %swap3A_364 = vector.shape_cast %swap3A_363 : vector<1x16xi32> to vector<16xi32>
    %swap3A_365 = vector.shape_cast %add3A_359 : vector<16xi32> to vector<1x16xi32>
    tpu.vector_store %arg9[%swap3A_361, %swap3A_362], %swap3A_365 {strides = array<i32>} : memref<2x128xi32, #tpu.memory_space<vmem>>, vector<1x16xi32>,
    %get3A_366 = arith.constant 1 : i32
    %get3A_367 = arith.index_cast %get3A_366 : i32 to index
    %get3A_368 = arith.constant 48 : index
    %get3A_369 = tpu.vector_load %arg9[%get3A_367, %get3A_368] {strides = array<i32>} : memref<2x128xi32, #tpu.memory_space<vmem>>, vector<1x16xi32>,
    %get3A_370 = vector.shape_cast %get3A_369 : vector<1x16xi32> to vector<16xi32>
    %add3A_371 = vector.broadcast %mul3A_0 : i32 to vector<16xi32>
    %add3A_372 = arith.addi %get3A_370, %add3A_371 : vector<16xi32>
    %swap3A_373 = arith.constant 1 : i32
    %swap3A_374 = arith.index_cast %swap3A_373 : i32 to index
    %swap3A_375 = arith.constant 48 : index
    %swap3A_376 = tpu.vector_load %arg9[%swap3A_374, %swap3A_375] {strides = array<i32>} : memref<2x128xi32, #tpu.memory_space<vmem>>, vector<1x16xi32>,
    %swap3A_377 = vector.shape_cast %swap3A_376 : vector<1x16xi32> to vector<16xi32>
    %swap3A_378 = vector.shape_cast %add3A_372 : vector<16xi32> to vector<1x16xi32>
    tpu.vector_store %arg9[%swap3A_374, %swap3A_375], %swap3A_378 {strides = array<i32>} : memref<2x128xi32, #tpu.memory_space<vmem>>, vector<1x16xi32>,
    %get3A_379 = arith.constant 1 : i32
    %get3A_380 = arith.index_cast %get3A_379 : i32 to index
    %get3A_381 = arith.constant 64 : index
    %get3A_382 = tpu.vector_load %arg9[%get3A_380, %get3A_381] {strides = array<i32>} : memref<2x128xi32, #tpu.memory_space<vmem>>, vector<1x16xi32>,
    %get3A_383 = vector.shape_cast %get3A_382 : vector<1x16xi32> to vector<16xi32>
    %add3A_384 = vector.broadcast %mul3A_0 : i32 to vector<16xi32>
    %add3A_385 = arith.addi %get3A_383, %add3A_384 : vector<16xi32>
    %swap3A_386 = arith.constant 1 : i32
    %swap3A_387 = arith.index_cast %swap3A_386 : i32 to index
    %swap3A_388 = arith.constant 64 : index
    %swap3A_389 = tpu.vector_load %arg9[%swap3A_387, %swap3A_388] {strides = array<i32>} : memref<2x128xi32, #tpu.memory_space<vmem>>, vector<1x16xi32>,
    %swap3A_390 = vector.shape_cast %swap3A_389 : vector<1x16xi32> to vector<16xi32>
    %swap3A_391 = vector.shape_cast %add3A_385 : vector<16xi32> to vector<1x16xi32>
    tpu.vector_store %arg9[%swap3A_387, %swap3A_388], %swap3A_391 {strides = array<i32>} : memref<2x128xi32, #tpu.memory_space<vmem>>, vector<1x16xi32>,
    %get3A_392 = arith.constant 1 : i32
    %get3A_393 = arith.index_cast %get3A_392 : i32 to index
    %get3A_394 = arith.constant 80 : index
    %get3A_395 = tpu.vector_load %arg9[%get3A_393, %get3A_394] {strides = array<i32>} : memref<2x128xi32, #tpu.memory_space<vmem>>, vector<1x16xi32>,
    %get3A_396 = vector.shape_cast %get3A_395 : vector<1x16xi32> to vector<16xi32>
    %add3A_397 = vector.broadcast %mul3A_0 : i32 to vector<16xi32>
    %add3A_398 = arith.addi %get3A_396, %add3A_397 : vector<16xi32>
    %swap3A_399 = arith.constant 1 : i32
    %swap3A_400 = arith.index_cast %swap3A_399 : i32 to index
    %swap3A_401 = arith.constant 80 : index
    %swap3A_402 = tpu.vector_load %arg9[%swap3A_400, %swap3A_401] {strides = array<i32>} : memref<2x128xi32, #tpu.memory_space<vmem>>, vector<1x16xi32>,
    %swap3A_403 = vector.shape_cast %swap3A_402 : vector<1x16xi32> to vector<16xi32>
    %swap3A_404 = vector.shape_cast %add3A_398 : vector<16xi32> to vector<1x16xi32>
    tpu.vector_store %arg9[%swap3A_400, %swap3A_401], %swap3A_404 {strides = array<i32>} : memref<2x128xi32, #tpu.memory_space<vmem>>, vector<1x16xi32>,
    %get3A_405 = arith.constant 1 : i32
    %get3A_406 = arith.index_cast %get3A_405 : i32 to index
    %get3A_407 = arith.constant 96 : index
    %get3A_408 = tpu.vector_load %arg9[%get3A_406, %get3A_407] {strides = array<i32>} : memref<2x128xi32, #tpu.memory_space<vmem>>, vector<1x16xi32>,
    %get3A_409 = vector.shape_cast %get3A_408 : vector<1x16xi32> to vector<16xi32>
    %add3A_410 = vector.broadcast %mul3A_0 : i32 to vector<16xi32>
    %add3A_411 = arith.addi %get3A_409, %add3A_410 : vector<16xi32>
    %swap3A_412 = arith.constant 1 : i32
    %swap3A_413 = arith.index_cast %swap3A_412 : i32 to index
    %swap3A_414 = arith.constant 96 : index
    %swap3A_415 = tpu.vector_load %arg9[%swap3A_413, %swap3A_414] {strides = array<i32>} : memref<2x128xi32, #tpu.memory_space<vmem>>, vector<1x16xi32>,
    %swap3A_416 = vector.shape_cast %swap3A_415 : vector<1x16xi32> to vector<16xi32>
    %swap3A_417 = vector.shape_cast %add3A_411 : vector<16xi32> to vector<1x16xi32>
    tpu.vector_store %arg9[%swap3A_413, %swap3A_414], %swap3A_417 {strides = array<i32>} : memref<2x128xi32, #tpu.memory_space<vmem>>, vector<1x16xi32>,
    %get3A_418 = arith.constant 1 : i32
    %get3A_419 = arith.index_cast %get3A_418 : i32 to index
    %get3A_420 = arith.constant 112 : index
    %get3A_421 = tpu.vector_load %arg9[%get3A_419, %get3A_420] {strides = array<i32>} : memref<2x128xi32, #tpu.memory_space<vmem>>, vector<1x16xi32>,
    %get3A_422 = vector.shape_cast %get3A_421 : vector<1x16xi32> to vector<16xi32>
    %add3A_423 = vector.broadcast %mul3A_0 : i32 to vector<16xi32>
    %add3A_424 = arith.addi %get3A_422, %add3A_423 : vector<16xi32>
    %swap3A_425 = arith.constant 1 : i32
    %swap3A_426 = arith.index_cast %swap3A_425 : i32 to index
    %swap3A_427 = arith.constant 112 : index
    %swap3A_428 = tpu.vector_load %arg9[%swap3A_426, %swap3A_427] {strides = array<i32>} : memref<2x128xi32, #tpu.memory_space<vmem>>, vector<1x16xi32>,
    %swap3A_429 = vector.shape_cast %swap3A_428 : vector<1x16xi32> to vector<16xi32>
    %swap3A_430 = vector.shape_cast %add3A_424 : vector<16xi32> to vector<1x16xi32>
    tpu.vector_store %arg9[%swap3A_426, %swap3A_427], %swap3A_430 {strides = array<i32>} : memref<2x128xi32, #tpu.memory_space<vmem>>, vector<1x16xi32>,
    %scan3A = arith.constant 0 : i32
    %scan3A_431 = arith.constant 0 : i32
    %scan3A_432 = arith.constant 39 : i32
    %scan3A_433 = arith.addi %scan3A_431, %scan3A_432 : i32
    %scan3A_434 = arith.constant 1 : i32
    scf.for %scan3A_559 = %scan3A_431 to %scan3A_433 step %scan3A_434  : i32 {
      %mul3A_560 = arith.constant 2 : i32
      %mul3A_561 = arith.muli %mul3A_560, %scan3A_559 : i32
      %dma_start3A_562 = arith.constant 0 : i32
      %dma_start3A_563 = arith.constant 0 : i32
      %dma_start3A_564 = arith.constant 0 : i32
      %dma_start3A_565 = arith.constant 0 : i32
      %dma_start3A_566 = arith.constant 0 : i32
      %dma_start3A_567 = tpu.memref_slice %arg11[%dma_start3A_562, %dma_start3A_565, %dma_start3A_566] : memref<2x128x128xf32, #tpu.memory_space<vmem>> -> memref<1x128x128xf32, #tpu.memory_space<vmem>>
      %dma_start3A_568 = tpu.memref_squeeze %dma_start3A_567 : memref<1x128x128xf32, #tpu.memory_space<vmem>> -> memref<128x128xf32, #tpu.memory_space<vmem>>
      %dma_start3A_569 = arith.constant 0 : i32
      %dma_start3A_570 = tpu.memref_slice %arg8[%dma_start3A_563, %dma_start3A_569] : memref<2x128xi32, #tpu.memory_space<vmem>> -> memref<1x128xi32, #tpu.memory_space<vmem>>
      %dma_start3A_571 = tpu.memref_squeeze %dma_start3A_570 : memref<1x128xi32, #tpu.memory_space<vmem>> -> memref<128xi32, #tpu.memory_space<vmem>>
      %dma_start3A_572 = arith.constant 0 : i32
      %dma_start3A_573 = arith.constant 0 : i32
      %dma_start3A_574 = tpu.memref_slice %arg6[%dma_start3A_572, %dma_start3A_573] : memref<10240x128xf32, #tpu.memory_space<vmem_shared>> -> memref<10240x128xf32, #tpu.memory_space<vmem_shared>>
      %dma_start3A_575 = tpu.memref_slice %arg13[%dma_start3A_564] : memref<2x!tpu.dma_semaphore, #tpu.memory_space<semaphore_mem>> -> memref<1x!tpu.dma_semaphore, #tpu.memory_space<semaphore_mem>>
      %dma_start3A_576 = tpu.memref_squeeze %dma_start3A_575 : memref<1x!tpu.dma_semaphore, #tpu.memory_space<semaphore_mem>> -> memref<!tpu.dma_semaphore, #tpu.memory_space<semaphore_mem>>
      tpu.enqueue_indirect_dma source(%dma_start3A_568 : memref<128x128xf32, #tpu.memory_space<vmem>>) target(%dma_start3A_574 : memref<10240x128xf32, #tpu.memory_space<vmem_shared>>) offsets(%dma_start3A_571 : memref<128xi32, #tpu.memory_space<vmem>>) semaphore(%dma_start3A_576 : memref<!tpu.dma_semaphore, #tpu.memory_space<semaphore_mem>>) {add = true}
      %dma_start3A_577 = arith.constant 1 : i32
      %dma_start3A_578 = arith.constant 1 : i32
      %dma_start3A_579 = arith.constant 1 : i32
      %dma_start3A_580 = arith.constant 0 : i32
      %dma_start3A_581 = arith.constant 0 : i32
      %dma_start3A_582 = tpu.memref_slice %arg11[%dma_start3A_577, %dma_start3A_580, %dma_start3A_581] : memref<2x128x128xf32, #tpu.memory_space<vmem>> -> memref<1x128x128xf32, #tpu.memory_space<vmem>>
      %dma_start3A_583 = tpu.memref_squeeze %dma_start3A_582 : memref<1x128x128xf32, #tpu.memory_space<vmem>> -> memref<128x128xf32, #tpu.memory_space<vmem>>
      %dma_start3A_584 = arith.constant 0 : i32
      %dma_start3A_585 = tpu.memref_slice %arg8[%dma_start3A_578, %dma_start3A_584] : memref<2x128xi32, #tpu.memory_space<vmem>> -> memref<1x128xi32, #tpu.memory_space<vmem>>
      %dma_start3A_586 = tpu.memref_squeeze %dma_start3A_585 : memref<1x128xi32, #tpu.memory_space<vmem>> -> memref<128xi32, #tpu.memory_space<vmem>>
      %dma_start3A_587 = arith.constant 0 : i32
      %dma_start3A_588 = arith.constant 0 : i32
      %dma_start3A_589 = tpu.memref_slice %arg6[%dma_start3A_587, %dma_start3A_588] : memref<10240x128xf32, #tpu.memory_space<vmem_shared>> -> memref<10240x128xf32, #tpu.memory_space<vmem_shared>>
      %dma_start3A_590 = tpu.memref_slice %arg13[%dma_start3A_579] : memref<2x!tpu.dma_semaphore, #tpu.memory_space<semaphore_mem>> -> memref<1x!tpu.dma_semaphore, #tpu.memory_space<semaphore_mem>>
      %dma_start3A_591 = tpu.memref_squeeze %dma_start3A_590 : memref<1x!tpu.dma_semaphore, #tpu.memory_space<semaphore_mem>> -> memref<!tpu.dma_semaphore, #tpu.memory_space<semaphore_mem>>
      tpu.enqueue_indirect_dma source(%dma_start3A_583 : memref<128x128xf32, #tpu.memory_space<vmem>>) target(%dma_start3A_589 : memref<10240x128xf32, #tpu.memory_space<vmem_shared>>) offsets(%dma_start3A_586 : memref<128xi32, #tpu.memory_space<vmem>>) semaphore(%dma_start3A_591 : memref<!tpu.dma_semaphore, #tpu.memory_space<semaphore_mem>>) {add = true}
      %dma_wait3A_592 = arith.constant 0 : i32
      %dma_wait3A_593 = arith.constant 0 : i32
      %dma_wait3A_594 = arith.constant 0 : i32
      %dma_wait3A_595 = arith.constant 0 : i32
      %dma_wait3A_596 = arith.constant 0 : i32
      %dma_wait3A_597 = tpu.memref_slice %arg11[%dma_wait3A_592, %dma_wait3A_595, %dma_wait3A_596] : memref<2x128x128xf32, #tpu.memory_space<vmem>> -> memref<1x128x128xf32, #tpu.memory_space<vmem>>
      %dma_wait3A_598 = tpu.memref_squeeze %dma_wait3A_597 : memref<1x128x128xf32, #tpu.memory_space<vmem>> -> memref<128x128xf32, #tpu.memory_space<vmem>>
      %dma_wait3A_599 = arith.constant 0 : i32
      %dma_wait3A_600 = tpu.memref_slice %arg8[%dma_wait3A_593, %dma_wait3A_599] : memref<2x128xi32, #tpu.memory_space<vmem>> -> memref<1x128xi32, #tpu.memory_space<vmem>>
      %dma_wait3A_601 = tpu.memref_squeeze %dma_wait3A_600 : memref<1x128xi32, #tpu.memory_space<vmem>> -> memref<128xi32, #tpu.memory_space<vmem>>
      %dma_wait3A_602 = arith.constant 0 : i32
      %dma_wait3A_603 = arith.constant 0 : i32
      %dma_wait3A_604 = tpu.memref_slice %arg6[%dma_wait3A_602, %dma_wait3A_603] : memref<10240x128xf32, #tpu.memory_space<vmem_shared>> -> memref<10240x128xf32, #tpu.memory_space<vmem_shared>>
      %dma_wait3A_605 = tpu.memref_slice %arg13[%dma_wait3A_594] : memref<2x!tpu.dma_semaphore, #tpu.memory_space<semaphore_mem>> -> memref<1x!tpu.dma_semaphore, #tpu.memory_space<semaphore_mem>>
      %dma_wait3A_606 = tpu.memref_squeeze %dma_wait3A_605 : memref<1x!tpu.dma_semaphore, #tpu.memory_space<semaphore_mem>> -> memref<!tpu.dma_semaphore, #tpu.memory_space<semaphore_mem>>
      tpu.wait_indirect_dma semaphore(%dma_wait3A_606 : memref<!tpu.dma_semaphore, #tpu.memory_space<semaphore_mem>>) src(%dma_wait3A_598 : memref<128x128xf32, #tpu.memory_space<vmem>>) dst(%dma_wait3A_604 : memref<10240x128xf32, #tpu.memory_space<vmem_shared>>)
      %dma_wait3A_607 = arith.constant 1 : i32
      %dma_wait3A_608 = arith.constant 1 : i32
      %dma_wait3A_609 = arith.constant 1 : i32
      %dma_wait3A_610 = arith.constant 0 : i32
      %dma_wait3A_611 = arith.constant 0 : i32
      %dma_wait3A_612 = tpu.memref_slice %arg11[%dma_wait3A_607, %dma_wait3A_610, %dma_wait3A_611] : memref<2x128x128xf32, #tpu.memory_space<vmem>> -> memref<1x128x128xf32, #tpu.memory_space<vmem>>
      %dma_wait3A_613 = tpu.memref_squeeze %dma_wait3A_612 : memref<1x128x128xf32, #tpu.memory_space<vmem>> -> memref<128x128xf32, #tpu.memory_space<vmem>>
      %dma_wait3A_614 = arith.constant 0 : i32
      %dma_wait3A_615 = tpu.memref_slice %arg8[%dma_wait3A_608, %dma_wait3A_614] : memref<2x128xi32, #tpu.memory_space<vmem>> -> memref<1x128xi32, #tpu.memory_space<vmem>>
      %dma_wait3A_616 = tpu.memref_squeeze %dma_wait3A_615 : memref<1x128xi32, #tpu.memory_space<vmem>> -> memref<128xi32, #tpu.memory_space<vmem>>
      %dma_wait3A_617 = arith.constant 0 : i32
      %dma_wait3A_618 = arith.constant 0 : i32
      %dma_wait3A_619 = tpu.memref_slice %arg6[%dma_wait3A_617, %dma_wait3A_618] : memref<10240x128xf32, #tpu.memory_space<vmem_shared>> -> memref<10240x128xf32, #tpu.memory_space<vmem_shared>>
      %dma_wait3A_620 = tpu.memref_slice %arg13[%dma_wait3A_609] : memref<2x!tpu.dma_semaphore, #tpu.memory_space<semaphore_mem>> -> memref<1x!tpu.dma_semaphore, #tpu.memory_space<semaphore_mem>>
      %dma_wait3A_621 = tpu.memref_squeeze %dma_wait3A_620 : memref<1x!tpu.dma_semaphore, #tpu.memory_space<semaphore_mem>> -> memref<!tpu.dma_semaphore, #tpu.memory_space<semaphore_mem>>
      tpu.wait_indirect_dma semaphore(%dma_wait3A_621 : memref<!tpu.dma_semaphore, #tpu.memory_space<semaphore_mem>>) src(%dma_wait3A_613 : memref<128x128xf32, #tpu.memory_space<vmem>>) dst(%dma_wait3A_619 : memref<10240x128xf32, #tpu.memory_space<vmem_shared>>)
      %add3A_622 = arith.constant 2 : i32
      %add3A_623 = arith.addi %mul3A_561, %add3A_622 : i32
      %mul3A_624 = arith.constant 80 : i32
      %mul3A_625 = arith.muli %arg1, %mul3A_624 : i32
      %mul3A_626 = arith.constant 2 : i32
      %mul3A_627 = arith.muli %mul3A_625, %mul3A_626 : i32
      %mul3A_628 = arith.constant 2 : i32
      %mul3A_629 = arith.muli %add3A_623, %mul3A_628 : i32
      %add3A_630 = arith.addi %mul3A_627, %mul3A_629 : i32
      "tpu.region"() ({
        %run_scoped3A = tpu.sem_alloc : memref<!tpu.dma_semaphore, #tpu.memory_space<semaphore_mem>>
        %dma_start3A_1120 = arith.constant 0 : i32
        %dma_start3A_1121 = tpu.memref_slice %arg3[%add3A_630, %dma_start3A_1120] : memref<2560x128xi32, #tpu.memory_space<hbm>> -> memref<2x128xi32, #tpu.memory_space<hbm>>
        %dma_start3A_1122 = arith.constant 0 : i32
        %dma_start3A_1123 = tpu.memref_slice %arg3[%add3A_630, %dma_start3A_1122] : memref<2560x128xi32, #tpu.memory_space<hbm>> -> memref<2x128xi32, #tpu.memory_space<hbm>>
        tpu.enqueue_dma source(%dma_start3A_1123 : memref<2x128xi32, #tpu.memory_space<hbm>>) target(%arg7 : memref<2x128xi32, #tpu.memory_space<vmem>>) target_semaphore(%run_scoped3A : memref<!tpu.dma_semaphore, #tpu.memory_space<semaphore_mem>>)
        %dma_wait3A_1124 = arith.constant 0 : i32
        %dma_wait3A_1125 = tpu.memref_slice %arg3[%add3A_630, %dma_wait3A_1124] : memref<2560x128xi32, #tpu.memory_space<hbm>> -> memref<2x128xi32, #tpu.memory_space<hbm>>
        %dma_wait3A_1126 = arith.constant 0 : i32
        %dma_wait3A_1127 = tpu.memref_slice %arg3[%add3A_630, %dma_wait3A_1126] : memref<2560x128xi32, #tpu.memory_space<hbm>> -> memref<2x128xi32, #tpu.memory_space<hbm>>
        tpu.wait_dma2 semaphore(%run_scoped3A : memref<!tpu.dma_semaphore, #tpu.memory_space<semaphore_mem>>) src(%dma_wait3A_1127 : memref<2x128xi32, #tpu.memory_space<hbm>>) dst(%arg7 : memref<2x128xi32, #tpu.memory_space<vmem>>)
        tpu.yield
      }) : () -> ()
      "tpu.region"() ({
        %run_scoped3A = tpu.sem_alloc : memref<!tpu.dma_semaphore, #tpu.memory_space<semaphore_mem>>
        %dma_start3A_1120 = arith.constant 0 : i32
        %dma_start3A_1121 = tpu.memref_slice %arg4[%add3A_630, %dma_start3A_1120] : memref<2560x128xi32, #tpu.memory_space<hbm>> -> memref<2x128xi32, #tpu.memory_space<hbm>>
        %dma_start3A_1122 = arith.constant 0 : i32
        %dma_start3A_1123 = tpu.memref_slice %arg4[%add3A_630, %dma_start3A_1122] : memref<2560x128xi32, #tpu.memory_space<hbm>> -> memref<2x128xi32, #tpu.memory_space<hbm>>
        tpu.enqueue_dma source(%dma_start3A_1123 : memref<2x128xi32, #tpu.memory_space<hbm>>) target(%arg8 : memref<2x128xi32, #tpu.memory_space<vmem>>) target_semaphore(%run_scoped3A : memref<!tpu.dma_semaphore, #tpu.memory_space<semaphore_mem>>)
        %dma_wait3A_1124 = arith.constant 0 : i32
        %dma_wait3A_1125 = tpu.memref_slice %arg4[%add3A_630, %dma_wait3A_1124] : memref<2560x128xi32, #tpu.memory_space<hbm>> -> memref<2x128xi32, #tpu.memory_space<hbm>>
        %dma_wait3A_1126 = arith.constant 0 : i32
        %dma_wait3A_1127 = tpu.memref_slice %arg4[%add3A_630, %dma_wait3A_1126] : memref<2560x128xi32, #tpu.memory_space<hbm>> -> memref<2x128xi32, #tpu.memory_space<hbm>>
        tpu.wait_dma2 semaphore(%run_scoped3A : memref<!tpu.dma_semaphore, #tpu.memory_space<semaphore_mem>>) src(%dma_wait3A_1127 : memref<2x128xi32, #tpu.memory_space<hbm>>) dst(%arg8 : memref<2x128xi32, #tpu.memory_space<vmem>>)
        tpu.yield
      }) : () -> ()
      %get3A_631 = arith.constant 0 : i32
      %get3A_632 = arith.index_cast %get3A_631 : i32 to index
      %get3A_633 = arith.constant 0 : index
      %get3A_634 = tpu.vector_load %arg7[%get3A_632, %get3A_633] {strides = array<i32>} : memref<2x128xi32, #tpu.memory_space<vmem>>, vector<1x16xi32>,
      %get3A_635 = vector.shape_cast %get3A_634 : vector<1x16xi32> to vector<16xi32>
      %add3A_636 = vector.broadcast %mul3A_0 : i32 to vector<16xi32>
      %add3A_637 = arith.addi %get3A_635, %add3A_636 : vector<16xi32>
      %swap3A_638 = arith.constant 0 : i32
      %swap3A_639 = arith.index_cast %swap3A_638 : i32 to index
      %swap3A_640 = arith.constant 0 : index
      %swap3A_641 = tpu.vector_load %arg7[%swap3A_639, %swap3A_640] {strides = array<i32>} : memref<2x128xi32, #tpu.memory_space<vmem>>, vector<1x16xi32>,
      %swap3A_642 = vector.shape_cast %swap3A_641 : vector<1x16xi32> to vector<16xi32>
      %swap3A_643 = vector.shape_cast %add3A_637 : vector<16xi32> to vector<1x16xi32>
      tpu.vector_store %arg7[%swap3A_639, %swap3A_640], %swap3A_643 {strides = array<i32>} : memref<2x128xi32, #tpu.memory_space<vmem>>, vector<1x16xi32>,
      %get3A_644 = arith.constant 0 : i32
      %get3A_645 = arith.index_cast %get3A_644 : i32 to index
      %get3A_646 = arith.constant 16 : index
      %get3A_647 = tpu.vector_load %arg7[%get3A_645, %get3A_646] {strides = array<i32>} : memref<2x128xi32, #tpu.memory_space<vmem>>, vector<1x16xi32>,
      %get3A_648 = vector.shape_cast %get3A_647 : vector<1x16xi32> to vector<16xi32>
      %add3A_649 = vector.broadcast %mul3A_0 : i32 to vector<16xi32>
      %add3A_650 = arith.addi %get3A_648, %add3A_649 : vector<16xi32>
      %swap3A_651 = arith.constant 0 : i32
      %swap3A_652 = arith.index_cast %swap3A_651 : i32 to index
      %swap3A_653 = arith.constant 16 : index
      %swap3A_654 = tpu.vector_load %arg7[%swap3A_652, %swap3A_653] {strides = array<i32>} : memref<2x128xi32, #tpu.memory_space<vmem>>, vector<1x16xi32>,
      %swap3A_655 = vector.shape_cast %swap3A_654 : vector<1x16xi32> to vector<16xi32>
      %swap3A_656 = vector.shape_cast %add3A_650 : vector<16xi32> to vector<1x16xi32>
      tpu.vector_store %arg7[%swap3A_652, %swap3A_653], %swap3A_656 {strides = array<i32>} : memref<2x128xi32, #tpu.memory_space<vmem>>, vector<1x16xi32>,
      %get3A_657 = arith.constant 0 : i32
      %get3A_658 = arith.index_cast %get3A_657 : i32 to index
      %get3A_659 = arith.constant 32 : index
      %get3A_660 = tpu.vector_load %arg7[%get3A_658, %get3A_659] {strides = array<i32>} : memref<2x128xi32, #tpu.memory_space<vmem>>, vector<1x16xi32>,
      %get3A_661 = vector.shape_cast %get3A_660 : vector<1x16xi32> to vector<16xi32>
      %add3A_662 = vector.broadcast %mul3A_0 : i32 to vector<16xi32>
      %add3A_663 = arith.addi %get3A_661, %add3A_662 : vector<16xi32>
      %swap3A_664 = arith.constant 0 : i32
      %swap3A_665 = arith.index_cast %swap3A_664 : i32 to index
      %swap3A_666 = arith.constant 32 : index
      %swap3A_667 = tpu.vector_load %arg7[%swap3A_665, %swap3A_666] {strides = array<i32>} : memref<2x128xi32, #tpu.memory_space<vmem>>, vector<1x16xi32>,
      %swap3A_668 = vector.shape_cast %swap3A_667 : vector<1x16xi32> to vector<16xi32>
      %swap3A_669 = vector.shape_cast %add3A_663 : vector<16xi32> to vector<1x16xi32>
      tpu.vector_store %arg7[%swap3A_665, %swap3A_666], %swap3A_669 {strides = array<i32>} : memref<2x128xi32, #tpu.memory_space<vmem>>, vector<1x16xi32>,
      %get3A_670 = arith.constant 0 : i32
      %get3A_671 = arith.index_cast %get3A_670 : i32 to index
      %get3A_672 = arith.constant 48 : index
      %get3A_673 = tpu.vector_load %arg7[%get3A_671, %get3A_672] {strides = array<i32>} : memref<2x128xi32, #tpu.memory_space<vmem>>, vector<1x16xi32>,
      %get3A_674 = vector.shape_cast %get3A_673 : vector<1x16xi32> to vector<16xi32>
      %add3A_675 = vector.broadcast %mul3A_0 : i32 to vector<16xi32>
      %add3A_676 = arith.addi %get3A_674, %add3A_675 : vector<16xi32>
      %swap3A_677 = arith.constant 0 : i32
      %swap3A_678 = arith.index_cast %swap3A_677 : i32 to index
      %swap3A_679 = arith.constant 48 : index
      %swap3A_680 = tpu.vector_load %arg7[%swap3A_678, %swap3A_679] {strides = array<i32>} : memref<2x128xi32, #tpu.memory_space<vmem>>, vector<1x16xi32>,
      %swap3A_681 = vector.shape_cast %swap3A_680 : vector<1x16xi32> to vector<16xi32>
      %swap3A_682 = vector.shape_cast %add3A_676 : vector<16xi32> to vector<1x16xi32>
      tpu.vector_store %arg7[%swap3A_678, %swap3A_679], %swap3A_682 {strides = array<i32>} : memref<2x128xi32, #tpu.memory_space<vmem>>, vector<1x16xi32>,
      %get3A_683 = arith.constant 0 : i32
      %get3A_684 = arith.index_cast %get3A_683 : i32 to index
      %get3A_685 = arith.constant 64 : index
      %get3A_686 = tpu.vector_load %arg7[%get3A_684, %get3A_685] {strides = array<i32>} : memref<2x128xi32, #tpu.memory_space<vmem>>, vector<1x16xi32>,
      %get3A_687 = vector.shape_cast %get3A_686 : vector<1x16xi32> to vector<16xi32>
      %add3A_688 = vector.broadcast %mul3A_0 : i32 to vector<16xi32>
      %add3A_689 = arith.addi %get3A_687, %add3A_688 : vector<16xi32>
      %swap3A_690 = arith.constant 0 : i32
      %swap3A_691 = arith.index_cast %swap3A_690 : i32 to index
      %swap3A_692 = arith.constant 64 : index
      %swap3A_693 = tpu.vector_load %arg7[%swap3A_691, %swap3A_692] {strides = array<i32>} : memref<2x128xi32, #tpu.memory_space<vmem>>, vector<1x16xi32>,
      %swap3A_694 = vector.shape_cast %swap3A_693 : vector<1x16xi32> to vector<16xi32>
      %swap3A_695 = vector.shape_cast %add3A_689 : vector<16xi32> to vector<1x16xi32>
      tpu.vector_store %arg7[%swap3A_691, %swap3A_692], %swap3A_695 {strides = array<i32>} : memref<2x128xi32, #tpu.memory_space<vmem>>, vector<1x16xi32>,
      %get3A_696 = arith.constant 0 : i32
      %get3A_697 = arith.index_cast %get3A_696 : i32 to index
      %get3A_698 = arith.constant 80 : index
      %get3A_699 = tpu.vector_load %arg7[%get3A_697, %get3A_698] {strides = array<i32>} : memref<2x128xi32, #tpu.memory_space<vmem>>, vector<1x16xi32>,
      %get3A_700 = vector.shape_cast %get3A_699 : vector<1x16xi32> to vector<16xi32>
      %add3A_701 = vector.broadcast %mul3A_0 : i32 to vector<16xi32>
      %add3A_702 = arith.addi %get3A_700, %add3A_701 : vector<16xi32>
      %swap3A_703 = arith.constant 0 : i32
      %swap3A_704 = arith.index_cast %swap3A_703 : i32 to index
      %swap3A_705 = arith.constant 80 : index
      %swap3A_706 = tpu.vector_load %arg7[%swap3A_704, %swap3A_705] {strides = array<i32>} : memref<2x128xi32, #tpu.memory_space<vmem>>, vector<1x16xi32>,
      %swap3A_707 = vector.shape_cast %swap3A_706 : vector<1x16xi32> to vector<16xi32>
      %swap3A_708 = vector.shape_cast %add3A_702 : vector<16xi32> to vector<1x16xi32>
      tpu.vector_store %arg7[%swap3A_704, %swap3A_705], %swap3A_708 {strides = array<i32>} : memref<2x128xi32, #tpu.memory_space<vmem>>, vector<1x16xi32>,
      %get3A_709 = arith.constant 0 : i32
      %get3A_710 = arith.index_cast %get3A_709 : i32 to index
      %get3A_711 = arith.constant 96 : index
      %get3A_712 = tpu.vector_load %arg7[%get3A_710, %get3A_711] {strides = array<i32>} : memref<2x128xi32, #tpu.memory_space<vmem>>, vector<1x16xi32>,
      %get3A_713 = vector.shape_cast %get3A_712 : vector<1x16xi32> to vector<16xi32>
      %add3A_714 = vector.broadcast %mul3A_0 : i32 to vector<16xi32>
      %add3A_715 = arith.addi %get3A_713, %add3A_714 : vector<16xi32>
      %swap3A_716 = arith.constant 0 : i32
      %swap3A_717 = arith.index_cast %swap3A_716 : i32 to index
      %swap3A_718 = arith.constant 96 : index
      %swap3A_719 = tpu.vector_load %arg7[%swap3A_717, %swap3A_718] {strides = array<i32>} : memref<2x128xi32, #tpu.memory_space<vmem>>, vector<1x16xi32>,
      %swap3A_720 = vector.shape_cast %swap3A_719 : vector<1x16xi32> to vector<16xi32>
      %swap3A_721 = vector.shape_cast %add3A_715 : vector<16xi32> to vector<1x16xi32>
      tpu.vector_store %arg7[%swap3A_717, %swap3A_718], %swap3A_721 {strides = array<i32>} : memref<2x128xi32, #tpu.memory_space<vmem>>, vector<1x16xi32>,
      %get3A_722 = arith.constant 0 : i32
      %get3A_723 = arith.index_cast %get3A_722 : i32 to index
      %get3A_724 = arith.constant 112 : index
      %get3A_725 = tpu.vector_load %arg7[%get3A_723, %get3A_724] {strides = array<i32>} : memref<2x128xi32, #tpu.memory_space<vmem>>, vector<1x16xi32>,
      %get3A_726 = vector.shape_cast %get3A_725 : vector<1x16xi32> to vector<16xi32>
      %add3A_727 = vector.broadcast %mul3A_0 : i32 to vector<16xi32>
      %add3A_728 = arith.addi %get3A_726, %add3A_727 : vector<16xi32>
      %swap3A_729 = arith.constant 0 : i32
      %swap3A_730 = arith.index_cast %swap3A_729 : i32 to index
      %swap3A_731 = arith.constant 112 : index
      %swap3A_732 = tpu.vector_load %arg7[%swap3A_730, %swap3A_731] {strides = array<i32>} : memref<2x128xi32, #tpu.memory_space<vmem>>, vector<1x16xi32>,
      %swap3A_733 = vector.shape_cast %swap3A_732 : vector<1x16xi32> to vector<16xi32>
      %swap3A_734 = vector.shape_cast %add3A_728 : vector<16xi32> to vector<1x16xi32>
      tpu.vector_store %arg7[%swap3A_730, %swap3A_731], %swap3A_734 {strides = array<i32>} : memref<2x128xi32, #tpu.memory_space<vmem>>, vector<1x16xi32>,
      %get3A_735 = arith.constant 1 : i32
      %get3A_736 = arith.index_cast %get3A_735 : i32 to index
      %get3A_737 = arith.constant 0 : index
      %get3A_738 = tpu.vector_load %arg7[%get3A_736, %get3A_737] {strides = array<i32>} : memref<2x128xi32, #tpu.memory_space<vmem>>, vector<1x16xi32>,
      %get3A_739 = vector.shape_cast %get3A_738 : vector<1x16xi32> to vector<16xi32>
      %add3A_740 = vector.broadcast %mul3A_0 : i32 to vector<16xi32>
      %add3A_741 = arith.addi %get3A_739, %add3A_740 : vector<16xi32>
      %swap3A_742 = arith.constant 1 : i32
      %swap3A_743 = arith.index_cast %swap3A_742 : i32 to index
      %swap3A_744 = arith.constant 0 : index
      %swap3A_745 = tpu.vector_load %arg7[%swap3A_743, %swap3A_744] {strides = array<i32>} : memref<2x128xi32, #tpu.memory_space<vmem>>, vector<1x16xi32>,
      %swap3A_746 = vector.shape_cast %swap3A_745 : vector<1x16xi32> to vector<16xi32>
      %swap3A_747 = vector.shape_cast %add3A_741 : vector<16xi32> to vector<1x16xi32>
      tpu.vector_store %arg7[%swap3A_743, %swap3A_744], %swap3A_747 {strides = array<i32>} : memref<2x128xi32, #tpu.memory_space<vmem>>, vector<1x16xi32>,
      %get3A_748 = arith.constant 1 : i32
      %get3A_749 = arith.index_cast %get3A_748 : i32 to index
      %get3A_750 = arith.constant 16 : index
      %get3A_751 = tpu.vector_load %arg7[%get3A_749, %get3A_750] {strides = array<i32>} : memref<2x128xi32, #tpu.memory_space<vmem>>, vector<1x16xi32>,
      %get3A_752 = vector.shape_cast %get3A_751 : vector<1x16xi32> to vector<16xi32>
      %add3A_753 = vector.broadcast %mul3A_0 : i32 to vector<16xi32>
      %add3A_754 = arith.addi %get3A_752, %add3A_753 : vector<16xi32>
      %swap3A_755 = arith.constant 1 : i32
      %swap3A_756 = arith.index_cast %swap3A_755 : i32 to index
      %swap3A_757 = arith.constant 16 : index
      %swap3A_758 = tpu.vector_load %arg7[%swap3A_756, %swap3A_757] {strides = array<i32>} : memref<2x128xi32, #tpu.memory_space<vmem>>, vector<1x16xi32>,
      %swap3A_759 = vector.shape_cast %swap3A_758 : vector<1x16xi32> to vector<16xi32>
      %swap3A_760 = vector.shape_cast %add3A_754 : vector<16xi32> to vector<1x16xi32>
      tpu.vector_store %arg7[%swap3A_756, %swap3A_757], %swap3A_760 {strides = array<i32>} : memref<2x128xi32, #tpu.memory_space<vmem>>, vector<1x16xi32>,
      %get3A_761 = arith.constant 1 : i32
      %get3A_762 = arith.index_cast %get3A_761 : i32 to index
      %get3A_763 = arith.constant 32 : index
      %get3A_764 = tpu.vector_load %arg7[%get3A_762, %get3A_763] {strides = array<i32>} : memref<2x128xi32, #tpu.memory_space<vmem>>, vector<1x16xi32>,
      %get3A_765 = vector.shape_cast %get3A_764 : vector<1x16xi32> to vector<16xi32>
      %add3A_766 = vector.broadcast %mul3A_0 : i32 to vector<16xi32>
      %add3A_767 = arith.addi %get3A_765, %add3A_766 : vector<16xi32>
      %swap3A_768 = arith.constant 1 : i32
      %swap3A_769 = arith.index_cast %swap3A_768 : i32 to index
      %swap3A_770 = arith.constant 32 : index
      %swap3A_771 = tpu.vector_load %arg7[%swap3A_769, %swap3A_770] {strides = array<i32>} : memref<2x128xi32, #tpu.memory_space<vmem>>, vector<1x16xi32>,
      %swap3A_772 = vector.shape_cast %swap3A_771 : vector<1x16xi32> to vector<16xi32>
      %swap3A_773 = vector.shape_cast %add3A_767 : vector<16xi32> to vector<1x16xi32>
      tpu.vector_store %arg7[%swap3A_769, %swap3A_770], %swap3A_773 {strides = array<i32>} : memref<2x128xi32, #tpu.memory_space<vmem>>, vector<1x16xi32>,
      %get3A_774 = arith.constant 1 : i32
      %get3A_775 = arith.index_cast %get3A_774 : i32 to index
      %get3A_776 = arith.constant 48 : index
      %get3A_777 = tpu.vector_load %arg7[%get3A_775, %get3A_776] {strides = array<i32>} : memref<2x128xi32, #tpu.memory_space<vmem>>, vector<1x16xi32>,
      %get3A_778 = vector.shape_cast %get3A_777 : vector<1x16xi32> to vector<16xi32>
      %add3A_779 = vector.broadcast %mul3A_0 : i32 to vector<16xi32>
      %add3A_780 = arith.addi %get3A_778, %add3A_779 : vector<16xi32>
      %swap3A_781 = arith.constant 1 : i32
      %swap3A_782 = arith.index_cast %swap3A_781 : i32 to index
      %swap3A_783 = arith.constant 48 : index
      %swap3A_784 = tpu.vector_load %arg7[%swap3A_782, %swap3A_783] {strides = array<i32>} : memref<2x128xi32, #tpu.memory_space<vmem>>, vector<1x16xi32>,
      %swap3A_785 = vector.shape_cast %swap3A_784 : vector<1x16xi32> to vector<16xi32>
      %swap3A_786 = vector.shape_cast %add3A_780 : vector<16xi32> to vector<1x16xi32>
      tpu.vector_store %arg7[%swap3A_782, %swap3A_783], %swap3A_786 {strides = array<i32>} : memref<2x128xi32, #tpu.memory_space<vmem>>, vector<1x16xi32>,
      %get3A_787 = arith.constant 1 : i32
      %get3A_788 = arith.index_cast %get3A_787 : i32 to index
      %get3A_789 = arith.constant 64 : index
      %get3A_790 = tpu.vector_load %arg7[%get3A_788, %get3A_789] {strides = array<i32>} : memref<2x128xi32, #tpu.memory_space<vmem>>, vector<1x16xi32>,
      %get3A_791 = vector.shape_cast %get3A_790 : vector<1x16xi32> to vector<16xi32>
      %add3A_792 = vector.broadcast %mul3A_0 : i32 to vector<16xi32>
      %add3A_793 = arith.addi %get3A_791, %add3A_792 : vector<16xi32>
      %swap3A_794 = arith.constant 1 : i32
      %swap3A_795 = arith.index_cast %swap3A_794 : i32 to index
      %swap3A_796 = arith.constant 64 : index
      %swap3A_797 = tpu.vector_load %arg7[%swap3A_795, %swap3A_796] {strides = array<i32>} : memref<2x128xi32, #tpu.memory_space<vmem>>, vector<1x16xi32>,
      %swap3A_798 = vector.shape_cast %swap3A_797 : vector<1x16xi32> to vector<16xi32>
      %swap3A_799 = vector.shape_cast %add3A_793 : vector<16xi32> to vector<1x16xi32>
      tpu.vector_store %arg7[%swap3A_795, %swap3A_796], %swap3A_799 {strides = array<i32>} : memref<2x128xi32, #tpu.memory_space<vmem>>, vector<1x16xi32>,
      %get3A_800 = arith.constant 1 : i32
      %get3A_801 = arith.index_cast %get3A_800 : i32 to index
      %get3A_802 = arith.constant 80 : index
      %get3A_803 = tpu.vector_load %arg7[%get3A_801, %get3A_802] {strides = array<i32>} : memref<2x128xi32, #tpu.memory_space<vmem>>, vector<1x16xi32>,
      %get3A_804 = vector.shape_cast %get3A_803 : vector<1x16xi32> to vector<16xi32>
      %add3A_805 = vector.broadcast %mul3A_0 : i32 to vector<16xi32>
      %add3A_806 = arith.addi %get3A_804, %add3A_805 : vector<16xi32>
      %swap3A_807 = arith.constant 1 : i32
      %swap3A_808 = arith.index_cast %swap3A_807 : i32 to index
      %swap3A_809 = arith.constant 80 : index
      %swap3A_810 = tpu.vector_load %arg7[%swap3A_808, %swap3A_809] {strides = array<i32>} : memref<2x128xi32, #tpu.memory_space<vmem>>, vector<1x16xi32>,
      %swap3A_811 = vector.shape_cast %swap3A_810 : vector<1x16xi32> to vector<16xi32>
      %swap3A_812 = vector.shape_cast %add3A_806 : vector<16xi32> to vector<1x16xi32>
      tpu.vector_store %arg7[%swap3A_808, %swap3A_809], %swap3A_812 {strides = array<i32>} : memref<2x128xi32, #tpu.memory_space<vmem>>, vector<1x16xi32>,
      %get3A_813 = arith.constant 1 : i32
      %get3A_814 = arith.index_cast %get3A_813 : i32 to index
      %get3A_815 = arith.constant 96 : index
      %get3A_816 = tpu.vector_load %arg7[%get3A_814, %get3A_815] {strides = array<i32>} : memref<2x128xi32, #tpu.memory_space<vmem>>, vector<1x16xi32>,
      %get3A_817 = vector.shape_cast %get3A_816 : vector<1x16xi32> to vector<16xi32>
      %add3A_818 = vector.broadcast %mul3A_0 : i32 to vector<16xi32>
      %add3A_819 = arith.addi %get3A_817, %add3A_818 : vector<16xi32>
      %swap3A_820 = arith.constant 1 : i32
      %swap3A_821 = arith.index_cast %swap3A_820 : i32 to index
      %swap3A_822 = arith.constant 96 : index
      %swap3A_823 = tpu.vector_load %arg7[%swap3A_821, %swap3A_822] {strides = array<i32>} : memref<2x128xi32, #tpu.memory_space<vmem>>, vector<1x16xi32>,
      %swap3A_824 = vector.shape_cast %swap3A_823 : vector<1x16xi32> to vector<16xi32>
      %swap3A_825 = vector.shape_cast %add3A_819 : vector<16xi32> to vector<1x16xi32>
      tpu.vector_store %arg7[%swap3A_821, %swap3A_822], %swap3A_825 {strides = array<i32>} : memref<2x128xi32, #tpu.memory_space<vmem>>, vector<1x16xi32>,
      %get3A_826 = arith.constant 1 : i32
      %get3A_827 = arith.index_cast %get3A_826 : i32 to index
      %get3A_828 = arith.constant 112 : index
      %get3A_829 = tpu.vector_load %arg7[%get3A_827, %get3A_828] {strides = array<i32>} : memref<2x128xi32, #tpu.memory_space<vmem>>, vector<1x16xi32>,
      %get3A_830 = vector.shape_cast %get3A_829 : vector<1x16xi32> to vector<16xi32>
      %add3A_831 = vector.broadcast %mul3A_0 : i32 to vector<16xi32>
      %add3A_832 = arith.addi %get3A_830, %add3A_831 : vector<16xi32>
      %swap3A_833 = arith.constant 1 : i32
      %swap3A_834 = arith.index_cast %swap3A_833 : i32 to index
      %swap3A_835 = arith.constant 112 : index
      %swap3A_836 = tpu.vector_load %arg7[%swap3A_834, %swap3A_835] {strides = array<i32>} : memref<2x128xi32, #tpu.memory_space<vmem>>, vector<1x16xi32>,
      %swap3A_837 = vector.shape_cast %swap3A_836 : vector<1x16xi32> to vector<16xi32>
      %swap3A_838 = vector.shape_cast %add3A_832 : vector<16xi32> to vector<1x16xi32>
      tpu.vector_store %arg7[%swap3A_834, %swap3A_835], %swap3A_838 {strides = array<i32>} : memref<2x128xi32, #tpu.memory_space<vmem>>, vector<1x16xi32>,
      %mul3A_839 = arith.constant 2 : i32
      %mul3A_840 = arith.muli %mul3A_839, %scan3A_559 : i32
      %add3A_841 = arith.constant 1 : i32
      %add3A_842 = arith.addi %mul3A_840, %add3A_841 : i32
      %dma_start3A_843 = arith.constant 0 : i32
      %dma_start3A_844 = arith.constant 0 : i32
      %dma_start3A_845 = arith.constant 0 : i32
      %dma_start3A_846 = arith.constant 0 : i32
      %dma_start3A_847 = arith.constant 0 : i32
      %dma_start3A_848 = tpu.memref_slice %arg11[%dma_start3A_843, %dma_start3A_846, %dma_start3A_847] : memref<2x128x128xf32, #tpu.memory_space<vmem>> -> memref<1x128x128xf32, #tpu.memory_space<vmem>>
      %dma_start3A_849 = tpu.memref_squeeze %dma_start3A_848 : memref<1x128x128xf32, #tpu.memory_space<vmem>> -> memref<128x128xf32, #tpu.memory_space<vmem>>
      %dma_start3A_850 = arith.constant 0 : i32
      %dma_start3A_851 = tpu.memref_slice %arg10[%dma_start3A_844, %dma_start3A_850] : memref<2x128xi32, #tpu.memory_space<vmem>> -> memref<1x128xi32, #tpu.memory_space<vmem>>
      %dma_start3A_852 = tpu.memref_squeeze %dma_start3A_851 : memref<1x128xi32, #tpu.memory_space<vmem>> -> memref<128xi32, #tpu.memory_space<vmem>>
      %dma_start3A_853 = arith.constant 0 : i32
      %dma_start3A_854 = arith.constant 0 : i32
      %dma_start3A_855 = tpu.memref_slice %arg6[%dma_start3A_853, %dma_start3A_854] : memref<10240x128xf32, #tpu.memory_space<vmem_shared>> -> memref<10240x128xf32, #tpu.memory_space<vmem_shared>>
      %dma_start3A_856 = tpu.memref_slice %arg13[%dma_start3A_845] : memref<2x!tpu.dma_semaphore, #tpu.memory_space<semaphore_mem>> -> memref<1x!tpu.dma_semaphore, #tpu.memory_space<semaphore_mem>>
      %dma_start3A_857 = tpu.memref_squeeze %dma_start3A_856 : memref<1x!tpu.dma_semaphore, #tpu.memory_space<semaphore_mem>> -> memref<!tpu.dma_semaphore, #tpu.memory_space<semaphore_mem>>
      tpu.enqueue_indirect_dma source(%dma_start3A_849 : memref<128x128xf32, #tpu.memory_space<vmem>>) target(%dma_start3A_855 : memref<10240x128xf32, #tpu.memory_space<vmem_shared>>) offsets(%dma_start3A_852 : memref<128xi32, #tpu.memory_space<vmem>>) semaphore(%dma_start3A_857 : memref<!tpu.dma_semaphore, #tpu.memory_space<semaphore_mem>>) {add = true}
      %dma_start3A_858 = arith.constant 1 : i32
      %dma_start3A_859 = arith.constant 1 : i32
      %dma_start3A_860 = arith.constant 1 : i32
      %dma_start3A_861 = arith.constant 0 : i32
      %dma_start3A_862 = arith.constant 0 : i32
      %dma_start3A_863 = tpu.memref_slice %arg11[%dma_start3A_858, %dma_start3A_861, %dma_start3A_862] : memref<2x128x128xf32, #tpu.memory_space<vmem>> -> memref<1x128x128xf32, #tpu.memory_space<vmem>>
      %dma_start3A_864 = tpu.memref_squeeze %dma_start3A_863 : memref<1x128x128xf32, #tpu.memory_space<vmem>> -> memref<128x128xf32, #tpu.memory_space<vmem>>
      %dma_start3A_865 = arith.constant 0 : i32
      %dma_start3A_866 = tpu.memref_slice %arg10[%dma_start3A_859, %dma_start3A_865] : memref<2x128xi32, #tpu.memory_space<vmem>> -> memref<1x128xi32, #tpu.memory_space<vmem>>
      %dma_start3A_867 = tpu.memref_squeeze %dma_start3A_866 : memref<1x128xi32, #tpu.memory_space<vmem>> -> memref<128xi32, #tpu.memory_space<vmem>>
      %dma_start3A_868 = arith.constant 0 : i32
      %dma_start3A_869 = arith.constant 0 : i32
      %dma_start3A_870 = tpu.memref_slice %arg6[%dma_start3A_868, %dma_start3A_869] : memref<10240x128xf32, #tpu.memory_space<vmem_shared>> -> memref<10240x128xf32, #tpu.memory_space<vmem_shared>>
      %dma_start3A_871 = tpu.memref_slice %arg13[%dma_start3A_860] : memref<2x!tpu.dma_semaphore, #tpu.memory_space<semaphore_mem>> -> memref<1x!tpu.dma_semaphore, #tpu.memory_space<semaphore_mem>>
      %dma_start3A_872 = tpu.memref_squeeze %dma_start3A_871 : memref<1x!tpu.dma_semaphore, #tpu.memory_space<semaphore_mem>> -> memref<!tpu.dma_semaphore, #tpu.memory_space<semaphore_mem>>
      tpu.enqueue_indirect_dma source(%dma_start3A_864 : memref<128x128xf32, #tpu.memory_space<vmem>>) target(%dma_start3A_870 : memref<10240x128xf32, #tpu.memory_space<vmem_shared>>) offsets(%dma_start3A_867 : memref<128xi32, #tpu.memory_space<vmem>>) semaphore(%dma_start3A_872 : memref<!tpu.dma_semaphore, #tpu.memory_space<semaphore_mem>>) {add = true}
      %dma_wait3A_873 = arith.constant 0 : i32
      %dma_wait3A_874 = arith.constant 0 : i32
      %dma_wait3A_875 = arith.constant 0 : i32
      %dma_wait3A_876 = arith.constant 0 : i32
      %dma_wait3A_877 = arith.constant 0 : i32
      %dma_wait3A_878 = tpu.memref_slice %arg11[%dma_wait3A_873, %dma_wait3A_876, %dma_wait3A_877] : memref<2x128x128xf32, #tpu.memory_space<vmem>> -> memref<1x128x128xf32, #tpu.memory_space<vmem>>
      %dma_wait3A_879 = tpu.memref_squeeze %dma_wait3A_878 : memref<1x128x128xf32, #tpu.memory_space<vmem>> -> memref<128x128xf32, #tpu.memory_space<vmem>>
      %dma_wait3A_880 = arith.constant 0 : i32
      %dma_wait3A_881 = tpu.memref_slice %arg10[%dma_wait3A_874, %dma_wait3A_880] : memref<2x128xi32, #tpu.memory_space<vmem>> -> memref<1x128xi32, #tpu.memory_space<vmem>>
      %dma_wait3A_882 = tpu.memref_squeeze %dma_wait3A_881 : memref<1x128xi32, #tpu.memory_space<vmem>> -> memref<128xi32, #tpu.memory_space<vmem>>
      %dma_wait3A_883 = arith.constant 0 : i32
      %dma_wait3A_884 = arith.constant 0 : i32
      %dma_wait3A_885 = tpu.memref_slice %arg6[%dma_wait3A_883, %dma_wait3A_884] : memref<10240x128xf32, #tpu.memory_space<vmem_shared>> -> memref<10240x128xf32, #tpu.memory_space<vmem_shared>>
      %dma_wait3A_886 = tpu.memref_slice %arg13[%dma_wait3A_875] : memref<2x!tpu.dma_semaphore, #tpu.memory_space<semaphore_mem>> -> memref<1x!tpu.dma_semaphore, #tpu.memory_space<semaphore_mem>>
      %dma_wait3A_887 = tpu.memref_squeeze %dma_wait3A_886 : memref<1x!tpu.dma_semaphore, #tpu.memory_space<semaphore_mem>> -> memref<!tpu.dma_semaphore, #tpu.memory_space<semaphore_mem>>
      tpu.wait_indirect_dma semaphore(%dma_wait3A_887 : memref<!tpu.dma_semaphore, #tpu.memory_space<semaphore_mem>>) src(%dma_wait3A_879 : memref<128x128xf32, #tpu.memory_space<vmem>>) dst(%dma_wait3A_885 : memref<10240x128xf32, #tpu.memory_space<vmem_shared>>)
      %dma_wait3A_888 = arith.constant 1 : i32
      %dma_wait3A_889 = arith.constant 1 : i32
      %dma_wait3A_890 = arith.constant 1 : i32
      %dma_wait3A_891 = arith.constant 0 : i32
      %dma_wait3A_892 = arith.constant 0 : i32
      %dma_wait3A_893 = tpu.memref_slice %arg11[%dma_wait3A_888, %dma_wait3A_891, %dma_wait3A_892] : memref<2x128x128xf32, #tpu.memory_space<vmem>> -> memref<1x128x128xf32, #tpu.memory_space<vmem>>
      %dma_wait3A_894 = tpu.memref_squeeze %dma_wait3A_893 : memref<1x128x128xf32, #tpu.memory_space<vmem>> -> memref<128x128xf32, #tpu.memory_space<vmem>>
      %dma_wait3A_895 = arith.constant 0 : i32
      %dma_wait3A_896 = tpu.memref_slice %arg10[%dma_wait3A_889, %dma_wait3A_895] : memref<2x128xi32, #tpu.memory_space<vmem>> -> memref<1x128xi32, #tpu.memory_space<vmem>>
      %dma_wait3A_897 = tpu.memref_squeeze %dma_wait3A_896 : memref<1x128xi32, #tpu.memory_space<vmem>> -> memref<128xi32, #tpu.memory_space<vmem>>
      %dma_wait3A_898 = arith.constant 0 : i32
      %dma_wait3A_899 = arith.constant 0 : i32
      %dma_wait3A_900 = tpu.memref_slice %arg6[%dma_wait3A_898, %dma_wait3A_899] : memref<10240x128xf32, #tpu.memory_space<vmem_shared>> -> memref<10240x128xf32, #tpu.memory_space<vmem_shared>>
      %dma_wait3A_901 = tpu.memref_slice %arg13[%dma_wait3A_890] : memref<2x!tpu.dma_semaphore, #tpu.memory_space<semaphore_mem>> -> memref<1x!tpu.dma_semaphore, #tpu.memory_space<semaphore_mem>>
      %dma_wait3A_902 = tpu.memref_squeeze %dma_wait3A_901 : memref<1x!tpu.dma_semaphore, #tpu.memory_space<semaphore_mem>> -> memref<!tpu.dma_semaphore, #tpu.memory_space<semaphore_mem>>
      tpu.wait_indirect_dma semaphore(%dma_wait3A_902 : memref<!tpu.dma_semaphore, #tpu.memory_space<semaphore_mem>>) src(%dma_wait3A_894 : memref<128x128xf32, #tpu.memory_space<vmem>>) dst(%dma_wait3A_900 : memref<10240x128xf32, #tpu.memory_space<vmem_shared>>)
      %add3A_903 = arith.constant 2 : i32
      %add3A_904 = arith.addi %add3A_842, %add3A_903 : i32
      %mul3A_905 = arith.constant 80 : i32
      %mul3A_906 = arith.muli %arg1, %mul3A_905 : i32
      %mul3A_907 = arith.constant 2 : i32
      %mul3A_908 = arith.muli %mul3A_906, %mul3A_907 : i32
      %mul3A_909 = arith.constant 2 : i32
      %mul3A_910 = arith.muli %add3A_904, %mul3A_909 : i32
      %add3A_911 = arith.addi %mul3A_908, %mul3A_910 : i32
      "tpu.region"() ({
        %run_scoped3A = tpu.sem_alloc : memref<!tpu.dma_semaphore, #tpu.memory_space<semaphore_mem>>
        %dma_start3A_1120 = arith.constant 0 : i32
        %dma_start3A_1121 = tpu.memref_slice %arg3[%add3A_911, %dma_start3A_1120] : memref<2560x128xi32, #tpu.memory_space<hbm>> -> memref<2x128xi32, #tpu.memory_space<hbm>>
        %dma_start3A_1122 = arith.constant 0 : i32
        %dma_start3A_1123 = tpu.memref_slice %arg3[%add3A_911, %dma_start3A_1122] : memref<2560x128xi32, #tpu.memory_space<hbm>> -> memref<2x128xi32, #tpu.memory_space<hbm>>
        tpu.enqueue_dma source(%dma_start3A_1123 : memref<2x128xi32, #tpu.memory_space<hbm>>) target(%arg9 : memref<2x128xi32, #tpu.memory_space<vmem>>) target_semaphore(%run_scoped3A : memref<!tpu.dma_semaphore, #tpu.memory_space<semaphore_mem>>)
        %dma_wait3A_1124 = arith.constant 0 : i32
        %dma_wait3A_1125 = tpu.memref_slice %arg3[%add3A_911, %dma_wait3A_1124] : memref<2560x128xi32, #tpu.memory_space<hbm>> -> memref<2x128xi32, #tpu.memory_space<hbm>>
        %dma_wait3A_1126 = arith.constant 0 : i32
        %dma_wait3A_1127 = tpu.memref_slice %arg3[%add3A_911, %dma_wait3A_1126] : memref<2560x128xi32, #tpu.memory_space<hbm>> -> memref<2x128xi32, #tpu.memory_space<hbm>>
        tpu.wait_dma2 semaphore(%run_scoped3A : memref<!tpu.dma_semaphore, #tpu.memory_space<semaphore_mem>>) src(%dma_wait3A_1127 : memref<2x128xi32, #tpu.memory_space<hbm>>) dst(%arg9 : memref<2x128xi32, #tpu.memory_space<vmem>>)
        tpu.yield
      }) : () -> ()
      "tpu.region"() ({
        %run_scoped3A = tpu.sem_alloc : memref<!tpu.dma_semaphore, #tpu.memory_space<semaphore_mem>>
        %dma_start3A_1120 = arith.constant 0 : i32
        %dma_start3A_1121 = tpu.memref_slice %arg4[%add3A_911, %dma_start3A_1120] : memref<2560x128xi32, #tpu.memory_space<hbm>> -> memref<2x128xi32, #tpu.memory_space<hbm>>
        %dma_start3A_1122 = arith.constant 0 : i32
        %dma_start3A_1123 = tpu.memref_slice %arg4[%add3A_911, %dma_start3A_1122] : memref<2560x128xi32, #tpu.memory_space<hbm>> -> memref<2x128xi32, #tpu.memory_space<hbm>>
        tpu.enqueue_dma source(%dma_start3A_1123 : memref<2x128xi32, #tpu.memory_space<hbm>>) target(%arg10 : memref<2x128xi32, #tpu.memory_space<vmem>>) target_semaphore(%run_scoped3A : memref<!tpu.dma_semaphore, #tpu.memory_space<semaphore_mem>>)
        %dma_wait3A_1124 = arith.constant 0 : i32
        %dma_wait3A_1125 = tpu.memref_slice %arg4[%add3A_911, %dma_wait3A_1124] : memref<2560x128xi32, #tpu.memory_space<hbm>> -> memref<2x128xi32, #tpu.memory_space<hbm>>
        %dma_wait3A_1126 = arith.constant 0 : i32
        %dma_wait3A_1127 = tpu.memref_slice %arg4[%add3A_911, %dma_wait3A_1126] : memref<2560x128xi32, #tpu.memory_space<hbm>> -> memref<2x128xi32, #tpu.memory_space<hbm>>
        tpu.wait_dma2 semaphore(%run_scoped3A : memref<!tpu.dma_semaphore, #tpu.memory_space<semaphore_mem>>) src(%dma_wait3A_1127 : memref<2x128xi32, #tpu.memory_space<hbm>>) dst(%arg10 : memref<2x128xi32, #tpu.memory_space<vmem>>)
        tpu.yield
      }) : () -> ()
      %get3A_912 = arith.constant 0 : i32
      %get3A_913 = arith.index_cast %get3A_912 : i32 to index
      %get3A_914 = arith.constant 0 : index
      %get3A_915 = tpu.vector_load %arg9[%get3A_913, %get3A_914] {strides = array<i32>} : memref<2x128xi32, #tpu.memory_space<vmem>>, vector<1x16xi32>,
      %get3A_916 = vector.shape_cast %get3A_915 : vector<1x16xi32> to vector<16xi32>
      %add3A_917 = vector.broadcast %mul3A_0 : i32 to vector<16xi32>
      %add3A_918 = arith.addi %get3A_916, %add3A_917 : vector<16xi32>
      %swap3A_919 = arith.constant 0 : i32
      %swap3A_920 = arith.index_cast %swap3A_919 : i32 to index
      %swap3A_921 = arith.constant 0 : index
      %swap3A_922 = tpu.vector_load %arg9[%swap3A_920, %swap3A_921] {strides = array<i32>} : memref<2x128xi32, #tpu.memory_space<vmem>>, vector<1x16xi32>,
      %swap3A_923 = vector.shape_cast %swap3A_922 : vector<1x16xi32> to vector<16xi32>
      %swap3A_924 = vector.shape_cast %add3A_918 : vector<16xi32> to vector<1x16xi32>
      tpu.vector_store %arg9[%swap3A_920, %swap3A_921], %swap3A_924 {strides = array<i32>} : memref<2x128xi32, #tpu.memory_space<vmem>>, vector<1x16xi32>,
      %get3A_925 = arith.constant 0 : i32
      %get3A_926 = arith.index_cast %get3A_925 : i32 to index
      %get3A_927 = arith.constant 16 : index
      %get3A_928 = tpu.vector_load %arg9[%get3A_926, %get3A_927] {strides = array<i32>} : memref<2x128xi32, #tpu.memory_space<vmem>>, vector<1x16xi32>,
      %get3A_929 = vector.shape_cast %get3A_928 : vector<1x16xi32> to vector<16xi32>
      %add3A_930 = vector.broadcast %mul3A_0 : i32 to vector<16xi32>
      %add3A_931 = arith.addi %get3A_929, %add3A_930 : vector<16xi32>
      %swap3A_932 = arith.constant 0 : i32
      %swap3A_933 = arith.index_cast %swap3A_932 : i32 to index
      %swap3A_934 = arith.constant 16 : index
      %swap3A_935 = tpu.vector_load %arg9[%swap3A_933, %swap3A_934] {strides = array<i32>} : memref<2x128xi32, #tpu.memory_space<vmem>>, vector<1x16xi32>,
      %swap3A_936 = vector.shape_cast %swap3A_935 : vector<1x16xi32> to vector<16xi32>
      %swap3A_937 = vector.shape_cast %add3A_931 : vector<16xi32> to vector<1x16xi32>
      tpu.vector_store %arg9[%swap3A_933, %swap3A_934], %swap3A_937 {strides = array<i32>} : memref<2x128xi32, #tpu.memory_space<vmem>>, vector<1x16xi32>,
      %get3A_938 = arith.constant 0 : i32
      %get3A_939 = arith.index_cast %get3A_938 : i32 to index
      %get3A_940 = arith.constant 32 : index
      %get3A_941 = tpu.vector_load %arg9[%get3A_939, %get3A_940] {strides = array<i32>} : memref<2x128xi32, #tpu.memory_space<vmem>>, vector<1x16xi32>,
      %get3A_942 = vector.shape_cast %get3A_941 : vector<1x16xi32> to vector<16xi32>
      %add3A_943 = vector.broadcast %mul3A_0 : i32 to vector<16xi32>
      %add3A_944 = arith.addi %get3A_942, %add3A_943 : vector<16xi32>
      %swap3A_945 = arith.constant 0 : i32
      %swap3A_946 = arith.index_cast %swap3A_945 : i32 to index
      %swap3A_947 = arith.constant 32 : index
      %swap3A_948 = tpu.vector_load %arg9[%swap3A_946, %swap3A_947] {strides = array<i32>} : memref<2x128xi32, #tpu.memory_space<vmem>>, vector<1x16xi32>,
      %swap3A_949 = vector.shape_cast %swap3A_948 : vector<1x16xi32> to vector<16xi32>
      %swap3A_950 = vector.shape_cast %add3A_944 : vector<16xi32> to vector<1x16xi32>
      tpu.vector_store %arg9[%swap3A_946, %swap3A_947], %swap3A_950 {strides = array<i32>} : memref<2x128xi32, #tpu.memory_space<vmem>>, vector<1x16xi32>,
      %get3A_951 = arith.constant 0 : i32
      %get3A_952 = arith.index_cast %get3A_951 : i32 to index
      %get3A_953 = arith.constant 48 : index
      %get3A_954 = tpu.vector_load %arg9[%get3A_952, %get3A_953] {strides = array<i32>} : memref<2x128xi32, #tpu.memory_space<vmem>>, vector<1x16xi32>,
      %get3A_955 = vector.shape_cast %get3A_954 : vector<1x16xi32> to vector<16xi32>
      %add3A_956 = vector.broadcast %mul3A_0 : i32 to vector<16xi32>
      %add3A_957 = arith.addi %get3A_955, %add3A_956 : vector<16xi32>
      %swap3A_958 = arith.constant 0 : i32
      %swap3A_959 = arith.index_cast %swap3A_958 : i32 to index
      %swap3A_960 = arith.constant 48 : index
      %swap3A_961 = tpu.vector_load %arg9[%swap3A_959, %swap3A_960] {strides = array<i32>} : memref<2x128xi32, #tpu.memory_space<vmem>>, vector<1x16xi32>,
      %swap3A_962 = vector.shape_cast %swap3A_961 : vector<1x16xi32> to vector<16xi32>
      %swap3A_963 = vector.shape_cast %add3A_957 : vector<16xi32> to vector<1x16xi32>
      tpu.vector_store %arg9[%swap3A_959, %swap3A_960], %swap3A_963 {strides = array<i32>} : memref<2x128xi32, #tpu.memory_space<vmem>>, vector<1x16xi32>,
      %get3A_964 = arith.constant 0 : i32
      %get3A_965 = arith.index_cast %get3A_964 : i32 to index
      %get3A_966 = arith.constant 64 : index
      %get3A_967 = tpu.vector_load %arg9[%get3A_965, %get3A_966] {strides = array<i32>} : memref<2x128xi32, #tpu.memory_space<vmem>>, vector<1x16xi32>,
      %get3A_968 = vector.shape_cast %get3A_967 : vector<1x16xi32> to vector<16xi32>
      %add3A_969 = vector.broadcast %mul3A_0 : i32 to vector<16xi32>
      %add3A_970 = arith.addi %get3A_968, %add3A_969 : vector<16xi32>
      %swap3A_971 = arith.constant 0 : i32
      %swap3A_972 = arith.index_cast %swap3A_971 : i32 to index
      %swap3A_973 = arith.constant 64 : index
      %swap3A_974 = tpu.vector_load %arg9[%swap3A_972, %swap3A_973] {strides = array<i32>} : memref<2x128xi32, #tpu.memory_space<vmem>>, vector<1x16xi32>,
      %swap3A_975 = vector.shape_cast %swap3A_974 : vector<1x16xi32> to vector<16xi32>
      %swap3A_976 = vector.shape_cast %add3A_970 : vector<16xi32> to vector<1x16xi32>
      tpu.vector_store %arg9[%swap3A_972, %swap3A_973], %swap3A_976 {strides = array<i32>} : memref<2x128xi32, #tpu.memory_space<vmem>>, vector<1x16xi32>,
      %get3A_977 = arith.constant 0 : i32
      %get3A_978 = arith.index_cast %get3A_977 : i32 to index
      %get3A_979 = arith.constant 80 : index
      %get3A_980 = tpu.vector_load %arg9[%get3A_978, %get3A_979] {strides = array<i32>} : memref<2x128xi32, #tpu.memory_space<vmem>>, vector<1x16xi32>,
      %get3A_981 = vector.shape_cast %get3A_980 : vector<1x16xi32> to vector<16xi32>
      %add3A_982 = vector.broadcast %mul3A_0 : i32 to vector<16xi32>
      %add3A_983 = arith.addi %get3A_981, %add3A_982 : vector<16xi32>
      %swap3A_984 = arith.constant 0 : i32
      %swap3A_985 = arith.index_cast %swap3A_984 : i32 to index
      %swap3A_986 = arith.constant 80 : index
      %swap3A_987 = tpu.vector_load %arg9[%swap3A_985, %swap3A_986] {strides = array<i32>} : memref<2x128xi32, #tpu.memory_space<vmem>>, vector<1x16xi32>,
      %swap3A_988 = vector.shape_cast %swap3A_987 : vector<1x16xi32> to vector<16xi32>
      %swap3A_989 = vector.shape_cast %add3A_983 : vector<16xi32> to vector<1x16xi32>
      tpu.vector_store %arg9[%swap3A_985, %swap3A_986], %swap3A_989 {strides = array<i32>} : memref<2x128xi32, #tpu.memory_space<vmem>>, vector<1x16xi32>,
      %get3A_990 = arith.constant 0 : i32
      %get3A_991 = arith.index_cast %get3A_990 : i32 to index
      %get3A_992 = arith.constant 96 : index
      %get3A_993 = tpu.vector_load %arg9[%get3A_991, %get3A_992] {strides = array<i32>} : memref<2x128xi32, #tpu.memory_space<vmem>>, vector<1x16xi32>,
      %get3A_994 = vector.shape_cast %get3A_993 : vector<1x16xi32> to vector<16xi32>
      %add3A_995 = vector.broadcast %mul3A_0 : i32 to vector<16xi32>
      %add3A_996 = arith.addi %get3A_994, %add3A_995 : vector<16xi32>
      %swap3A_997 = arith.constant 0 : i32
      %swap3A_998 = arith.index_cast %swap3A_997 : i32 to index
      %swap3A_999 = arith.constant 96 : index
      %swap3A_1000 = tpu.vector_load %arg9[%swap3A_998, %swap3A_999] {strides = array<i32>} : memref<2x128xi32, #tpu.memory_space<vmem>>, vector<1x16xi32>,
      %swap3A_1001 = vector.shape_cast %swap3A_1000 : vector<1x16xi32> to vector<16xi32>
      %swap3A_1002 = vector.shape_cast %add3A_996 : vector<16xi32> to vector<1x16xi32>
      tpu.vector_store %arg9[%swap3A_998, %swap3A_999], %swap3A_1002 {strides = array<i32>} : memref<2x128xi32, #tpu.memory_space<vmem>>, vector<1x16xi32>,
      %get3A_1003 = arith.constant 0 : i32
      %get3A_1004 = arith.index_cast %get3A_1003 : i32 to index
      %get3A_1005 = arith.constant 112 : index
      %get3A_1006 = tpu.vector_load %arg9[%get3A_1004, %get3A_1005] {strides = array<i32>} : memref<2x128xi32, #tpu.memory_space<vmem>>, vector<1x16xi32>,
      %get3A_1007 = vector.shape_cast %get3A_1006 : vector<1x16xi32> to vector<16xi32>
      %add3A_1008 = vector.broadcast %mul3A_0 : i32 to vector<16xi32>
      %add3A_1009 = arith.addi %get3A_1007, %add3A_1008 : vector<16xi32>
      %swap3A_1010 = arith.constant 0 : i32
      %swap3A_1011 = arith.index_cast %swap3A_1010 : i32 to index
      %swap3A_1012 = arith.constant 112 : index
      %swap3A_1013 = tpu.vector_load %arg9[%swap3A_1011, %swap3A_1012] {strides = array<i32>} : memref<2x128xi32, #tpu.memory_space<vmem>>, vector<1x16xi32>,
      %swap3A_1014 = vector.shape_cast %swap3A_1013 : vector<1x16xi32> to vector<16xi32>
      %swap3A_1015 = vector.shape_cast %add3A_1009 : vector<16xi32> to vector<1x16xi32>
      tpu.vector_store %arg9[%swap3A_1011, %swap3A_1012], %swap3A_1015 {strides = array<i32>} : memref<2x128xi32, #tpu.memory_space<vmem>>, vector<1x16xi32>,
      %get3A_1016 = arith.constant 1 : i32
      %get3A_1017 = arith.index_cast %get3A_1016 : i32 to index
      %get3A_1018 = arith.constant 0 : index
      %get3A_1019 = tpu.vector_load %arg9[%get3A_1017, %get3A_1018] {strides = array<i32>} : memref<2x128xi32, #tpu.memory_space<vmem>>, vector<1x16xi32>,
      %get3A_1020 = vector.shape_cast %get3A_1019 : vector<1x16xi32> to vector<16xi32>
      %add3A_1021 = vector.broadcast %mul3A_0 : i32 to vector<16xi32>
      %add3A_1022 = arith.addi %get3A_1020, %add3A_1021 : vector<16xi32>
      %swap3A_1023 = arith.constant 1 : i32
      %swap3A_1024 = arith.index_cast %swap3A_1023 : i32 to index
      %swap3A_1025 = arith.constant 0 : index
      %swap3A_1026 = tpu.vector_load %arg9[%swap3A_1024, %swap3A_1025] {strides = array<i32>} : memref<2x128xi32, #tpu.memory_space<vmem>>, vector<1x16xi32>,
      %swap3A_1027 = vector.shape_cast %swap3A_1026 : vector<1x16xi32> to vector<16xi32>
      %swap3A_1028 = vector.shape_cast %add3A_1022 : vector<16xi32> to vector<1x16xi32>
      tpu.vector_store %arg9[%swap3A_1024, %swap3A_1025], %swap3A_1028 {strides = array<i32>} : memref<2x128xi32, #tpu.memory_space<vmem>>, vector<1x16xi32>,
      %get3A_1029 = arith.constant 1 : i32
      %get3A_1030 = arith.index_cast %get3A_1029 : i32 to index
      %get3A_1031 = arith.constant 16 : index
      %get3A_1032 = tpu.vector_load %arg9[%get3A_1030, %get3A_1031] {strides = array<i32>} : memref<2x128xi32, #tpu.memory_space<vmem>>, vector<1x16xi32>,
      %get3A_1033 = vector.shape_cast %get3A_1032 : vector<1x16xi32> to vector<16xi32>
      %add3A_1034 = vector.broadcast %mul3A_0 : i32 to vector<16xi32>
      %add3A_1035 = arith.addi %get3A_1033, %add3A_1034 : vector<16xi32>
      %swap3A_1036 = arith.constant 1 : i32
      %swap3A_1037 = arith.index_cast %swap3A_1036 : i32 to index
      %swap3A_1038 = arith.constant 16 : index
      %swap3A_1039 = tpu.vector_load %arg9[%swap3A_1037, %swap3A_1038] {strides = array<i32>} : memref<2x128xi32, #tpu.memory_space<vmem>>, vector<1x16xi32>,
      %swap3A_1040 = vector.shape_cast %swap3A_1039 : vector<1x16xi32> to vector<16xi32>
      %swap3A_1041 = vector.shape_cast %add3A_1035 : vector<16xi32> to vector<1x16xi32>
      tpu.vector_store %arg9[%swap3A_1037, %swap3A_1038], %swap3A_1041 {strides = array<i32>} : memref<2x128xi32, #tpu.memory_space<vmem>>, vector<1x16xi32>,
      %get3A_1042 = arith.constant 1 : i32
      %get3A_1043 = arith.index_cast %get3A_1042 : i32 to index
      %get3A_1044 = arith.constant 32 : index
      %get3A_1045 = tpu.vector_load %arg9[%get3A_1043, %get3A_1044] {strides = array<i32>} : memref<2x128xi32, #tpu.memory_space<vmem>>, vector<1x16xi32>,
      %get3A_1046 = vector.shape_cast %get3A_1045 : vector<1x16xi32> to vector<16xi32>
      %add3A_1047 = vector.broadcast %mul3A_0 : i32 to vector<16xi32>
      %add3A_1048 = arith.addi %get3A_1046, %add3A_1047 : vector<16xi32>
      %swap3A_1049 = arith.constant 1 : i32
      %swap3A_1050 = arith.index_cast %swap3A_1049 : i32 to index
      %swap3A_1051 = arith.constant 32 : index
      %swap3A_1052 = tpu.vector_load %arg9[%swap3A_1050, %swap3A_1051] {strides = array<i32>} : memref<2x128xi32, #tpu.memory_space<vmem>>, vector<1x16xi32>,
      %swap3A_1053 = vector.shape_cast %swap3A_1052 : vector<1x16xi32> to vector<16xi32>
      %swap3A_1054 = vector.shape_cast %add3A_1048 : vector<16xi32> to vector<1x16xi32>
      tpu.vector_store %arg9[%swap3A_1050, %swap3A_1051], %swap3A_1054 {strides = array<i32>} : memref<2x128xi32, #tpu.memory_space<vmem>>, vector<1x16xi32>,
      %get3A_1055 = arith.constant 1 : i32
      %get3A_1056 = arith.index_cast %get3A_1055 : i32 to index
      %get3A_1057 = arith.constant 48 : index
      %get3A_1058 = tpu.vector_load %arg9[%get3A_1056, %get3A_1057] {strides = array<i32>} : memref<2x128xi32, #tpu.memory_space<vmem>>, vector<1x16xi32>,
      %get3A_1059 = vector.shape_cast %get3A_1058 : vector<1x16xi32> to vector<16xi32>
      %add3A_1060 = vector.broadcast %mul3A_0 : i32 to vector<16xi32>
      %add3A_1061 = arith.addi %get3A_1059, %add3A_1060 : vector<16xi32>
      %swap3A_1062 = arith.constant 1 : i32
      %swap3A_1063 = arith.index_cast %swap3A_1062 : i32 to index
      %swap3A_1064 = arith.constant 48 : index
      %swap3A_1065 = tpu.vector_load %arg9[%swap3A_1063, %swap3A_1064] {strides = array<i32>} : memref<2x128xi32, #tpu.memory_space<vmem>>, vector<1x16xi32>,
      %swap3A_1066 = vector.shape_cast %swap3A_1065 : vector<1x16xi32> to vector<16xi32>
      %swap3A_1067 = vector.shape_cast %add3A_1061 : vector<16xi32> to vector<1x16xi32>
      tpu.vector_store %arg9[%swap3A_1063, %swap3A_1064], %swap3A_1067 {strides = array<i32>} : memref<2x128xi32, #tpu.memory_space<vmem>>, vector<1x16xi32>,
      %get3A_1068 = arith.constant 1 : i32
      %get3A_1069 = arith.index_cast %get3A_1068 : i32 to index
      %get3A_1070 = arith.constant 64 : index
      %get3A_1071 = tpu.vector_load %arg9[%get3A_1069, %get3A_1070] {strides = array<i32>} : memref<2x128xi32, #tpu.memory_space<vmem>>, vector<1x16xi32>,
      %get3A_1072 = vector.shape_cast %get3A_1071 : vector<1x16xi32> to vector<16xi32>
      %add3A_1073 = vector.broadcast %mul3A_0 : i32 to vector<16xi32>
      %add3A_1074 = arith.addi %get3A_1072, %add3A_1073 : vector<16xi32>
      %swap3A_1075 = arith.constant 1 : i32
      %swap3A_1076 = arith.index_cast %swap3A_1075 : i32 to index
      %swap3A_1077 = arith.constant 64 : index
      %swap3A_1078 = tpu.vector_load %arg9[%swap3A_1076, %swap3A_1077] {strides = array<i32>} : memref<2x128xi32, #tpu.memory_space<vmem>>, vector<1x16xi32>,
      %swap3A_1079 = vector.shape_cast %swap3A_1078 : vector<1x16xi32> to vector<16xi32>
      %swap3A_1080 = vector.shape_cast %add3A_1074 : vector<16xi32> to vector<1x16xi32>
      tpu.vector_store %arg9[%swap3A_1076, %swap3A_1077], %swap3A_1080 {strides = array<i32>} : memref<2x128xi32, #tpu.memory_space<vmem>>, vector<1x16xi32>,
      %get3A_1081 = arith.constant 1 : i32
      %get3A_1082 = arith.index_cast %get3A_1081 : i32 to index
      %get3A_1083 = arith.constant 80 : index
      %get3A_1084 = tpu.vector_load %arg9[%get3A_1082, %get3A_1083] {strides = array<i32>} : memref<2x128xi32, #tpu.memory_space<vmem>>, vector<1x16xi32>,
      %get3A_1085 = vector.shape_cast %get3A_1084 : vector<1x16xi32> to vector<16xi32>
      %add3A_1086 = vector.broadcast %mul3A_0 : i32 to vector<16xi32>
      %add3A_1087 = arith.addi %get3A_1085, %add3A_1086 : vector<16xi32>
      %swap3A_1088 = arith.constant 1 : i32
      %swap3A_1089 = arith.index_cast %swap3A_1088 : i32 to index
      %swap3A_1090 = arith.constant 80 : index
      %swap3A_1091 = tpu.vector_load %arg9[%swap3A_1089, %swap3A_1090] {strides = array<i32>} : memref<2x128xi32, #tpu.memory_space<vmem>>, vector<1x16xi32>,
      %swap3A_1092 = vector.shape_cast %swap3A_1091 : vector<1x16xi32> to vector<16xi32>
      %swap3A_1093 = vector.shape_cast %add3A_1087 : vector<16xi32> to vector<1x16xi32>
      tpu.vector_store %arg9[%swap3A_1089, %swap3A_1090], %swap3A_1093 {strides = array<i32>} : memref<2x128xi32, #tpu.memory_space<vmem>>, vector<1x16xi32>,
      %get3A_1094 = arith.constant 1 : i32
      %get3A_1095 = arith.index_cast %get3A_1094 : i32 to index
      %get3A_1096 = arith.constant 96 : index
      %get3A_1097 = tpu.vector_load %arg9[%get3A_1095, %get3A_1096] {strides = array<i32>} : memref<2x128xi32, #tpu.memory_space<vmem>>, vector<1x16xi32>,
      %get3A_1098 = vector.shape_cast %get3A_1097 : vector<1x16xi32> to vector<16xi32>
      %add3A_1099 = vector.broadcast %mul3A_0 : i32 to vector<16xi32>
      %add3A_1100 = arith.addi %get3A_1098, %add3A_1099 : vector<16xi32>
      %swap3A_1101 = arith.constant 1 : i32
      %swap3A_1102 = arith.index_cast %swap3A_1101 : i32 to index
      %swap3A_1103 = arith.constant 96 : index
      %swap3A_1104 = tpu.vector_load %arg9[%swap3A_1102, %swap3A_1103] {strides = array<i32>} : memref<2x128xi32, #tpu.memory_space<vmem>>, vector<1x16xi32>,
      %swap3A_1105 = vector.shape_cast %swap3A_1104 : vector<1x16xi32> to vector<16xi32>
      %swap3A_1106 = vector.shape_cast %add3A_1100 : vector<16xi32> to vector<1x16xi32>
      tpu.vector_store %arg9[%swap3A_1102, %swap3A_1103], %swap3A_1106 {strides = array<i32>} : memref<2x128xi32, #tpu.memory_space<vmem>>, vector<1x16xi32>,
      %get3A_1107 = arith.constant 1 : i32
      %get3A_1108 = arith.index_cast %get3A_1107 : i32 to index
      %get3A_1109 = arith.constant 112 : index
      %get3A_1110 = tpu.vector_load %arg9[%get3A_1108, %get3A_1109] {strides = array<i32>} : memref<2x128xi32, #tpu.memory_space<vmem>>, vector<1x16xi32>,
      %get3A_1111 = vector.shape_cast %get3A_1110 : vector<1x16xi32> to vector<16xi32>
      %add3A_1112 = vector.broadcast %mul3A_0 : i32 to vector<16xi32>
      %add3A_1113 = arith.addi %get3A_1111, %add3A_1112 : vector<16xi32>
      %swap3A_1114 = arith.constant 1 : i32
      %swap3A_1115 = arith.index_cast %swap3A_1114 : i32 to index
      %swap3A_1116 = arith.constant 112 : index
      %swap3A_1117 = tpu.vector_load %arg9[%swap3A_1115, %swap3A_1116] {strides = array<i32>} : memref<2x128xi32, #tpu.memory_space<vmem>>, vector<1x16xi32>,
      %swap3A_1118 = vector.shape_cast %swap3A_1117 : vector<1x16xi32> to vector<16xi32>
      %swap3A_1119 = vector.shape_cast %add3A_1113 : vector<16xi32> to vector<1x16xi32>
      tpu.vector_store %arg9[%swap3A_1115, %swap3A_1116], %swap3A_1119 {strides = array<i32>} : memref<2x128xi32, #tpu.memory_space<vmem>>, vector<1x16xi32>,
    }
    %scan3A_435 = arith.constant 39 : i32
    %dma_start3A = arith.constant 0 : i32
    %dma_start3A_436 = arith.constant 0 : i32
    %dma_start3A_437 = arith.constant 0 : i32
    %dma_start3A_438 = arith.constant 0 : i32
    %dma_start3A_439 = arith.constant 0 : i32
    %dma_start3A_440 = tpu.memref_slice %arg11[%dma_start3A, %dma_start3A_438, %dma_start3A_439] : memref<2x128x128xf32, #tpu.memory_space<vmem>> -> memref<1x128x128xf32, #tpu.memory_space<vmem>>
    %dma_start3A_441 = tpu.memref_squeeze %dma_start3A_440 : memref<1x128x128xf32, #tpu.memory_space<vmem>> -> memref<128x128xf32, #tpu.memory_space<vmem>>
    %dma_start3A_442 = arith.constant 0 : i32
    %dma_start3A_443 = tpu.memref_slice %arg8[%dma_start3A_436, %dma_start3A_442] : memref<2x128xi32, #tpu.memory_space<vmem>> -> memref<1x128xi32, #tpu.memory_space<vmem>>
    %dma_start3A_444 = tpu.memref_squeeze %dma_start3A_443 : memref<1x128xi32, #tpu.memory_space<vmem>> -> memref<128xi32, #tpu.memory_space<vmem>>
    %dma_start3A_445 = arith.constant 0 : i32
    %dma_start3A_446 = arith.constant 0 : i32
    %dma_start3A_447 = tpu.memref_slice %arg6[%dma_start3A_445, %dma_start3A_446] : memref<10240x128xf32, #tpu.memory_space<vmem_shared>> -> memref<10240x128xf32, #tpu.memory_space<vmem_shared>>
    %dma_start3A_448 = tpu.memref_slice %arg13[%dma_start3A_437] : memref<2x!tpu.dma_semaphore, #tpu.memory_space<semaphore_mem>> -> memref<1x!tpu.dma_semaphore, #tpu.memory_space<semaphore_mem>>
    %dma_start3A_449 = tpu.memref_squeeze %dma_start3A_448 : memref<1x!tpu.dma_semaphore, #tpu.memory_space<semaphore_mem>> -> memref<!tpu.dma_semaphore, #tpu.memory_space<semaphore_mem>>
    tpu.enqueue_indirect_dma source(%dma_start3A_441 : memref<128x128xf32, #tpu.memory_space<vmem>>) target(%dma_start3A_447 : memref<10240x128xf32, #tpu.memory_space<vmem_shared>>) offsets(%dma_start3A_444 : memref<128xi32, #tpu.memory_space<vmem>>) semaphore(%dma_start3A_449 : memref<!tpu.dma_semaphore, #tpu.memory_space<semaphore_mem>>) {add = true}
    %dma_start3A_450 = arith.constant 1 : i32
    %dma_start3A_451 = arith.constant 1 : i32
    %dma_start3A_452 = arith.constant 1 : i32
    %dma_start3A_453 = arith.constant 0 : i32
    %dma_start3A_454 = arith.constant 0 : i32
    %dma_start3A_455 = tpu.memref_slice %arg11[%dma_start3A_450, %dma_start3A_453, %dma_start3A_454] : memref<2x128x128xf32, #tpu.memory_space<vmem>> -> memref<1x128x128xf32, #tpu.memory_space<vmem>>
    %dma_start3A_456 = tpu.memref_squeeze %dma_start3A_455 : memref<1x128x128xf32, #tpu.memory_space<vmem>> -> memref<128x128xf32, #tpu.memory_space<vmem>>
    %dma_start3A_457 = arith.constant 0 : i32
    %dma_start3A_458 = tpu.memref_slice %arg8[%dma_start3A_451, %dma_start3A_457] : memref<2x128xi32, #tpu.memory_space<vmem>> -> memref<1x128xi32, #tpu.memory_space<vmem>>
    %dma_start3A_459 = tpu.memref_squeeze %dma_start3A_458 : memref<1x128xi32, #tpu.memory_space<vmem>> -> memref<128xi32, #tpu.memory_space<vmem>>
    %dma_start3A_460 = arith.constant 0 : i32
    %dma_start3A_461 = arith.constant 0 : i32
    %dma_start3A_462 = tpu.memref_slice %arg6[%dma_start3A_460, %dma_start3A_461] : memref<10240x128xf32, #tpu.memory_space<vmem_shared>> -> memref<10240x128xf32, #tpu.memory_space<vmem_shared>>
    %dma_start3A_463 = tpu.memref_slice %arg13[%dma_start3A_452] : memref<2x!tpu.dma_semaphore, #tpu.memory_space<semaphore_mem>> -> memref<1x!tpu.dma_semaphore, #tpu.memory_space<semaphore_mem>>
    %dma_start3A_464 = tpu.memref_squeeze %dma_start3A_463 : memref<1x!tpu.dma_semaphore, #tpu.memory_space<semaphore_mem>> -> memref<!tpu.dma_semaphore, #tpu.memory_space<semaphore_mem>>
    tpu.enqueue_indirect_dma source(%dma_start3A_456 : memref<128x128xf32, #tpu.memory_space<vmem>>) target(%dma_start3A_462 : memref<10240x128xf32, #tpu.memory_space<vmem_shared>>) offsets(%dma_start3A_459 : memref<128xi32, #tpu.memory_space<vmem>>) semaphore(%dma_start3A_464 : memref<!tpu.dma_semaphore, #tpu.memory_space<semaphore_mem>>) {add = true}
    %dma_wait3A = arith.constant 0 : i32
    %dma_wait3A_465 = arith.constant 0 : i32
    %dma_wait3A_466 = arith.constant 0 : i32
    %dma_wait3A_467 = arith.constant 0 : i32
    %dma_wait3A_468 = arith.constant 0 : i32
    %dma_wait3A_469 = tpu.memref_slice %arg11[%dma_wait3A, %dma_wait3A_467, %dma_wait3A_468] : memref<2x128x128xf32, #tpu.memory_space<vmem>> -> memref<1x128x128xf32, #tpu.memory_space<vmem>>
    %dma_wait3A_470 = tpu.memref_squeeze %dma_wait3A_469 : memref<1x128x128xf32, #tpu.memory_space<vmem>> -> memref<128x128xf32, #tpu.memory_space<vmem>>
    %dma_wait3A_471 = arith.constant 0 : i32
    %dma_wait3A_472 = tpu.memref_slice %arg8[%dma_wait3A_465, %dma_wait3A_471] : memref<2x128xi32, #tpu.memory_space<vmem>> -> memref<1x128xi32, #tpu.memory_space<vmem>>
    %dma_wait3A_473 = tpu.memref_squeeze %dma_wait3A_472 : memref<1x128xi32, #tpu.memory_space<vmem>> -> memref<128xi32, #tpu.memory_space<vmem>>
    %dma_wait3A_474 = arith.constant 0 : i32
    %dma_wait3A_475 = arith.constant 0 : i32
    %dma_wait3A_476 = tpu.memref_slice %arg6[%dma_wait3A_474, %dma_wait3A_475] : memref<10240x128xf32, #tpu.memory_space<vmem_shared>> -> memref<10240x128xf32, #tpu.memory_space<vmem_shared>>
    %dma_wait3A_477 = tpu.memref_slice %arg13[%dma_wait3A_466] : memref<2x!tpu.dma_semaphore, #tpu.memory_space<semaphore_mem>> -> memref<1x!tpu.dma_semaphore, #tpu.memory_space<semaphore_mem>>
    %dma_wait3A_478 = tpu.memref_squeeze %dma_wait3A_477 : memref<1x!tpu.dma_semaphore, #tpu.memory_space<semaphore_mem>> -> memref<!tpu.dma_semaphore, #tpu.memory_space<semaphore_mem>>
    tpu.wait_indirect_dma semaphore(%dma_wait3A_478 : memref<!tpu.dma_semaphore, #tpu.memory_space<semaphore_mem>>) src(%dma_wait3A_470 : memref<128x128xf32, #tpu.memory_space<vmem>>) dst(%dma_wait3A_476 : memref<10240x128xf32, #tpu.memory_space<vmem_shared>>)
    %dma_wait3A_479 = arith.constant 1 : i32
    %dma_wait3A_480 = arith.constant 1 : i32
    %dma_wait3A_481 = arith.constant 1 : i32
    %dma_wait3A_482 = arith.constant 0 : i32
    %dma_wait3A_483 = arith.constant 0 : i32
    %dma_wait3A_484 = tpu.memref_slice %arg11[%dma_wait3A_479, %dma_wait3A_482, %dma_wait3A_483] : memref<2x128x128xf32, #tpu.memory_space<vmem>> -> memref<1x128x128xf32, #tpu.memory_space<vmem>>
    %dma_wait3A_485 = tpu.memref_squeeze %dma_wait3A_484 : memref<1x128x128xf32, #tpu.memory_space<vmem>> -> memref<128x128xf32, #tpu.memory_space<vmem>>
    %dma_wait3A_486 = arith.constant 0 : i32
    %dma_wait3A_487 = tpu.memref_slice %arg8[%dma_wait3A_480, %dma_wait3A_486] : memref<2x128xi32, #tpu.memory_space<vmem>> -> memref<1x128xi32, #tpu.memory_space<vmem>>
    %dma_wait3A_488 = tpu.memref_squeeze %dma_wait3A_487 : memref<1x128xi32, #tpu.memory_space<vmem>> -> memref<128xi32, #tpu.memory_space<vmem>>
    %dma_wait3A_489 = arith.constant 0 : i32
    %dma_wait3A_490 = arith.constant 0 : i32
    %dma_wait3A_491 = tpu.memref_slice %arg6[%dma_wait3A_489, %dma_wait3A_490] : memref<10240x128xf32, #tpu.memory_space<vmem_shared>> -> memref<10240x128xf32, #tpu.memory_space<vmem_shared>>
    %dma_wait3A_492 = tpu.memref_slice %arg13[%dma_wait3A_481] : memref<2x!tpu.dma_semaphore, #tpu.memory_space<semaphore_mem>> -> memref<1x!tpu.dma_semaphore, #tpu.memory_space<semaphore_mem>>
    %dma_wait3A_493 = tpu.memref_squeeze %dma_wait3A_492 : memref<1x!tpu.dma_semaphore, #tpu.memory_space<semaphore_mem>> -> memref<!tpu.dma_semaphore, #tpu.memory_space<semaphore_mem>>
    tpu.wait_indirect_dma semaphore(%dma_wait3A_493 : memref<!tpu.dma_semaphore, #tpu.memory_space<semaphore_mem>>) src(%dma_wait3A_485 : memref<128x128xf32, #tpu.memory_space<vmem>>) dst(%dma_wait3A_491 : memref<10240x128xf32, #tpu.memory_space<vmem_shared>>)
    %dma_start3A_494 = arith.constant 0 : i32
    %dma_start3A_495 = arith.constant 0 : i32
    %dma_start3A_496 = arith.constant 0 : i32
    %dma_start3A_497 = arith.constant 0 : i32
    %dma_start3A_498 = arith.constant 0 : i32
    %dma_start3A_499 = tpu.memref_slice %arg11[%dma_start3A_494, %dma_start3A_497, %dma_start3A_498] : memref<2x128x128xf32, #tpu.memory_space<vmem>> -> memref<1x128x128xf32, #tpu.memory_space<vmem>>
    %dma_start3A_500 = tpu.memref_squeeze %dma_start3A_499 : memref<1x128x128xf32, #tpu.memory_space<vmem>> -> memref<128x128xf32, #tpu.memory_space<vmem>>
    %dma_start3A_501 = arith.constant 0 : i32
    %dma_start3A_502 = tpu.memref_slice %arg10[%dma_start3A_495, %dma_start3A_501] : memref<2x128xi32, #tpu.memory_space<vmem>> -> memref<1x128xi32, #tpu.memory_space<vmem>>
    %dma_start3A_503 = tpu.memref_squeeze %dma_start3A_502 : memref<1x128xi32, #tpu.memory_space<vmem>> -> memref<128xi32, #tpu.memory_space<vmem>>
    %dma_start3A_504 = arith.constant 0 : i32
    %dma_start3A_505 = arith.constant 0 : i32
    %dma_start3A_506 = tpu.memref_slice %arg6[%dma_start3A_504, %dma_start3A_505] : memref<10240x128xf32, #tpu.memory_space<vmem_shared>> -> memref<10240x128xf32, #tpu.memory_space<vmem_shared>>
    %dma_start3A_507 = tpu.memref_slice %arg13[%dma_start3A_496] : memref<2x!tpu.dma_semaphore, #tpu.memory_space<semaphore_mem>> -> memref<1x!tpu.dma_semaphore, #tpu.memory_space<semaphore_mem>>
    %dma_start3A_508 = tpu.memref_squeeze %dma_start3A_507 : memref<1x!tpu.dma_semaphore, #tpu.memory_space<semaphore_mem>> -> memref<!tpu.dma_semaphore, #tpu.memory_space<semaphore_mem>>
    tpu.enqueue_indirect_dma source(%dma_start3A_500 : memref<128x128xf32, #tpu.memory_space<vmem>>) target(%dma_start3A_506 : memref<10240x128xf32, #tpu.memory_space<vmem_shared>>) offsets(%dma_start3A_503 : memref<128xi32, #tpu.memory_space<vmem>>) semaphore(%dma_start3A_508 : memref<!tpu.dma_semaphore, #tpu.memory_space<semaphore_mem>>) {add = true}
    %dma_start3A_509 = arith.constant 1 : i32
    %dma_start3A_510 = arith.constant 1 : i32
    %dma_start3A_511 = arith.constant 1 : i32
    %dma_start3A_512 = arith.constant 0 : i32
    %dma_start3A_513 = arith.constant 0 : i32
    %dma_start3A_514 = tpu.memref_slice %arg11[%dma_start3A_509, %dma_start3A_512, %dma_start3A_513] : memref<2x128x128xf32, #tpu.memory_space<vmem>> -> memref<1x128x128xf32, #tpu.memory_space<vmem>>
    %dma_start3A_515 = tpu.memref_squeeze %dma_start3A_514 : memref<1x128x128xf32, #tpu.memory_space<vmem>> -> memref<128x128xf32, #tpu.memory_space<vmem>>
    %dma_start3A_516 = arith.constant 0 : i32
    %dma_start3A_517 = tpu.memref_slice %arg10[%dma_start3A_510, %dma_start3A_516] : memref<2x128xi32, #tpu.memory_space<vmem>> -> memref<1x128xi32, #tpu.memory_space<vmem>>
    %dma_start3A_518 = tpu.memref_squeeze %dma_start3A_517 : memref<1x128xi32, #tpu.memory_space<vmem>> -> memref<128xi32, #tpu.memory_space<vmem>>
    %dma_start3A_519 = arith.constant 0 : i32
    %dma_start3A_520 = arith.constant 0 : i32
    %dma_start3A_521 = tpu.memref_slice %arg6[%dma_start3A_519, %dma_start3A_520] : memref<10240x128xf32, #tpu.memory_space<vmem_shared>> -> memref<10240x128xf32, #tpu.memory_space<vmem_shared>>
    %dma_start3A_522 = tpu.memref_slice %arg13[%dma_start3A_511] : memref<2x!tpu.dma_semaphore, #tpu.memory_space<semaphore_mem>> -> memref<1x!tpu.dma_semaphore, #tpu.memory_space<semaphore_mem>>
    %dma_start3A_523 = tpu.memref_squeeze %dma_start3A_522 : memref<1x!tpu.dma_semaphore, #tpu.memory_space<semaphore_mem>> -> memref<!tpu.dma_semaphore, #tpu.memory_space<semaphore_mem>>
    tpu.enqueue_indirect_dma source(%dma_start3A_515 : memref<128x128xf32, #tpu.memory_space<vmem>>) target(%dma_start3A_521 : memref<10240x128xf32, #tpu.memory_space<vmem_shared>>) offsets(%dma_start3A_518 : memref<128xi32, #tpu.memory_space<vmem>>) semaphore(%dma_start3A_523 : memref<!tpu.dma_semaphore, #tpu.memory_space<semaphore_mem>>) {add = true}
    %dma_wait3A_524 = arith.constant 0 : i32
    %dma_wait3A_525 = arith.constant 0 : i32
    %dma_wait3A_526 = arith.constant 0 : i32
    %dma_wait3A_527 = arith.constant 0 : i32
    %dma_wait3A_528 = arith.constant 0 : i32
    %dma_wait3A_529 = tpu.memref_slice %arg11[%dma_wait3A_524, %dma_wait3A_527, %dma_wait3A_528] : memref<2x128x128xf32, #tpu.memory_space<vmem>> -> memref<1x128x128xf32, #tpu.memory_space<vmem>>
    %dma_wait3A_530 = tpu.memref_squeeze %dma_wait3A_529 : memref<1x128x128xf32, #tpu.memory_space<vmem>> -> memref<128x128xf32, #tpu.memory_space<vmem>>
    %dma_wait3A_531 = arith.constant 0 : i32
    %dma_wait3A_532 = tpu.memref_slice %arg10[%dma_wait3A_525, %dma_wait3A_531] : memref<2x128xi32, #tpu.memory_space<vmem>> -> memref<1x128xi32, #tpu.memory_space<vmem>>
    %dma_wait3A_533 = tpu.memref_squeeze %dma_wait3A_532 : memref<1x128xi32, #tpu.memory_space<vmem>> -> memref<128xi32, #tpu.memory_space<vmem>>
    %dma_wait3A_534 = arith.constant 0 : i32
    %dma_wait3A_535 = arith.constant 0 : i32
    %dma_wait3A_536 = tpu.memref_slice %arg6[%dma_wait3A_534, %dma_wait3A_535] : memref<10240x128xf32, #tpu.memory_space<vmem_shared>> -> memref<10240x128xf32, #tpu.memory_space<vmem_shared>>
    %dma_wait3A_537 = tpu.memref_slice %arg13[%dma_wait3A_526] : memref<2x!tpu.dma_semaphore, #tpu.memory_space<semaphore_mem>> -> memref<1x!tpu.dma_semaphore, #tpu.memory_space<semaphore_mem>>
    %dma_wait3A_538 = tpu.memref_squeeze %dma_wait3A_537 : memref<1x!tpu.dma_semaphore, #tpu.memory_space<semaphore_mem>> -> memref<!tpu.dma_semaphore, #tpu.memory_space<semaphore_mem>>
    tpu.wait_indirect_dma semaphore(%dma_wait3A_538 : memref<!tpu.dma_semaphore, #tpu.memory_space<semaphore_mem>>) src(%dma_wait3A_530 : memref<128x128xf32, #tpu.memory_space<vmem>>) dst(%dma_wait3A_536 : memref<10240x128xf32, #tpu.memory_space<vmem_shared>>)
    %dma_wait3A_539 = arith.constant 1 : i32
    %dma_wait3A_540 = arith.constant 1 : i32
    %dma_wait3A_541 = arith.constant 1 : i32
    %dma_wait3A_542 = arith.constant 0 : i32
    %dma_wait3A_543 = arith.constant 0 : i32
    %dma_wait3A_544 = tpu.memref_slice %arg11[%dma_wait3A_539, %dma_wait3A_542, %dma_wait3A_543] : memref<2x128x128xf32, #tpu.memory_space<vmem>> -> memref<1x128x128xf32, #tpu.memory_space<vmem>>
    %dma_wait3A_545 = tpu.memref_squeeze %dma_wait3A_544 : memref<1x128x128xf32, #tpu.memory_space<vmem>> -> memref<128x128xf32, #tpu.memory_space<vmem>>
    %dma_wait3A_546 = arith.constant 0 : i32
    %dma_wait3A_547 = tpu.memref_slice %arg10[%dma_wait3A_540, %dma_wait3A_546] : memref<2x128xi32, #tpu.memory_space<vmem>> -> memref<1x128xi32, #tpu.memory_space<vmem>>
    %dma_wait3A_548 = tpu.memref_squeeze %dma_wait3A_547 : memref<1x128xi32, #tpu.memory_space<vmem>> -> memref<128xi32, #tpu.memory_space<vmem>>
    %dma_wait3A_549 = arith.constant 0 : i32
    %dma_wait3A_550 = arith.constant 0 : i32
    %dma_wait3A_551 = tpu.memref_slice %arg6[%dma_wait3A_549, %dma_wait3A_550] : memref<10240x128xf32, #tpu.memory_space<vmem_shared>> -> memref<10240x128xf32, #tpu.memory_space<vmem_shared>>
    %dma_wait3A_552 = tpu.memref_slice %arg13[%dma_wait3A_541] : memref<2x!tpu.dma_semaphore, #tpu.memory_space<semaphore_mem>> -> memref<1x!tpu.dma_semaphore, #tpu.memory_space<semaphore_mem>>
    %dma_wait3A_553 = tpu.memref_squeeze %dma_wait3A_552 : memref<1x!tpu.dma_semaphore, #tpu.memory_space<semaphore_mem>> -> memref<!tpu.dma_semaphore, #tpu.memory_space<semaphore_mem>>
    tpu.wait_indirect_dma semaphore(%dma_wait3A_553 : memref<!tpu.dma_semaphore, #tpu.memory_space<semaphore_mem>>) src(%dma_wait3A_545 : memref<128x128xf32, #tpu.memory_space<vmem>>) dst(%dma_wait3A_551 : memref<10240x128xf32, #tpu.memory_space<vmem_shared>>)
    %barrier3A_554 = arith.constant 0 : index
    tpu.barrier barrier_id(%barrier3A_554)
    %mul3A_555 = arith.constant 640 : i32
    %mul3A_556 = arith.muli %arg1, %mul3A_555 : i32
    %mul3A_557 = arith.constant 640 : i32
    %mul3A_558 = arith.muli %arg1, %mul3A_557 : i32
    "tpu.region"() ({
      %run_scoped3A = tpu.sem_alloc : memref<!tpu.dma_semaphore, #tpu.memory_space<semaphore_mem>>
      %dma_start3A_559 = arith.constant 0 : i32
      %dma_start3A_560 = tpu.memref_slice %arg5[%arg0, %mul3A_558, %dma_start3A_559] : memref<2x10240x128xf32, #tpu.memory_space<hbm>> -> memref<1x640x128xf32, #tpu.memory_space<hbm>>
      %dma_start3A_561 = tpu.memref_squeeze %dma_start3A_560 : memref<1x640x128xf32, #tpu.memory_space<hbm>> -> memref<640x128xf32, #tpu.memory_space<hbm>>
      %dma_start3A_562 = arith.constant 0 : i32
      %dma_start3A_563 = tpu.memref_slice %arg6[%mul3A_556, %dma_start3A_562] : memref<10240x128xf32, #tpu.memory_space<vmem_shared>> -> memref<640x128xf32, #tpu.memory_space<vmem_shared>>
      tpu.enqueue_dma source(%dma_start3A_563 : memref<640x128xf32, #tpu.memory_space<vmem_shared>>) target(%dma_start3A_561 : memref<640x128xf32, #tpu.memory_space<hbm>>) target_semaphore(%run_scoped3A : memref<!tpu.dma_semaphore, #tpu.memory_space<semaphore_mem>>)
      %dma_wait3A_564 = arith.constant 0 : i32
      %dma_wait3A_565 = tpu.memref_slice %arg5[%arg0, %mul3A_558, %dma_wait3A_564] : memref<2x10240x128xf32, #tpu.memory_space<hbm>> -> memref<1x640x128xf32, #tpu.memory_space<hbm>>
      %dma_wait3A_566 = tpu.memref_squeeze %dma_wait3A_565 : memref<1x640x128xf32, #tpu.memory_space<hbm>> -> memref<640x128xf32, #tpu.memory_space<hbm>>
      %dma_wait3A_567 = arith.constant 0 : i32
      %dma_wait3A_568 = tpu.memref_slice %arg6[%mul3A_556, %dma_wait3A_567] : memref<10240x128xf32, #tpu.memory_space<vmem_shared>> -> memref<640x128xf32, #tpu.memory_space<vmem_shared>>
      tpu.wait_dma2 semaphore(%run_scoped3A : memref<!tpu.dma_semaphore, #tpu.memory_space<semaphore_mem>>) src(%dma_wait3A_568 : memref<640x128xf32, #tpu.memory_space<vmem_shared>>) dst(%dma_wait3A_566 : memref<640x128xf32, #tpu.memory_space<hbm>>)
      tpu.yield
    }) : () -> ()
    return
  }
}

</mosaic_0001>

<sc_bundles>
// kernel: layer_full.3.cloned.1.call-start
scs
__scs_entry_jumppad:
0x0: {  	(pc) =	sbr.rel $0x88, $3  }
0x1: {  	(tag) =	ssettag $0x0;
	lr =	simm.s32 $0x1  }
0x2: {  	[smem:$0x3F9F] =	sst lr;
	_ =	strace $0xD0000000  }
0x3: {  	_ = 	snop  }
0x4: {  	_ = 	snop  }
0x5: {  	_ = 	snop  }
0x6: {  	_ = 	snop  }
0x7: {  	_ = 	snop  }
__scs_overlays_trampoline_lowered:
0x8: {  	[smem:$0x3FAE] =	sst s0  }
0x9: {  	[smem:$0x3FAF] =	sst s1  }
0xa: {  	[smem:$0x3FB0] =	sst s2  }
0xb: {  	[smem:$0x3FB1] =	sst s3  }
0xc: {  	[smem:$0x3FB2] =	sst s4  }
0xd: {  	[smem:$0x3FB3] =	sst s5  }
0xe: {  	[smem:$0x3FB4] =	sst s6  }
0xf: {  	[smem:$0x3FB5] =	sst s7  }
0x10: {  	[smem:$0x3FB6] =	sst s8  }
0x11: {  	[smem:$0x3FB7] =	sst s9;
	s0 =	simm.s32 @!p0 $0x0  }
0x12: {  	s1 =	sld [smem:$0x3F9D];
	s0 =	simm.s32 @p0 $0x1  }
0x13: {  	[smem:$0x3FB8] =	sst s0;
	s0 =	simm.s32 @!p1 $0x0  }
0x14: {  	s2 =	sld [smem:$0x3F9C];
	s0 =	simm.s32 @p1 $0x1  }
0x15: {  	[smem:$0x3FB9] =	sst s0;
	s0 =	simm.s32 @!p2 $0x0  }
0x16: {  	s3 =	sld [smem:$0x3FDB];
	s0 =	simm.s32 @p2 $0x1  }
0x17: {  	s4 =	simm.s32 $0x1BF5;
	[smem:$0x3FBB] =	sst s0  }
0x18: {  	s0 =	sld [smem:$0x3F9E];
	_ =	swait.ge [sflag:s4], $0x0  }
0x19: {  	s7 =	sld [smem:$0x3F9F]  }
0x1a: {  	s8 =	sadd.s32 $0xFFFFE003, lr  }
0x1b: {  	s9 =	sadd.s32 $0xFFFFFEF7, lr;
	s5 =	simm.s32 $0xFFFFFFFF;
	p2 =	slt.u32 s8, $0xFFFFF086  }
0x1c: {  	p1 =	slt.u32 s9, $0xF7A;
	s5 =	simm.s32 @!p2 $0x0  }
0x1d: {  	s5 =	simm.s32 @p1 $0x1;
	p0 =	seq.s32 s7, s2  }
0x1e: {  	s7 =	smul.u32 @!p0 $0xF7A, s2;
	p2 =	seq.s32 @!p0 s5, $0x0  }
0x1f: {  	s9 =	smul.u32 $0xF7A, s1;
	s8 =	simm.s32 @!p0 $0x1BF5;
	p2 =	por !p2, p0  }
0x20: {  	[sflag:s8] =	ssyncset.s32 @!p0 $0xFFFFF086;
	s6 =	sadd.s32 @!p0 s3, s7;
	s7 =	simm.s32 @!p0 $0x108  }
0x21: {  	s3 =	sadd.s32 s3, s9;
	s6 =	sadd.s32 @!p0 $0x88, s6;
	s7 =	simm.s32 @p2 $0x1082  }
0x22: {  	[simem:s7], [sflag:s8] =	dma.local @!p0 [hbm:s6], $0xF7A  }
0x23: {  	s9 =	sor.u32 $0xD0000000, s2;
	s6 =	simm.s32 $0x108;
	_ =	swait.ge @!p0 [sflag:s8], $0x0  }
0x24: {  	s3 =	sadd.s32 $0x88, s3;
	s6 =	simm.s32 @!p1 $0x1082;
	[sflag:s4] =	ssyncset.s32 $0xFFFFF086  }
0x25: {  	[simem:s6], [sflag:s4] =	dma.local [hbm:s3], $0xF7A  }
0x26: {  	[smem:$0x3F9F] =	sst s1;
	(tag) =	ssettag s2;
	_ =	strace s9  }
0x27: {  	s1 =	sld [smem:$0x3FAF]  }
0x28: {  	s2 =	sld [smem:$0x3FB0]  }
0x29: {  	s4 =	sld [smem:$0x3FB2]  }
0x2a: {  	p0 =	seq.s32 s5, $0x0;
	s5 =	sld [smem:$0x3FB3]  }
0x2b: {  	s6 =	sld [smem:$0x3FB4]  }
0x2c: {  	s7 =	sld [smem:$0x3FB5]  }
0x2d: {  	s3 =	simm.s32 $0x108;
	s8 =	sld [smem:$0x3FB6]  }
0x2e: {  	s3 =	simm.s32 @!p0 $0x1082;
	s9 =	sld [smem:$0x3FB7]  }
0x2f: {  	lr =	sadd.s32 s0, s3;
	s0 =	sld [smem:$0x3FAE]  }
0x30: {  	s3 =	sld [smem:$0x3FB1]  }
0x31: {  	[smem:$0x3FBA] =	sst s10  }
0x32: {  	s10 =	sld [smem:$0x3FB8];
	_ =	sdelay $0x3  }
0x33: {  	p0 =	seq.s32 s10, $0x1;
	s10 =	sld [smem:$0x3FBA];
	_ =	sdelay $0x3  }
0x34: {  	[smem:$0x3FBA] =	sst s10  }
0x35: {  	s10 =	sld [smem:$0x3FB9];
	_ =	sdelay $0x3  }
0x36: {  	p1 =	seq.s32 s10, $0x1;
	s10 =	sld [smem:$0x3FBA];
	_ =	sdelay $0x3  }
0x37: {  	[smem:$0x3FBA] =	sst s10  }
0x38: {  	s10 =	sld [smem:$0x3FBB]  }
0x39: {  	_ = 	snop;
	(pc) =	sbr.ind lr, $3  }
0x3a: {  	_ = 	snop  }
0x3b: {  	_ = 	snop  }
0x3c: {  	p2 =	seq.s32 s10, $0x1;
	s10 =	sld [smem:$0x3FBA]  }
0x3d: {  	_ =	shalt  }
0x3e: {  	_ =	shalt  }
0x3f: {  	_ =	shalt  }
0x40: {  	_ =	shalt  }
0x41: {  	_ =	shalt  }
0x42: {  	_ =	shalt  }
0x43: {  	_ =	shalt  }
0x44: {  	_ =	shalt  }
0x45: {  	_ =	shalt  }
0x46: {  	_ =	shalt  }
0x47: {  	_ =	shalt  }
0x48: {  	_ =	shalt  }
0x49: {  	_ =	shalt  }
0x4a: {  	_ =	shalt  }
0x4b: {  	_ =	shalt  }
0x4c: {  	_ =	shalt  }
0x4d: {  	_ =	shalt  }
0x4e: {  	_ =	shalt  }
0x4f: {  	_ =	shalt  }
0x50: {  	_ =	shalt  }
0x51: {  	_ =	shalt  }
0x52: {  	_ =	shalt  }
0x53: {  	_ =	shalt  }
0x54: {  	_ =	shalt  }
0x55: {  	_ =	shalt  }
0x56: {  	_ =	shalt  }
0x57: {  	_ =	shalt  }
0x58: {  	_ =	shalt  }
0x59: {  	_ =	shalt  }
0x5a: {  	_ =	shalt  }
0x5b: {  	_ =	shalt  }
0x5c: {  	_ =	shalt  }
0x5d: {  	_ =	shalt  }
0x5e: {  	_ =	shalt  }
0x5f: {  	_ =	shalt  }
0x60: {  	_ =	shalt  }
0x61: {  	_ =	shalt  }
0x62: {  	_ =	shalt  }
0x63: {  	_ =	shalt  }
0x64: {  	_ =	shalt  }
0x65: {  	_ =	shalt  }
0x66: {  	_ =	shalt  }
0x67: {  	_ =	shalt  }
0x68: {  	_ =	shalt  }
0x69: {  	_ =	shalt  }
0x6a: {  	_ =	shalt  }
0x6b: {  	_ =	shalt  }
0x6c: {  	_ =	shalt  }
0x6d: {  	_ =	shalt  }
0x6e: {  	_ =	shalt  }
0x6f: {  	_ =	shalt  }
0x70: {  	_ =	shalt  }
0x71: {  	_ =	shalt  }
0x72: {  	_ =	shalt  }
0x73: {  	_ =	shalt  }
0x74: {  	_ =	shalt  }
0x75: {  	_ =	shalt  }
0x76: {  	_ =	shalt  }
0x77: {  	_ =	shalt  }
0x78: {  	_ =	shalt  }
0x79: {  	_ =	shalt  }
0x7a: {  	_ =	shalt  }
0x7b: {  	_ =	shalt  }
0x7c: {  	_ =	shalt  }
0x7d: {  	_ =	shalt  }
0x7e: {  	_ =	shalt  }
0x7f: {  	_ =	shalt  }
0x80: {  	_ =	shalt  }
0x81: {  	_ =	shalt  }
0x82: {  	_ =	shalt  }
0x83: {  	_ =	shalt  }
0x84: {  	_ =	shalt  }
0x85: {  	_ =	shalt  }
0x86: {  	_ =	shalt  }
0x87: {  	_ =	shalt  }
.Lfunc_end0:
.L_simem_size_0:
called_computation.2_lowered:
.L_overlay_start_0:
0x88: {  	s2 =	sld [smem:$0x3FD9]  }
0x89: {  	s3 =	sld [smem:$0x3FFE];
	_ =	sdelay $0x1  }
0x8a: {  	s1 =	srdreg.scid  }
0x8b: {  	s0 =	sand.u32 $0x1, s1  }
0x8c: {  	s16 =	sshll.u32 s0, $0xA;
	s2 =	sadd.s32 s3, s2  }
0x8d: {  	s2 =	sadd.s32 s2, s16  }
0x8e: {  	[smem:$0x3FC6] =	sst s2  }
0x8f: {  	_ = 	snop  }
0x90: {  	(tm) =	ssettm $0x1  }
0x91: {  	s17 =	sld [smem:$0x3FFB];
	_ =	sdelay $0x3  }
0x92: {  	_ =	strace s17  }
0x93: {  	s2 =	sld [smem:$0x3FFC];
	_ =	sdelay $0x3  }
0x94: {  	_ =	strace s2  }
0x95: {  	s2 =	sld [smem:$0x3FFD];
	_ =	sdelay $0x3  }
0x96: {  	_ =	strace s2  }
0x97: {  	_ =	strace $0x8FFFFFFF  }
0x98: {  	s18 =	sld [smem:$0x3FDB];
	_ =	sdelay $0x1  }
0x99: {  	s19 =	simm.s32 $_scs_section_size  }
0x9a: {  	s4 =	simm.s32 $_size__tile_overlayer_lowered;
	s5 =	simm.s32 $_tile_overlayer_lowered  }
0x9b: {  	s22 =	simm.s32 $0x1BFF;
	s21 =	sshll.u32 s5, $0x1;
	s2 =	sadd.s32 s19, s18  }
0x9c: {  	s6 =	simm.s32 $0x0;
	s20 =	sshll.u32 s4, $0x1;
	s4 =	sadd.s32 s21, s2  }
0x9d: {  	[timem:s6], [sflag:s22] =	dma.local [hbm:s4], s20  }
0x9e: {  	_ =	swait.ge [sflag:s22], s20  }
0x9f: {  	s3 =	ssub.s32 $0x0, s20;
	[sflag:s22] =	ssyncset.done $0x0  }
0xa0: {  	[sflag:s22] =	ssyncadd.s32 s3;
	_ =	sdelay $0x1  }
0xa1: {  	s23 =	simm.s32 $0x1B8B  }
0xa2: {  	_ =	swait.ge [sflag:s23], $0x1  }
0xa3: {  	[sflag:s23] =	ssyncset.done $0x0  }
0xa4: {  	s25 =	simm.s32 $0x1B8E;
	s24 =	sld [smem:$0x3FFE];
	[sflag:s23] =	ssyncadd.s32 $0xFFFFFFFF  }
0xa5: {  	s26 =	simm.s32 $execute0_lowered;
	[smem:$0x3FD2] =	sst s25  }
0xa6: {  	s4 =	sshll.u32 s26, $0x1;
	_ =	strace $0x8000004C;
	[dreg:$0x1] =	wrdreg $0xFFFFFFFF  }
0xa7: {  	s28 =	simm.s32 $_size_execute0_lowered;
	s2 =	sadd.s32 s2, s4;
	[dreg:$0x0] =	wrdreg $0x0  }
0xa8: {  	s4 =	sshll.u32 s28, $0x1;
	[dreg:$0x2] =	wrdreg s2  }
0xa9: {  	[dreg:$0x3] =	wrdreg s4  }
0xaa: {  	[dreg:$0x4] =	wrdreg $0xC0  }
0xab: {  	_ =	task [dreg:s6], $0x5FFFF  }
0xac: {  	[dreg:$0x1] =	wrdreg $0xFFFFFFFF  }
0xad: {  	[dreg:$0x0] =	wrdreg $0x60  }
0xae: {  	[dreg:$0x2] =	wrdreg s24  }
0xaf: {  	[dreg:$0x3] =	wrdreg $0x0  }
0xb0: {  	[dreg:$0x4] =	wrdreg $0x9  }
0xb1: {  	_ =	task.clear_ibuf [dreg:s6], $0x5FFFF;
	_ =	strace $0x9000004C  }
0xb2: {  	s29 =	simm.s32 $0x9;
	_ =	strace $0x8000004E  }
0xb3: {  	_ =	swait.ge [sflag:s29], $0x1  }
0xb4: {  	[sflag:s29] =	ssyncadd.s32 $0xFFFFFFFF  }
0xb5: {  	_ =	strace $0x9000004E  }
0xb6: {  	_ =	sfence  }
0xb7: {  	s30 =	sld [smem:$0x0];
	_ =	sdelay $0x2  }
0xb8: {  	s31 =	sshll.u32 s1, $0xD;
	s1 =	sshrl.u32 s1, $0x2  }
0xb9: {  	s3 =	sand.u32 $0x4000, s31;
	s1 =	sadd.s32 s1, s30  }
0xba: {  	s0 =	sor.u32 s3, s0;
	s1 =	sshll.u32 s1, $0x11  }
0xbb: {  	s0 =	sor.u32 s1, s0  }
0xbc: {  	s0 =	sadd.s32 $0x8F2B, s0  }
0xbd: {  	[sflag:s0] =	ssyncadd.remote.s32 $0x1  }
0xbe: {  	_ =	sfence.sel $0xFFFF  }
0xbf: {  	[dreg:$0x0] =	wrdreg $0xFFFFFFFF;
	(pc) =	sbr.abs _section_cstart, $3  }
0xc0: {  	[dreg:$0x1] =	wrdreg $0xFFFFFFFF  }
0xc1: {  	_ =	task.clear_ibuf [dreg:s6], $0x2FFFF;
	_ =	strace $0x9FFFFFFF  }
0xc2: {  	(tm) =	ssettm $0x7FFFFFFF  }
0xc3: {  	_ =	shalt  }
tec
execute0_lowered:
.L_overlay_start_1:
0x0: {  	(tag) =	ssettag $0x1  }
0x1: {  	s0 =	rddreg [dreg:$0x0]  }
0x2: {  	s1 =	rddreg [dreg:$0x1];
	s3 =	simm.s32 $0x0  }
0x3: {  	s2 =	srdreg.scid;
	s12 =	stileid.u32;
	s28 =	simm.s32 $0x2  }
0x4: {  	s29 =	simm.s32 $0x14180;
	s30 =	simm.s32 $0x3;
	s7 =	smul.u32 $0x14000, s12  }
0x5: {  	s31 =	simm.s32 $0x4;
	[smem:$0x7FF] =	sst s3;
	s17 =	smul.u32 $0x50000, s12  }
0x6: {  	s2 =	sand.u32 $0x1, s2;
	s4 =	sadd.s32 $0x800, s0;
	s11 =	smul.u32 $0x280, s12  }
0x7: {  	s5 =	sadd.s32 $0x5A800, s0;
	s22 =	sshll.u32 s12, $0x6;
	s6 =	smul.u32 $0x140000, s2  }
0x8: {  	_ =	strace $0x8000004D;
	s8 =	smul.u32 $0x2800, s2;
	s2 =	ssub.s32 $0x2, s2  }
0x9: {  	s10 =	sshrl.u32 s2, $0x1;
	s18 =	sshrl.u32 s17, $0x2;
	s17 =	simm.s32 $0x5  }
0xa: {  	s6 =	sadd.s32 s7, s6;
	s2 =	ssub.s32 s2, s10;
	s19 =	sadd.s32 s11, s8  }
0xb: {  	s7 =	smul.u32 $0xA00, s12;
	s20 =	sadd.s32 s18, s1;
	s18 =	simm.s32 $0x14000  }
0xc: {  	v0 =	vmov s8;
	s8 =	simm.s32 $0x0;
	s9 =	sshrl.u32 s6, $0x3;
	s6 =	sadd.s32 $0x50800, s0  }
0xd: {  	s21 =	sshll.u32 s19, $0x4;
	s15 =	smax.u32 s2, $0x1;
	s16 =	sshrl.u32 s20, $0x3  }
0xe: {  	s19 =	simm.s32 $0x14100;
	s20 =	simm.s32 $0x80;
	s2 =	simm.s32 $0x14380  }
0xf: {  	s0 =	sadd.s32 s9, s0;
	s9 =	sadd.s32 s4, s21;
	s23 =	sor.u32 $0x20, s7  }
0x10: {  	s24 =	sadd.s32 s5, s7;
	s25 =	sadd.s32 s6, s7;
	[dreg:$0x3] =	wrdreg s9  }
0x11: {  	s21 =	simm.s32 $0x14400;
	s9 =	sor.u32 $0x1C05, s22;
	[dreg:$0x4] =	wrdreg s24  }
0x12: {  	[dreg:$0x5] =	wrdreg s25;
	s26 =	sadd.s32 s5, s23;
	s10 =	sadd.s32 s6, s23  }
0x13: {  	s14 =	sadd.s32 $0x64800, s0;
	s22 =	simm.s32 $0x14080;
	s23 =	simm.s32 $0x18400  }
0x14: {  	s24 =	simm.s32 $0x14200;
	s25 =	simm.s32 $0x14300;
	[dreg:$0x6] =	wrdreg s26  }
0x15: {  	s0 =	simm.s32 $0x14280;
	[dreg:$0x7] =	wrdreg s10;
	s26 =	simm.s32 $0x1  }
.LBB2_1:
0x16: {  	s10 =	rddreg [dreg:$0x3]  }
0x17: {  	[spmem:s16], [sflag:s9] =	dma.local [hbm:s10], $0x2800  }
0x18: {  	_ =	swait.ge [sflag:s17], $0x2800  }
0x19: {  	[sflag:s17] =	ssyncset.done $0x0  }
0x1a: {  	[sflag:s17] =	ssyncadd.s32 $0xFFFFD800  }
0x1b: {  	[bflag:$0x0] =	sbarrier.arrive $0xFFFF  }
0x1c: {  	s13 =	rddreg [dreg:$0x4]  }
0x1d: {  	[tilespmem:s18], [sflag:$0x5] =	stream.linear.gather [hbm4b:s13+s3], $0x100, $0x38;
	[tilespmem:$0x1C400] =	vst v63  }
0x1e: {  	_ =	swait.ge [sflag:s17], $0x100  }
0x1f: {  	[sflag:s17] =	ssyncset.done $0x0  }
0x20: {  	s11 =	rddreg [dreg:$0x5];
	[sflag:s17] =	ssyncadd.s32 $0xFFFFFF00  }
0x21: {  	[tilespmem:s19], [sflag:$0x5] =	stream.linear.gather [hbm4b:s11+s3], $0x100, $0x38;
	[tilespmem:$0x1C400] =	vst v63  }
0x22: {  	_ =	swait.ge [sflag:s17], $0x100  }
0x23: {  	[sflag:s17] =	ssyncset.done $0x0  }
0x24: {  	[sflag:s17] =	ssyncadd.s32 $0xFFFFFF00  }
0x25: {  	v1 =	vld [tilespmem:$0x14000]  }
0x26: {  	v2 =	vld [tilespmem:$0x14010]  }
0x27: {  	v3 =	vld [tilespmem:$0x14020]  }
0x28: {  	v4 =	vld [tilespmem:$0x14030]  }
0x29: {  	v5 =	vld [tilespmem:$0x14040]  }
0x2a: {  	v6 =	vld [tilespmem:$0x14050];
	v1 =	vadd.s32 v0, v1  }
0x2b: {  	[tilespmem:$0x14000] =	vst v1;
	v1 =	vadd.s32 v0, v2;
	v2 =	vld [tilespmem:$0x14060]  }
0x2c: {  	[tilespmem:$0x14010] =	vst v1;
	v1 =	vadd.s32 v0, v3;
	v3 =	vld [tilespmem:$0x14070]  }
0x2d: {  	v49 =	vld [tilespmem:$0x14080];
	[tilespmem:$0x14020] =	vst v1;
	v1 =	vadd.s32 v0, v4  }
0x2e: {  	v50 =	vld [tilespmem:$0x14090];
	[tilespmem:$0x14030] =	vst v1;
	v1 =	vadd.s32 v0, v5  }
0x2f: {  	v51 =	vld [tilespmem:$0x140A0];
	[tilespmem:$0x14040] =	vst v1;
	v1 =	vadd.s32 v0, v6  }
0x30: {  	[tilespmem:$0x14050] =	vst v1;
	v1 =	vadd.s32 v0, v2;
	v2 =	vld [tilespmem:$0x140B0]  }
0x31: {  	[tilespmem:$0x14060] =	vst v1;
	v1 =	vadd.s32 v0, v3;
	v3 =	vld [tilespmem:$0x140C0]  }
0x32: {  	v52 =	vld [tilespmem:$0x140D0];
	[tilespmem:$0x14070] =	vst v1;
	v1 =	vadd.s32 v0, v49  }
0x33: {  	v53 =	vld [tilespmem:$0x140E0];
	[tilespmem:$0x14080] =	vst v1;
	v1 =	vadd.s32 v0, v50  }
0x34: {  	v54 =	vld [tilespmem:$0x140F0];
	[tilespmem:$0x14090] =	vst v1;
	v1 =	vadd.s32 v0, v51  }
0x35: {  	[tilespmem:$0x140A0] =	vst v1;
	v1 =	vadd.s32 v0, v2  }
0x36: {  	[tilespmem:$0x140B0] =	vst v1;
	v1 =	vadd.s32 v0, v3  }
0x37: {  	[tilespmem:$0x140C0] =	vst v1;
	v1 =	vadd.s32 v0, v52  }
0x38: {  	[tilespmem:$0x140D0] =	vst v1;
	v1 =	vadd.s32 v0, v53  }
0x39: {  	[tilespmem:$0x140E0] =	vst v1;
	v1 =	vadd.s32 v0, v54  }
0x3a: {  	[tilespmem:$0x140F0] =	vst v1  }
0x3b: {  	[tilespmem:s21], [sflag:$0x1] =	stream.indirect.gather [hbm4b:s4+s20], $0x80, s18, s20, $0xb8;
	[tilespmem:$0x1C400] =	vst v63  }
0x3c: {  	_ = 	snop  }
0x3d: {  	[tilespmem:s23], [sflag:$0x2] =	stream.indirect.gather [hbm4b:s4+s20], $0x80, s22, s20, $0xb8;
	[tilespmem:$0x1C400] =	vst v63  }
0x3e: {  	s12 =	rddreg [dreg:$0x6]  }
0x3f: {  	[tilespmem:s24], [sflag:$0x5] =	stream.linear.gather [hbm4b:s12+s3], $0x100, $0x38;
	[tilespmem:$0x1C400] =	vst v63  }
0x40: {  	_ =	swait.ge [sflag:s17], $0x100  }
0x41: {  	[sflag:s17] =	ssyncset.done $0x0  }
0x42: {  	s13 =	rddreg [dreg:$0x7];
	[sflag:s17] =	ssyncadd.s32 $0xFFFFFF00  }
0x43: {  	[tilespmem:s25], [sflag:$0x5] =	stream.linear.gather [hbm4b:s13+s3], $0x100, $0x38;
	[tilespmem:$0x1C400] =	vst v63  }
0x44: {  	_ =	swait.ge [sflag:s17], $0x100  }
0x45: {  	[sflag:s17] =	ssyncset.done $0x0  }
0x46: {  	[sflag:s17] =	ssyncadd.s32 $0xFFFFFF00  }
0x47: {  	v1 =	vld [tilespmem:$0x14200]  }
0x48: {  	v2 =	vld [tilespmem:$0x14210]  }
0x49: {  	v3 =	vld [tilespmem:$0x14220]  }
0x4a: {  	v55 =	vld [tilespmem:$0x14230]  }
0x4b: {  	v56 =	vld [tilespmem:$0x14240]  }
0x4c: {  	v57 =	vld [tilespmem:$0x14250];
	v1 =	vadd.s32 v0, v1  }
0x4d: {  	[tilespmem:$0x14200] =	vst v1;
	v1 =	vadd.s32 v0, v2;
	v2 =	vld [tilespmem:$0x14260]  }
0x4e: {  	[tilespmem:$0x14210] =	vst v1;
	v1 =	vadd.s32 v0, v3;
	v3 =	vld [tilespmem:$0x14270]  }
0x4f: {  	v58 =	vld [tilespmem:$0x14280];
	[tilespmem:$0x14220] =	vst v1;
	v1 =	vadd.s32 v0, v55  }
0x50: {  	v59 =	vld [tilespmem:$0x14290];
	[tilespmem:$0x14230] =	vst v1;
	v1 =	vadd.s32 v0, v56  }
0x51: {  	v60 =	vld [tilespmem:$0x142A0];
	[tilespmem:$0x14240] =	vst v1;
	v1 =	vadd.s32 v0, v57  }
0x52: {  	[tilespmem:$0x14250] =	vst v1;
	v1 =	vadd.s32 v0, v2;
	v2 =	vld [tilespmem:$0x142B0]  }
0x53: {  	[tilespmem:$0x14260] =	vst v1;
	v1 =	vadd.s32 v0, v3;
	v3 =	vld [tilespmem:$0x142C0]  }
0x54: {  	v61 =	vld [tilespmem:$0x142D0];
	[tilespmem:$0x14270] =	vst v1;
	v1 =	vadd.s32 v0, v58  }
0x55: {  	v62 =	vld [tilespmem:$0x142E0];
	[tilespmem:$0x14280] =	vst v1;
	v1 =	vadd.s32 v0, v59  }
0x56: {  	v63 =	vld [tilespmem:$0x142F0];
	[tilespmem:$0x14290] =	vst v1;
	v1 =	vadd.s32 v0, v60  }
0x57: {  	[tilespmem:$0x142A0] =	vst v1;
	v1 =	vadd.s32 v0, v2  }
0x58: {  	[tilespmem:$0x142B0] =	vst v1;
	v1 =	vadd.s32 v0, v3  }
0x59: {  	[tilespmem:$0x142C0] =	vst v1;
	v1 =	vadd.s32 v0, v61  }
0x5a: {  	[tilespmem:$0x142D0] =	vst v1;
	v1 =	vadd.s32 v0, v62  }
0x5b: {  	[tilespmem:$0x142E0] =	vst v1;
	v1 =	vadd.s32 v0, v63  }
0x5c: {  	s10 =	simm.s32 $0x60;
	[tilespmem:$0x142F0] =	vst v1  }
.LBB2_2:
0x5d: {  	_ =	swait.ge [sflag:s26], $0x4000  }
0x5e: {  	[sflag:s26] =	ssyncset.done $0x0  }
0x5f: {  	[sflag:s26] =	ssyncadd.s32 $0xFFFFC000  }
0x60: {  	[spmem:s1] =	stream.indirect.scatter.add.f32 [tilespmem:s21], [sflag:$0x3], $0x80, s19, s20, $0xb8;
	[tilespmem:$0x1C400] =	vst v63  }
0x61: {  	_ =	swait.ge [sflag:s28], $0x4000  }
0x62: {  	[sflag:s28] =	ssyncset.done $0x0  }
0x63: {  	[sflag:s28] =	ssyncadd.s32 $0xFFFFC000  }
0x64: {  	[spmem:s1] =	stream.indirect.scatter.add.f32 [tilespmem:s23], [sflag:$0x4], $0x80, s29, s20, $0xb8;
	[tilespmem:$0x1C400] =	vst v63  }
0x65: {  	_ =	swait.ge [sflag:s30], $0x4000  }
0x66: {  	[sflag:s30] =	ssyncset.done $0x0  }
0x67: {  	s11 =	sadd.s32 s10, s7;
	[sflag:s30] =	ssyncadd.s32 $0xFFFFC000  }
0x68: {  	[tilespmem:s21], [sflag:$0x1] =	stream.indirect.gather [hbm4b:s4+s20], $0x80, s24, s20, $0xb8;
	[tilespmem:$0x1C400] =	vst v63  }
0x69: {  	s13 =	sadd.s32 $0xFFFFFFE0, s10;
	s12 =	sadd.s32 $0xFFFFFFE0, s11;
	_ =	swait.ge [sflag:s31], $0x4000  }
0x6a: {  	s13 =	sand.u32 $0x40, s13;
	s12 =	sand.u32 $0x1FF80, s12;
	[sflag:s31] =	ssyncset.done $0x0  }
0x6b: {  	s12 =	sor.u32 s13, s12;
	[sflag:s31] =	ssyncadd.s32 $0xFFFFC000  }
0x6c: {  	[tilespmem:s23], [sflag:$0x2] =	stream.indirect.gather [hbm4b:s4+s20], $0x80, s0, s20, $0xb8;
	[tilespmem:$0x1C400] =	vst v63  }
0x6d: {  	s13 =	sadd.s32 s5, s12  }
0x6e: {  	[tilespmem:s18], [sflag:$0x5] =	stream.linear.gather [hbm4b:s13+s3], $0x100, $0x38;
	[tilespmem:$0x1C400] =	vst v63  }
0x6f: {  	_ =	swait.ge [sflag:s17], $0x100  }
0x70: {  	[sflag:s17] =	ssyncset.done $0x0  }
0x71: {  	s12 =	sadd.s32 s6, s12;
	[sflag:s17] =	ssyncadd.s32 $0xFFFFFF00  }
0x72: {  	[tilespmem:s19], [sflag:$0x5] =	stream.linear.gather [hbm4b:s12+s3], $0x100, $0x38;
	[tilespmem:$0x1C400] =	vst v63  }
0x73: {  	_ =	swait.ge [sflag:s17], $0x100  }
0x74: {  	[sflag:s17] =	ssyncset.done $0x0  }
0x75: {  	[sflag:s17] =	ssyncadd.s32 $0xFFFFFF00  }
0x76: {  	v1 =	vld [tilespmem:$0x14000]  }
0x77: {  	v2 =	vld [tilespmem:$0x14010]  }
0x78: {  	v3 =	vld [tilespmem:$0x14020]  }
0x79: {  	v4 =	vld [tilespmem:$0x14030]  }
0x7a: {  	v5 =	vld [tilespmem:$0x14040]  }
0x7b: {  	v6 =	vld [tilespmem:$0x14050];
	v1 =	vadd.s32 v0, v1  }
0x7c: {  	[tilespmem:$0x14000] =	vst v1;
	v1 =	vadd.s32 v0, v2;
	v2 =	vld [tilespmem:$0x14060]  }
0x7d: {  	[tilespmem:$0x14010] =	vst v1;
	v1 =	vadd.s32 v0, v3;
	v3 =	vld [tilespmem:$0x14070]  }
0x7e: {  	v49 =	vld [tilespmem:$0x14080];
	[tilespmem:$0x14020] =	vst v1;
	v1 =	vadd.s32 v0, v4  }
0x7f: {  	v50 =	vld [tilespmem:$0x14090];
	[tilespmem:$0x14030] =	vst v1;
	v1 =	vadd.s32 v0, v5  }
0x80: {  	v51 =	vld [tilespmem:$0x140A0];
	[tilespmem:$0x14040] =	vst v1;
	v1 =	vadd.s32 v0, v6  }
0x81: {  	[tilespmem:$0x14050] =	vst v1;
	v1 =	vadd.s32 v0, v2;
	v2 =	vld [tilespmem:$0x140B0]  }
0x82: {  	[tilespmem:$0x14060] =	vst v1;
	v1 =	vadd.s32 v0, v3;
	v3 =	vld [tilespmem:$0x140C0]  }
0x83: {  	v52 =	vld [tilespmem:$0x140D0];
	[tilespmem:$0x14070] =	vst v1;
	v1 =	vadd.s32 v0, v49  }
0x84: {  	v53 =	vld [tilespmem:$0x140E0];
	[tilespmem:$0x14080] =	vst v1;
	v1 =	vadd.s32 v0, v50  }
0x85: {  	v54 =	vld [tilespmem:$0x140F0];
	[tilespmem:$0x14090] =	vst v1;
	v1 =	vadd.s32 v0, v51  }
0x86: {  	[tilespmem:$0x140A0] =	vst v1;
	v1 =	vadd.s32 v0, v2  }
0x87: {  	[tilespmem:$0x140B0] =	vst v1;
	v1 =	vadd.s32 v0, v3  }
0x88: {  	[tilespmem:$0x140C0] =	vst v1;
	v1 =	vadd.s32 v0, v52  }
0x89: {  	[tilespmem:$0x140D0] =	vst v1;
	v1 =	vadd.s32 v0, v53  }
0x8a: {  	[tilespmem:$0x140E0] =	vst v1;
	v1 =	vadd.s32 v0, v54  }
0x8b: {  	[tilespmem:$0x140F0] =	vst v1  }
0x8c: {  	_ =	swait.ge [sflag:s26], $0x4000  }
0x8d: {  	[sflag:s26] =	ssyncset.done $0x0  }
0x8e: {  	[sflag:s26] =	ssyncadd.s32 $0xFFFFC000  }
0x8f: {  	[spmem:s1] =	stream.indirect.scatter.add.f32 [tilespmem:s21], [sflag:$0x3], $0x80, s25, s20, $0xb8;
	[tilespmem:$0x1C400] =	vst v63  }
0x90: {  	_ =	swait.ge [sflag:s28], $0x4000  }
0x91: {  	[sflag:s28] =	ssyncset.done $0x0  }
0x92: {  	[sflag:s28] =	ssyncadd.s32 $0xFFFFC000  }
0x93: {  	[spmem:s1] =	stream.indirect.scatter.add.f32 [tilespmem:s23], [sflag:$0x4], $0x80, s2, s20, $0xb8;
	[tilespmem:$0x1C400] =	vst v63  }
0x94: {  	_ =	swait.ge [sflag:s30], $0x4000  }
0x95: {  	[sflag:s30] =	ssyncset.done $0x0  }
0x96: {  	[sflag:s30] =	ssyncadd.s32 $0xFFFFC000  }
0x97: {  	[tilespmem:s21], [sflag:$0x1] =	stream.indirect.gather [hbm4b:s4+s20], $0x80, s18, s20, $0xb8;
	[tilespmem:$0x1C400] =	vst v63  }
0x98: {  	_ =	swait.ge [sflag:s31], $0x4000  }
0x99: {  	s11 =	sand.u32 $0x1FF80, s11;
	s13 =	sand.u32 $0x60, s10;
	[sflag:s31] =	ssyncset.done $0x0  }
0x9a: {  	s11 =	sor.u32 s13, s11;
	[sflag:s31] =	ssyncadd.s32 $0xFFFFC000  }
0x9b: {  	[tilespmem:s23], [sflag:$0x2] =	stream.indirect.gather [hbm4b:s4+s20], $0x80, s22, s20, $0xb8;
	[tilespmem:$0x1C400] =	vst v63  }
0x9c: {  	s12 =	sadd.s32 s5, s11  }
0x9d: {  	[tilespmem:s24], [sflag:$0x5] =	stream.linear.gather [hbm4b:s12+s3], $0x100, $0x38;
	[tilespmem:$0x1C400] =	vst v63  }
0x9e: {  	_ =	swait.ge [sflag:s17], $0x100  }
0x9f: {  	[sflag:s17] =	ssyncset.done $0x0  }
0xa0: {  	s11 =	sadd.s32 s6, s11;
	[sflag:s17] =	ssyncadd.s32 $0xFFFFFF00  }
0xa1: {  	[tilespmem:s25], [sflag:$0x5] =	stream.linear.gather [hbm4b:s11+s3], $0x100, $0x38;
	[tilespmem:$0x1C400] =	vst v63  }
0xa2: {  	_ =	swait.ge [sflag:s17], $0x100  }
0xa3: {  	[sflag:s17] =	ssyncset.done $0x0  }
0xa4: {  	[sflag:s17] =	ssyncadd.s32 $0xFFFFFF00  }
0xa5: {  	v1 =	vld [tilespmem:$0x14200]  }
0xa6: {  	v2 =	vld [tilespmem:$0x14210]  }
0xa7: {  	v3 =	vld [tilespmem:$0x14220]  }
0xa8: {  	v55 =	vld [tilespmem:$0x14230]  }
0xa9: {  	v56 =	vld [tilespmem:$0x14240]  }
0xaa: {  	v57 =	vld [tilespmem:$0x14250];
	v1 =	vadd.s32 v0, v1  }
0xab: {  	[tilespmem:$0x14200] =	vst v1;
	v1 =	vadd.s32 v0, v2;
	v2 =	vld [tilespmem:$0x14260]  }
0xac: {  	[tilespmem:$0x14210] =	vst v1;
	v1 =	vadd.s32 v0, v3;
	v3 =	vld [tilespmem:$0x14270]  }
0xad: {  	v58 =	vld [tilespmem:$0x14280];
	[tilespmem:$0x14220] =	vst v1;
	v1 =	vadd.s32 v0, v55  }
0xae: {  	v59 =	vld [tilespmem:$0x14290];
	[tilespmem:$0x14230] =	vst v1;
	v1 =	vadd.s32 v0, v56  }
0xaf: {  	v60 =	vld [tilespmem:$0x142A0];
	[tilespmem:$0x14240] =	vst v1;
	v1 =	vadd.s32 v0, v57  }
0xb0: {  	[tilespmem:$0x14250] =	vst v1;
	v1 =	vadd.s32 v0, v2;
	v2 =	vld [tilespmem:$0x142B0]  }
0xb1: {  	[tilespmem:$0x14260] =	vst v1;
	v1 =	vadd.s32 v0, v3;
	v3 =	vld [tilespmem:$0x142C0]  }
0xb2: {  	v61 =	vld [tilespmem:$0x142D0];
	[tilespmem:$0x14270] =	vst v1;
	v1 =	vadd.s32 v0, v58  }
0xb3: {  	v62 =	vld [tilespmem:$0x142E0];
	[tilespmem:$0x14280] =	vst v1;
	v1 =	vadd.s32 v0, v59  }
0xb4: {  	v63 =	vld [tilespmem:$0x142F0];
	[tilespmem:$0x14290] =	vst v1;
	v1 =	vadd.s32 v0, v60  }
0xb5: {  	p0 =	sne.s32 s10, $0x9E0;
	[tilespmem:$0x142A0] =	vst v1;
	v1 =	vadd.s32 v0, v2  }
.Ltmp0:
0xb6: {  	[tilespmem:$0x142B0] =	vst v1;
	v1 =	vadd.s32 v0, v3;
	(pc) =	sbr.rel @p0 .LBB2_2-.Ltmp0, $4  }
0xb7: {  	[tilespmem:$0x142C0] =	vst v1;
	v1 =	vadd.s32 v0, v61  }
0xb8: {  	[tilespmem:$0x142D0] =	vst v1;
	v1 =	vadd.s32 v0, v62  }
0xb9: {  	[tilespmem:$0x142E0] =	vst v1;
	v1 =	vadd.s32 v0, v63  }
0xba: {  	s10 =	sadd.s32 $0x40, s10;
	[tilespmem:$0x142F0] =	vst v1  }
0xbb: {  	_ =	swait.ge [sflag:s26], $0x4000  }
0xbc: {  	[sflag:s26] =	ssyncset.done $0x0  }
0xbd: {  	[sflag:s26] =	ssyncadd.s32 $0xFFFFC000  }
0xbe: {  	[spmem:s1] =	stream.indirect.scatter.add.f32 [tilespmem:s21], [sflag:$0x3], $0x80, s19, s20, $0xb8;
	[tilespmem:$0x1C400] =	vst v63  }
0xbf: {  	_ =	swait.ge [sflag:s28], $0x4000  }
0xc0: {  	[sflag:s28] =	ssyncset.done $0x0  }
0xc1: {  	[sflag:s28] =	ssyncadd.s32 $0xFFFFC000  }
0xc2: {  	[spmem:s1] =	stream.indirect.scatter.add.f32 [tilespmem:s23], [sflag:$0x4], $0x80, s29, s20, $0xb8;
	[tilespmem:$0x1C400] =	vst v63  }
0xc3: {  	_ =	swait.ge [sflag:s30], $0x4000  }
0xc4: {  	[sflag:s30] =	ssyncset.done $0x0  }
0xc5: {  	[sflag:s30] =	ssyncadd.s32 $0xFFFFC000  }
0xc6: {  	[tilespmem:s21], [sflag:$0x1] =	stream.indirect.gather [hbm4b:s4+s20], $0x80, s24, s20, $0xb8;
	[tilespmem:$0x1C400] =	vst v63  }
0xc7: {  	_ =	swait.ge [sflag:s31], $0x4000  }
0xc8: {  	[sflag:s31] =	ssyncset.done $0x0  }
0xc9: {  	[sflag:s31] =	ssyncadd.s32 $0xFFFFC000  }
0xca: {  	[tilespmem:s23], [sflag:$0x2] =	stream.indirect.gather [hbm4b:s4+s20], $0x80, s0, s20, $0xb8;
	[tilespmem:$0x1C400] =	vst v63  }
0xcb: {  	_ =	swait.ge [sflag:s26], $0x4000  }
0xcc: {  	[sflag:s26] =	ssyncset.done $0x0  }
0xcd: {  	[sflag:s26] =	ssyncadd.s32 $0xFFFFC000  }
0xce: {  	[spmem:s1] =	stream.indirect.scatter.add.f32 [tilespmem:s21], [sflag:$0x3], $0x80, s25, s20, $0xb8;
	[tilespmem:$0x1C400] =	vst v63  }
0xcf: {  	_ =	swait.ge [sflag:s28], $0x4000  }
0xd0: {  	[sflag:s28] =	ssyncset.done $0x0  }
0xd1: {  	[sflag:s28] =	ssyncadd.s32 $0xFFFFC000  }
0xd2: {  	[spmem:s1] =	stream.indirect.scatter.add.f32 [tilespmem:s23], [sflag:$0x4], $0x80, s2, s20, $0xb8;
	[tilespmem:$0x1C400] =	vst v63  }
0xd3: {  	_ =	swait.ge [sflag:s30], $0x4000  }
0xd4: {  	[sflag:s30] =	ssyncset.done $0x0  }
0xd5: {  	[sflag:s30] =	ssyncadd.s32 $0xFFFFC000  }
0xd6: {  	_ =	swait.ge [sflag:s31], $0x4000  }
0xd7: {  	s8 =	sadd.s32 $0x1, s8;
	[sflag:s31] =	ssyncset.done $0x0  }
0xd8: {  	p0 =	sne.s32 s8, s15;
	[sflag:s31] =	ssyncadd.s32 $0xFFFFC000  }
.Ltmp1:
0xd9: {  	[bflag:$0x0] =	sbarrier.arrive $0xFFFF;
	(pc) =	sbr.rel @p0 .LBB2_1-.Ltmp1, $4  }
0xda: {  	[hbm:s14], [sflag:s9] =	dma.local [spmem:s16], $0x2800  }
0xdb: {  	_ =	swait.ge [sflag:s17], $0x2800  }
0xdc: {  	[sflag:s17] =	ssyncset.done $0x0  }
0xdd: {  	[sflag:s17] =	ssyncadd.s32 $0xFFFFD800  }
0xde: {  	_ =	sfence.sel $0x180000  }
0xdf: {  	[bflag:$0x0] =	sbarrier.arrive $0xFFFF  }
0xe0: {  	_ =	strace $0x9000004D  }
0xe1: {  	s0 =	stileid.u32;
	[bflag:$0x2] =	sbarrier.arrive $0xFFFF  }
0xe2: {  	p0 =	sne.s32 s0, $0x0;
	s0 =	rddreg [dreg:$0x2]  }
0xe3: {  	s0 =	sadd.s32 @!p0 $0x100000, s0  }
0xe4: {  	[sflag:s0] =	ssyncadd.tile.s32 @!p0 $0x1;
	_ =	shalt  }
.Lfunc_end2:
_tile_overlayer_lowered:
.L_overlay_start_2:
0xe5: {  	(tag) =	ssettag $0x2  }
0xe6: {  	s0 =	rddreg [dreg:$0x0];
	s2 =	stileid.u32  }
0xe7: {  	s1 =	rddreg [dreg:$0x1];
	p0 =	sne.s32 s2, $0x0  }
0xe8: {  	s3 =	rddreg [dreg:$0x2];
	[bflag:$0x3] =	sbarrier.arrive $0xFFFF;
	s2 =	simm.s32 @!p0 $0x1C05  }
0xe9: {  	[timem:s3], [sflag:s2] =	dma.local @!p0 [hbm:s0], s1  }
0xea: {  	s0 =	simm.s32 @!p0 $0x5  }
0xeb: {  	_ =	swait.ge @!p0 [sflag:s0], s1  }
0xec: {  	s1 =	ssub.s32 @!p0 $0x0, s1;
	[sflag:s0] =	ssyncset.done @!p0 $0x0  }
0xed: {  	[sflag:s0] =	ssyncadd.s32 @!p0 s1  }
0xee: {  	[bflag:$0x3] =	sbarrier.arrive $0xFFFF  }
0xef: {  	_ =	shalt  }

// kernel: layer_gather.3.cloned.1.call-start
scs
__scs_entry_jumppad:
0x0: {  	(pc) =	sbr.rel $0x88, $3  }
0x1: {  	(tag) =	ssettag $0x0;
	lr =	simm.s32 $0x1  }
0x2: {  	[smem:$0x3F9F] =	sst lr;
	_ =	strace $0xD0000000  }
0x3: {  	_ = 	snop  }
0x4: {  	_ = 	snop  }
0x5: {  	_ = 	snop  }
0x6: {  	_ = 	snop  }
0x7: {  	_ = 	snop  }
__scs_overlays_trampoline_lowered:
0x8: {  	[smem:$0x3FAE] =	sst s0  }
0x9: {  	[smem:$0x3FAF] =	sst s1  }
0xa: {  	[smem:$0x3FB0] =	sst s2  }
0xb: {  	[smem:$0x3FB1] =	sst s3  }
0xc: {  	[smem:$0x3FB2] =	sst s4  }
0xd: {  	[smem:$0x3FB3] =	sst s5  }
0xe: {  	[smem:$0x3FB4] =	sst s6  }
0xf: {  	[smem:$0x3FB5] =	sst s7  }
0x10: {  	[smem:$0x3FB6] =	sst s8  }
0x11: {  	[smem:$0x3FB7] =	sst s9;
	s0 =	simm.s32 @!p0 $0x0  }
0x12: {  	s1 =	sld [smem:$0x3F9D];
	s0 =	simm.s32 @p0 $0x1  }
0x13: {  	[smem:$0x3FB8] =	sst s0;
	s0 =	simm.s32 @!p1 $0x0  }
0x14: {  	s2 =	sld [smem:$0x3F9C];
	s0 =	simm.s32 @p1 $0x1  }
0x15: {  	[smem:$0x3FB9] =	sst s0;
	s0 =	simm.s32 @!p2 $0x0  }
0x16: {  	s3 =	sld [smem:$0x3FDB];
	s0 =	simm.s32 @p2 $0x1  }
0x17: {  	s4 =	simm.s32 $0x1BF5;
	[smem:$0x3FBB] =	sst s0  }
0x18: {  	s0 =	sld [smem:$0x3F9E];
	_ =	swait.ge [sflag:s4], $0x0  }
0x19: {  	s7 =	sld [smem:$0x3F9F]  }
0x1a: {  	s8 =	sadd.s32 $0xFFFFE003, lr  }
0x1b: {  	s9 =	sadd.s32 $0xFFFFFEF7, lr;
	s5 =	simm.s32 $0xFFFFFFFF;
	p2 =	slt.u32 s8, $0xFFFFF086  }
0x1c: {  	p1 =	slt.u32 s9, $0xF7A;
	s5 =	simm.s32 @!p2 $0x0  }
0x1d: {  	s5 =	simm.s32 @p1 $0x1;
	p0 =	seq.s32 s7, s2  }
0x1e: {  	s7 =	smul.u32 @!p0 $0xF7A, s2;
	p2 =	seq.s32 @!p0 s5, $0x0  }
0x1f: {  	s9 =	smul.u32 $0xF7A, s1;
	s8 =	simm.s32 @!p0 $0x1BF5;
	p2 =	por !p2, p0  }
0x20: {  	[sflag:s8] =	ssyncset.s32 @!p0 $0xFFFFF086;
	s6 =	sadd.s32 @!p0 s3, s7;
	s7 =	simm.s32 @!p0 $0x108  }
0x21: {  	s3 =	sadd.s32 s3, s9;
	s6 =	sadd.s32 @!p0 $0x88, s6;
	s7 =	simm.s32 @p2 $0x1082  }
0x22: {  	[simem:s7], [sflag:s8] =	dma.local @!p0 [hbm:s6], $0xF7A  }
0x23: {  	s9 =	sor.u32 $0xD0000000, s2;
	s6 =	simm.s32 $0x108;
	_ =	swait.ge @!p0 [sflag:s8], $0x0  }
0x24: {  	s3 =	sadd.s32 $0x88, s3;
	s6 =	simm.s32 @!p1 $0x1082;
	[sflag:s4] =	ssyncset.s32 $0xFFFFF086  }
0x25: {  	[simem:s6], [sflag:s4] =	dma.local [hbm:s3], $0xF7A  }
0x26: {  	[smem:$0x3F9F] =	sst s1;
	(tag) =	ssettag s2;
	_ =	strace s9  }
0x27: {  	s1 =	sld [smem:$0x3FAF]  }
0x28: {  	s2 =	sld [smem:$0x3FB0]  }
0x29: {  	s4 =	sld [smem:$0x3FB2]  }
0x2a: {  	p0 =	seq.s32 s5, $0x0;
	s5 =	sld [smem:$0x3FB3]  }
0x2b: {  	s6 =	sld [smem:$0x3FB4]  }
0x2c: {  	s7 =	sld [smem:$0x3FB5]  }
0x2d: {  	s3 =	simm.s32 $0x108;
	s8 =	sld [smem:$0x3FB6]  }
0x2e: {  	s3 =	simm.s32 @!p0 $0x1082;
	s9 =	sld [smem:$0x3FB7]  }
0x2f: {  	lr =	sadd.s32 s0, s3;
	s0 =	sld [smem:$0x3FAE]  }
0x30: {  	s3 =	sld [smem:$0x3FB1]  }
0x31: {  	[smem:$0x3FBA] =	sst s10  }
0x32: {  	s10 =	sld [smem:$0x3FB8];
	_ =	sdelay $0x3  }
0x33: {  	p0 =	seq.s32 s10, $0x1;
	s10 =	sld [smem:$0x3FBA];
	_ =	sdelay $0x3  }
0x34: {  	[smem:$0x3FBA] =	sst s10  }
0x35: {  	s10 =	sld [smem:$0x3FB9];
	_ =	sdelay $0x3  }
0x36: {  	p1 =	seq.s32 s10, $0x1;
	s10 =	sld [smem:$0x3FBA];
	_ =	sdelay $0x3  }
0x37: {  	[smem:$0x3FBA] =	sst s10  }
0x38: {  	s10 =	sld [smem:$0x3FBB]  }
0x39: {  	_ = 	snop;
	(pc) =	sbr.ind lr, $3  }
0x3a: {  	_ = 	snop  }
0x3b: {  	_ = 	snop  }
0x3c: {  	p2 =	seq.s32 s10, $0x1;
	s10 =	sld [smem:$0x3FBA]  }
0x3d: {  	_ =	shalt  }
0x3e: {  	_ =	shalt  }
0x3f: {  	_ =	shalt  }
0x40: {  	_ =	shalt  }
0x41: {  	_ =	shalt  }
0x42: {  	_ =	shalt  }
0x43: {  	_ =	shalt  }
0x44: {  	_ =	shalt  }
0x45: {  	_ =	shalt  }
0x46: {  	_ =	shalt  }
0x47: {  	_ =	shalt  }
0x48: {  	_ =	shalt  }
0x49: {  	_ =	shalt  }
0x4a: {  	_ =	shalt  }
0x4b: {  	_ =	shalt  }
0x4c: {  	_ =	shalt  }
0x4d: {  	_ =	shalt  }
0x4e: {  	_ =	shalt  }
0x4f: {  	_ =	shalt  }
0x50: {  	_ =	shalt  }
0x51: {  	_ =	shalt  }
0x52: {  	_ =	shalt  }
0x53: {  	_ =	shalt  }
0x54: {  	_ =	shalt  }
0x55: {  	_ =	shalt  }
0x56: {  	_ =	shalt  }
0x57: {  	_ =	shalt  }
0x58: {  	_ =	shalt  }
0x59: {  	_ =	shalt  }
0x5a: {  	_ =	shalt  }
0x5b: {  	_ =	shalt  }
0x5c: {  	_ =	shalt  }
0x5d: {  	_ =	shalt  }
0x5e: {  	_ =	shalt  }
0x5f: {  	_ =	shalt  }
0x60: {  	_ =	shalt  }
0x61: {  	_ =	shalt  }
0x62: {  	_ =	shalt  }
0x63: {  	_ =	shalt  }
0x64: {  	_ =	shalt  }
0x65: {  	_ =	shalt  }
0x66: {  	_ =	shalt  }
0x67: {  	_ =	shalt  }
0x68: {  	_ =	shalt  }
0x69: {  	_ =	shalt  }
0x6a: {  	_ =	shalt  }
0x6b: {  	_ =	shalt  }
0x6c: {  	_ =	shalt  }
0x6d: {  	_ =	shalt  }
0x6e: {  	_ =	shalt  }
0x6f: {  	_ =	shalt  }
0x70: {  	_ =	shalt  }
0x71: {  	_ =	shalt  }
0x72: {  	_ =	shalt  }
0x73: {  	_ =	shalt  }
0x74: {  	_ =	shalt  }
0x75: {  	_ =	shalt  }
0x76: {  	_ =	shalt  }
0x77: {  	_ =	shalt  }
0x78: {  	_ =	shalt  }
0x79: {  	_ =	shalt  }
0x7a: {  	_ =	shalt  }
0x7b: {  	_ =	shalt  }
0x7c: {  	_ =	shalt  }
0x7d: {  	_ =	shalt  }
0x7e: {  	_ =	shalt  }
0x7f: {  	_ =	shalt  }
0x80: {  	_ =	shalt  }
0x81: {  	_ =	shalt  }
0x82: {  	_ =	shalt  }
0x83: {  	_ =	shalt  }
0x84: {  	_ =	shalt  }
0x85: {  	_ =	shalt  }
0x86: {  	_ =	shalt  }
0x87: {  	_ =	shalt  }
.Lfunc_end0:
.L_simem_size_0:
called_computation_lowered:
.L_overlay_start_0:
0x88: {  	s2 =	sld [smem:$0x3FD9]  }
0x89: {  	s3 =	sld [smem:$0x3FFE];
	_ =	sdelay $0x1  }
0x8a: {  	s1 =	srdreg.scid  }
0x8b: {  	s0 =	sand.u32 $0x1, s1  }
0x8c: {  	s16 =	sshll.u32 s0, $0xA;
	s2 =	sadd.s32 s3, s2  }
0x8d: {  	s2 =	sadd.s32 s2, s16  }
0x8e: {  	[smem:$0x3FC6] =	sst s2  }
0x8f: {  	_ = 	snop  }
0x90: {  	(tm) =	ssettm $0x1  }
0x91: {  	s17 =	sld [smem:$0x3FFB];
	_ =	sdelay $0x3  }
0x92: {  	_ =	strace s17  }
0x93: {  	s2 =	sld [smem:$0x3FFC];
	_ =	sdelay $0x3  }
0x94: {  	_ =	strace s2  }
0x95: {  	s2 =	sld [smem:$0x3FFD];
	_ =	sdelay $0x3  }
0x96: {  	_ =	strace s2  }
0x97: {  	_ =	strace $0x8FFFFFFF  }
0x98: {  	s18 =	sld [smem:$0x3FDB];
	_ =	sdelay $0x1  }
0x99: {  	s19 =	simm.s32 $_scs_section_size  }
0x9a: {  	s4 =	simm.s32 $_size__tile_overlayer_lowered;
	s5 =	simm.s32 $_tile_overlayer_lowered  }
0x9b: {  	s22 =	simm.s32 $0x1BFF;
	s21 =	sshll.u32 s5, $0x1;
	s2 =	sadd.s32 s19, s18  }
0x9c: {  	s6 =	simm.s32 $0x0;
	s20 =	sshll.u32 s4, $0x1;
	s4 =	sadd.s32 s21, s2  }
0x9d: {  	[timem:s6], [sflag:s22] =	dma.local [hbm:s4], s20  }
0x9e: {  	_ =	swait.ge [sflag:s22], s20  }
0x9f: {  	s3 =	ssub.s32 $0x0, s20;
	[sflag:s22] =	ssyncset.done $0x0  }
0xa0: {  	[sflag:s22] =	ssyncadd.s32 s3;
	_ =	sdelay $0x1  }
0xa1: {  	s23 =	simm.s32 $0x1B8B  }
0xa2: {  	_ =	swait.ge [sflag:s23], $0x1  }
0xa3: {  	[sflag:s23] =	ssyncset.done $0x0  }
0xa4: {  	s25 =	simm.s32 $0x1B8E;
	s24 =	sld [smem:$0x3FFE];
	[sflag:s23] =	ssyncadd.s32 $0xFFFFFFFF  }
0xa5: {  	s26 =	simm.s32 $execute0_lowered;
	[smem:$0x3FD2] =	sst s25  }
0xa6: {  	s4 =	sshll.u32 s26, $0x1;
	_ =	strace $0x80000046;
	[dreg:$0x1] =	wrdreg $0xFFFFFFFF  }
0xa7: {  	s28 =	simm.s32 $_size_execute0_lowered;
	s2 =	sadd.s32 s2, s4;
	[dreg:$0x0] =	wrdreg $0x0  }
0xa8: {  	s4 =	sshll.u32 s28, $0x1;
	[dreg:$0x2] =	wrdreg s2  }
0xa9: {  	[dreg:$0x3] =	wrdreg s4  }
0xaa: {  	[dreg:$0x4] =	wrdreg $0xC0  }
0xab: {  	_ =	task [dreg:s6], $0x5FFFF  }
0xac: {  	[dreg:$0x1] =	wrdreg $0xFFFFFFFF  }
0xad: {  	[dreg:$0x0] =	wrdreg $0x60  }
0xae: {  	[dreg:$0x2] =	wrdreg s24  }
0xaf: {  	[dreg:$0x3] =	wrdreg $0x0  }
0xb0: {  	[dreg:$0x4] =	wrdreg $0x9  }
0xb1: {  	_ =	task.clear_ibuf [dreg:s6], $0x5FFFF;
	_ =	strace $0x90000046  }
0xb2: {  	s29 =	simm.s32 $0x9;
	_ =	strace $0x80000048  }
0xb3: {  	_ =	swait.ge [sflag:s29], $0x1  }
0xb4: {  	[sflag:s29] =	ssyncadd.s32 $0xFFFFFFFF  }
0xb5: {  	_ =	strace $0x90000048  }
0xb6: {  	_ =	sfence  }
0xb7: {  	s30 =	sld [smem:$0x0];
	_ =	sdelay $0x2  }
0xb8: {  	s31 =	sshll.u32 s1, $0xD;
	s1 =	sshrl.u32 s1, $0x2  }
0xb9: {  	s3 =	sand.u32 $0x4000, s31;
	s1 =	sadd.s32 s1, s30  }
0xba: {  	s0 =	sor.u32 s3, s0;
	s1 =	sshll.u32 s1, $0x11  }
0xbb: {  	s0 =	sor.u32 s1, s0  }
0xbc: {  	s0 =	sadd.s32 $0x8F2B, s0  }
0xbd: {  	[sflag:s0] =	ssyncadd.remote.s32 $0x1  }
0xbe: {  	_ =	sfence.sel $0xFFFF  }
0xbf: {  	[dreg:$0x0] =	wrdreg $0xFFFFFFFF;
	(pc) =	sbr.abs _section_cstart, $3  }
0xc0: {  	[dreg:$0x1] =	wrdreg $0xFFFFFFFF  }
0xc1: {  	_ =	task.clear_ibuf [dreg:s6], $0x2FFFF;
	_ =	strace $0x9FFFFFFF  }
0xc2: {  	(tm) =	ssettm $0x7FFFFFFF  }
0xc3: {  	_ =	shalt  }
tec
execute0_lowered:
.L_overlay_start_1:
0x0: {  	(tag) =	ssettag $0x1  }
0x1: {  	s6 =	rddreg [dreg:$0x0]  }
0x2: {  	s7 =	rddreg [dreg:$0x1];
	s1 =	srdreg.scid  }
0x3: {  	s2 =	simm.s32 $0x0;
	s0 =	stileid.u32;
	s16 =	simm.s32 $0x3  }
0x4: {  	s17 =	simm.s32 $0x14000;
	s18 =	simm.s32 $0x14100;
	s19 =	simm.s32 $0x80  }
0x5: {  	s20 =	simm.s32 $0x14400;
	s21 =	simm.s32 $0x14080;
	s28 =	simm.s32 $0x14280  }
0x6: {  	s29 =	simm.s32 $0x0;
	s5 =	sand.u32 $0x1, s1;
	s9 =	smul.u32 $0x14000, s0  }
0x7: {  	[smem:$0x7FF] =	sst s2;
	s3 =	sadd.s32 $0x800, s6;
	s22 =	smul.u32 $0x50000, s0  }
0x8: {  	s4 =	sadd.s32 $0x5A800, s6;
	s11 =	smul.u32 $0x280, s0;
	s31 =	sshll.u32 s0, $0x6  }
0x9: {  	s8 =	smul.u32 $0x140000, s5;
	_ =	strace $0x80000047;
	s10 =	ssub.s32 $0x2, s5  }
0xa: {  	s26 =	smul.u32 $0x2800, s5;
	s5 =	sadd.s32 $0x50800, s6;
	s23 =	sshrl.u32 s10, $0x1  }
0xb: {  	s24 =	sshrl.u32 s22, $0x2;
	s22 =	simm.s32 $0x18400;
	s8 =	sadd.s32 s9, s8  }
0xc: {  	s14 =	ssub.s32 s10, s23;
	s25 =	sadd.s32 s11, s26;
	s15 =	sadd.s32 s24, s7  }
0xd: {  	s23 =	simm.s32 $0x14200;
	s24 =	simm.s32 $0x14300;
	v0 =	vmov s26;
	s26 =	simm.s32 $0x2  }
0xe: {  	s8 =	sshrl.u32 s8, $0x3;
	s30 =	sshll.u32 s25, $0x4;
	s14 =	smax.u32 s14, $0x1  }
0xf: {  	s15 =	sshrl.u32 s15, $0x3;
	s13 =	sadd.s32 s8, s6;
	s6 =	smul.u32 $0xA00, s0  }
0x10: {  	s25 =	simm.s32 $0x1;
	s7 =	sadd.s32 s3, s30;
	s8 =	sor.u32 $0x1C03, s31  }
0x11: {  	s13 =	sadd.s32 $0x64800, s13;
	s9 =	sadd.s32 s4, s6;
	s12 =	sor.u32 $0x20, s6  }
0x12: {  	s10 =	sadd.s32 s5, s6;
	s11 =	sadd.s32 s4, s12;
	s12 =	sadd.s32 s5, s12  }
.LBB2_1:
0x13: {  	[spmem:s15], [sflag:s8] =	dma.local [hbm:s7], $0x2800  }
0x14: {  	_ =	swait.ge [sflag:s16], $0x2800  }
0x15: {  	[sflag:s16] =	ssyncset.done $0x0  }
0x16: {  	[sflag:s16] =	ssyncadd.s32 $0xFFFFD800  }
0x17: {  	[bflag:$0x0] =	sbarrier.arrive $0xFFFF  }
0x18: {  	[tilespmem:s17], [sflag:$0x3] =	stream.linear.gather [hbm4b:s9+s2], $0x100, $0x38;
	[tilespmem:$0x1C400] =	vst v63  }
0x19: {  	_ =	swait.ge [sflag:s16], $0x100  }
0x1a: {  	[sflag:s16] =	ssyncset.done $0x0  }
0x1b: {  	[sflag:s16] =	ssyncadd.s32 $0xFFFFFF00  }
0x1c: {  	[tilespmem:s18], [sflag:$0x3] =	stream.linear.gather [hbm4b:s10+s2], $0x100, $0x38;
	[tilespmem:$0x1C400] =	vst v63  }
0x1d: {  	_ =	swait.ge [sflag:s16], $0x100  }
0x1e: {  	[sflag:s16] =	ssyncset.done $0x0  }
0x1f: {  	[sflag:s16] =	ssyncadd.s32 $0xFFFFFF00  }
0x20: {  	v1 =	vld [tilespmem:$0x14000]  }
0x21: {  	v2 =	vld [tilespmem:$0x14010]  }
0x22: {  	v3 =	vld [tilespmem:$0x14020]  }
0x23: {  	v4 =	vld [tilespmem:$0x14030]  }
0x24: {  	v5 =	vld [tilespmem:$0x14040]  }
0x25: {  	v6 =	vld [tilespmem:$0x14050];
	v1 =	vadd.s32 v0, v1  }
0x26: {  	[tilespmem:$0x14000] =	vst v1;
	v1 =	vadd.s32 v0, v2;
	v2 =	vld [tilespmem:$0x14060]  }
0x27: {  	[tilespmem:$0x14010] =	vst v1;
	v1 =	vadd.s32 v0, v3;
	v3 =	vld [tilespmem:$0x14070]  }
0x28: {  	v49 =	vld [tilespmem:$0x14080];
	[tilespmem:$0x14020] =	vst v1;
	v1 =	vadd.s32 v0, v4  }
0x29: {  	v50 =	vld [tilespmem:$0x14090];
	[tilespmem:$0x14030] =	vst v1;
	v1 =	vadd.s32 v0, v5  }
0x2a: {  	v51 =	vld [tilespmem:$0x140A0];
	[tilespmem:$0x14040] =	vst v1;
	v1 =	vadd.s32 v0, v6  }
0x2b: {  	[tilespmem:$0x14050] =	vst v1;
	v1 =	vadd.s32 v0, v2;
	v2 =	vld [tilespmem:$0x140B0]  }
0x2c: {  	[tilespmem:$0x14060] =	vst v1;
	v1 =	vadd.s32 v0, v3;
	v3 =	vld [tilespmem:$0x140C0]  }
0x2d: {  	v52 =	vld [tilespmem:$0x140D0];
	[tilespmem:$0x14070] =	vst v1;
	v1 =	vadd.s32 v0, v49  }
0x2e: {  	v53 =	vld [tilespmem:$0x140E0];
	[tilespmem:$0x14080] =	vst v1;
	v1 =	vadd.s32 v0, v50  }
0x2f: {  	v54 =	vld [tilespmem:$0x140F0];
	[tilespmem:$0x14090] =	vst v1;
	v1 =	vadd.s32 v0, v51  }
0x30: {  	[tilespmem:$0x140A0] =	vst v1;
	v1 =	vadd.s32 v0, v2  }
0x31: {  	[tilespmem:$0x140B0] =	vst v1;
	v1 =	vadd.s32 v0, v3  }
0x32: {  	[tilespmem:$0x140C0] =	vst v1;
	v1 =	vadd.s32 v0, v52  }
0x33: {  	[tilespmem:$0x140D0] =	vst v1;
	v1 =	vadd.s32 v0, v53  }
0x34: {  	[tilespmem:$0x140E0] =	vst v1;
	v1 =	vadd.s32 v0, v54  }
0x35: {  	[tilespmem:$0x140F0] =	vst v1  }
0x36: {  	[tilespmem:s20], [sflag:$0x1] =	stream.indirect.gather [hbm4b:s3+s19], $0x80, s17, s19, $0xb8;
	[tilespmem:$0x1C400] =	vst v63  }
0x37: {  	_ = 	snop  }
0x38: {  	[tilespmem:s22], [sflag:$0x2] =	stream.indirect.gather [hbm4b:s3+s19], $0x80, s21, s19, $0xb8;
	[tilespmem:$0x1C400] =	vst v63  }
0x39: {  	_ = 	snop  }
0x3a: {  	[tilespmem:s23], [sflag:$0x3] =	stream.linear.gather [hbm4b:s11+s2], $0x100, $0x38;
	[tilespmem:$0x1C400] =	vst v63  }
0x3b: {  	_ =	swait.ge [sflag:s16], $0x100  }
0x3c: {  	[sflag:s16] =	ssyncset.done $0x0  }
0x3d: {  	[sflag:s16] =	ssyncadd.s32 $0xFFFFFF00  }
0x3e: {  	[tilespmem:s24], [sflag:$0x3] =	stream.linear.gather [hbm4b:s12+s2], $0x100, $0x38;
	[tilespmem:$0x1C400] =	vst v63  }
0x3f: {  	_ =	swait.ge [sflag:s16], $0x100  }
0x40: {  	[sflag:s16] =	ssyncset.done $0x0  }
0x41: {  	[sflag:s16] =	ssyncadd.s32 $0xFFFFFF00  }
0x42: {  	v1 =	vld [tilespmem:$0x14200]  }
0x43: {  	v2 =	vld [tilespmem:$0x14210]  }
0x44: {  	v3 =	vld [tilespmem:$0x14220]  }
0x45: {  	v55 =	vld [tilespmem:$0x14230]  }
0x46: {  	v56 =	vld [tilespmem:$0x14240]  }
0x47: {  	v57 =	vld [tilespmem:$0x14250];
	v1 =	vadd.s32 v0, v1  }
0x48: {  	[tilespmem:$0x14200] =	vst v1;
	v1 =	vadd.s32 v0, v2;
	v2 =	vld [tilespmem:$0x14260]  }
0x49: {  	[tilespmem:$0x14210] =	vst v1;
	v1 =	vadd.s32 v0, v3;
	v3 =	vld [tilespmem:$0x14270]  }
0x4a: {  	v58 =	vld [tilespmem:$0x14280];
	[tilespmem:$0x14220] =	vst v1;
	v1 =	vadd.s32 v0, v55  }
0x4b: {  	v59 =	vld [tilespmem:$0x14290];
	[tilespmem:$0x14230] =	vst v1;
	v1 =	vadd.s32 v0, v56  }
0x4c: {  	v60 =	vld [tilespmem:$0x142A0];
	[tilespmem:$0x14240] =	vst v1;
	v1 =	vadd.s32 v0, v57  }
0x4d: {  	[tilespmem:$0x14250] =	vst v1;
	v1 =	vadd.s32 v0, v2;
	v2 =	vld [tilespmem:$0x142B0]  }
0x4e: {  	[tilespmem:$0x14260] =	vst v1;
	v1 =	vadd.s32 v0, v3;
	v3 =	vld [tilespmem:$0x142C0]  }
0x4f: {  	v61 =	vld [tilespmem:$0x142D0];
	[tilespmem:$0x14270] =	vst v1;
	v1 =	vadd.s32 v0, v58  }
0x50: {  	v62 =	vld [tilespmem:$0x142E0];
	[tilespmem:$0x14280] =	vst v1;
	v1 =	vadd.s32 v0, v59  }
0x51: {  	v63 =	vld [tilespmem:$0x142F0];
	[tilespmem:$0x14290] =	vst v1;
	v1 =	vadd.s32 v0, v60  }
0x52: {  	[tilespmem:$0x142A0] =	vst v1;
	v1 =	vadd.s32 v0, v2  }
0x53: {  	[tilespmem:$0x142B0] =	vst v1;
	v1 =	vadd.s32 v0, v3  }
0x54: {  	[tilespmem:$0x142C0] =	vst v1;
	v1 =	vadd.s32 v0, v61  }
0x55: {  	[tilespmem:$0x142D0] =	vst v1;
	v1 =	vadd.s32 v0, v62  }
0x56: {  	[tilespmem:$0x142E0] =	vst v1;
	v1 =	vadd.s32 v0, v63  }
0x57: {  	s30 =	simm.s32 $0x60;
	[tilespmem:$0x142F0] =	vst v1  }
.LBB2_2:
0x58: {  	_ =	swait.ge [sflag:s25], $0x4000  }
0x59: {  	[sflag:s25] =	ssyncset.done $0x0  }
0x5a: {  	[sflag:s25] =	ssyncadd.s32 $0xFFFFC000  }
0x5b: {  	s31 =	sadd.s32 s30, s6;
	_ =	swait.ge [sflag:s26], $0x4000  }
0x5c: {  	s1 =	sadd.s32 $0xFFFFFFE0, s30;
	s0 =	sadd.s32 $0xFFFFFFE0, s31;
	[sflag:s26] =	ssyncset.done $0x0  }
0x5d: {  	s1 =	sand.u32 $0x40, s1;
	s0 =	sand.u32 $0x1FF80, s0;
	[sflag:s26] =	ssyncadd.s32 $0xFFFFC000  }
0x5e: {  	[tilespmem:s20], [sflag:$0x1] =	stream.indirect.gather [hbm4b:s3+s19], $0x80, s23, s19, $0xb8;
	[tilespmem:$0x1C400] =	vst v63  }
0x5f: {  	s0 =	sor.u32 s1, s0  }
0x60: {  	[tilespmem:s22], [sflag:$0x2] =	stream.indirect.gather [hbm4b:s3+s19], $0x80, s28, s19, $0xb8;
	[tilespmem:$0x1C400] =	vst v63  }
0x61: {  	s1 =	sadd.s32 s4, s0  }
0x62: {  	[tilespmem:s17], [sflag:$0x3] =	stream.linear.gather [hbm4b:s1+s2], $0x100, $0x38;
	[tilespmem:$0x1C400] =	vst v63  }
0x63: {  	_ =	swait.ge [sflag:s16], $0x100  }
0x64: {  	[sflag:s16] =	ssyncset.done $0x0  }
0x65: {  	s0 =	sadd.s32 s5, s0;
	[sflag:s16] =	ssyncadd.s32 $0xFFFFFF00  }
0x66: {  	[tilespmem:s18], [sflag:$0x3] =	stream.linear.gather [hbm4b:s0+s2], $0x100, $0x38;
	[tilespmem:$0x1C400] =	vst v63  }
0x67: {  	_ =	swait.ge [sflag:s16], $0x100  }
0x68: {  	[sflag:s16] =	ssyncset.done $0x0  }
0x69: {  	[sflag:s16] =	ssyncadd.s32 $0xFFFFFF00  }
0x6a: {  	v1 =	vld [tilespmem:$0x14000]  }
0x6b: {  	v2 =	vld [tilespmem:$0x14010]  }
0x6c: {  	v3 =	vld [tilespmem:$0x14020]  }
0x6d: {  	v4 =	vld [tilespmem:$0x14030]  }
0x6e: {  	v5 =	vld [tilespmem:$0x14040]  }
0x6f: {  	v6 =	vld [tilespmem:$0x14050];
	v1 =	vadd.s32 v0, v1  }
0x70: {  	[tilespmem:$0x14000] =	vst v1;
	v1 =	vadd.s32 v0, v2;
	v2 =	vld [tilespmem:$0x14060]  }
0x71: {  	[tilespmem:$0x14010] =	vst v1;
	v1 =	vadd.s32 v0, v3;
	v3 =	vld [tilespmem:$0x14070]  }
0x72: {  	v49 =	vld [tilespmem:$0x14080];
	[tilespmem:$0x14020] =	vst v1;
	v1 =	vadd.s32 v0, v4  }
0x73: {  	v50 =	vld [tilespmem:$0x14090];
	[tilespmem:$0x14030] =	vst v1;
	v1 =	vadd.s32 v0, v5  }
0x74: {  	v51 =	vld [tilespmem:$0x140A0];
	[tilespmem:$0x14040] =	vst v1;
	v1 =	vadd.s32 v0, v6  }
0x75: {  	[tilespmem:$0x14050] =	vst v1;
	v1 =	vadd.s32 v0, v2;
	v2 =	vld [tilespmem:$0x140B0]  }
0x76: {  	[tilespmem:$0x14060] =	vst v1;
	v1 =	vadd.s32 v0, v3;
	v3 =	vld [tilespmem:$0x140C0]  }
0x77: {  	v52 =	vld [tilespmem:$0x140D0];
	[tilespmem:$0x14070] =	vst v1;
	v1 =	vadd.s32 v0, v49  }
0x78: {  	v53 =	vld [tilespmem:$0x140E0];
	[tilespmem:$0x14080] =	vst v1;
	v1 =	vadd.s32 v0, v50  }
0x79: {  	v54 =	vld [tilespmem:$0x140F0];
	[tilespmem:$0x14090] =	vst v1;
	v1 =	vadd.s32 v0, v51  }
0x7a: {  	[tilespmem:$0x140A0] =	vst v1;
	v1 =	vadd.s32 v0, v2  }
0x7b: {  	[tilespmem:$0x140B0] =	vst v1;
	v1 =	vadd.s32 v0, v3  }
0x7c: {  	[tilespmem:$0x140C0] =	vst v1;
	v1 =	vadd.s32 v0, v52  }
0x7d: {  	[tilespmem:$0x140D0] =	vst v1;
	v1 =	vadd.s32 v0, v53  }
0x7e: {  	[tilespmem:$0x140E0] =	vst v1;
	v1 =	vadd.s32 v0, v54  }
0x7f: {  	[tilespmem:$0x140F0] =	vst v1  }
0x80: {  	_ =	swait.ge [sflag:s25], $0x4000  }
0x81: {  	[sflag:s25] =	ssyncset.done $0x0  }
0x82: {  	[sflag:s25] =	ssyncadd.s32 $0xFFFFC000  }
0x83: {  	_ =	swait.ge [sflag:s26], $0x4000  }
0x84: {  	[sflag:s26] =	ssyncset.done $0x0  }
0x85: {  	s1 =	sand.u32 $0x1FF80, s31;
	s31 =	sand.u32 $0x60, s30;
	[sflag:s26] =	ssyncadd.s32 $0xFFFFC000  }
0x86: {  	[tilespmem:s20], [sflag:$0x1] =	stream.indirect.gather [hbm4b:s3+s19], $0x80, s17, s19, $0xb8;
	[tilespmem:$0x1C400] =	vst v63  }
0x87: {  	s0 =	sor.u32 s31, s1  }
0x88: {  	[tilespmem:s22], [sflag:$0x2] =	stream.indirect.gather [hbm4b:s3+s19], $0x80, s21, s19, $0xb8;
	[tilespmem:$0x1C400] =	vst v63  }
0x89: {  	s1 =	sadd.s32 s4, s0  }
0x8a: {  	[tilespmem:s23], [sflag:$0x3] =	stream.linear.gather [hbm4b:s1+s2], $0x100, $0x38;
	[tilespmem:$0x1C400] =	vst v63  }
0x8b: {  	_ =	swait.ge [sflag:s16], $0x100  }
0x8c: {  	[sflag:s16] =	ssyncset.done $0x0  }
0x8d: {  	s0 =	sadd.s32 s5, s0;
	[sflag:s16] =	ssyncadd.s32 $0xFFFFFF00  }
0x8e: {  	[tilespmem:s24], [sflag:$0x3] =	stream.linear.gather [hbm4b:s0+s2], $0x100, $0x38;
	[tilespmem:$0x1C400] =	vst v63  }
0x8f: {  	_ =	swait.ge [sflag:s16], $0x100  }
0x90: {  	[sflag:s16] =	ssyncset.done $0x0  }
0x91: {  	[sflag:s16] =	ssyncadd.s32 $0xFFFFFF00  }
0x92: {  	v1 =	vld [tilespmem:$0x14200]  }
0x93: {  	v2 =	vld [tilespmem:$0x14210]  }
0x94: {  	v3 =	vld [tilespmem:$0x14220]  }
0x95: {  	v55 =	vld [tilespmem:$0x14230]  }
0x96: {  	v56 =	vld [tilespmem:$0x14240]  }
0x97: {  	v57 =	vld [tilespmem:$0x14250];
	v1 =	vadd.s32 v0, v1  }
0x98: {  	[tilespmem:$0x14200] =	vst v1;
	v1 =	vadd.s32 v0, v2;
	v2 =	vld [tilespmem:$0x14260]  }
0x99: {  	[tilespmem:$0x14210] =	vst v1;
	v1 =	vadd.s32 v0, v3;
	v3 =	vld [tilespmem:$0x14270]  }
0x9a: {  	v58 =	vld [tilespmem:$0x14280];
	[tilespmem:$0x14220] =	vst v1;
	v1 =	vadd.s32 v0, v55  }
0x9b: {  	v59 =	vld [tilespmem:$0x14290];
	[tilespmem:$0x14230] =	vst v1;
	v1 =	vadd.s32 v0, v56  }
0x9c: {  	v60 =	vld [tilespmem:$0x142A0];
	[tilespmem:$0x14240] =	vst v1;
	v1 =	vadd.s32 v0, v57  }
0x9d: {  	[tilespmem:$0x14250] =	vst v1;
	v1 =	vadd.s32 v0, v2;
	v2 =	vld [tilespmem:$0x142B0]  }
0x9e: {  	[tilespmem:$0x14260] =	vst v1;
	v1 =	vadd.s32 v0, v3;
	v3 =	vld [tilespmem:$0x142C0]  }
0x9f: {  	v61 =	vld [tilespmem:$0x142D0];
	[tilespmem:$0x14270] =	vst v1;
	v1 =	vadd.s32 v0, v58  }
0xa0: {  	v62 =	vld [tilespmem:$0x142E0];
	[tilespmem:$0x14280] =	vst v1;
	v1 =	vadd.s32 v0, v59  }
0xa1: {  	v63 =	vld [tilespmem:$0x142F0];
	[tilespmem:$0x14290] =	vst v1;
	v1 =	vadd.s32 v0, v60  }
0xa2: {  	p0 =	sne.s32 s30, $0x9E0;
	[tilespmem:$0x142A0] =	vst v1;
	v1 =	vadd.s32 v0, v2  }
.Ltmp0:
0xa3: {  	[tilespmem:$0x142B0] =	vst v1;
	v1 =	vadd.s32 v0, v3;
	(pc) =	sbr.rel @p0 .LBB2_2-.Ltmp0, $4  }
0xa4: {  	[tilespmem:$0x142C0] =	vst v1;
	v1 =	vadd.s32 v0, v61  }
0xa5: {  	[tilespmem:$0x142D0] =	vst v1;
	v1 =	vadd.s32 v0, v62  }
0xa6: {  	[tilespmem:$0x142E0] =	vst v1;
	v1 =	vadd.s32 v0, v63  }
0xa7: {  	s30 =	sadd.s32 $0x40, s30;
	[tilespmem:$0x142F0] =	vst v1  }
0xa8: {  	_ =	swait.ge [sflag:s25], $0x4000  }
0xa9: {  	[sflag:s25] =	ssyncset.done $0x0  }
0xaa: {  	[sflag:s25] =	ssyncadd.s32 $0xFFFFC000  }
0xab: {  	_ =	swait.ge [sflag:s26], $0x4000  }
0xac: {  	[sflag:s26] =	ssyncset.done $0x0  }
0xad: {  	[sflag:s26] =	ssyncadd.s32 $0xFFFFC000  }
0xae: {  	[tilespmem:s20], [sflag:$0x1] =	stream.indirect.gather [hbm4b:s3+s19], $0x80, s23, s19, $0xb8;
	[tilespmem:$0x1C400] =	vst v63  }
0xaf: {  	_ = 	snop  }
0xb0: {  	[tilespmem:s22], [sflag:$0x2] =	stream.indirect.gather [hbm4b:s3+s19], $0x80, s28, s19, $0xb8;
	[tilespmem:$0x1C400] =	vst v63  }
0xb1: {  	_ =	swait.ge [sflag:s25], $0x4000  }
0xb2: {  	[sflag:s25] =	ssyncset.done $0x0  }
0xb3: {  	[sflag:s25] =	ssyncadd.s32 $0xFFFFC000  }
0xb4: {  	_ =	swait.ge [sflag:s26], $0x4000  }
0xb5: {  	s29 =	sadd.s32 $0x1, s29;
	[sflag:s26] =	ssyncset.done $0x0  }
0xb6: {  	p0 =	sne.s32 s29, s14;
	[sflag:s26] =	ssyncadd.s32 $0xFFFFC000  }
.Ltmp1:
0xb7: {  	[bflag:$0x0] =	sbarrier.arrive $0xFFFF;
	(pc) =	sbr.rel @p0 .LBB2_1-.Ltmp1, $4  }
0xb8: {  	[hbm:s13], [sflag:s8] =	dma.local [spmem:s15], $0x2800  }
0xb9: {  	_ =	swait.ge [sflag:s16], $0x2800  }
0xba: {  	[sflag:s16] =	ssyncset.done $0x0  }
0xbb: {  	[sflag:s16] =	ssyncadd.s32 $0xFFFFD800  }
0xbc: {  	_ =	sfence.sel $0x180000  }
0xbd: {  	[bflag:$0x0] =	sbarrier.arrive $0xFFFF  }
0xbe: {  	_ =	strace $0x90000047  }
0xbf: {  	s0 =	stileid.u32;
	[bflag:$0x2] =	sbarrier.arrive $0xFFFF  }
0xc0: {  	p0 =	sne.s32 s0, $0x0;
	s0 =	rddreg [dreg:$0x2]  }
0xc1: {  	s0 =	sadd.s32 @!p0 $0x100000, s0  }
0xc2: {  	[sflag:s0] =	ssyncadd.tile.s32 @!p0 $0x1;
	_ =	shalt  }
.Lfunc_end2:
_tile_overlayer_lowered:
.L_overlay_start_2:
0xc3: {  	(tag) =	ssettag $0x2  }
0xc4: {  	s0 =	rddreg [dreg:$0x0];
	s2 =	stileid.u32  }
0xc5: {  	s1 =	rddreg [dreg:$0x1];
	p0 =	sne.s32 s2, $0x0  }
0xc6: {  	s3 =	rddreg [dreg:$0x2];
	[bflag:$0x3] =	sbarrier.arrive $0xFFFF;
	s2 =	simm.s32 @!p0 $0x1C03  }
0xc7: {  	[timem:s3], [sflag:s2] =	dma.local @!p0 [hbm:s0], s1  }
0xc8: {  	s0 =	simm.s32 @!p0 $0x3  }
0xc9: {  	_ =	swait.ge @!p0 [sflag:s0], s1  }
0xca: {  	s1 =	ssub.s32 @!p0 $0x0, s1;
	[sflag:s0] =	ssyncset.done @!p0 $0x0  }
0xcb: {  	[sflag:s0] =	ssyncadd.s32 @!p0 s1  }
0xcc: {  	[bflag:$0x3] =	sbarrier.arrive $0xFFFF  }
0xcd: {  	_ =	shalt  }

// kernel: layer_scatter.3.cloned.1.call-start
scs
__scs_entry_jumppad:
0x0: {  	(pc) =	sbr.rel $0x88, $3  }
0x1: {  	(tag) =	ssettag $0x0;
	lr =	simm.s32 $0x1  }
0x2: {  	[smem:$0x3F9F] =	sst lr;
	_ =	strace $0xD0000000  }
0x3: {  	_ = 	snop  }
0x4: {  	_ = 	snop  }
0x5: {  	_ = 	snop  }
0x6: {  	_ = 	snop  }
0x7: {  	_ = 	snop  }
__scs_overlays_trampoline_lowered:
0x8: {  	[smem:$0x3FAE] =	sst s0  }
0x9: {  	[smem:$0x3FAF] =	sst s1  }
0xa: {  	[smem:$0x3FB0] =	sst s2  }
0xb: {  	[smem:$0x3FB1] =	sst s3  }
0xc: {  	[smem:$0x3FB2] =	sst s4  }
0xd: {  	[smem:$0x3FB3] =	sst s5  }
0xe: {  	[smem:$0x3FB4] =	sst s6  }
0xf: {  	[smem:$0x3FB5] =	sst s7  }
0x10: {  	[smem:$0x3FB6] =	sst s8  }
0x11: {  	[smem:$0x3FB7] =	sst s9;
	s0 =	simm.s32 @!p0 $0x0  }
0x12: {  	s1 =	sld [smem:$0x3F9D];
	s0 =	simm.s32 @p0 $0x1  }
0x13: {  	[smem:$0x3FB8] =	sst s0;
	s0 =	simm.s32 @!p1 $0x0  }
0x14: {  	s2 =	sld [smem:$0x3F9C];
	s0 =	simm.s32 @p1 $0x1  }
0x15: {  	[smem:$0x3FB9] =	sst s0;
	s0 =	simm.s32 @!p2 $0x0  }
0x16: {  	s3 =	sld [smem:$0x3FDB];
	s0 =	simm.s32 @p2 $0x1  }
0x17: {  	s4 =	simm.s32 $0x1BF5;
	[smem:$0x3FBB] =	sst s0  }
0x18: {  	s0 =	sld [smem:$0x3F9E];
	_ =	swait.ge [sflag:s4], $0x0  }
0x19: {  	s7 =	sld [smem:$0x3F9F]  }
0x1a: {  	s8 =	sadd.s32 $0xFFFFE003, lr  }
0x1b: {  	s9 =	sadd.s32 $0xFFFFFEF7, lr;
	s5 =	simm.s32 $0xFFFFFFFF;
	p2 =	slt.u32 s8, $0xFFFFF086  }
0x1c: {  	p1 =	slt.u32 s9, $0xF7A;
	s5 =	simm.s32 @!p2 $0x0  }
0x1d: {  	s5 =	simm.s32 @p1 $0x1;
	p0 =	seq.s32 s7, s2  }
0x1e: {  	s7 =	smul.u32 @!p0 $0xF7A, s2;
	p2 =	seq.s32 @!p0 s5, $0x0  }
0x1f: {  	s9 =	smul.u32 $0xF7A, s1;
	s8 =	simm.s32 @!p0 $0x1BF5;
	p2 =	por !p2, p0  }
0x20: {  	[sflag:s8] =	ssyncset.s32 @!p0 $0xFFFFF086;
	s6 =	sadd.s32 @!p0 s3, s7;
	s7 =	simm.s32 @!p0 $0x108  }
0x21: {  	s3 =	sadd.s32 s3, s9;
	s6 =	sadd.s32 @!p0 $0x88, s6;
	s7 =	simm.s32 @p2 $0x1082  }
0x22: {  	[simem:s7], [sflag:s8] =	dma.local @!p0 [hbm:s6], $0xF7A  }
0x23: {  	s9 =	sor.u32 $0xD0000000, s2;
	s6 =	simm.s32 $0x108;
	_ =	swait.ge @!p0 [sflag:s8], $0x0  }
0x24: {  	s3 =	sadd.s32 $0x88, s3;
	s6 =	simm.s32 @!p1 $0x1082;
	[sflag:s4] =	ssyncset.s32 $0xFFFFF086  }
0x25: {  	[simem:s6], [sflag:s4] =	dma.local [hbm:s3], $0xF7A  }
0x26: {  	[smem:$0x3F9F] =	sst s1;
	(tag) =	ssettag s2;
	_ =	strace s9  }
0x27: {  	s1 =	sld [smem:$0x3FAF]  }
0x28: {  	s2 =	sld [smem:$0x3FB0]  }
0x29: {  	s4 =	sld [smem:$0x3FB2]  }
0x2a: {  	p0 =	seq.s32 s5, $0x0;
	s5 =	sld [smem:$0x3FB3]  }
0x2b: {  	s6 =	sld [smem:$0x3FB4]  }
0x2c: {  	s7 =	sld [smem:$0x3FB5]  }
0x2d: {  	s3 =	simm.s32 $0x108;
	s8 =	sld [smem:$0x3FB6]  }
0x2e: {  	s3 =	simm.s32 @!p0 $0x1082;
	s9 =	sld [smem:$0x3FB7]  }
0x2f: {  	lr =	sadd.s32 s0, s3;
	s0 =	sld [smem:$0x3FAE]  }
0x30: {  	s3 =	sld [smem:$0x3FB1]  }
0x31: {  	[smem:$0x3FBA] =	sst s10  }
0x32: {  	s10 =	sld [smem:$0x3FB8];
	_ =	sdelay $0x3  }
0x33: {  	p0 =	seq.s32 s10, $0x1;
	s10 =	sld [smem:$0x3FBA];
	_ =	sdelay $0x3  }
0x34: {  	[smem:$0x3FBA] =	sst s10  }
0x35: {  	s10 =	sld [smem:$0x3FB9];
	_ =	sdelay $0x3  }
0x36: {  	p1 =	seq.s32 s10, $0x1;
	s10 =	sld [smem:$0x3FBA];
	_ =	sdelay $0x3  }
0x37: {  	[smem:$0x3FBA] =	sst s10  }
0x38: {  	s10 =	sld [smem:$0x3FBB]  }
0x39: {  	_ = 	snop;
	(pc) =	sbr.ind lr, $3  }
0x3a: {  	_ = 	snop  }
0x3b: {  	_ = 	snop  }
0x3c: {  	p2 =	seq.s32 s10, $0x1;
	s10 =	sld [smem:$0x3FBA]  }
0x3d: {  	_ =	shalt  }
0x3e: {  	_ =	shalt  }
0x3f: {  	_ =	shalt  }
0x40: {  	_ =	shalt  }
0x41: {  	_ =	shalt  }
0x42: {  	_ =	shalt  }
0x43: {  	_ =	shalt  }
0x44: {  	_ =	shalt  }
0x45: {  	_ =	shalt  }
0x46: {  	_ =	shalt  }
0x47: {  	_ =	shalt  }
0x48: {  	_ =	shalt  }
0x49: {  	_ =	shalt  }
0x4a: {  	_ =	shalt  }
0x4b: {  	_ =	shalt  }
0x4c: {  	_ =	shalt  }
0x4d: {  	_ =	shalt  }
0x4e: {  	_ =	shalt  }
0x4f: {  	_ =	shalt  }
0x50: {  	_ =	shalt  }
0x51: {  	_ =	shalt  }
0x52: {  	_ =	shalt  }
0x53: {  	_ =	shalt  }
0x54: {  	_ =	shalt  }
0x55: {  	_ =	shalt  }
0x56: {  	_ =	shalt  }
0x57: {  	_ =	shalt  }
0x58: {  	_ =	shalt  }
0x59: {  	_ =	shalt  }
0x5a: {  	_ =	shalt  }
0x5b: {  	_ =	shalt  }
0x5c: {  	_ =	shalt  }
0x5d: {  	_ =	shalt  }
0x5e: {  	_ =	shalt  }
0x5f: {  	_ =	shalt  }
0x60: {  	_ =	shalt  }
0x61: {  	_ =	shalt  }
0x62: {  	_ =	shalt  }
0x63: {  	_ =	shalt  }
0x64: {  	_ =	shalt  }
0x65: {  	_ =	shalt  }
0x66: {  	_ =	shalt  }
0x67: {  	_ =	shalt  }
0x68: {  	_ =	shalt  }
0x69: {  	_ =	shalt  }
0x6a: {  	_ =	shalt  }
0x6b: {  	_ =	shalt  }
0x6c: {  	_ =	shalt  }
0x6d: {  	_ =	shalt  }
0x6e: {  	_ =	shalt  }
0x6f: {  	_ =	shalt  }
0x70: {  	_ =	shalt  }
0x71: {  	_ =	shalt  }
0x72: {  	_ =	shalt  }
0x73: {  	_ =	shalt  }
0x74: {  	_ =	shalt  }
0x75: {  	_ =	shalt  }
0x76: {  	_ =	shalt  }
0x77: {  	_ =	shalt  }
0x78: {  	_ =	shalt  }
0x79: {  	_ =	shalt  }
0x7a: {  	_ =	shalt  }
0x7b: {  	_ =	shalt  }
0x7c: {  	_ =	shalt  }
0x7d: {  	_ =	shalt  }
0x7e: {  	_ =	shalt  }
0x7f: {  	_ =	shalt  }
0x80: {  	_ =	shalt  }
0x81: {  	_ =	shalt  }
0x82: {  	_ =	shalt  }
0x83: {  	_ =	shalt  }
0x84: {  	_ =	shalt  }
0x85: {  	_ =	shalt  }
0x86: {  	_ =	shalt  }
0x87: {  	_ =	shalt  }
.Lfunc_end0:
.L_simem_size_0:
called_computation.1_lowered:
.L_overlay_start_0:
0x88: {  	s2 =	sld [smem:$0x3FD9]  }
0x89: {  	s3 =	sld [smem:$0x3FFE];
	_ =	sdelay $0x1  }
0x8a: {  	s1 =	srdreg.scid  }
0x8b: {  	s0 =	sand.u32 $0x1, s1  }
0x8c: {  	s16 =	sshll.u32 s0, $0xA;
	s2 =	sadd.s32 s3, s2  }
0x8d: {  	s2 =	sadd.s32 s2, s16  }
0x8e: {  	[smem:$0x3FC6] =	sst s2  }
0x8f: {  	_ = 	snop  }
0x90: {  	(tm) =	ssettm $0x1  }
0x91: {  	s17 =	sld [smem:$0x3FFB];
	_ =	sdelay $0x3  }
0x92: {  	_ =	strace s17  }
0x93: {  	s2 =	sld [smem:$0x3FFC];
	_ =	sdelay $0x3  }
0x94: {  	_ =	strace s2  }
0x95: {  	s2 =	sld [smem:$0x3FFD];
	_ =	sdelay $0x3  }
0x96: {  	_ =	strace s2  }
0x97: {  	_ =	strace $0x8FFFFFFF  }
0x98: {  	s18 =	sld [smem:$0x3FDB];
	_ =	sdelay $0x1  }
0x99: {  	s19 =	simm.s32 $_scs_section_size  }
0x9a: {  	s4 =	simm.s32 $_size__tile_overlayer_lowered;
	s5 =	simm.s32 $_tile_overlayer_lowered  }
0x9b: {  	s22 =	simm.s32 $0x1BFF;
	s21 =	sshll.u32 s5, $0x1;
	s2 =	sadd.s32 s19, s18  }
0x9c: {  	s6 =	simm.s32 $0x0;
	s20 =	sshll.u32 s4, $0x1;
	s4 =	sadd.s32 s21, s2  }
0x9d: {  	[timem:s6], [sflag:s22] =	dma.local [hbm:s4], s20  }
0x9e: {  	_ =	swait.ge [sflag:s22], s20  }
0x9f: {  	s3 =	ssub.s32 $0x0, s20;
	[sflag:s22] =	ssyncset.done $0x0  }
0xa0: {  	[sflag:s22] =	ssyncadd.s32 s3;
	_ =	sdelay $0x1  }
0xa1: {  	s23 =	simm.s32 $0x1B8B  }
0xa2: {  	_ =	swait.ge [sflag:s23], $0x1  }
0xa3: {  	[sflag:s23] =	ssyncset.done $0x0  }
0xa4: {  	s25 =	simm.s32 $0x1B8E;
	s24 =	sld [smem:$0x3FFE];
	[sflag:s23] =	ssyncadd.s32 $0xFFFFFFFF  }
0xa5: {  	s26 =	simm.s32 $execute0_lowered;
	[smem:$0x3FD2] =	sst s25  }
0xa6: {  	s4 =	sshll.u32 s26, $0x1;
	_ =	strace $0x80000049;
	[dreg:$0x1] =	wrdreg $0xFFFFFFFF  }
0xa7: {  	s28 =	simm.s32 $_size_execute0_lowered;
	s2 =	sadd.s32 s2, s4;
	[dreg:$0x0] =	wrdreg $0x0  }
0xa8: {  	s4 =	sshll.u32 s28, $0x1;
	[dreg:$0x2] =	wrdreg s2  }
0xa9: {  	[dreg:$0x3] =	wrdreg s4  }
0xaa: {  	[dreg:$0x4] =	wrdreg $0xC0  }
0xab: {  	_ =	task [dreg:s6], $0x5FFFF  }
0xac: {  	[dreg:$0x1] =	wrdreg $0xFFFFFFFF  }
0xad: {  	[dreg:$0x0] =	wrdreg $0x60  }
0xae: {  	[dreg:$0x2] =	wrdreg s24  }
0xaf: {  	[dreg:$0x3] =	wrdreg $0x0  }
0xb0: {  	[dreg:$0x4] =	wrdreg $0x9  }
0xb1: {  	_ =	task.clear_ibuf [dreg:s6], $0x5FFFF;
	_ =	strace $0x90000049  }
0xb2: {  	s29 =	simm.s32 $0x9;
	_ =	strace $0x8000004B  }
0xb3: {  	_ =	swait.ge [sflag:s29], $0x1  }
0xb4: {  	[sflag:s29] =	ssyncadd.s32 $0xFFFFFFFF  }
0xb5: {  	_ =	strace $0x9000004B  }
0xb6: {  	_ =	sfence  }
0xb7: {  	s30 =	sld [smem:$0x0];
	_ =	sdelay $0x2  }
0xb8: {  	s31 =	sshll.u32 s1, $0xD;
	s1 =	sshrl.u32 s1, $0x2  }
0xb9: {  	s3 =	sand.u32 $0x4000, s31;
	s1 =	sadd.s32 s1, s30  }
0xba: {  	s0 =	sor.u32 s3, s0;
	s1 =	sshll.u32 s1, $0x11  }
0xbb: {  	s0 =	sor.u32 s1, s0  }
0xbc: {  	s0 =	sadd.s32 $0x8F2B, s0  }
0xbd: {  	[sflag:s0] =	ssyncadd.remote.s32 $0x1  }
0xbe: {  	_ =	sfence.sel $0xFFFF  }
0xbf: {  	[dreg:$0x0] =	wrdreg $0xFFFFFFFF;
	(pc) =	sbr.abs _section_cstart, $3  }
0xc0: {  	[dreg:$0x1] =	wrdreg $0xFFFFFFFF  }
0xc1: {  	_ =	task.clear_ibuf [dreg:s6], $0x2FFFF;
	_ =	strace $0x9FFFFFFF  }
0xc2: {  	(tm) =	ssettm $0x7FFFFFFF  }
0xc3: {  	_ =	shalt  }
tec
execute0_lowered:
.L_overlay_start_1:
0x0: {  	(tag) =	ssettag $0x1  }
0x1: {  	s0 =	srdreg.scid  }
0x2: {  	s6 =	rddreg [dreg:$0x0];
	s24 =	stileid.u32  }
0x3: {  	s2 =	rddreg [dreg:$0x1];
	s3 =	simm.s32 $0x0;
	s16 =	simm.s32 $0x3  }
0x4: {  	s17 =	simm.s32 $0x14000;
	s18 =	simm.s32 $0x14100;
	s19 =	simm.s32 $0x14200  }
0x5: {  	s20 =	simm.s32 $0x14300;
	s21 =	simm.s32 $0x80;
	s4 =	smul.u32 $0x280, s24  }
0x6: {  	s22 =	simm.s32 $0x14400;
	s23 =	simm.s32 $0x14180;
	s8 =	smul.u32 $0x14000, s24  }
0x7: {  	s28 =	simm.s32 $0x14380;
	s5 =	sand.u32 $0x1, s0;
	s11 =	smul.u32 $0x50000, s24  }
0x8: {  	s29 =	simm.s32 $0x0;
	[smem:$0x7FF] =	sst s3;
	s26 =	smul.u32 $0x2800, s5  }
0x9: {  	s31 =	sshll.u32 s24, $0x6;
	s7 =	smul.u32 $0x140000, s5;
	s25 =	ssub.s32 $0x2, s5  }
0xa: {  	_ =	strace $0x8000004A;
	s5 =	sadd.s32 $0x50800, s6;
	s10 =	sshrl.u32 s25, $0x1  }
0xb: {  	s30 =	sshrl.u32 s11, $0x2;
	s4 =	sadd.s32 s4, s26;
	s7 =	sadd.s32 s8, s7  }
0xc: {  	s14 =	ssub.s32 s25, s10;
	s15 =	sadd.s32 s30, s2;
	s8 =	sor.u32 $0x1C03, s31  }
0xd: {  	s25 =	simm.s32 $0x1;
	v0 =	vmov s26;
	s26 =	simm.s32 $0x2;
	s4 =	sshll.u32 s4, $0x4  }
0xe: {  	s7 =	sshrl.u32 s7, $0x3;
	s14 =	smax.u32 s14, $0x1;
	s9 =	sadd.s32 s4, s6  }
0xf: {  	s4 =	sadd.s32 $0x5A800, s6;
	s13 =	sadd.s32 s7, s6;
	s6 =	smul.u32 $0xA00, s24  }
0x10: {  	s15 =	sshrl.u32 s15, $0x3;
	s24 =	simm.s32 $0x18400;
	s7 =	sadd.s32 $0x64800, s9  }
0x11: {  	s13 =	sadd.s32 $0x800, s13;
	s9 =	sadd.s32 s4, s6;
	s12 =	sor.u32 $0x20, s6  }
0x12: {  	s10 =	sadd.s32 s5, s6;
	s11 =	sadd.s32 s4, s12;
	s12 =	sadd.s32 s5, s12  }
.LBB2_1:
0x13: {  	[spmem:s15], [sflag:s8] =	dma.local [hbm:s7], $0x2800  }
0x14: {  	_ =	swait.ge [sflag:s16], $0x2800  }
0x15: {  	[sflag:s16] =	ssyncset.done $0x0  }
0x16: {  	[sflag:s16] =	ssyncadd.s32 $0xFFFFD800  }
0x17: {  	[bflag:$0x0] =	sbarrier.arrive $0xFFFF  }
0x18: {  	[tilespmem:s17], [sflag:$0x3] =	stream.linear.gather [hbm4b:s9+s3], $0x100, $0x38;
	[tilespmem:$0x1C400] =	vst v63  }
0x19: {  	_ =	swait.ge [sflag:s16], $0x100  }
0x1a: {  	[sflag:s16] =	ssyncset.done $0x0  }
0x1b: {  	[sflag:s16] =	ssyncadd.s32 $0xFFFFFF00  }
0x1c: {  	[tilespmem:s18], [sflag:$0x3] =	stream.linear.gather [hbm4b:s10+s3], $0x100, $0x38;
	[tilespmem:$0x1C400] =	vst v63  }
0x1d: {  	_ =	swait.ge [sflag:s16], $0x100  }
0x1e: {  	[sflag:s16] =	ssyncset.done $0x0  }
0x1f: {  	[sflag:s16] =	ssyncadd.s32 $0xFFFFFF00  }
0x20: {  	v1 =	vld [tilespmem:$0x14000]  }
0x21: {  	v2 =	vld [tilespmem:$0x14010]  }
0x22: {  	v3 =	vld [tilespmem:$0x14020]  }
0x23: {  	v4 =	vld [tilespmem:$0x14030]  }
0x24: {  	v5 =	vld [tilespmem:$0x14040]  }
0x25: {  	v6 =	vld [tilespmem:$0x14050];
	v1 =	vadd.s32 v0, v1  }
0x26: {  	[tilespmem:$0x14000] =	vst v1;
	v1 =	vadd.s32 v0, v2;
	v2 =	vld [tilespmem:$0x14060]  }
0x27: {  	[tilespmem:$0x14010] =	vst v1;
	v1 =	vadd.s32 v0, v3;
	v3 =	vld [tilespmem:$0x14070]  }
0x28: {  	v49 =	vld [tilespmem:$0x14080];
	[tilespmem:$0x14020] =	vst v1;
	v1 =	vadd.s32 v0, v4  }
0x29: {  	v50 =	vld [tilespmem:$0x14090];
	[tilespmem:$0x14030] =	vst v1;
	v1 =	vadd.s32 v0, v5  }
0x2a: {  	v51 =	vld [tilespmem:$0x140A0];
	[tilespmem:$0x14040] =	vst v1;
	v1 =	vadd.s32 v0, v6  }
0x2b: {  	[tilespmem:$0x14050] =	vst v1;
	v1 =	vadd.s32 v0, v2;
	v2 =	vld [tilespmem:$0x140B0]  }
0x2c: {  	[tilespmem:$0x14060] =	vst v1;
	v1 =	vadd.s32 v0, v3;
	v3 =	vld [tilespmem:$0x140C0]  }
0x2d: {  	v52 =	vld [tilespmem:$0x140D0];
	[tilespmem:$0x14070] =	vst v1;
	v1 =	vadd.s32 v0, v49  }
0x2e: {  	v53 =	vld [tilespmem:$0x140E0];
	[tilespmem:$0x14080] =	vst v1;
	v1 =	vadd.s32 v0, v50  }
0x2f: {  	v54 =	vld [tilespmem:$0x140F0];
	[tilespmem:$0x14090] =	vst v1;
	v1 =	vadd.s32 v0, v51  }
0x30: {  	[tilespmem:$0x140A0] =	vst v1;
	v1 =	vadd.s32 v0, v2  }
0x31: {  	[tilespmem:$0x140B0] =	vst v1;
	v1 =	vadd.s32 v0, v3  }
0x32: {  	[tilespmem:$0x140C0] =	vst v1;
	v1 =	vadd.s32 v0, v52  }
0x33: {  	[tilespmem:$0x140D0] =	vst v1;
	v1 =	vadd.s32 v0, v53  }
0x34: {  	[tilespmem:$0x140E0] =	vst v1;
	v1 =	vadd.s32 v0, v54  }
0x35: {  	[tilespmem:$0x140F0] =	vst v1  }
0x36: {  	[tilespmem:s19], [sflag:$0x3] =	stream.linear.gather [hbm4b:s11+s3], $0x100, $0x38;
	[tilespmem:$0x1C400] =	vst v63  }
0x37: {  	_ =	swait.ge [sflag:s16], $0x100  }
0x38: {  	[sflag:s16] =	ssyncset.done $0x0  }
0x39: {  	[sflag:s16] =	ssyncadd.s32 $0xFFFFFF00  }
0x3a: {  	[tilespmem:s20], [sflag:$0x3] =	stream.linear.gather [hbm4b:s12+s3], $0x100, $0x38;
	[tilespmem:$0x1C400] =	vst v63  }
0x3b: {  	_ =	swait.ge [sflag:s16], $0x100  }
0x3c: {  	[sflag:s16] =	ssyncset.done $0x0  }
0x3d: {  	[sflag:s16] =	ssyncadd.s32 $0xFFFFFF00  }
0x3e: {  	v1 =	vld [tilespmem:$0x14200]  }
0x3f: {  	v2 =	vld [tilespmem:$0x14210]  }
0x40: {  	v3 =	vld [tilespmem:$0x14220]  }
0x41: {  	v55 =	vld [tilespmem:$0x14230]  }
0x42: {  	v56 =	vld [tilespmem:$0x14240]  }
0x43: {  	v57 =	vld [tilespmem:$0x14250];
	v1 =	vadd.s32 v0, v1  }
0x44: {  	[tilespmem:$0x14200] =	vst v1;
	v1 =	vadd.s32 v0, v2;
	v2 =	vld [tilespmem:$0x14260]  }
0x45: {  	[tilespmem:$0x14210] =	vst v1;
	v1 =	vadd.s32 v0, v3;
	v3 =	vld [tilespmem:$0x14270]  }
0x46: {  	v58 =	vld [tilespmem:$0x14280];
	[tilespmem:$0x14220] =	vst v1;
	v1 =	vadd.s32 v0, v55  }
0x47: {  	v59 =	vld [tilespmem:$0x14290];
	[tilespmem:$0x14230] =	vst v1;
	v1 =	vadd.s32 v0, v56  }
0x48: {  	v60 =	vld [tilespmem:$0x142A0];
	[tilespmem:$0x14240] =	vst v1;
	v1 =	vadd.s32 v0, v57  }
0x49: {  	[tilespmem:$0x14250] =	vst v1;
	v1 =	vadd.s32 v0, v2;
	v2 =	vld [tilespmem:$0x142B0]  }
0x4a: {  	[tilespmem:$0x14260] =	vst v1;
	v1 =	vadd.s32 v0, v3;
	v3 =	vld [tilespmem:$0x142C0]  }
0x4b: {  	v61 =	vld [tilespmem:$0x142D0];
	[tilespmem:$0x14270] =	vst v1;
	v1 =	vadd.s32 v0, v58  }
0x4c: {  	v62 =	vld [tilespmem:$0x142E0];
	[tilespmem:$0x14280] =	vst v1;
	v1 =	vadd.s32 v0, v59  }
0x4d: {  	v63 =	vld [tilespmem:$0x142F0];
	[tilespmem:$0x14290] =	vst v1;
	v1 =	vadd.s32 v0, v60  }
0x4e: {  	[tilespmem:$0x142A0] =	vst v1;
	v1 =	vadd.s32 v0, v2  }
0x4f: {  	[tilespmem:$0x142B0] =	vst v1;
	v1 =	vadd.s32 v0, v3  }
0x50: {  	[tilespmem:$0x142C0] =	vst v1;
	v1 =	vadd.s32 v0, v61  }
0x51: {  	[tilespmem:$0x142D0] =	vst v1;
	v1 =	vadd.s32 v0, v62  }
0x52: {  	[tilespmem:$0x142E0] =	vst v1;
	v1 =	vadd.s32 v0, v63  }
0x53: {  	s30 =	simm.s32 $0x60;
	[tilespmem:$0x142F0] =	vst v1  }
.LBB2_2:
0x54: {  	[spmem:s2] =	stream.indirect.scatter.add.f32 [tilespmem:s22], [sflag:$0x1], $0x80, s18, s21, $0xb8;
	[tilespmem:$0x1C400] =	vst v63  }
0x55: {  	_ = 	snop  }
0x56: {  	[spmem:s2] =	stream.indirect.scatter.add.f32 [tilespmem:s24], [sflag:$0x2], $0x80, s23, s21, $0xb8;
	[tilespmem:$0x1C400] =	vst v63  }
0x57: {  	_ =	swait.ge [sflag:s25], $0x4000  }
0x58: {  	s31 =	sadd.s32 s30, s6;
	[sflag:s25] =	ssyncset.done $0x0  }
0x59: {  	s0 =	sadd.s32 $0xFFFFFFE0, s30;
	s1 =	sadd.s32 $0xFFFFFFE0, s31;
	[sflag:s25] =	ssyncadd.s32 $0xFFFFC000  }
0x5a: {  	s0 =	sand.u32 $0x40, s0;
	s1 =	sand.u32 $0x1FF80, s1;
	_ =	swait.ge [sflag:s26], $0x4000  }
0x5b: {  	s0 =	sor.u32 s0, s1;
	[sflag:s26] =	ssyncset.done $0x0  }
0x5c: {  	s1 =	sadd.s32 s4, s0;
	[sflag:s26] =	ssyncadd.s32 $0xFFFFC000  }
0x5d: {  	[tilespmem:s17], [sflag:$0x3] =	stream.linear.gather [hbm4b:s1+s3], $0x100, $0x38;
	[tilespmem:$0x1C400] =	vst v63  }
0x5e: {  	_ =	swait.ge [sflag:s16], $0x100  }
0x5f: {  	[sflag:s16] =	ssyncset.done $0x0  }
0x60: {  	s0 =	sadd.s32 s5, s0;
	[sflag:s16] =	ssyncadd.s32 $0xFFFFFF00  }
0x61: {  	[tilespmem:s18], [sflag:$0x3] =	stream.linear.gather [hbm4b:s0+s3], $0x100, $0x38;
	[tilespmem:$0x1C400] =	vst v63  }
0x62: {  	_ =	swait.ge [sflag:s16], $0x100  }
0x63: {  	[sflag:s16] =	ssyncset.done $0x0  }
0x64: {  	[sflag:s16] =	ssyncadd.s32 $0xFFFFFF00  }
0x65: {  	v1 =	vld [tilespmem:$0x14000]  }
0x66: {  	v2 =	vld [tilespmem:$0x14010]  }
0x67: {  	v3 =	vld [tilespmem:$0x14020]  }
0x68: {  	v4 =	vld [tilespmem:$0x14030]  }
0x69: {  	v5 =	vld [tilespmem:$0x14040]  }
0x6a: {  	v6 =	vld [tilespmem:$0x14050];
	v1 =	vadd.s32 v0, v1  }
0x6b: {  	[tilespmem:$0x14000] =	vst v1;
	v1 =	vadd.s32 v0, v2;
	v2 =	vld [tilespmem:$0x14060]  }
0x6c: {  	[tilespmem:$0x14010] =	vst v1;
	v1 =	vadd.s32 v0, v3;
	v3 =	vld [tilespmem:$0x14070]  }
0x6d: {  	v49 =	vld [tilespmem:$0x14080];
	[tilespmem:$0x14020] =	vst v1;
	v1 =	vadd.s32 v0, v4  }
0x6e: {  	v50 =	vld [tilespmem:$0x14090];
	[tilespmem:$0x14030] =	vst v1;
	v1 =	vadd.s32 v0, v5  }
0x6f: {  	v51 =	vld [tilespmem:$0x140A0];
	[tilespmem:$0x14040] =	vst v1;
	v1 =	vadd.s32 v0, v6  }
0x70: {  	[tilespmem:$0x14050] =	vst v1;
	v1 =	vadd.s32 v0, v2;
	v2 =	vld [tilespmem:$0x140B0]  }
0x71: {  	[tilespmem:$0x14060] =	vst v1;
	v1 =	vadd.s32 v0, v3;
	v3 =	vld [tilespmem:$0x140C0]  }
0x72: {  	v52 =	vld [tilespmem:$0x140D0];
	[tilespmem:$0x14070] =	vst v1;
	v1 =	vadd.s32 v0, v49  }
0x73: {  	v53 =	vld [tilespmem:$0x140E0];
	[tilespmem:$0x14080] =	vst v1;
	v1 =	vadd.s32 v0, v50  }
0x74: {  	v54 =	vld [tilespmem:$0x140F0];
	[tilespmem:$0x14090] =	vst v1;
	v1 =	vadd.s32 v0, v51  }
0x75: {  	[tilespmem:$0x140A0] =	vst v1;
	v1 =	vadd.s32 v0, v2  }
0x76: {  	[tilespmem:$0x140B0] =	vst v1;
	v1 =	vadd.s32 v0, v3  }
0x77: {  	[tilespmem:$0x140C0] =	vst v1;
	v1 =	vadd.s32 v0, v52  }
0x78: {  	[tilespmem:$0x140D0] =	vst v1;
	v1 =	vadd.s32 v0, v53  }
0x79: {  	[tilespmem:$0x140E0] =	vst v1;
	v1 =	vadd.s32 v0, v54  }
0x7a: {  	[tilespmem:$0x140F0] =	vst v1  }
0x7b: {  	[spmem:s2] =	stream.indirect.scatter.add.f32 [tilespmem:s22], [sflag:$0x1], $0x80, s20, s21, $0xb8;
	[tilespmem:$0x1C400] =	vst v63  }
0x7c: {  	_ = 	snop  }
0x7d: {  	[spmem:s2] =	stream.indirect.scatter.add.f32 [tilespmem:s24], [sflag:$0x2], $0x80, s28, s21, $0xb8;
	[tilespmem:$0x1C400] =	vst v63  }
0x7e: {  	_ =	swait.ge [sflag:s25], $0x4000  }
0x7f: {  	[sflag:s25] =	ssyncset.done $0x0  }
0x80: {  	[sflag:s25] =	ssyncadd.s32 $0xFFFFC000  }
0x81: {  	s1 =	sand.u32 $0x1FF80, s31;
	s31 =	sand.u32 $0x60, s30;
	_ =	swait.ge [sflag:s26], $0x4000  }
0x82: {  	s0 =	sor.u32 s31, s1;
	[sflag:s26] =	ssyncset.done $0x0  }
0x83: {  	s1 =	sadd.s32 s4, s0;
	[sflag:s26] =	ssyncadd.s32 $0xFFFFC000  }
0x84: {  	[tilespmem:s19], [sflag:$0x3] =	stream.linear.gather [hbm4b:s1+s3], $0x100, $0x38;
	[tilespmem:$0x1C400] =	vst v63  }
0x85: {  	_ =	swait.ge [sflag:s16], $0x100  }
0x86: {  	[sflag:s16] =	ssyncset.done $0x0  }
0x87: {  	s0 =	sadd.s32 s5, s0;
	[sflag:s16] =	ssyncadd.s32 $0xFFFFFF00  }
0x88: {  	[tilespmem:s20], [sflag:$0x3] =	stream.linear.gather [hbm4b:s0+s3], $0x100, $0x38;
	[tilespmem:$0x1C400] =	vst v63  }
0x89: {  	_ =	swait.ge [sflag:s16], $0x100  }
0x8a: {  	[sflag:s16] =	ssyncset.done $0x0  }
0x8b: {  	[sflag:s16] =	ssyncadd.s32 $0xFFFFFF00  }
0x8c: {  	v1 =	vld [tilespmem:$0x14200]  }
0x8d: {  	v2 =	vld [tilespmem:$0x14210]  }
0x8e: {  	v3 =	vld [tilespmem:$0x14220]  }
0x8f: {  	v55 =	vld [tilespmem:$0x14230]  }
0x90: {  	v56 =	vld [tilespmem:$0x14240]  }
0x91: {  	v57 =	vld [tilespmem:$0x14250];
	v1 =	vadd.s32 v0, v1  }
0x92: {  	[tilespmem:$0x14200] =	vst v1;
	v1 =	vadd.s32 v0, v2;
	v2 =	vld [tilespmem:$0x14260]  }
0x93: {  	[tilespmem:$0x14210] =	vst v1;
	v1 =	vadd.s32 v0, v3;
	v3 =	vld [tilespmem:$0x14270]  }
0x94: {  	v58 =	vld [tilespmem:$0x14280];
	[tilespmem:$0x14220] =	vst v1;
	v1 =	vadd.s32 v0, v55  }
0x95: {  	v59 =	vld [tilespmem:$0x14290];
	[tilespmem:$0x14230] =	vst v1;
	v1 =	vadd.s32 v0, v56  }
0x96: {  	v60 =	vld [tilespmem:$0x142A0];
	[tilespmem:$0x14240] =	vst v1;
	v1 =	vadd.s32 v0, v57  }
0x97: {  	[tilespmem:$0x14250] =	vst v1;
	v1 =	vadd.s32 v0, v2;
	v2 =	vld [tilespmem:$0x142B0]  }
0x98: {  	[tilespmem:$0x14260] =	vst v1;
	v1 =	vadd.s32 v0, v3;
	v3 =	vld [tilespmem:$0x142C0]  }
0x99: {  	v61 =	vld [tilespmem:$0x142D0];
	[tilespmem:$0x14270] =	vst v1;
	v1 =	vadd.s32 v0, v58  }
0x9a: {  	v62 =	vld [tilespmem:$0x142E0];
	[tilespmem:$0x14280] =	vst v1;
	v1 =	vadd.s32 v0, v59  }
0x9b: {  	v63 =	vld [tilespmem:$0x142F0];
	[tilespmem:$0x14290] =	vst v1;
	v1 =	vadd.s32 v0, v60  }
0x9c: {  	p0 =	sne.s32 s30, $0x9E0;
	[tilespmem:$0x142A0] =	vst v1;
	v1 =	vadd.s32 v0, v2  }
.Ltmp0:
0x9d: {  	[tilespmem:$0x142B0] =	vst v1;
	v1 =	vadd.s32 v0, v3;
	(pc) =	sbr.rel @p0 .LBB2_2-.Ltmp0, $4  }
0x9e: {  	[tilespmem:$0x142C0] =	vst v1;
	v1 =	vadd.s32 v0, v61  }
0x9f: {  	[tilespmem:$0x142D0] =	vst v1;
	v1 =	vadd.s32 v0, v62  }
0xa0: {  	[tilespmem:$0x142E0] =	vst v1;
	v1 =	vadd.s32 v0, v63  }
0xa1: {  	s30 =	sadd.s32 $0x40, s30;
	[tilespmem:$0x142F0] =	vst v1  }
0xa2: {  	[spmem:s2] =	stream.indirect.scatter.add.f32 [tilespmem:s22], [sflag:$0x1], $0x80, s18, s21, $0xb8;
	[tilespmem:$0x1C400] =	vst v63  }
0xa3: {  	_ = 	snop  }
0xa4: {  	[spmem:s2] =	stream.indirect.scatter.add.f32 [tilespmem:s24], [sflag:$0x2], $0x80, s23, s21, $0xb8;
	[tilespmem:$0x1C400] =	vst v63  }
0xa5: {  	_ =	swait.ge [sflag:s25], $0x4000  }
0xa6: {  	[sflag:s25] =	ssyncset.done $0x0  }
0xa7: {  	[sflag:s25] =	ssyncadd.s32 $0xFFFFC000  }
0xa8: {  	_ =	swait.ge [sflag:s26], $0x4000  }
0xa9: {  	[sflag:s26] =	ssyncset.done $0x0  }
0xaa: {  	[sflag:s26] =	ssyncadd.s32 $0xFFFFC000  }
0xab: {  	[spmem:s2] =	stream.indirect.scatter.add.f32 [tilespmem:s22], [sflag:$0x1], $0x80, s20, s21, $0xb8;
	[tilespmem:$0x1C400] =	vst v63  }
0xac: {  	_ = 	snop  }
0xad: {  	[spmem:s2] =	stream.indirect.scatter.add.f32 [tilespmem:s24], [sflag:$0x2], $0x80, s28, s21, $0xb8;
	[tilespmem:$0x1C400] =	vst v63  }
0xae: {  	_ =	swait.ge [sflag:s25], $0x4000  }
0xaf: {  	[sflag:s25] =	ssyncset.done $0x0  }
0xb0: {  	[sflag:s25] =	ssyncadd.s32 $0xFFFFC000  }
0xb1: {  	_ =	swait.ge [sflag:s26], $0x4000  }
0xb2: {  	s29 =	sadd.s32 $0x1, s29;
	[sflag:s26] =	ssyncset.done $0x0  }
0xb3: {  	p0 =	sne.s32 s29, s14;
	[sflag:s26] =	ssyncadd.s32 $0xFFFFC000  }
.Ltmp1:
0xb4: {  	[bflag:$0x0] =	sbarrier.arrive $0xFFFF;
	(pc) =	sbr.rel @p0 .LBB2_1-.Ltmp1, $4  }
0xb5: {  	[hbm:s13], [sflag:s8] =	dma.local [spmem:s15], $0x2800  }
0xb6: {  	_ =	swait.ge [sflag:s16], $0x2800  }
0xb7: {  	[sflag:s16] =	ssyncset.done $0x0  }
0xb8: {  	[sflag:s16] =	ssyncadd.s32 $0xFFFFD800  }
0xb9: {  	_ =	sfence.sel $0x180000  }
0xba: {  	[bflag:$0x0] =	sbarrier.arrive $0xFFFF  }
0xbb: {  	_ =	strace $0x9000004A  }
0xbc: {  	s0 =	stileid.u32;
	[bflag:$0x2] =	sbarrier.arrive $0xFFFF  }
0xbd: {  	p0 =	sne.s32 s0, $0x0;
	s0 =	rddreg [dreg:$0x2]  }
0xbe: {  	s0 =	sadd.s32 @!p0 $0x100000, s0  }
0xbf: {  	[sflag:s0] =	ssyncadd.tile.s32 @!p0 $0x1;
	_ =	shalt  }
.Lfunc_end2:
_tile_overlayer_lowered:
.L_overlay_start_2:
0xc0: {  	(tag) =	ssettag $0x2  }
0xc1: {  	s0 =	rddreg [dreg:$0x0];
	s2 =	stileid.u32  }
0xc2: {  	s1 =	rddreg [dreg:$0x1];
	p0 =	sne.s32 s2, $0x0  }
0xc3: {  	s3 =	rddreg [dreg:$0x2];
	[bflag:$0x3] =	sbarrier.arrive $0xFFFF;
	s2 =	simm.s32 @!p0 $0x1C03  }
0xc4: {  	[timem:s3], [sflag:s2] =	dma.local @!p0 [hbm:s0], s1  }
0xc5: {  	s0 =	simm.s32 @!p0 $0x3  }
0xc6: {  	_ =	swait.ge @!p0 [sflag:s0], s1  }
0xc7: {  	s1 =	ssub.s32 @!p0 $0x0, s1;
	[sflag:s0] =	ssyncset.done @!p0 $0x0  }
0xc8: {  	[sflag:s0] =	ssyncadd.s32 @!p0 s1  }
0xc9: {  	[bflag:$0x3] =	sbarrier.arrive $0xFFFF  }
0xca: {  	_ =	shalt  }

</sc_bundles>
